<compile_context>
chip_gen: v7x
topology: tpu7x:2x2x1
jax: 0.10.2.dev20260603
libtpu: 0.0.44.dev20260713+nightly
codegen_flags: <defaults>
</compile_context>

<pallas_src>
import functools

import jax
import jax.numpy as jnp
from jax import lax
from jax.experimental import pallas as pl
from jax.experimental.pallas import tpu as pltpu
from jax.experimental.pallas import tpu_sc as plsc

NUM_E = 1000000
H_DIM = 64
BATCH = 16384

_NC = 2
_NS = 16
_L = 16
_NW = _NC * _NS
_NB = (NUM_E + 127) // 128
_BPW = (_NB + _NW - 1) // _NW
_CAP = 640
_CHUNK = 2048
_TRASH = BATCH

_mesh = plsc.VectorSubcoreMesh(core_axis_name="c", subcore_axis_name="s")


def _vscalar(ref, i):
    v = plsc.load_gather(ref, [jnp.full((_L,), 0, jnp.int32) + i])
    return jax.lax.reduce_max(v, (0,))


@functools.partial(
    pl.kernel,
    mesh=_mesh,
    out_type=jax.ShapeDtypeStruct((BATCH + 1, 2 * H_DIM), jnp.float32),
    scratch_types=[
        pltpu.VMEM((_CHUNK,), jnp.int32),
        pltpu.VMEM((_CAP,), jnp.int32),
        pltpu.VMEM((_CAP,), jnp.int32),
        pltpu.VMEM((_CAP,), jnp.int32),
        pltpu.VMEM((_CAP // 128, 128), jnp.int32),
        pltpu.VMEM((256,), jnp.int32),
        pltpu.VMEM((256,), jnp.int32),
        pltpu.VMEM((H_DIM, 128), jnp.float32),
        pltpu.VMEM((H_DIM, 128), jnp.float32),
        pltpu.VMEM((H_DIM, 128), jnp.float32),
        pltpu.VMEM((H_DIM, 128), jnp.float32),
        pltpu.VMEM((_CAP, 2 * H_DIM), jnp.float32),
        pltpu.VMEM((256,), jnp.int32),
        pltpu.VMEM((256,), jnp.int32),
        pltpu.SemaphoreType.DMA,
        pltpu.SemaphoreType.DMA,
        pltpu.SemaphoreType.DMA,
        pltpu.SemaphoreType.DMA,
        pltpu.SemaphoreType.DMA,
    ],
    compiler_params=pltpu.CompilerParams(needs_layout_passes=False),
)
def _gate_sc(table_hbm, tail_hbm, idx_hbm, out_hbm,
             chunk_v, hits_j, hits_p, lane_v, pos_v, mark_v, blist_v,
             blk0_v, blk1_v, blk2_v, blk3_v, out_v,
             cnt_v, start_v,
             sem0, sem1, sem2, sem3, sem_out):
    wid = lax.axis_index("s") * _NC + lax.axis_index("c")
    lo = wid * _BPW
    hi = jnp.minimum(lo + _BPW, _NB)
    iota = lax.iota(jnp.int32, _L)
    ones = jnp.full((_L,), 1, jnp.int32)

    for k in range(_CAP // _L):
        hits_j[pl.ds(k * _L, _L)] = ones * -1
    for q in range(_CAP // 128):
        for g in range(128 // _L):
            pos_v[q, pl.ds(g * _L, _L)] = ones * _TRASH
    for k in range(256 // _L):
        mark_v[pl.ds(k * _L, _L)] = ones * 0

    pad_bb = jnp.where(wid == _NW - 1, 0, _NB - 1)
    for k in range(256 // _L):
        blist_v[pl.ds(k * _L, _L)] = iota * 0 + pad_bb

    def scan_chunk(c, hcnt):
        pltpu.sync_copy(idx_hbm.at[pl.ds(c * _CHUNK, _CHUNK)], chunk_v)

        def scan_vec(k, hcnt):
            jv = chunk_v[pl.ds(k * _L, _L)]
            bbv = lax.shift_right_logical(jv, 7)
            m = (bbv >= lo) & (bbv < hi)
            mi = m.astype(jnp.int32)
            rank = plsc.cumsum(mi) - mi
            slot = hcnt + rank
            plsc.store_scatter(hits_j, [slot], jv, mask=m)
            plsc.store_scatter(hits_p, [slot], c * _CHUNK + k * _L + iota,
                               mask=m)
            plsc.store_scatter(mark_v, [bbv - lo], ones, mask=m)
            return hcnt + jnp.sum(mi)

        return lax.fori_loop(0, _CHUNK // _L, scan_vec, hcnt, unroll=4)

    hcnt = lax.fori_loop(0, BATCH // _CHUNK, scan_chunk, 0)

    mcnt = 0
    for k in range(256 // _L):
        mk = mark_v[pl.ds(k * _L, _L)]
        m = mk > 0
        mi = m.astype(jnp.int32)
        rank = plsc.cumsum(mi) - mi
        plsc.store_scatter(blist_v, [mcnt + rank], iota + (k * _L + lo),
                           mask=m)
        mcnt = mcnt + jnp.sum(mi)

    zero16 = iota * 0

    def count_hit(h, cnts):
        jv = plsc.load_gather(hits_j, [zero16 + h])
        bbl = lax.shift_right_logical(jv, 7) - lo
        grp = lax.shift_right_logical(bbl, 4)
        oh = (iota == (bbl & 15)).astype(jnp.int32)
        return tuple(
            cnts[q] + jnp.where(grp == q, oh, zero16) for q in range(16))

    cnts = lax.fori_loop(0, hcnt, count_hit, (zero16,) * 16)

    starts = []
    run = 0
    for q in range(16):
        starts.append(run + plsc.cumsum(cnts[q]) - cnts[q])
        run = run + jnp.sum(cnts[q])
    for q in range(16):
        cnt_v[pl.ds(q * _L, _L)] = cnts[q]
        start_v[pl.ds(q * _L, _L)] = starts[q]

    def place(h, offs):
        jv = plsc.load_gather(hits_j, [zero16 + h])
        pv = plsc.load_gather(hits_p, [zero16 + h])
        bbl = lax.shift_right_logical(jv, 7) - lo
        grp = lax.shift_right_logical(bbl, 4)
        oh = (iota == (bbl & 15)).astype(jnp.int32)
        slotv = zero16
        for q in range(16):
            slotv = slotv + jnp.where(grp == q, offs[q], zero16)
        slot = zero16 + jnp.sum(slotv * oh)
        lane0 = iota == 0
        plsc.store_scatter(lane_v, [slot], jv & 127, mask=lane0)
        plsc.store_scatter(
            pos_v, [lax.shift_right_logical(slot, 7), slot & 127], pv,
            mask=lane0)
        return tuple(
            offs[q] + jnp.where(grp == q, oh, zero16) for q in range(16))

    lax.fori_loop(0, hcnt, place, tuple(starts))

    rings = [blk0_v, blk1_v, blk2_v, blk3_v]
    sems = [sem0, sem1, sem2, sem3]

    def fire(mth, k):
        bb = _vscalar(blist_v, mth)

        @pl.when(bb == _NB - 1)
        def _():
            pltpu.async_copy(tail_hbm, rings[k], sems[k])

        @pl.when(bb != _NB - 1)
        def _():
            off = pl.multiple_of(bb * 128, 128)
            pltpu.async_copy(table_hbm.at[:, pl.ds(off, 128)], rings[k],
                             sems[k])

    for k in range(4):
        fire(k, k)

    def make_extract(blk):
        def extract(h, carry):
            lane = plsc.load_gather(
                lane_v, [jnp.full((_L,), 0, jnp.int32) + h])
            for g in range(H_DIM // _L):
                x = plsc.load_gather(blk, [iota + g * _L, lane])
                out_v[h, pl.ds(g * _L, _L)] = 1.0 / (1.0 + jnp.exp(-x))
            return carry
        return extract

    def do_round(r, carry):
        for k in range(4):
            mth = r * 4 + k
            bb = _vscalar(blist_v, mth)
            valid = bb != pad_bb
            bbl = jnp.clip(bb - lo, 0, 255)
            start = jnp.where(valid, _vscalar(start_v, bbl), 0)
            end = start + jnp.where(valid, _vscalar(cnt_v, bbl), 0)
            pltpu.make_async_copy(
                table_hbm.at[:, pl.ds(0, 128)], rings[k], sems[k]).wait()
            lax.fori_loop(start, end, make_extract(rings[k]), 0)
            fire(mth + 4, k)
        return carry

    nrounds = lax.div(mcnt + 3, 4)
    lax.fori_loop(0, nrounds, do_round, 0)

    for k in range(4):
        pltpu.make_async_copy(
            table_hbm.at[:, pl.ds(0, 128)], rings[k], sems[k]).wait()

    copies = []
    for q in range(_CAP // 128):
        copies.append(pltpu.async_copy(
            out_v.at[pl.ds(q * 128, 128)], out_hbm.at[pos_v.at[q]], sem_out))
    for c in copies:
        c.wait()


def kernel(X, Y, gate_theta):
    del X
    table_t = gate_theta.T
    tail = jnp.pad(gate_theta[(_NB - 1) * 128:].T,
                   ((0, 0), (0, _NB * 128 - NUM_E)))
    out2 = _gate_sc(table_t, tail, Y.astype(jnp.int32))
    return out2[:BATCH, :H_DIM]

# --- scband reference (transcript-rebuilt; emitter-appended) ---
"""Pipeline reference for scband-concurrent-gating-32049045963202 (READ-ONLY COPY).

The authoritative reference and input builder live on the scoring server;
editing this copy changes nothing except your own understanding.
"""

import jax, jax.numpy as jnp
import numpy as np

NUM_E = 1000000
H_DIM = 64
BATCH = 16384

def setup_inputs(seed: int = 0) -> dict:
    key = jax.random.key(seed)
    k1, k2, k3 = jax.random.split(key, 3)
    X = jax.random.normal(k1, (BATCH, H_DIM), dtype=jnp.float32)
    Y = jax.random.randint(k2, (BATCH,), 0, NUM_E, dtype=jnp.int64 if jax.config.jax_enable_x64 else jnp.int32)
    # xavier_uniform init for gate_theta [NUM_E, H_DIM]
    limit = float(np.sqrt(6.0 / (NUM_E + H_DIM)))
    gate_theta = jax.random.uniform(k3, (NUM_E, H_DIM), dtype=jnp.float32, minval=-limit, maxval=limit)
    return {"X": X, "Y": Y, "gate_theta": gate_theta}

def reference(X, Y, gate_theta):
    # gate = sigmoid(gate_theta[Y])  -> [|E|, H]
    gathered = jnp.take(gate_theta, Y, axis=0)
    gate = jax.nn.sigmoid(gathered)
    return gate

if __name__ == "__main__":
    import jax
    _d = setup_inputs()
    print(jax.jit(kernel)(*tuple(_d.values())))

</pallas_src>

<mosaic_0001>
#map = affine_map<(d0, d1) -> (0, 0)>
#map1 = affine_map<(d0, d1) -> (0)>
module attributes {stable_mosaic.version = 14 : i64} {
  func.func @_gate_sc(%arg0: i32, %arg1: i32, %arg2: memref<64x1000000xf32, #tpu.memory_space<hbm>>, %arg3: memref<64x128xf32, #tpu.memory_space<hbm>>, %arg4: memref<16384xi32, #tpu.memory_space<hbm>>, %arg5: memref<16385x128xf32, #tpu.memory_space<hbm>>, %arg6: memref<2048xi32, #tpu.memory_space<vmem>>, %arg7: memref<640xi32, #tpu.memory_space<vmem>>, %arg8: memref<640xi32, #tpu.memory_space<vmem>>, %arg9: memref<640xi32, #tpu.memory_space<vmem>>, %arg10: memref<5x128xi32, #tpu.memory_space<vmem>>, %arg11: memref<256xi32, #tpu.memory_space<vmem>>, %arg12: memref<256xi32, #tpu.memory_space<vmem>>, %arg13: memref<64x128xf32, #tpu.memory_space<vmem>>, %arg14: memref<64x128xf32, #tpu.memory_space<vmem>>, %arg15: memref<64x128xf32, #tpu.memory_space<vmem>>, %arg16: memref<64x128xf32, #tpu.memory_space<vmem>>, %arg17: memref<640x128xf32, #tpu.memory_space<vmem>>, %arg18: memref<256xi32, #tpu.memory_space<vmem>>, %arg19: memref<256xi32, #tpu.memory_space<vmem>>, %arg20: memref<!tpu.dma_semaphore, #tpu.memory_space<semaphore_mem>>, %arg21: memref<!tpu.dma_semaphore, #tpu.memory_space<semaphore_mem>>, %arg22: memref<!tpu.dma_semaphore, #tpu.memory_space<semaphore_mem>>, %arg23: memref<!tpu.dma_semaphore, #tpu.memory_space<semaphore_mem>>, %arg24: memref<!tpu.dma_semaphore, #tpu.memory_space<semaphore_mem>>) attributes {dimension_semantics = [#tpu.dimension_semantics<core_parallel>, #tpu.dimension_semantics<subcore_parallel>], iteration_bounds = array<i64: 2, 16>, scalar_prefetch = 0 : i64, scratch_operands = 19 : i64, tpu.core_type = #tpu.core_type<sc_vector_subcore>, window_params = [{transform_indices = #map}, {transform_indices = #map}, {transform_indices = #map1}, {transform_indices = #map}]} {
    %mul3A = arith.constant 2 : i32
    %mul3A_0 = arith.muli %arg1, %mul3A : i32
    %add3A = arith.addi %mul3A_0, %arg0 : i32
    %mul3A_1 = arith.constant 245 : i32
    %mul3A_2 = arith.muli %add3A, %mul3A_1 : i32
    %add3A_3 = arith.constant 245 : i32
    %add3A_4 = arith.addi %mul3A_2, %add3A_3 : i32
    %min3A = arith.constant 7813 : i32
    %min3A_5 = arith.minsi %add3A_4, %min3A : i32
    %iota3A = tpu.iota {dimensions = array<i32: 0>} : vector<16xi32>
    %broadcast_in_dim3A = arith.constant 1 : i32
    %broadcast_in_dim3A_6 = vector.broadcast %broadcast_in_dim3A : i32 to vector<16xi32>
    %mul3A_7 = arith.constant -1 : i32
    %mul3A_8 = vector.broadcast %mul3A_7 : i32 to vector<16xi32>
    %mul3A_9 = arith.muli %broadcast_in_dim3A_6, %mul3A_8 : vector<16xi32>
    %swap3A = arith.constant 0 : index
    %swap3A_10 = tpu.vector_load %arg7[%swap3A] {strides = array<i32>} : memref<640xi32, #tpu.memory_space<vmem>>, vector<16xi32>,
    tpu.vector_store %arg7[%swap3A], %mul3A_9 {strides = array<i32>} : memref<640xi32, #tpu.memory_space<vmem>>, vector<16xi32>,
    %mul3A_11 = arith.constant -1 : i32
    %mul3A_12 = vector.broadcast %mul3A_11 : i32 to vector<16xi32>
    %mul3A_13 = arith.muli %broadcast_in_dim3A_6, %mul3A_12 : vector<16xi32>
    %swap3A_14 = arith.constant 16 : index
    %swap3A_15 = tpu.vector_load %arg7[%swap3A_14] {strides = array<i32>} : memref<640xi32, #tpu.memory_space<vmem>>, vector<16xi32>,
    tpu.vector_store %arg7[%swap3A_14], %mul3A_13 {strides = array<i32>} : memref<640xi32, #tpu.memory_space<vmem>>, vector<16xi32>,
    %mul3A_16 = arith.constant -1 : i32
    %mul3A_17 = vector.broadcast %mul3A_16 : i32 to vector<16xi32>
    %mul3A_18 = arith.muli %broadcast_in_dim3A_6, %mul3A_17 : vector<16xi32>
    %swap3A_19 = arith.constant 32 : index
    %swap3A_20 = tpu.vector_load %arg7[%swap3A_19] {strides = array<i32>} : memref<640xi32, #tpu.memory_space<vmem>>, vector<16xi32>,
    tpu.vector_store %arg7[%swap3A_19], %mul3A_18 {strides = array<i32>} : memref<640xi32, #tpu.memory_space<vmem>>, vector<16xi32>,
    %mul3A_21 = arith.constant -1 : i32
    %mul3A_22 = vector.broadcast %mul3A_21 : i32 to vector<16xi32>
    %mul3A_23 = arith.muli %broadcast_in_dim3A_6, %mul3A_22 : vector<16xi32>
    %swap3A_24 = arith.constant 48 : index
    %swap3A_25 = tpu.vector_load %arg7[%swap3A_24] {strides = array<i32>} : memref<640xi32, #tpu.memory_space<vmem>>, vector<16xi32>,
    tpu.vector_store %arg7[%swap3A_24], %mul3A_23 {strides = array<i32>} : memref<640xi32, #tpu.memory_space<vmem>>, vector<16xi32>,
    %mul3A_26 = arith.constant -1 : i32
    %mul3A_27 = vector.broadcast %mul3A_26 : i32 to vector<16xi32>
    %mul3A_28 = arith.muli %broadcast_in_dim3A_6, %mul3A_27 : vector<16xi32>
    %swap3A_29 = arith.constant 64 : index
    %swap3A_30 = tpu.vector_load %arg7[%swap3A_29] {strides = array<i32>} : memref<640xi32, #tpu.memory_space<vmem>>, vector<16xi32>,
    tpu.vector_store %arg7[%swap3A_29], %mul3A_28 {strides = array<i32>} : memref<640xi32, #tpu.memory_space<vmem>>, vector<16xi32>,
    %mul3A_31 = arith.constant -1 : i32
    %mul3A_32 = vector.broadcast %mul3A_31 : i32 to vector<16xi32>
    %mul3A_33 = arith.muli %broadcast_in_dim3A_6, %mul3A_32 : vector<16xi32>
    %swap3A_34 = arith.constant 80 : index
    %swap3A_35 = tpu.vector_load %arg7[%swap3A_34] {strides = array<i32>} : memref<640xi32, #tpu.memory_space<vmem>>, vector<16xi32>,
    tpu.vector_store %arg7[%swap3A_34], %mul3A_33 {strides = array<i32>} : memref<640xi32, #tpu.memory_space<vmem>>, vector<16xi32>,
    %mul3A_36 = arith.constant -1 : i32
    %mul3A_37 = vector.broadcast %mul3A_36 : i32 to vector<16xi32>
    %mul3A_38 = arith.muli %broadcast_in_dim3A_6, %mul3A_37 : vector<16xi32>
    %swap3A_39 = arith.constant 96 : index
    %swap3A_40 = tpu.vector_load %arg7[%swap3A_39] {strides = array<i32>} : memref<640xi32, #tpu.memory_space<vmem>>, vector<16xi32>,
    tpu.vector_store %arg7[%swap3A_39], %mul3A_38 {strides = array<i32>} : memref<640xi32, #tpu.memory_space<vmem>>, vector<16xi32>,
    %mul3A_41 = arith.constant -1 : i32
    %mul3A_42 = vector.broadcast %mul3A_41 : i32 to vector<16xi32>
    %mul3A_43 = arith.muli %broadcast_in_dim3A_6, %mul3A_42 : vector<16xi32>
    %swap3A_44 = arith.constant 112 : index
    %swap3A_45 = tpu.vector_load %arg7[%swap3A_44] {strides = array<i32>} : memref<640xi32, #tpu.memory_space<vmem>>, vector<16xi32>,
    tpu.vector_store %arg7[%swap3A_44], %mul3A_43 {strides = array<i32>} : memref<640xi32, #tpu.memory_space<vmem>>, vector<16xi32>,
    %mul3A_46 = arith.constant -1 : i32
    %mul3A_47 = vector.broadcast %mul3A_46 : i32 to vector<16xi32>
    %mul3A_48 = arith.muli %broadcast_in_dim3A_6, %mul3A_47 : vector<16xi32>
    %swap3A_49 = arith.constant 128 : index
    %swap3A_50 = tpu.vector_load %arg7[%swap3A_49] {strides = array<i32>} : memref<640xi32, #tpu.memory_space<vmem>>, vector<16xi32>,
    tpu.vector_store %arg7[%swap3A_49], %mul3A_48 {strides = array<i32>} : memref<640xi32, #tpu.memory_space<vmem>>, vector<16xi32>,
    %mul3A_51 = arith.constant -1 : i32
    %mul3A_52 = vector.broadcast %mul3A_51 : i32 to vector<16xi32>
    %mul3A_53 = arith.muli %broadcast_in_dim3A_6, %mul3A_52 : vector<16xi32>
    %swap3A_54 = arith.constant 144 : index
    %swap3A_55 = tpu.vector_load %arg7[%swap3A_54] {strides = array<i32>} : memref<640xi32, #tpu.memory_space<vmem>>, vector<16xi32>,
    tpu.vector_store %arg7[%swap3A_54], %mul3A_53 {strides = array<i32>} : memref<640xi32, #tpu.memory_space<vmem>>, vector<16xi32>,
    %mul3A_56 = arith.constant -1 : i32
    %mul3A_57 = vector.broadcast %mul3A_56 : i32 to vector<16xi32>
    %mul3A_58 = arith.muli %broadcast_in_dim3A_6, %mul3A_57 : vector<16xi32>
    %swap3A_59 = arith.constant 160 : index
    %swap3A_60 = tpu.vector_load %arg7[%swap3A_59] {strides = array<i32>} : memref<640xi32, #tpu.memory_space<vmem>>, vector<16xi32>,
    tpu.vector_store %arg7[%swap3A_59], %mul3A_58 {strides = array<i32>} : memref<640xi32, #tpu.memory_space<vmem>>, vector<16xi32>,
    %mul3A_61 = arith.constant -1 : i32
    %mul3A_62 = vector.broadcast %mul3A_61 : i32 to vector<16xi32>
    %mul3A_63 = arith.muli %broadcast_in_dim3A_6, %mul3A_62 : vector<16xi32>
    %swap3A_64 = arith.constant 176 : index
    %swap3A_65 = tpu.vector_load %arg7[%swap3A_64] {strides = array<i32>} : memref<640xi32, #tpu.memory_space<vmem>>, vector<16xi32>,
    tpu.vector_store %arg7[%swap3A_64], %mul3A_63 {strides = array<i32>} : memref<640xi32, #tpu.memory_space<vmem>>, vector<16xi32>,
    %mul3A_66 = arith.constant -1 : i32
    %mul3A_67 = vector.broadcast %mul3A_66 : i32 to vector<16xi32>
    %mul3A_68 = arith.muli %broadcast_in_dim3A_6, %mul3A_67 : vector<16xi32>
    %swap3A_69 = arith.constant 192 : index
    %swap3A_70 = tpu.vector_load %arg7[%swap3A_69] {strides = array<i32>} : memref<640xi32, #tpu.memory_space<vmem>>, vector<16xi32>,
    tpu.vector_store %arg7[%swap3A_69], %mul3A_68 {strides = array<i32>} : memref<640xi32, #tpu.memory_space<vmem>>, vector<16xi32>,
    %mul3A_71 = arith.constant -1 : i32
    %mul3A_72 = vector.broadcast %mul3A_71 : i32 to vector<16xi32>
    %mul3A_73 = arith.muli %broadcast_in_dim3A_6, %mul3A_72 : vector<16xi32>
    %swap3A_74 = arith.constant 208 : index
    %swap3A_75 = tpu.vector_load %arg7[%swap3A_74] {strides = array<i32>} : memref<640xi32, #tpu.memory_space<vmem>>, vector<16xi32>,
    tpu.vector_store %arg7[%swap3A_74], %mul3A_73 {strides = array<i32>} : memref<640xi32, #tpu.memory_space<vmem>>, vector<16xi32>,
    %mul3A_76 = arith.constant -1 : i32
    %mul3A_77 = vector.broadcast %mul3A_76 : i32 to vector<16xi32>
    %mul3A_78 = arith.muli %broadcast_in_dim3A_6, %mul3A_77 : vector<16xi32>
    %swap3A_79 = arith.constant 224 : index
    %swap3A_80 = tpu.vector_load %arg7[%swap3A_79] {strides = array<i32>} : memref<640xi32, #tpu.memory_space<vmem>>, vector<16xi32>,
    tpu.vector_store %arg7[%swap3A_79], %mul3A_78 {strides = array<i32>} : memref<640xi32, #tpu.memory_space<vmem>>, vector<16xi32>,
    %mul3A_81 = arith.constant -1 : i32
    %mul3A_82 = vector.broadcast %mul3A_81 : i32 to vector<16xi32>
    %mul3A_83 = arith.muli %broadcast_in_dim3A_6, %mul3A_82 : vector<16xi32>
    %swap3A_84 = arith.constant 240 : index
    %swap3A_85 = tpu.vector_load %arg7[%swap3A_84] {strides = array<i32>} : memref<640xi32, #tpu.memory_space<vmem>>, vector<16xi32>,
    tpu.vector_store %arg7[%swap3A_84], %mul3A_83 {strides = array<i32>} : memref<640xi32, #tpu.memory_space<vmem>>, vector<16xi32>,
    %mul3A_86 = arith.constant -1 : i32
    %mul3A_87 = vector.broadcast %mul3A_86 : i32 to vector<16xi32>
    %mul3A_88 = arith.muli %broadcast_in_dim3A_6, %mul3A_87 : vector<16xi32>
    %swap3A_89 = arith.constant 256 : index
    %swap3A_90 = tpu.vector_load %arg7[%swap3A_89] {strides = array<i32>} : memref<640xi32, #tpu.memory_space<vmem>>, vector<16xi32>,
    tpu.vector_store %arg7[%swap3A_89], %mul3A_88 {strides = array<i32>} : memref<640xi32, #tpu.memory_space<vmem>>, vector<16xi32>,
    %mul3A_91 = arith.constant -1 : i32
    %mul3A_92 = vector.broadcast %mul3A_91 : i32 to vector<16xi32>
    %mul3A_93 = arith.muli %broadcast_in_dim3A_6, %mul3A_92 : vector<16xi32>
    %swap3A_94 = arith.constant 272 : index
    %swap3A_95 = tpu.vector_load %arg7[%swap3A_94] {strides = array<i32>} : memref<640xi32, #tpu.memory_space<vmem>>, vector<16xi32>,
    tpu.vector_store %arg7[%swap3A_94], %mul3A_93 {strides = array<i32>} : memref<640xi32, #tpu.memory_space<vmem>>, vector<16xi32>,
    %mul3A_96 = arith.constant -1 : i32
    %mul3A_97 = vector.broadcast %mul3A_96 : i32 to vector<16xi32>
    %mul3A_98 = arith.muli %broadcast_in_dim3A_6, %mul3A_97 : vector<16xi32>
    %swap3A_99 = arith.constant 288 : index
    %swap3A_100 = tpu.vector_load %arg7[%swap3A_99] {strides = array<i32>} : memref<640xi32, #tpu.memory_space<vmem>>, vector<16xi32>,
    tpu.vector_store %arg7[%swap3A_99], %mul3A_98 {strides = array<i32>} : memref<640xi32, #tpu.memory_space<vmem>>, vector<16xi32>,
    %mul3A_101 = arith.constant -1 : i32
    %mul3A_102 = vector.broadcast %mul3A_101 : i32 to vector<16xi32>
    %mul3A_103 = arith.muli %broadcast_in_dim3A_6, %mul3A_102 : vector<16xi32>
    %swap3A_104 = arith.constant 304 : index
    %swap3A_105 = tpu.vector_load %arg7[%swap3A_104] {strides = array<i32>} : memref<640xi32, #tpu.memory_space<vmem>>, vector<16xi32>,
    tpu.vector_store %arg7[%swap3A_104], %mul3A_103 {strides = array<i32>} : memref<640xi32, #tpu.memory_space<vmem>>, vector<16xi32>,
    %mul3A_106 = arith.constant -1 : i32
    %mul3A_107 = vector.broadcast %mul3A_106 : i32 to vector<16xi32>
    %mul3A_108 = arith.muli %broadcast_in_dim3A_6, %mul3A_107 : vector<16xi32>
    %swap3A_109 = arith.constant 320 : index
    %swap3A_110 = tpu.vector_load %arg7[%swap3A_109] {strides = array<i32>} : memref<640xi32, #tpu.memory_space<vmem>>, vector<16xi32>,
    tpu.vector_store %arg7[%swap3A_109], %mul3A_108 {strides = array<i32>} : memref<640xi32, #tpu.memory_space<vmem>>, vector<16xi32>,
    %mul3A_111 = arith.constant -1 : i32
    %mul3A_112 = vector.broadcast %mul3A_111 : i32 to vector<16xi32>
    %mul3A_113 = arith.muli %broadcast_in_dim3A_6, %mul3A_112 : vector<16xi32>
    %swap3A_114 = arith.constant 336 : index
    %swap3A_115 = tpu.vector_load %arg7[%swap3A_114] {strides = array<i32>} : memref<640xi32, #tpu.memory_space<vmem>>, vector<16xi32>,
    tpu.vector_store %arg7[%swap3A_114], %mul3A_113 {strides = array<i32>} : memref<640xi32, #tpu.memory_space<vmem>>, vector<16xi32>,
    %mul3A_116 = arith.constant -1 : i32
    %mul3A_117 = vector.broadcast %mul3A_116 : i32 to vector<16xi32>
    %mul3A_118 = arith.muli %broadcast_in_dim3A_6, %mul3A_117 : vector<16xi32>
    %swap3A_119 = arith.constant 352 : index
    %swap3A_120 = tpu.vector_load %arg7[%swap3A_119] {strides = array<i32>} : memref<640xi32, #tpu.memory_space<vmem>>, vector<16xi32>,
    tpu.vector_store %arg7[%swap3A_119], %mul3A_118 {strides = array<i32>} : memref<640xi32, #tpu.memory_space<vmem>>, vector<16xi32>,
    %mul3A_121 = arith.constant -1 : i32
    %mul3A_122 = vector.broadcast %mul3A_121 : i32 to vector<16xi32>
    %mul3A_123 = arith.muli %broadcast_in_dim3A_6, %mul3A_122 : vector<16xi32>
    %swap3A_124 = arith.constant 368 : index
    %swap3A_125 = tpu.vector_load %arg7[%swap3A_124] {strides = array<i32>} : memref<640xi32, #tpu.memory_space<vmem>>, vector<16xi32>,
    tpu.vector_store %arg7[%swap3A_124], %mul3A_123 {strides = array<i32>} : memref<640xi32, #tpu.memory_space<vmem>>, vector<16xi32>,
    %mul3A_126 = arith.constant -1 : i32
    %mul3A_127 = vector.broadcast %mul3A_126 : i32 to vector<16xi32>
    %mul3A_128 = arith.muli %broadcast_in_dim3A_6, %mul3A_127 : vector<16xi32>
    %swap3A_129 = arith.constant 384 : index
    %swap3A_130 = tpu.vector_load %arg7[%swap3A_129] {strides = array<i32>} : memref<640xi32, #tpu.memory_space<vmem>>, vector<16xi32>,
    tpu.vector_store %arg7[%swap3A_129], %mul3A_128 {strides = array<i32>} : memref<640xi32, #tpu.memory_space<vmem>>, vector<16xi32>,
    %mul3A_131 = arith.constant -1 : i32
    %mul3A_132 = vector.broadcast %mul3A_131 : i32 to vector<16xi32>
    %mul3A_133 = arith.muli %broadcast_in_dim3A_6, %mul3A_132 : vector<16xi32>
    %swap3A_134 = arith.constant 400 : index
    %swap3A_135 = tpu.vector_load %arg7[%swap3A_134] {strides = array<i32>} : memref<640xi32, #tpu.memory_space<vmem>>, vector<16xi32>,
    tpu.vector_store %arg7[%swap3A_134], %mul3A_133 {strides = array<i32>} : memref<640xi32, #tpu.memory_space<vmem>>, vector<16xi32>,
    %mul3A_136 = arith.constant -1 : i32
    %mul3A_137 = vector.broadcast %mul3A_136 : i32 to vector<16xi32>
    %mul3A_138 = arith.muli %broadcast_in_dim3A_6, %mul3A_137 : vector<16xi32>
    %swap3A_139 = arith.constant 416 : index
    %swap3A_140 = tpu.vector_load %arg7[%swap3A_139] {strides = array<i32>} : memref<640xi32, #tpu.memory_space<vmem>>, vector<16xi32>,
    tpu.vector_store %arg7[%swap3A_139], %mul3A_138 {strides = array<i32>} : memref<640xi32, #tpu.memory_space<vmem>>, vector<16xi32>,
    %mul3A_141 = arith.constant -1 : i32
    %mul3A_142 = vector.broadcast %mul3A_141 : i32 to vector<16xi32>
    %mul3A_143 = arith.muli %broadcast_in_dim3A_6, %mul3A_142 : vector<16xi32>
    %swap3A_144 = arith.constant 432 : index
    %swap3A_145 = tpu.vector_load %arg7[%swap3A_144] {strides = array<i32>} : memref<640xi32, #tpu.memory_space<vmem>>, vector<16xi32>,
    tpu.vector_store %arg7[%swap3A_144], %mul3A_143 {strides = array<i32>} : memref<640xi32, #tpu.memory_space<vmem>>, vector<16xi32>,
    %mul3A_146 = arith.constant -1 : i32
    %mul3A_147 = vector.broadcast %mul3A_146 : i32 to vector<16xi32>
    %mul3A_148 = arith.muli %broadcast_in_dim3A_6, %mul3A_147 : vector<16xi32>
    %swap3A_149 = arith.constant 448 : index
    %swap3A_150 = tpu.vector_load %arg7[%swap3A_149] {strides = array<i32>} : memref<640xi32, #tpu.memory_space<vmem>>, vector<16xi32>,
    tpu.vector_store %arg7[%swap3A_149], %mul3A_148 {strides = array<i32>} : memref<640xi32, #tpu.memory_space<vmem>>, vector<16xi32>,
    %mul3A_151 = arith.constant -1 : i32
    %mul3A_152 = vector.broadcast %mul3A_151 : i32 to vector<16xi32>
    %mul3A_153 = arith.muli %broadcast_in_dim3A_6, %mul3A_152 : vector<16xi32>
    %swap3A_154 = arith.constant 464 : index
    %swap3A_155 = tpu.vector_load %arg7[%swap3A_154] {strides = array<i32>} : memref<640xi32, #tpu.memory_space<vmem>>, vector<16xi32>,
    tpu.vector_store %arg7[%swap3A_154], %mul3A_153 {strides = array<i32>} : memref<640xi32, #tpu.memory_space<vmem>>, vector<16xi32>,
    %mul3A_156 = arith.constant -1 : i32
    %mul3A_157 = vector.broadcast %mul3A_156 : i32 to vector<16xi32>
    %mul3A_158 = arith.muli %broadcast_in_dim3A_6, %mul3A_157 : vector<16xi32>
    %swap3A_159 = arith.constant 480 : index
    %swap3A_160 = tpu.vector_load %arg7[%swap3A_159] {strides = array<i32>} : memref<640xi32, #tpu.memory_space<vmem>>, vector<16xi32>,
    tpu.vector_store %arg7[%swap3A_159], %mul3A_158 {strides = array<i32>} : memref<640xi32, #tpu.memory_space<vmem>>, vector<16xi32>,
    %mul3A_161 = arith.constant -1 : i32
    %mul3A_162 = vector.broadcast %mul3A_161 : i32 to vector<16xi32>
    %mul3A_163 = arith.muli %broadcast_in_dim3A_6, %mul3A_162 : vector<16xi32>
    %swap3A_164 = arith.constant 496 : index
    %swap3A_165 = tpu.vector_load %arg7[%swap3A_164] {strides = array<i32>} : memref<640xi32, #tpu.memory_space<vmem>>, vector<16xi32>,
    tpu.vector_store %arg7[%swap3A_164], %mul3A_163 {strides = array<i32>} : memref<640xi32, #tpu.memory_space<vmem>>, vector<16xi32>,
    %mul3A_166 = arith.constant -1 : i32
    %mul3A_167 = vector.broadcast %mul3A_166 : i32 to vector<16xi32>
    %mul3A_168 = arith.muli %broadcast_in_dim3A_6, %mul3A_167 : vector<16xi32>
    %swap3A_169 = arith.constant 512 : index
    %swap3A_170 = tpu.vector_load %arg7[%swap3A_169] {strides = array<i32>} : memref<640xi32, #tpu.memory_space<vmem>>, vector<16xi32>,
    tpu.vector_store %arg7[%swap3A_169], %mul3A_168 {strides = array<i32>} : memref<640xi32, #tpu.memory_space<vmem>>, vector<16xi32>,
    %mul3A_171 = arith.constant -1 : i32
    %mul3A_172 = vector.broadcast %mul3A_171 : i32 to vector<16xi32>
    %mul3A_173 = arith.muli %broadcast_in_dim3A_6, %mul3A_172 : vector<16xi32>
    %swap3A_174 = arith.constant 528 : index
    %swap3A_175 = tpu.vector_load %arg7[%swap3A_174] {strides = array<i32>} : memref<640xi32, #tpu.memory_space<vmem>>, vector<16xi32>,
    tpu.vector_store %arg7[%swap3A_174], %mul3A_173 {strides = array<i32>} : memref<640xi32, #tpu.memory_space<vmem>>, vector<16xi32>,
    %mul3A_176 = arith.constant -1 : i32
    %mul3A_177 = vector.broadcast %mul3A_176 : i32 to vector<16xi32>
    %mul3A_178 = arith.muli %broadcast_in_dim3A_6, %mul3A_177 : vector<16xi32>
    %swap3A_179 = arith.constant 544 : index
    %swap3A_180 = tpu.vector_load %arg7[%swap3A_179] {strides = array<i32>} : memref<640xi32, #tpu.memory_space<vmem>>, vector<16xi32>,
    tpu.vector_store %arg7[%swap3A_179], %mul3A_178 {strides = array<i32>} : memref<640xi32, #tpu.memory_space<vmem>>, vector<16xi32>,
    %mul3A_181 = arith.constant -1 : i32
    %mul3A_182 = vector.broadcast %mul3A_181 : i32 to vector<16xi32>
    %mul3A_183 = arith.muli %broadcast_in_dim3A_6, %mul3A_182 : vector<16xi32>
    %swap3A_184 = arith.constant 560 : index
    %swap3A_185 = tpu.vector_load %arg7[%swap3A_184] {strides = array<i32>} : memref<640xi32, #tpu.memory_space<vmem>>, vector<16xi32>,
    tpu.vector_store %arg7[%swap3A_184], %mul3A_183 {strides = array<i32>} : memref<640xi32, #tpu.memory_space<vmem>>, vector<16xi32>,
    %mul3A_186 = arith.constant -1 : i32
    %mul3A_187 = vector.broadcast %mul3A_186 : i32 to vector<16xi32>
    %mul3A_188 = arith.muli %broadcast_in_dim3A_6, %mul3A_187 : vector<16xi32>
    %swap3A_189 = arith.constant 576 : index
    %swap3A_190 = tpu.vector_load %arg7[%swap3A_189] {strides = array<i32>} : memref<640xi32, #tpu.memory_space<vmem>>, vector<16xi32>,
    tpu.vector_store %arg7[%swap3A_189], %mul3A_188 {strides = array<i32>} : memref<640xi32, #tpu.memory_space<vmem>>, vector<16xi32>,
    %mul3A_191 = arith.constant -1 : i32
    %mul3A_192 = vector.broadcast %mul3A_191 : i32 to vector<16xi32>
    %mul3A_193 = arith.muli %broadcast_in_dim3A_6, %mul3A_192 : vector<16xi32>
    %swap3A_194 = arith.constant 592 : index
    %swap3A_195 = tpu.vector_load %arg7[%swap3A_194] {strides = array<i32>} : memref<640xi32, #tpu.memory_space<vmem>>, vector<16xi32>,
    tpu.vector_store %arg7[%swap3A_194], %mul3A_193 {strides = array<i32>} : memref<640xi32, #tpu.memory_space<vmem>>, vector<16xi32>,
    %mul3A_196 = arith.constant -1 : i32
    %mul3A_197 = vector.broadcast %mul3A_196 : i32 to vector<16xi32>
    %mul3A_198 = arith.muli %broadcast_in_dim3A_6, %mul3A_197 : vector<16xi32>
    %swap3A_199 = arith.constant 608 : index
    %swap3A_200 = tpu.vector_load %arg7[%swap3A_199] {strides = array<i32>} : memref<640xi32, #tpu.memory_space<vmem>>, vector<16xi32>,
    tpu.vector_store %arg7[%swap3A_199], %mul3A_198 {strides = array<i32>} : memref<640xi32, #tpu.memory_space<vmem>>, vector<16xi32>,
    %mul3A_201 = arith.constant -1 : i32
    %mul3A_202 = vector.broadcast %mul3A_201 : i32 to vector<16xi32>
    %mul3A_203 = arith.muli %broadcast_in_dim3A_6, %mul3A_202 : vector<16xi32>
    %swap3A_204 = arith.constant 624 : index
    %swap3A_205 = tpu.vector_load %arg7[%swap3A_204] {strides = array<i32>} : memref<640xi32, #tpu.memory_space<vmem>>, vector<16xi32>,
    tpu.vector_store %arg7[%swap3A_204], %mul3A_203 {strides = array<i32>} : memref<640xi32, #tpu.memory_space<vmem>>, vector<16xi32>,
    %mul3A_206 = arith.constant 16384 : i32
    %mul3A_207 = vector.broadcast %mul3A_206 : i32 to vector<16xi32>
    %mul3A_208 = arith.muli %broadcast_in_dim3A_6, %mul3A_207 : vector<16xi32>
    %swap3A_209 = arith.constant 0 : i32
    %swap3A_210 = arith.index_cast %swap3A_209 : i32 to index
    %swap3A_211 = arith.constant 0 : index
    %swap3A_212 = tpu.vector_load %arg10[%swap3A_210, %swap3A_211] {strides = array<i32>} : memref<5x128xi32, #tpu.memory_space<vmem>>, vector<16xi32>,
    tpu.vector_store %arg10[%swap3A_210, %swap3A_211], %mul3A_208 {strides = array<i32>} : memref<5x128xi32, #tpu.memory_space<vmem>>, vector<16xi32>,
    %mul3A_213 = arith.constant 16384 : i32
    %mul3A_214 = vector.broadcast %mul3A_213 : i32 to vector<16xi32>
    %mul3A_215 = arith.muli %broadcast_in_dim3A_6, %mul3A_214 : vector<16xi32>
    %swap3A_216 = arith.constant 0 : i32
    %swap3A_217 = arith.index_cast %swap3A_216 : i32 to index
    %swap3A_218 = arith.constant 16 : index
    %swap3A_219 = tpu.vector_load %arg10[%swap3A_217, %swap3A_218] {strides = array<i32>} : memref<5x128xi32, #tpu.memory_space<vmem>>, vector<16xi32>,
    tpu.vector_store %arg10[%swap3A_217, %swap3A_218], %mul3A_215 {strides = array<i32>} : memref<5x128xi32, #tpu.memory_space<vmem>>, vector<16xi32>,
    %mul3A_220 = arith.constant 16384 : i32
    %mul3A_221 = vector.broadcast %mul3A_220 : i32 to vector<16xi32>
    %mul3A_222 = arith.muli %broadcast_in_dim3A_6, %mul3A_221 : vector<16xi32>
    %swap3A_223 = arith.constant 0 : i32
    %swap3A_224 = arith.index_cast %swap3A_223 : i32 to index
    %swap3A_225 = arith.constant 32 : index
    %swap3A_226 = tpu.vector_load %arg10[%swap3A_224, %swap3A_225] {strides = array<i32>} : memref<5x128xi32, #tpu.memory_space<vmem>>, vector<16xi32>,
    tpu.vector_store %arg10[%swap3A_224, %swap3A_225], %mul3A_222 {strides = array<i32>} : memref<5x128xi32, #tpu.memory_space<vmem>>, vector<16xi32>,
    %mul3A_227 = arith.constant 16384 : i32
    %mul3A_228 = vector.broadcast %mul3A_227 : i32 to vector<16xi32>
    %mul3A_229 = arith.muli %broadcast_in_dim3A_6, %mul3A_228 : vector<16xi32>
    %swap3A_230 = arith.constant 0 : i32
    %swap3A_231 = arith.index_cast %swap3A_230 : i32 to index
    %swap3A_232 = arith.constant 48 : index
    %swap3A_233 = tpu.vector_load %arg10[%swap3A_231, %swap3A_232] {strides = array<i32>} : memref<5x128xi32, #tpu.memory_space<vmem>>, vector<16xi32>,
    tpu.vector_store %arg10[%swap3A_231, %swap3A_232], %mul3A_229 {strides = array<i32>} : memref<5x128xi32, #tpu.memory_space<vmem>>, vector<16xi32>,
    %mul3A_234 = arith.constant 16384 : i32
    %mul3A_235 = vector.broadcast %mul3A_234 : i32 to vector<16xi32>
    %mul3A_236 = arith.muli %broadcast_in_dim3A_6, %mul3A_235 : vector<16xi32>
    %swap3A_237 = arith.constant 0 : i32
    %swap3A_238 = arith.index_cast %swap3A_237 : i32 to index
    %swap3A_239 = arith.constant 64 : index
    %swap3A_240 = tpu.vector_load %arg10[%swap3A_238, %swap3A_239] {strides = array<i32>} : memref<5x128xi32, #tpu.memory_space<vmem>>, vector<16xi32>,
    tpu.vector_store %arg10[%swap3A_238, %swap3A_239], %mul3A_236 {strides = array<i32>} : memref<5x128xi32, #tpu.memory_space<vmem>>, vector<16xi32>,
    %mul3A_241 = arith.constant 16384 : i32
    %mul3A_242 = vector.broadcast %mul3A_241 : i32 to vector<16xi32>
    %mul3A_243 = arith.muli %broadcast_in_dim3A_6, %mul3A_242 : vector<16xi32>
    %swap3A_244 = arith.constant 0 : i32
    %swap3A_245 = arith.index_cast %swap3A_244 : i32 to index
    %swap3A_246 = arith.constant 80 : index
    %swap3A_247 = tpu.vector_load %arg10[%swap3A_245, %swap3A_246] {strides = array<i32>} : memref<5x128xi32, #tpu.memory_space<vmem>>, vector<16xi32>,
    tpu.vector_store %arg10[%swap3A_245, %swap3A_246], %mul3A_243 {strides = array<i32>} : memref<5x128xi32, #tpu.memory_space<vmem>>, vector<16xi32>,
    %mul3A_248 = arith.constant 16384 : i32
    %mul3A_249 = vector.broadcast %mul3A_248 : i32 to vector<16xi32>
    %mul3A_250 = arith.muli %broadcast_in_dim3A_6, %mul3A_249 : vector<16xi32>
    %swap3A_251 = arith.constant 0 : i32
    %swap3A_252 = arith.index_cast %swap3A_251 : i32 to index
    %swap3A_253 = arith.constant 96 : index
    %swap3A_254 = tpu.vector_load %arg10[%swap3A_252, %swap3A_253] {strides = array<i32>} : memref<5x128xi32, #tpu.memory_space<vmem>>, vector<16xi32>,
    tpu.vector_store %arg10[%swap3A_252, %swap3A_253], %mul3A_250 {strides = array<i32>} : memref<5x128xi32, #tpu.memory_space<vmem>>, vector<16xi32>,
    %mul3A_255 = arith.constant 16384 : i32
    %mul3A_256 = vector.broadcast %mul3A_255 : i32 to vector<16xi32>
    %mul3A_257 = arith.muli %broadcast_in_dim3A_6, %mul3A_256 : vector<16xi32>
    %swap3A_258 = arith.constant 0 : i32
    %swap3A_259 = arith.index_cast %swap3A_258 : i32 to index
    %swap3A_260 = arith.constant 112 : index
    %swap3A_261 = tpu.vector_load %arg10[%swap3A_259, %swap3A_260] {strides = array<i32>} : memref<5x128xi32, #tpu.memory_space<vmem>>, vector<16xi32>,
    tpu.vector_store %arg10[%swap3A_259, %swap3A_260], %mul3A_257 {strides = array<i32>} : memref<5x128xi32, #tpu.memory_space<vmem>>, vector<16xi32>,
    %mul3A_262 = arith.constant 16384 : i32
    %mul3A_263 = vector.broadcast %mul3A_262 : i32 to vector<16xi32>
    %mul3A_264 = arith.muli %broadcast_in_dim3A_6, %mul3A_263 : vector<16xi32>
    %swap3A_265 = arith.constant 1 : i32
    %swap3A_266 = arith.index_cast %swap3A_265 : i32 to index
    %swap3A_267 = arith.constant 0 : index
    %swap3A_268 = tpu.vector_load %arg10[%swap3A_266, %swap3A_267] {strides = array<i32>} : memref<5x128xi32, #tpu.memory_space<vmem>>, vector<16xi32>,
    tpu.vector_store %arg10[%swap3A_266, %swap3A_267], %mul3A_264 {strides = array<i32>} : memref<5x128xi32, #tpu.memory_space<vmem>>, vector<16xi32>,
    %mul3A_269 = arith.constant 16384 : i32
    %mul3A_270 = vector.broadcast %mul3A_269 : i32 to vector<16xi32>
    %mul3A_271 = arith.muli %broadcast_in_dim3A_6, %mul3A_270 : vector<16xi32>
    %swap3A_272 = arith.constant 1 : i32
    %swap3A_273 = arith.index_cast %swap3A_272 : i32 to index
    %swap3A_274 = arith.constant 16 : index
    %swap3A_275 = tpu.vector_load %arg10[%swap3A_273, %swap3A_274] {strides = array<i32>} : memref<5x128xi32, #tpu.memory_space<vmem>>, vector<16xi32>,
    tpu.vector_store %arg10[%swap3A_273, %swap3A_274], %mul3A_271 {strides = array<i32>} : memref<5x128xi32, #tpu.memory_space<vmem>>, vector<16xi32>,
    %mul3A_276 = arith.constant 16384 : i32
    %mul3A_277 = vector.broadcast %mul3A_276 : i32 to vector<16xi32>
    %mul3A_278 = arith.muli %broadcast_in_dim3A_6, %mul3A_277 : vector<16xi32>
    %swap3A_279 = arith.constant 1 : i32
    %swap3A_280 = arith.index_cast %swap3A_279 : i32 to index
    %swap3A_281 = arith.constant 32 : index
    %swap3A_282 = tpu.vector_load %arg10[%swap3A_280, %swap3A_281] {strides = array<i32>} : memref<5x128xi32, #tpu.memory_space<vmem>>, vector<16xi32>,
    tpu.vector_store %arg10[%swap3A_280, %swap3A_281], %mul3A_278 {strides = array<i32>} : memref<5x128xi32, #tpu.memory_space<vmem>>, vector<16xi32>,
    %mul3A_283 = arith.constant 16384 : i32
    %mul3A_284 = vector.broadcast %mul3A_283 : i32 to vector<16xi32>
    %mul3A_285 = arith.muli %broadcast_in_dim3A_6, %mul3A_284 : vector<16xi32>
    %swap3A_286 = arith.constant 1 : i32
    %swap3A_287 = arith.index_cast %swap3A_286 : i32 to index
    %swap3A_288 = arith.constant 48 : index
    %swap3A_289 = tpu.vector_load %arg10[%swap3A_287, %swap3A_288] {strides = array<i32>} : memref<5x128xi32, #tpu.memory_space<vmem>>, vector<16xi32>,
    tpu.vector_store %arg10[%swap3A_287, %swap3A_288], %mul3A_285 {strides = array<i32>} : memref<5x128xi32, #tpu.memory_space<vmem>>, vector<16xi32>,
    %mul3A_290 = arith.constant 16384 : i32
    %mul3A_291 = vector.broadcast %mul3A_290 : i32 to vector<16xi32>
    %mul3A_292 = arith.muli %broadcast_in_dim3A_6, %mul3A_291 : vector<16xi32>
    %swap3A_293 = arith.constant 1 : i32
    %swap3A_294 = arith.index_cast %swap3A_293 : i32 to index
    %swap3A_295 = arith.constant 64 : index
    %swap3A_296 = tpu.vector_load %arg10[%swap3A_294, %swap3A_295] {strides = array<i32>} : memref<5x128xi32, #tpu.memory_space<vmem>>, vector<16xi32>,
    tpu.vector_store %arg10[%swap3A_294, %swap3A_295], %mul3A_292 {strides = array<i32>} : memref<5x128xi32, #tpu.memory_space<vmem>>, vector<16xi32>,
    %mul3A_297 = arith.constant 16384 : i32
    %mul3A_298 = vector.broadcast %mul3A_297 : i32 to vector<16xi32>
    %mul3A_299 = arith.muli %broadcast_in_dim3A_6, %mul3A_298 : vector<16xi32>
    %swap3A_300 = arith.constant 1 : i32
    %swap3A_301 = arith.index_cast %swap3A_300 : i32 to index
    %swap3A_302 = arith.constant 80 : index
    %swap3A_303 = tpu.vector_load %arg10[%swap3A_301, %swap3A_302] {strides = array<i32>} : memref<5x128xi32, #tpu.memory_space<vmem>>, vector<16xi32>,
    tpu.vector_store %arg10[%swap3A_301, %swap3A_302], %mul3A_299 {strides = array<i32>} : memref<5x128xi32, #tpu.memory_space<vmem>>, vector<16xi32>,
    %mul3A_304 = arith.constant 16384 : i32
    %mul3A_305 = vector.broadcast %mul3A_304 : i32 to vector<16xi32>
    %mul3A_306 = arith.muli %broadcast_in_dim3A_6, %mul3A_305 : vector<16xi32>
    %swap3A_307 = arith.constant 1 : i32
    %swap3A_308 = arith.index_cast %swap3A_307 : i32 to index
    %swap3A_309 = arith.constant 96 : index
    %swap3A_310 = tpu.vector_load %arg10[%swap3A_308, %swap3A_309] {strides = array<i32>} : memref<5x128xi32, #tpu.memory_space<vmem>>, vector<16xi32>,
    tpu.vector_store %arg10[%swap3A_308, %swap3A_309], %mul3A_306 {strides = array<i32>} : memref<5x128xi32, #tpu.memory_space<vmem>>, vector<16xi32>,
    %mul3A_311 = arith.constant 16384 : i32
    %mul3A_312 = vector.broadcast %mul3A_311 : i32 to vector<16xi32>
    %mul3A_313 = arith.muli %broadcast_in_dim3A_6, %mul3A_312 : vector<16xi32>
    %swap3A_314 = arith.constant 1 : i32
    %swap3A_315 = arith.index_cast %swap3A_314 : i32 to index
    %swap3A_316 = arith.constant 112 : index
    %swap3A_317 = tpu.vector_load %arg10[%swap3A_315, %swap3A_316] {strides = array<i32>} : memref<5x128xi32, #tpu.memory_space<vmem>>, vector<16xi32>,
    tpu.vector_store %arg10[%swap3A_315, %swap3A_316], %mul3A_313 {strides = array<i32>} : memref<5x128xi32, #tpu.memory_space<vmem>>, vector<16xi32>,
    %mul3A_318 = arith.constant 16384 : i32
    %mul3A_319 = vector.broadcast %mul3A_318 : i32 to vector<16xi32>
    %mul3A_320 = arith.muli %broadcast_in_dim3A_6, %mul3A_319 : vector<16xi32>
    %swap3A_321 = arith.constant 2 : i32
    %swap3A_322 = arith.index_cast %swap3A_321 : i32 to index
    %swap3A_323 = arith.constant 0 : index
    %swap3A_324 = tpu.vector_load %arg10[%swap3A_322, %swap3A_323] {strides = array<i32>} : memref<5x128xi32, #tpu.memory_space<vmem>>, vector<16xi32>,
    tpu.vector_store %arg10[%swap3A_322, %swap3A_323], %mul3A_320 {strides = array<i32>} : memref<5x128xi32, #tpu.memory_space<vmem>>, vector<16xi32>,
    %mul3A_325 = arith.constant 16384 : i32
    %mul3A_326 = vector.broadcast %mul3A_325 : i32 to vector<16xi32>
    %mul3A_327 = arith.muli %broadcast_in_dim3A_6, %mul3A_326 : vector<16xi32>
    %swap3A_328 = arith.constant 2 : i32
    %swap3A_329 = arith.index_cast %swap3A_328 : i32 to index
    %swap3A_330 = arith.constant 16 : index
    %swap3A_331 = tpu.vector_load %arg10[%swap3A_329, %swap3A_330] {strides = array<i32>} : memref<5x128xi32, #tpu.memory_space<vmem>>, vector<16xi32>,
    tpu.vector_store %arg10[%swap3A_329, %swap3A_330], %mul3A_327 {strides = array<i32>} : memref<5x128xi32, #tpu.memory_space<vmem>>, vector<16xi32>,
    %mul3A_332 = arith.constant 16384 : i32
    %mul3A_333 = vector.broadcast %mul3A_332 : i32 to vector<16xi32>
    %mul3A_334 = arith.muli %broadcast_in_dim3A_6, %mul3A_333 : vector<16xi32>
    %swap3A_335 = arith.constant 2 : i32
    %swap3A_336 = arith.index_cast %swap3A_335 : i32 to index
    %swap3A_337 = arith.constant 32 : index
    %swap3A_338 = tpu.vector_load %arg10[%swap3A_336, %swap3A_337] {strides = array<i32>} : memref<5x128xi32, #tpu.memory_space<vmem>>, vector<16xi32>,
    tpu.vector_store %arg10[%swap3A_336, %swap3A_337], %mul3A_334 {strides = array<i32>} : memref<5x128xi32, #tpu.memory_space<vmem>>, vector<16xi32>,
    %mul3A_339 = arith.constant 16384 : i32
    %mul3A_340 = vector.broadcast %mul3A_339 : i32 to vector<16xi32>
    %mul3A_341 = arith.muli %broadcast_in_dim3A_6, %mul3A_340 : vector<16xi32>
    %swap3A_342 = arith.constant 2 : i32
    %swap3A_343 = arith.index_cast %swap3A_342 : i32 to index
    %swap3A_344 = arith.constant 48 : index
    %swap3A_345 = tpu.vector_load %arg10[%swap3A_343, %swap3A_344] {strides = array<i32>} : memref<5x128xi32, #tpu.memory_space<vmem>>, vector<16xi32>,
    tpu.vector_store %arg10[%swap3A_343, %swap3A_344], %mul3A_341 {strides = array<i32>} : memref<5x128xi32, #tpu.memory_space<vmem>>, vector<16xi32>,
    %mul3A_346 = arith.constant 16384 : i32
    %mul3A_347 = vector.broadcast %mul3A_346 : i32 to vector<16xi32>
    %mul3A_348 = arith.muli %broadcast_in_dim3A_6, %mul3A_347 : vector<16xi32>
    %swap3A_349 = arith.constant 2 : i32
    %swap3A_350 = arith.index_cast %swap3A_349 : i32 to index
    %swap3A_351 = arith.constant 64 : index
    %swap3A_352 = tpu.vector_load %arg10[%swap3A_350, %swap3A_351] {strides = array<i32>} : memref<5x128xi32, #tpu.memory_space<vmem>>, vector<16xi32>,
    tpu.vector_store %arg10[%swap3A_350, %swap3A_351], %mul3A_348 {strides = array<i32>} : memref<5x128xi32, #tpu.memory_space<vmem>>, vector<16xi32>,
    %mul3A_353 = arith.constant 16384 : i32
    %mul3A_354 = vector.broadcast %mul3A_353 : i32 to vector<16xi32>
    %mul3A_355 = arith.muli %broadcast_in_dim3A_6, %mul3A_354 : vector<16xi32>
    %swap3A_356 = arith.constant 2 : i32
    %swap3A_357 = arith.index_cast %swap3A_356 : i32 to index
    %swap3A_358 = arith.constant 80 : index
    %swap3A_359 = tpu.vector_load %arg10[%swap3A_357, %swap3A_358] {strides = array<i32>} : memref<5x128xi32, #tpu.memory_space<vmem>>, vector<16xi32>,
    tpu.vector_store %arg10[%swap3A_357, %swap3A_358], %mul3A_355 {strides = array<i32>} : memref<5x128xi32, #tpu.memory_space<vmem>>, vector<16xi32>,
    %mul3A_360 = arith.constant 16384 : i32
    %mul3A_361 = vector.broadcast %mul3A_360 : i32 to vector<16xi32>
    %mul3A_362 = arith.muli %broadcast_in_dim3A_6, %mul3A_361 : vector<16xi32>
    %swap3A_363 = arith.constant 2 : i32
    %swap3A_364 = arith.index_cast %swap3A_363 : i32 to index
    %swap3A_365 = arith.constant 96 : index
    %swap3A_366 = tpu.vector_load %arg10[%swap3A_364, %swap3A_365] {strides = array<i32>} : memref<5x128xi32, #tpu.memory_space<vmem>>, vector<16xi32>,
    tpu.vector_store %arg10[%swap3A_364, %swap3A_365], %mul3A_362 {strides = array<i32>} : memref<5x128xi32, #tpu.memory_space<vmem>>, vector<16xi32>,
    %mul3A_367 = arith.constant 16384 : i32
    %mul3A_368 = vector.broadcast %mul3A_367 : i32 to vector<16xi32>
    %mul3A_369 = arith.muli %broadcast_in_dim3A_6, %mul3A_368 : vector<16xi32>
    %swap3A_370 = arith.constant 2 : i32
    %swap3A_371 = arith.index_cast %swap3A_370 : i32 to index
    %swap3A_372 = arith.constant 112 : index
    %swap3A_373 = tpu.vector_load %arg10[%swap3A_371, %swap3A_372] {strides = array<i32>} : memref<5x128xi32, #tpu.memory_space<vmem>>, vector<16xi32>,
    tpu.vector_store %arg10[%swap3A_371, %swap3A_372], %mul3A_369 {strides = array<i32>} : memref<5x128xi32, #tpu.memory_space<vmem>>, vector<16xi32>,
    %mul3A_374 = arith.constant 16384 : i32
    %mul3A_375 = vector.broadcast %mul3A_374 : i32 to vector<16xi32>
    %mul3A_376 = arith.muli %broadcast_in_dim3A_6, %mul3A_375 : vector<16xi32>
    %swap3A_377 = arith.constant 3 : i32
    %swap3A_378 = arith.index_cast %swap3A_377 : i32 to index
    %swap3A_379 = arith.constant 0 : index
    %swap3A_380 = tpu.vector_load %arg10[%swap3A_378, %swap3A_379] {strides = array<i32>} : memref<5x128xi32, #tpu.memory_space<vmem>>, vector<16xi32>,
    tpu.vector_store %arg10[%swap3A_378, %swap3A_379], %mul3A_376 {strides = array<i32>} : memref<5x128xi32, #tpu.memory_space<vmem>>, vector<16xi32>,
    %mul3A_381 = arith.constant 16384 : i32
    %mul3A_382 = vector.broadcast %mul3A_381 : i32 to vector<16xi32>
    %mul3A_383 = arith.muli %broadcast_in_dim3A_6, %mul3A_382 : vector<16xi32>
    %swap3A_384 = arith.constant 3 : i32
    %swap3A_385 = arith.index_cast %swap3A_384 : i32 to index
    %swap3A_386 = arith.constant 16 : index
    %swap3A_387 = tpu.vector_load %arg10[%swap3A_385, %swap3A_386] {strides = array<i32>} : memref<5x128xi32, #tpu.memory_space<vmem>>, vector<16xi32>,
    tpu.vector_store %arg10[%swap3A_385, %swap3A_386], %mul3A_383 {strides = array<i32>} : memref<5x128xi32, #tpu.memory_space<vmem>>, vector<16xi32>,
    %mul3A_388 = arith.constant 16384 : i32
    %mul3A_389 = vector.broadcast %mul3A_388 : i32 to vector<16xi32>
    %mul3A_390 = arith.muli %broadcast_in_dim3A_6, %mul3A_389 : vector<16xi32>
    %swap3A_391 = arith.constant 3 : i32
    %swap3A_392 = arith.index_cast %swap3A_391 : i32 to index
    %swap3A_393 = arith.constant 32 : index
    %swap3A_394 = tpu.vector_load %arg10[%swap3A_392, %swap3A_393] {strides = array<i32>} : memref<5x128xi32, #tpu.memory_space<vmem>>, vector<16xi32>,
    tpu.vector_store %arg10[%swap3A_392, %swap3A_393], %mul3A_390 {strides = array<i32>} : memref<5x128xi32, #tpu.memory_space<vmem>>, vector<16xi32>,
    %mul3A_395 = arith.constant 16384 : i32
    %mul3A_396 = vector.broadcast %mul3A_395 : i32 to vector<16xi32>
    %mul3A_397 = arith.muli %broadcast_in_dim3A_6, %mul3A_396 : vector<16xi32>
    %swap3A_398 = arith.constant 3 : i32
    %swap3A_399 = arith.index_cast %swap3A_398 : i32 to index
    %swap3A_400 = arith.constant 48 : index
    %swap3A_401 = tpu.vector_load %arg10[%swap3A_399, %swap3A_400] {strides = array<i32>} : memref<5x128xi32, #tpu.memory_space<vmem>>, vector<16xi32>,
    tpu.vector_store %arg10[%swap3A_399, %swap3A_400], %mul3A_397 {strides = array<i32>} : memref<5x128xi32, #tpu.memory_space<vmem>>, vector<16xi32>,
    %mul3A_402 = arith.constant 16384 : i32
    %mul3A_403 = vector.broadcast %mul3A_402 : i32 to vector<16xi32>
    %mul3A_404 = arith.muli %broadcast_in_dim3A_6, %mul3A_403 : vector<16xi32>
    %swap3A_405 = arith.constant 3 : i32
    %swap3A_406 = arith.index_cast %swap3A_405 : i32 to index
    %swap3A_407 = arith.constant 64 : index
    %swap3A_408 = tpu.vector_load %arg10[%swap3A_406, %swap3A_407] {strides = array<i32>} : memref<5x128xi32, #tpu.memory_space<vmem>>, vector<16xi32>,
    tpu.vector_store %arg10[%swap3A_406, %swap3A_407], %mul3A_404 {strides = array<i32>} : memref<5x128xi32, #tpu.memory_space<vmem>>, vector<16xi32>,
    %mul3A_409 = arith.constant 16384 : i32
    %mul3A_410 = vector.broadcast %mul3A_409 : i32 to vector<16xi32>
    %mul3A_411 = arith.muli %broadcast_in_dim3A_6, %mul3A_410 : vector<16xi32>
    %swap3A_412 = arith.constant 3 : i32
    %swap3A_413 = arith.index_cast %swap3A_412 : i32 to index
    %swap3A_414 = arith.constant 80 : index
    %swap3A_415 = tpu.vector_load %arg10[%swap3A_413, %swap3A_414] {strides = array<i32>} : memref<5x128xi32, #tpu.memory_space<vmem>>, vector<16xi32>,
    tpu.vector_store %arg10[%swap3A_413, %swap3A_414], %mul3A_411 {strides = array<i32>} : memref<5x128xi32, #tpu.memory_space<vmem>>, vector<16xi32>,
    %mul3A_416 = arith.constant 16384 : i32
    %mul3A_417 = vector.broadcast %mul3A_416 : i32 to vector<16xi32>
    %mul3A_418 = arith.muli %broadcast_in_dim3A_6, %mul3A_417 : vector<16xi32>
    %swap3A_419 = arith.constant 3 : i32
    %swap3A_420 = arith.index_cast %swap3A_419 : i32 to index
    %swap3A_421 = arith.constant 96 : index
    %swap3A_422 = tpu.vector_load %arg10[%swap3A_420, %swap3A_421] {strides = array<i32>} : memref<5x128xi32, #tpu.memory_space<vmem>>, vector<16xi32>,
    tpu.vector_store %arg10[%swap3A_420, %swap3A_421], %mul3A_418 {strides = array<i32>} : memref<5x128xi32, #tpu.memory_space<vmem>>, vector<16xi32>,
    %mul3A_423 = arith.constant 16384 : i32
    %mul3A_424 = vector.broadcast %mul3A_423 : i32 to vector<16xi32>
    %mul3A_425 = arith.muli %broadcast_in_dim3A_6, %mul3A_424 : vector<16xi32>
    %swap3A_426 = arith.constant 3 : i32
    %swap3A_427 = arith.index_cast %swap3A_426 : i32 to index
    %swap3A_428 = arith.constant 112 : index
    %swap3A_429 = tpu.vector_load %arg10[%swap3A_427, %swap3A_428] {strides = array<i32>} : memref<5x128xi32, #tpu.memory_space<vmem>>, vector<16xi32>,
    tpu.vector_store %arg10[%swap3A_427, %swap3A_428], %mul3A_425 {strides = array<i32>} : memref<5x128xi32, #tpu.memory_space<vmem>>, vector<16xi32>,
    %mul3A_430 = arith.constant 16384 : i32
    %mul3A_431 = vector.broadcast %mul3A_430 : i32 to vector<16xi32>
    %mul3A_432 = arith.muli %broadcast_in_dim3A_6, %mul3A_431 : vector<16xi32>
    %swap3A_433 = arith.constant 4 : i32
    %swap3A_434 = arith.index_cast %swap3A_433 : i32 to index
    %swap3A_435 = arith.constant 0 : index
    %swap3A_436 = tpu.vector_load %arg10[%swap3A_434, %swap3A_435] {strides = array<i32>} : memref<5x128xi32, #tpu.memory_space<vmem>>, vector<16xi32>,
    tpu.vector_store %arg10[%swap3A_434, %swap3A_435], %mul3A_432 {strides = array<i32>} : memref<5x128xi32, #tpu.memory_space<vmem>>, vector<16xi32>,
    %mul3A_437 = arith.constant 16384 : i32
    %mul3A_438 = vector.broadcast %mul3A_437 : i32 to vector<16xi32>
    %mul3A_439 = arith.muli %broadcast_in_dim3A_6, %mul3A_438 : vector<16xi32>
    %swap3A_440 = arith.constant 4 : i32
    %swap3A_441 = arith.index_cast %swap3A_440 : i32 to index
    %swap3A_442 = arith.constant 16 : index
    %swap3A_443 = tpu.vector_load %arg10[%swap3A_441, %swap3A_442] {strides = array<i32>} : memref<5x128xi32, #tpu.memory_space<vmem>>, vector<16xi32>,
    tpu.vector_store %arg10[%swap3A_441, %swap3A_442], %mul3A_439 {strides = array<i32>} : memref<5x128xi32, #tpu.memory_space<vmem>>, vector<16xi32>,
    %mul3A_444 = arith.constant 16384 : i32
    %mul3A_445 = vector.broadcast %mul3A_444 : i32 to vector<16xi32>
    %mul3A_446 = arith.muli %broadcast_in_dim3A_6, %mul3A_445 : vector<16xi32>
    %swap3A_447 = arith.constant 4 : i32
    %swap3A_448 = arith.index_cast %swap3A_447 : i32 to index
    %swap3A_449 = arith.constant 32 : index
    %swap3A_450 = tpu.vector_load %arg10[%swap3A_448, %swap3A_449] {strides = array<i32>} : memref<5x128xi32, #tpu.memory_space<vmem>>, vector<16xi32>,
    tpu.vector_store %arg10[%swap3A_448, %swap3A_449], %mul3A_446 {strides = array<i32>} : memref<5x128xi32, #tpu.memory_space<vmem>>, vector<16xi32>,
    %mul3A_451 = arith.constant 16384 : i32
    %mul3A_452 = vector.broadcast %mul3A_451 : i32 to vector<16xi32>
    %mul3A_453 = arith.muli %broadcast_in_dim3A_6, %mul3A_452 : vector<16xi32>
    %swap3A_454 = arith.constant 4 : i32
    %swap3A_455 = arith.index_cast %swap3A_454 : i32 to index
    %swap3A_456 = arith.constant 48 : index
    %swap3A_457 = tpu.vector_load %arg10[%swap3A_455, %swap3A_456] {strides = array<i32>} : memref<5x128xi32, #tpu.memory_space<vmem>>, vector<16xi32>,
    tpu.vector_store %arg10[%swap3A_455, %swap3A_456], %mul3A_453 {strides = array<i32>} : memref<5x128xi32, #tpu.memory_space<vmem>>, vector<16xi32>,
    %mul3A_458 = arith.constant 16384 : i32
    %mul3A_459 = vector.broadcast %mul3A_458 : i32 to vector<16xi32>
    %mul3A_460 = arith.muli %broadcast_in_dim3A_6, %mul3A_459 : vector<16xi32>
    %swap3A_461 = arith.constant 4 : i32
    %swap3A_462 = arith.index_cast %swap3A_461 : i32 to index
    %swap3A_463 = arith.constant 64 : index
    %swap3A_464 = tpu.vector_load %arg10[%swap3A_462, %swap3A_463] {strides = array<i32>} : memref<5x128xi32, #tpu.memory_space<vmem>>, vector<16xi32>,
    tpu.vector_store %arg10[%swap3A_462, %swap3A_463], %mul3A_460 {strides = array<i32>} : memref<5x128xi32, #tpu.memory_space<vmem>>, vector<16xi32>,
    %mul3A_465 = arith.constant 16384 : i32
    %mul3A_466 = vector.broadcast %mul3A_465 : i32 to vector<16xi32>
    %mul3A_467 = arith.muli %broadcast_in_dim3A_6, %mul3A_466 : vector<16xi32>
    %swap3A_468 = arith.constant 4 : i32
    %swap3A_469 = arith.index_cast %swap3A_468 : i32 to index
    %swap3A_470 = arith.constant 80 : index
    %swap3A_471 = tpu.vector_load %arg10[%swap3A_469, %swap3A_470] {strides = array<i32>} : memref<5x128xi32, #tpu.memory_space<vmem>>, vector<16xi32>,
    tpu.vector_store %arg10[%swap3A_469, %swap3A_470], %mul3A_467 {strides = array<i32>} : memref<5x128xi32, #tpu.memory_space<vmem>>, vector<16xi32>,
    %mul3A_472 = arith.constant 16384 : i32
    %mul3A_473 = vector.broadcast %mul3A_472 : i32 to vector<16xi32>
    %mul3A_474 = arith.muli %broadcast_in_dim3A_6, %mul3A_473 : vector<16xi32>
    %swap3A_475 = arith.constant 4 : i32
    %swap3A_476 = arith.index_cast %swap3A_475 : i32 to index
    %swap3A_477 = arith.constant 96 : index
    %swap3A_478 = tpu.vector_load %arg10[%swap3A_476, %swap3A_477] {strides = array<i32>} : memref<5x128xi32, #tpu.memory_space<vmem>>, vector<16xi32>,
    tpu.vector_store %arg10[%swap3A_476, %swap3A_477], %mul3A_474 {strides = array<i32>} : memref<5x128xi32, #tpu.memory_space<vmem>>, vector<16xi32>,
    %mul3A_479 = arith.constant 16384 : i32
    %mul3A_480 = vector.broadcast %mul3A_479 : i32 to vector<16xi32>
    %mul3A_481 = arith.muli %broadcast_in_dim3A_6, %mul3A_480 : vector<16xi32>
    %swap3A_482 = arith.constant 4 : i32
    %swap3A_483 = arith.index_cast %swap3A_482 : i32 to index
    %swap3A_484 = arith.constant 112 : index
    %swap3A_485 = tpu.vector_load %arg10[%swap3A_483, %swap3A_484] {strides = array<i32>} : memref<5x128xi32, #tpu.memory_space<vmem>>, vector<16xi32>,
    tpu.vector_store %arg10[%swap3A_483, %swap3A_484], %mul3A_481 {strides = array<i32>} : memref<5x128xi32, #tpu.memory_space<vmem>>, vector<16xi32>,
    %mul3A_486 = arith.constant 0 : i32
    %mul3A_487 = vector.broadcast %mul3A_486 : i32 to vector<16xi32>
    %mul3A_488 = arith.muli %broadcast_in_dim3A_6, %mul3A_487 : vector<16xi32>
    %swap3A_489 = arith.constant 0 : index
    %swap3A_490 = tpu.vector_load %arg11[%swap3A_489] {strides = array<i32>} : memref<256xi32, #tpu.memory_space<vmem>>, vector<16xi32>,
    tpu.vector_store %arg11[%swap3A_489], %mul3A_488 {strides = array<i32>} : memref<256xi32, #tpu.memory_space<vmem>>, vector<16xi32>,
    %mul3A_491 = arith.constant 0 : i32
    %mul3A_492 = vector.broadcast %mul3A_491 : i32 to vector<16xi32>
    %mul3A_493 = arith.muli %broadcast_in_dim3A_6, %mul3A_492 : vector<16xi32>
    %swap3A_494 = arith.constant 16 : index
    %swap3A_495 = tpu.vector_load %arg11[%swap3A_494] {strides = array<i32>} : memref<256xi32, #tpu.memory_space<vmem>>, vector<16xi32>,
    tpu.vector_store %arg11[%swap3A_494], %mul3A_493 {strides = array<i32>} : memref<256xi32, #tpu.memory_space<vmem>>, vector<16xi32>,
    %mul3A_496 = arith.constant 0 : i32
    %mul3A_497 = vector.broadcast %mul3A_496 : i32 to vector<16xi32>
    %mul3A_498 = arith.muli %broadcast_in_dim3A_6, %mul3A_497 : vector<16xi32>
    %swap3A_499 = arith.constant 32 : index
    %swap3A_500 = tpu.vector_load %arg11[%swap3A_499] {strides = array<i32>} : memref<256xi32, #tpu.memory_space<vmem>>, vector<16xi32>,
    tpu.vector_store %arg11[%swap3A_499], %mul3A_498 {strides = array<i32>} : memref<256xi32, #tpu.memory_space<vmem>>, vector<16xi32>,
    %mul3A_501 = arith.constant 0 : i32
    %mul3A_502 = vector.broadcast %mul3A_501 : i32 to vector<16xi32>
    %mul3A_503 = arith.muli %broadcast_in_dim3A_6, %mul3A_502 : vector<16xi32>
    %swap3A_504 = arith.constant 48 : index
    %swap3A_505 = tpu.vector_load %arg11[%swap3A_504] {strides = array<i32>} : memref<256xi32, #tpu.memory_space<vmem>>, vector<16xi32>,
    tpu.vector_store %arg11[%swap3A_504], %mul3A_503 {strides = array<i32>} : memref<256xi32, #tpu.memory_space<vmem>>, vector<16xi32>,
    %mul3A_506 = arith.constant 0 : i32
    %mul3A_507 = vector.broadcast %mul3A_506 : i32 to vector<16xi32>
    %mul3A_508 = arith.muli %broadcast_in_dim3A_6, %mul3A_507 : vector<16xi32>
    %swap3A_509 = arith.constant 64 : index
    %swap3A_510 = tpu.vector_load %arg11[%swap3A_509] {strides = array<i32>} : memref<256xi32, #tpu.memory_space<vmem>>, vector<16xi32>,
    tpu.vector_store %arg11[%swap3A_509], %mul3A_508 {strides = array<i32>} : memref<256xi32, #tpu.memory_space<vmem>>, vector<16xi32>,
    %mul3A_511 = arith.constant 0 : i32
    %mul3A_512 = vector.broadcast %mul3A_511 : i32 to vector<16xi32>
    %mul3A_513 = arith.muli %broadcast_in_dim3A_6, %mul3A_512 : vector<16xi32>
    %swap3A_514 = arith.constant 80 : index
    %swap3A_515 = tpu.vector_load %arg11[%swap3A_514] {strides = array<i32>} : memref<256xi32, #tpu.memory_space<vmem>>, vector<16xi32>,
    tpu.vector_store %arg11[%swap3A_514], %mul3A_513 {strides = array<i32>} : memref<256xi32, #tpu.memory_space<vmem>>, vector<16xi32>,
    %mul3A_516 = arith.constant 0 : i32
    %mul3A_517 = vector.broadcast %mul3A_516 : i32 to vector<16xi32>
    %mul3A_518 = arith.muli %broadcast_in_dim3A_6, %mul3A_517 : vector<16xi32>
    %swap3A_519 = arith.constant 96 : index
    %swap3A_520 = tpu.vector_load %arg11[%swap3A_519] {strides = array<i32>} : memref<256xi32, #tpu.memory_space<vmem>>, vector<16xi32>,
    tpu.vector_store %arg11[%swap3A_519], %mul3A_518 {strides = array<i32>} : memref<256xi32, #tpu.memory_space<vmem>>, vector<16xi32>,
    %mul3A_521 = arith.constant 0 : i32
    %mul3A_522 = vector.broadcast %mul3A_521 : i32 to vector<16xi32>
    %mul3A_523 = arith.muli %broadcast_in_dim3A_6, %mul3A_522 : vector<16xi32>
    %swap3A_524 = arith.constant 112 : index
    %swap3A_525 = tpu.vector_load %arg11[%swap3A_524] {strides = array<i32>} : memref<256xi32, #tpu.memory_space<vmem>>, vector<16xi32>,
    tpu.vector_store %arg11[%swap3A_524], %mul3A_523 {strides = array<i32>} : memref<256xi32, #tpu.memory_space<vmem>>, vector<16xi32>,
    %mul3A_526 = arith.constant 0 : i32
    %mul3A_527 = vector.broadcast %mul3A_526 : i32 to vector<16xi32>
    %mul3A_528 = arith.muli %broadcast_in_dim3A_6, %mul3A_527 : vector<16xi32>
    %swap3A_529 = arith.constant 128 : index
    %swap3A_530 = tpu.vector_load %arg11[%swap3A_529] {strides = array<i32>} : memref<256xi32, #tpu.memory_space<vmem>>, vector<16xi32>,
    tpu.vector_store %arg11[%swap3A_529], %mul3A_528 {strides = array<i32>} : memref<256xi32, #tpu.memory_space<vmem>>, vector<16xi32>,
    %mul3A_531 = arith.constant 0 : i32
    %mul3A_532 = vector.broadcast %mul3A_531 : i32 to vector<16xi32>
    %mul3A_533 = arith.muli %broadcast_in_dim3A_6, %mul3A_532 : vector<16xi32>
    %swap3A_534 = arith.constant 144 : index
    %swap3A_535 = tpu.vector_load %arg11[%swap3A_534] {strides = array<i32>} : memref<256xi32, #tpu.memory_space<vmem>>, vector<16xi32>,
    tpu.vector_store %arg11[%swap3A_534], %mul3A_533 {strides = array<i32>} : memref<256xi32, #tpu.memory_space<vmem>>, vector<16xi32>,
    %mul3A_536 = arith.constant 0 : i32
    %mul3A_537 = vector.broadcast %mul3A_536 : i32 to vector<16xi32>
    %mul3A_538 = arith.muli %broadcast_in_dim3A_6, %mul3A_537 : vector<16xi32>
    %swap3A_539 = arith.constant 160 : index
    %swap3A_540 = tpu.vector_load %arg11[%swap3A_539] {strides = array<i32>} : memref<256xi32, #tpu.memory_space<vmem>>, vector<16xi32>,
    tpu.vector_store %arg11[%swap3A_539], %mul3A_538 {strides = array<i32>} : memref<256xi32, #tpu.memory_space<vmem>>, vector<16xi32>,
    %mul3A_541 = arith.constant 0 : i32
    %mul3A_542 = vector.broadcast %mul3A_541 : i32 to vector<16xi32>
    %mul3A_543 = arith.muli %broadcast_in_dim3A_6, %mul3A_542 : vector<16xi32>
    %swap3A_544 = arith.constant 176 : index
    %swap3A_545 = tpu.vector_load %arg11[%swap3A_544] {strides = array<i32>} : memref<256xi32, #tpu.memory_space<vmem>>, vector<16xi32>,
    tpu.vector_store %arg11[%swap3A_544], %mul3A_543 {strides = array<i32>} : memref<256xi32, #tpu.memory_space<vmem>>, vector<16xi32>,
    %mul3A_546 = arith.constant 0 : i32
    %mul3A_547 = vector.broadcast %mul3A_546 : i32 to vector<16xi32>
    %mul3A_548 = arith.muli %broadcast_in_dim3A_6, %mul3A_547 : vector<16xi32>
    %swap3A_549 = arith.constant 192 : index
    %swap3A_550 = tpu.vector_load %arg11[%swap3A_549] {strides = array<i32>} : memref<256xi32, #tpu.memory_space<vmem>>, vector<16xi32>,
    tpu.vector_store %arg11[%swap3A_549], %mul3A_548 {strides = array<i32>} : memref<256xi32, #tpu.memory_space<vmem>>, vector<16xi32>,
    %mul3A_551 = arith.constant 0 : i32
    %mul3A_552 = vector.broadcast %mul3A_551 : i32 to vector<16xi32>
    %mul3A_553 = arith.muli %broadcast_in_dim3A_6, %mul3A_552 : vector<16xi32>
    %swap3A_554 = arith.constant 208 : index
    %swap3A_555 = tpu.vector_load %arg11[%swap3A_554] {strides = array<i32>} : memref<256xi32, #tpu.memory_space<vmem>>, vector<16xi32>,
    tpu.vector_store %arg11[%swap3A_554], %mul3A_553 {strides = array<i32>} : memref<256xi32, #tpu.memory_space<vmem>>, vector<16xi32>,
    %mul3A_556 = arith.constant 0 : i32
    %mul3A_557 = vector.broadcast %mul3A_556 : i32 to vector<16xi32>
    %mul3A_558 = arith.muli %broadcast_in_dim3A_6, %mul3A_557 : vector<16xi32>
    %swap3A_559 = arith.constant 224 : index
    %swap3A_560 = tpu.vector_load %arg11[%swap3A_559] {strides = array<i32>} : memref<256xi32, #tpu.memory_space<vmem>>, vector<16xi32>,
    tpu.vector_store %arg11[%swap3A_559], %mul3A_558 {strides = array<i32>} : memref<256xi32, #tpu.memory_space<vmem>>, vector<16xi32>,
    %mul3A_561 = arith.constant 0 : i32
    %mul3A_562 = vector.broadcast %mul3A_561 : i32 to vector<16xi32>
    %mul3A_563 = arith.muli %broadcast_in_dim3A_6, %mul3A_562 : vector<16xi32>
    %swap3A_564 = arith.constant 240 : index
    %swap3A_565 = tpu.vector_load %arg11[%swap3A_564] {strides = array<i32>} : memref<256xi32, #tpu.memory_space<vmem>>, vector<16xi32>,
    tpu.vector_store %arg11[%swap3A_564], %mul3A_563 {strides = array<i32>} : memref<256xi32, #tpu.memory_space<vmem>>, vector<16xi32>,
    %eq3A = arith.constant 31 : i32
    %eq3A_566 = arith.cmpi eq, %add3A, %eq3A : i32
    %jit3A = arith.constant 0 : i32
    %jit3A_567 = arith.constant 7812 : i32
    %select_n3A = arith.select %eq3A_566, %jit3A, %jit3A_567 : i32
    %mul3A_568 = arith.constant 0 : i32
    %mul3A_569 = vector.broadcast %mul3A_568 : i32 to vector<16xi32>
    %mul3A_570 = arith.muli %iota3A, %mul3A_569 : vector<16xi32>
    %add3A_571 = vector.broadcast %select_n3A : i32 to vector<16xi32>
    %add3A_572 = arith.addi %mul3A_570, %add3A_571 : vector<16xi32>
    %swap3A_573 = arith.constant 0 : index
    %swap3A_574 = tpu.vector_load %arg12[%swap3A_573] {strides = array<i32>} : memref<256xi32, #tpu.memory_space<vmem>>, vector<16xi32>,
    tpu.vector_store %arg12[%swap3A_573], %add3A_572 {strides = array<i32>} : memref<256xi32, #tpu.memory_space<vmem>>, vector<16xi32>,
    %mul3A_575 = arith.constant 0 : i32
    %mul3A_576 = vector.broadcast %mul3A_575 : i32 to vector<16xi32>
    %mul3A_577 = arith.muli %iota3A, %mul3A_576 : vector<16xi32>
    %add3A_578 = vector.broadcast %select_n3A : i32 to vector<16xi32>
    %add3A_579 = arith.addi %mul3A_577, %add3A_578 : vector<16xi32>
    %swap3A_580 = arith.constant 16 : index
    %swap3A_581 = tpu.vector_load %arg12[%swap3A_580] {strides = array<i32>} : memref<256xi32, #tpu.memory_space<vmem>>, vector<16xi32>,
    tpu.vector_store %arg12[%swap3A_580], %add3A_579 {strides = array<i32>} : memref<256xi32, #tpu.memory_space<vmem>>, vector<16xi32>,
    %mul3A_582 = arith.constant 0 : i32
    %mul3A_583 = vector.broadcast %mul3A_582 : i32 to vector<16xi32>
    %mul3A_584 = arith.muli %iota3A, %mul3A_583 : vector<16xi32>
    %add3A_585 = vector.broadcast %select_n3A : i32 to vector<16xi32>
    %add3A_586 = arith.addi %mul3A_584, %add3A_585 : vector<16xi32>
    %swap3A_587 = arith.constant 32 : index
    %swap3A_588 = tpu.vector_load %arg12[%swap3A_587] {strides = array<i32>} : memref<256xi32, #tpu.memory_space<vmem>>, vector<16xi32>,
    tpu.vector_store %arg12[%swap3A_587], %add3A_586 {strides = array<i32>} : memref<256xi32, #tpu.memory_space<vmem>>, vector<16xi32>,
    %mul3A_589 = arith.constant 0 : i32
    %mul3A_590 = vector.broadcast %mul3A_589 : i32 to vector<16xi32>
    %mul3A_591 = arith.muli %iota3A, %mul3A_590 : vector<16xi32>
    %add3A_592 = vector.broadcast %select_n3A : i32 to vector<16xi32>
    %add3A_593 = arith.addi %mul3A_591, %add3A_592 : vector<16xi32>
    %swap3A_594 = arith.constant 48 : index
    %swap3A_595 = tpu.vector_load %arg12[%swap3A_594] {strides = array<i32>} : memref<256xi32, #tpu.memory_space<vmem>>, vector<16xi32>,
    tpu.vector_store %arg12[%swap3A_594], %add3A_593 {strides = array<i32>} : memref<256xi32, #tpu.memory_space<vmem>>, vector<16xi32>,
    %mul3A_596 = arith.constant 0 : i32
    %mul3A_597 = vector.broadcast %mul3A_596 : i32 to vector<16xi32>
    %mul3A_598 = arith.muli %iota3A, %mul3A_597 : vector<16xi32>
    %add3A_599 = vector.broadcast %select_n3A : i32 to vector<16xi32>
    %add3A_600 = arith.addi %mul3A_598, %add3A_599 : vector<16xi32>
    %swap3A_601 = arith.constant 64 : index
    %swap3A_602 = tpu.vector_load %arg12[%swap3A_601] {strides = array<i32>} : memref<256xi32, #tpu.memory_space<vmem>>, vector<16xi32>,
    tpu.vector_store %arg12[%swap3A_601], %add3A_600 {strides = array<i32>} : memref<256xi32, #tpu.memory_space<vmem>>, vector<16xi32>,
    %mul3A_603 = arith.constant 0 : i32
    %mul3A_604 = vector.broadcast %mul3A_603 : i32 to vector<16xi32>
    %mul3A_605 = arith.muli %iota3A, %mul3A_604 : vector<16xi32>
    %add3A_606 = vector.broadcast %select_n3A : i32 to vector<16xi32>
    %add3A_607 = arith.addi %mul3A_605, %add3A_606 : vector<16xi32>
    %swap3A_608 = arith.constant 80 : index
    %swap3A_609 = tpu.vector_load %arg12[%swap3A_608] {strides = array<i32>} : memref<256xi32, #tpu.memory_space<vmem>>, vector<16xi32>,
    tpu.vector_store %arg12[%swap3A_608], %add3A_607 {strides = array<i32>} : memref<256xi32, #tpu.memory_space<vmem>>, vector<16xi32>,
    %mul3A_610 = arith.constant 0 : i32
    %mul3A_611 = vector.broadcast %mul3A_610 : i32 to vector<16xi32>
    %mul3A_612 = arith.muli %iota3A, %mul3A_611 : vector<16xi32>
    %add3A_613 = vector.broadcast %select_n3A : i32 to vector<16xi32>
    %add3A_614 = arith.addi %mul3A_612, %add3A_613 : vector<16xi32>
    %swap3A_615 = arith.constant 96 : index
    %swap3A_616 = tpu.vector_load %arg12[%swap3A_615] {strides = array<i32>} : memref<256xi32, #tpu.memory_space<vmem>>, vector<16xi32>,
    tpu.vector_store %arg12[%swap3A_615], %add3A_614 {strides = array<i32>} : memref<256xi32, #tpu.memory_space<vmem>>, vector<16xi32>,
    %mul3A_617 = arith.constant 0 : i32
    %mul3A_618 = vector.broadcast %mul3A_617 : i32 to vector<16xi32>
    %mul3A_619 = arith.muli %iota3A, %mul3A_618 : vector<16xi32>
    %add3A_620 = vector.broadcast %select_n3A : i32 to vector<16xi32>
    %add3A_621 = arith.addi %mul3A_619, %add3A_620 : vector<16xi32>
    %swap3A_622 = arith.constant 112 : index
    %swap3A_623 = tpu.vector_load %arg12[%swap3A_622] {strides = array<i32>} : memref<256xi32, #tpu.memory_space<vmem>>, vector<16xi32>,
    tpu.vector_store %arg12[%swap3A_622], %add3A_621 {strides = array<i32>} : memref<256xi32, #tpu.memory_space<vmem>>, vector<16xi32>,
    %mul3A_624 = arith.constant 0 : i32
    %mul3A_625 = vector.broadcast %mul3A_624 : i32 to vector<16xi32>
    %mul3A_626 = arith.muli %iota3A, %mul3A_625 : vector<16xi32>
    %add3A_627 = vector.broadcast %select_n3A : i32 to vector<16xi32>
    %add3A_628 = arith.addi %mul3A_626, %add3A_627 : vector<16xi32>
    %swap3A_629 = arith.constant 128 : index
    %swap3A_630 = tpu.vector_load %arg12[%swap3A_629] {strides = array<i32>} : memref<256xi32, #tpu.memory_space<vmem>>, vector<16xi32>,
    tpu.vector_store %arg12[%swap3A_629], %add3A_628 {strides = array<i32>} : memref<256xi32, #tpu.memory_space<vmem>>, vector<16xi32>,
    %mul3A_631 = arith.constant 0 : i32
    %mul3A_632 = vector.broadcast %mul3A_631 : i32 to vector<16xi32>
    %mul3A_633 = arith.muli %iota3A, %mul3A_632 : vector<16xi32>
    %add3A_634 = vector.broadcast %select_n3A : i32 to vector<16xi32>
    %add3A_635 = arith.addi %mul3A_633, %add3A_634 : vector<16xi32>
    %swap3A_636 = arith.constant 144 : index
    %swap3A_637 = tpu.vector_load %arg12[%swap3A_636] {strides = array<i32>} : memref<256xi32, #tpu.memory_space<vmem>>, vector<16xi32>,
    tpu.vector_store %arg12[%swap3A_636], %add3A_635 {strides = array<i32>} : memref<256xi32, #tpu.memory_space<vmem>>, vector<16xi32>,
    %mul3A_638 = arith.constant 0 : i32
    %mul3A_639 = vector.broadcast %mul3A_638 : i32 to vector<16xi32>
    %mul3A_640 = arith.muli %iota3A, %mul3A_639 : vector<16xi32>
    %add3A_641 = vector.broadcast %select_n3A : i32 to vector<16xi32>
    %add3A_642 = arith.addi %mul3A_640, %add3A_641 : vector<16xi32>
    %swap3A_643 = arith.constant 160 : index
    %swap3A_644 = tpu.vector_load %arg12[%swap3A_643] {strides = array<i32>} : memref<256xi32, #tpu.memory_space<vmem>>, vector<16xi32>,
    tpu.vector_store %arg12[%swap3A_643], %add3A_642 {strides = array<i32>} : memref<256xi32, #tpu.memory_space<vmem>>, vector<16xi32>,
    %mul3A_645 = arith.constant 0 : i32
    %mul3A_646 = vector.broadcast %mul3A_645 : i32 to vector<16xi32>
    %mul3A_647 = arith.muli %iota3A, %mul3A_646 : vector<16xi32>
    %add3A_648 = vector.broadcast %select_n3A : i32 to vector<16xi32>
    %add3A_649 = arith.addi %mul3A_647, %add3A_648 : vector<16xi32>
    %swap3A_650 = arith.constant 176 : index
    %swap3A_651 = tpu.vector_load %arg12[%swap3A_650] {strides = array<i32>} : memref<256xi32, #tpu.memory_space<vmem>>, vector<16xi32>,
    tpu.vector_store %arg12[%swap3A_650], %add3A_649 {strides = array<i32>} : memref<256xi32, #tpu.memory_space<vmem>>, vector<16xi32>,
    %mul3A_652 = arith.constant 0 : i32
    %mul3A_653 = vector.broadcast %mul3A_652 : i32 to vector<16xi32>
    %mul3A_654 = arith.muli %iota3A, %mul3A_653 : vector<16xi32>
    %add3A_655 = vector.broadcast %select_n3A : i32 to vector<16xi32>
    %add3A_656 = arith.addi %mul3A_654, %add3A_655 : vector<16xi32>
    %swap3A_657 = arith.constant 192 : index
    %swap3A_658 = tpu.vector_load %arg12[%swap3A_657] {strides = array<i32>} : memref<256xi32, #tpu.memory_space<vmem>>, vector<16xi32>,
    tpu.vector_store %arg12[%swap3A_657], %add3A_656 {strides = array<i32>} : memref<256xi32, #tpu.memory_space<vmem>>, vector<16xi32>,
    %mul3A_659 = arith.constant 0 : i32
    %mul3A_660 = vector.broadcast %mul3A_659 : i32 to vector<16xi32>
    %mul3A_661 = arith.muli %iota3A, %mul3A_660 : vector<16xi32>
    %add3A_662 = vector.broadcast %select_n3A : i32 to vector<16xi32>
    %add3A_663 = arith.addi %mul3A_661, %add3A_662 : vector<16xi32>
    %swap3A_664 = arith.constant 208 : index
    %swap3A_665 = tpu.vector_load %arg12[%swap3A_664] {strides = array<i32>} : memref<256xi32, #tpu.memory_space<vmem>>, vector<16xi32>,
    tpu.vector_store %arg12[%swap3A_664], %add3A_663 {strides = array<i32>} : memref<256xi32, #tpu.memory_space<vmem>>, vector<16xi32>,
    %mul3A_666 = arith.constant 0 : i32
    %mul3A_667 = vector.broadcast %mul3A_666 : i32 to vector<16xi32>
    %mul3A_668 = arith.muli %iota3A, %mul3A_667 : vector<16xi32>
    %add3A_669 = vector.broadcast %select_n3A : i32 to vector<16xi32>
    %add3A_670 = arith.addi %mul3A_668, %add3A_669 : vector<16xi32>
    %swap3A_671 = arith.constant 224 : index
    %swap3A_672 = tpu.vector_load %arg12[%swap3A_671] {strides = array<i32>} : memref<256xi32, #tpu.memory_space<vmem>>, vector<16xi32>,
    tpu.vector_store %arg12[%swap3A_671], %add3A_670 {strides = array<i32>} : memref<256xi32, #tpu.memory_space<vmem>>, vector<16xi32>,
    %mul3A_673 = arith.constant 0 : i32
    %mul3A_674 = vector.broadcast %mul3A_673 : i32 to vector<16xi32>
    %mul3A_675 = arith.muli %iota3A, %mul3A_674 : vector<16xi32>
    %add3A_676 = vector.broadcast %select_n3A : i32 to vector<16xi32>
    %add3A_677 = arith.addi %mul3A_675, %add3A_676 : vector<16xi32>
    %swap3A_678 = arith.constant 240 : index
    %swap3A_679 = tpu.vector_load %arg12[%swap3A_678] {strides = array<i32>} : memref<256xi32, #tpu.memory_space<vmem>>, vector<16xi32>,
    tpu.vector_store %arg12[%swap3A_678], %add3A_677 {strides = array<i32>} : memref<256xi32, #tpu.memory_space<vmem>>, vector<16xi32>,
    %scan3A = arith.constant 0 : i32
    %scan3A_680 = arith.constant 0 : i32
    %scan3A_681 = arith.constant 8 : i32
    %scan3A_682 = arith.addi %scan3A_680, %scan3A_681 : i32
    %scan3A_683 = arith.constant 1 : i32
    %scan3A_684 = scf.for %scan3A_1511 = %scan3A_680 to %scan3A_682 step %scan3A_683 iter_args(%scan3A_1512 = %scan3A) -> (i32)  : i32 {
      %mul3A_1513 = arith.constant 2048 : i32
      %mul3A_1514 = arith.muli %scan3A_1511, %mul3A_1513 : i32
      "tpu.region"() ({
        %run_scoped3A = tpu.sem_alloc : memref<!tpu.dma_semaphore, #tpu.memory_space<semaphore_mem>>
        %dma_start3A_1521 = tpu.memref_slice %arg4[%mul3A_1514] : memref<16384xi32, #tpu.memory_space<hbm>> -> memref<2048xi32, #tpu.memory_space<hbm>>
        %dma_start3A_1522 = tpu.memref_slice %arg4[%mul3A_1514] : memref<16384xi32, #tpu.memory_space<hbm>> -> memref<2048xi32, #tpu.memory_space<hbm>>
        tpu.enqueue_dma source(%dma_start3A_1522 : memref<2048xi32, #tpu.memory_space<hbm>>) target(%arg6 : memref<2048xi32, #tpu.memory_space<vmem>>) target_semaphore(%run_scoped3A : memref<!tpu.dma_semaphore, #tpu.memory_space<semaphore_mem>>)
        %dma_wait3A_1523 = tpu.memref_slice %arg4[%mul3A_1514] : memref<16384xi32, #tpu.memory_space<hbm>> -> memref<2048xi32, #tpu.memory_space<hbm>>
        %dma_wait3A_1524 = tpu.memref_slice %arg4[%mul3A_1514] : memref<16384xi32, #tpu.memory_space<hbm>> -> memref<2048xi32, #tpu.memory_space<hbm>>
        tpu.wait_dma2 semaphore(%run_scoped3A : memref<!tpu.dma_semaphore, #tpu.memory_space<semaphore_mem>>) src(%dma_wait3A_1524 : memref<2048xi32, #tpu.memory_space<hbm>>) dst(%arg6 : memref<2048xi32, #tpu.memory_space<vmem>>)
        tpu.yield
      }) : () -> ()
      %scan3A_1515 = arith.constant 0 : i32
      %scan3A_1516 = arith.constant 128 : i32
      %scan3A_1517 = arith.addi %scan3A_1515, %scan3A_1516 : i32
      %scan3A_1518 = arith.constant 4 : i32
      %scan3A_1519 = scf.for %scan3A_1521 = %scan3A_1515 to %scan3A_1517 step %scan3A_1518 iter_args(%scan3A_1522 = %scan3A_1512) -> (i32)  : i32 {
        %mul3A_1523 = arith.constant 16 : i32
        %mul3A_1524 = arith.muli %scan3A_1521, %mul3A_1523 : i32
        %get3A_1525 = arith.index_cast %mul3A_1524 : i32 to index
        %get3A_1526 = tpu.vector_load %arg6[%get3A_1525] {strides = array<i32>} : memref<2048xi32, #tpu.memory_space<vmem>>, vector<16xi32>,
        %shift_right_logical3A = arith.constant 7 : i32
        %shift_right_logical3A_1527 = vector.broadcast %shift_right_logical3A : i32 to vector<16xi32>
        %shift_right_logical3A_1528 = arith.shrui %get3A_1526, %shift_right_logical3A_1527 : vector<16xi32>
        %ge3A = vector.broadcast %mul3A_2 : i32 to vector<16xi32>
        %ge3A_1529 = arith.cmpi sge, %shift_right_logical3A_1528, %ge3A : vector<16xi32>
        %lt3A = vector.broadcast %min3A_5 : i32 to vector<16xi32>
        %lt3A_1530 = arith.cmpi slt, %shift_right_logical3A_1528, %lt3A : vector<16xi32>
        %and3A = arith.andi %ge3A_1529, %lt3A_1530 : vector<16xi1>
        %convert_element_type3A_1531 = arith.extui %and3A : vector<16xi1> to vector<16xi32>
        %broadcast_in_dim3A_1532 = arith.constant true
        %broadcast_in_dim3A_1533 = vector.broadcast %broadcast_in_dim3A_1532 : i1 to vector<16xi1>
        %masked_cumsum3A_1534 = tpu.scan <sum>, %convert_element_type3A_1531 masked %broadcast_in_dim3A_1533 : vector<16xi32>, vector<16xi1> -> vector<16xi32>
        %sub3A_1535 = arith.subi %masked_cumsum3A_1534, %convert_element_type3A_1531 : vector<16xi32>
        %add3A_1536 = vector.broadcast %scan3A_1522 : i32 to vector<16xi32>
        %add3A_1537 = arith.addi %add3A_1536, %sub3A_1535 : vector<16xi32>
        tpu.vector_store_idx %arg7[%add3A_1537], %get3A_1526 masked %and3A : memref<640xi32, #tpu.memory_space<vmem>>[vector<16xi32>], vector<16xi32>, vector<16xi1>
        %mul3A_1538 = arith.constant 2048 : i32
        %mul3A_1539 = arith.muli %scan3A_1511, %mul3A_1538 : i32
        %mul3A_1540 = arith.constant 16 : i32
        %mul3A_1541 = arith.muli %scan3A_1521, %mul3A_1540 : i32
        %add3A_1542 = arith.addi %mul3A_1539, %mul3A_1541 : i32
        %add3A_1543 = vector.broadcast %add3A_1542 : i32 to vector<16xi32>
        %add3A_1544 = arith.addi %add3A_1543, %iota3A : vector<16xi32>
        tpu.vector_store_idx %arg8[%add3A_1537], %add3A_1544 masked %and3A : memref<640xi32, #tpu.memory_space<vmem>>[vector<16xi32>], vector<16xi32>, vector<16xi1>
        %sub3A_1545 = vector.broadcast %mul3A_2 : i32 to vector<16xi32>
        %sub3A_1546 = arith.subi %shift_right_logical3A_1528, %sub3A_1545 : vector<16xi32>
        tpu.vector_store_idx %arg11[%sub3A_1546], %broadcast_in_dim3A_6 masked %and3A : memref<256xi32, #tpu.memory_space<vmem>>[vector<16xi32>], vector<16xi32>, vector<16xi1>
        %reduce_sum3A_1547 = arith.constant true
        %reduce_sum3A_1548 = vector.broadcast %reduce_sum3A_1547 : i1 to vector<16xi1>
        %reduce_sum3A_1549 = tpu.scan <sum>, %convert_element_type3A_1531 masked %reduce_sum3A_1548 : vector<16xi32>, vector<16xi1> -> vector<16xi32>
        %reduce_sum3A_1550 = vector.extract %reduce_sum3A_1549[15] : i32 from vector<16xi32>
        %add3A_1551 = arith.addi %scan3A_1522, %reduce_sum3A_1550 : i32
        %scan3A_1552 = arith.constant 1 : i32
        %scan3A_1553 = arith.addi %scan3A_1521, %scan3A_1552 : i32
        %mul3A_1554 = arith.constant 16 : i32
        %mul3A_1555 = arith.muli %scan3A_1553, %mul3A_1554 : i32
        %get3A_1556 = arith.index_cast %mul3A_1555 : i32 to index
        %get3A_1557 = tpu.vector_load %arg6[%get3A_1556] {strides = array<i32>} : memref<2048xi32, #tpu.memory_space<vmem>>, vector<16xi32>,
        %shift_right_logical3A_1558 = arith.constant 7 : i32
        %shift_right_logical3A_1559 = vector.broadcast %shift_right_logical3A_1558 : i32 to vector<16xi32>
        %shift_right_logical3A_1560 = arith.shrui %get3A_1557, %shift_right_logical3A_1559 : vector<16xi32>
        %ge3A_1561 = vector.broadcast %mul3A_2 : i32 to vector<16xi32>
        %ge3A_1562 = arith.cmpi sge, %shift_right_logical3A_1560, %ge3A_1561 : vector<16xi32>
        %lt3A_1563 = vector.broadcast %min3A_5 : i32 to vector<16xi32>
        %lt3A_1564 = arith.cmpi slt, %shift_right_logical3A_1560, %lt3A_1563 : vector<16xi32>
        %and3A_1565 = arith.andi %ge3A_1562, %lt3A_1564 : vector<16xi1>
        %convert_element_type3A_1566 = arith.extui %and3A_1565 : vector<16xi1> to vector<16xi32>
        %broadcast_in_dim3A_1567 = arith.constant true
        %broadcast_in_dim3A_1568 = vector.broadcast %broadcast_in_dim3A_1567 : i1 to vector<16xi1>
        %masked_cumsum3A_1569 = tpu.scan <sum>, %convert_element_type3A_1566 masked %broadcast_in_dim3A_1568 : vector<16xi32>, vector<16xi1> -> vector<16xi32>
        %sub3A_1570 = arith.subi %masked_cumsum3A_1569, %convert_element_type3A_1566 : vector<16xi32>
        %add3A_1571 = vector.broadcast %add3A_1551 : i32 to vector<16xi32>
        %add3A_1572 = arith.addi %add3A_1571, %sub3A_1570 : vector<16xi32>
        tpu.vector_store_idx %arg7[%add3A_1572], %get3A_1557 masked %and3A_1565 : memref<640xi32, #tpu.memory_space<vmem>>[vector<16xi32>], vector<16xi32>, vector<16xi1>
        %mul3A_1573 = arith.constant 2048 : i32
        %mul3A_1574 = arith.muli %scan3A_1511, %mul3A_1573 : i32
        %mul3A_1575 = arith.constant 16 : i32
        %mul3A_1576 = arith.muli %scan3A_1553, %mul3A_1575 : i32
        %add3A_1577 = arith.addi %mul3A_1574, %mul3A_1576 : i32
        %add3A_1578 = vector.broadcast %add3A_1577 : i32 to vector<16xi32>
        %add3A_1579 = arith.addi %add3A_1578, %iota3A : vector<16xi32>
        tpu.vector_store_idx %arg8[%add3A_1572], %add3A_1579 masked %and3A_1565 : memref<640xi32, #tpu.memory_space<vmem>>[vector<16xi32>], vector<16xi32>, vector<16xi1>
        %sub3A_1580 = vector.broadcast %mul3A_2 : i32 to vector<16xi32>
        %sub3A_1581 = arith.subi %shift_right_logical3A_1560, %sub3A_1580 : vector<16xi32>
        tpu.vector_store_idx %arg11[%sub3A_1581], %broadcast_in_dim3A_6 masked %and3A_1565 : memref<256xi32, #tpu.memory_space<vmem>>[vector<16xi32>], vector<16xi32>, vector<16xi1>
        %reduce_sum3A_1582 = arith.constant true
        %reduce_sum3A_1583 = vector.broadcast %reduce_sum3A_1582 : i1 to vector<16xi1>
        %reduce_sum3A_1584 = tpu.scan <sum>, %convert_element_type3A_1566 masked %reduce_sum3A_1583 : vector<16xi32>, vector<16xi1> -> vector<16xi32>
        %reduce_sum3A_1585 = vector.extract %reduce_sum3A_1584[15] : i32 from vector<16xi32>
        %add3A_1586 = arith.addi %add3A_1551, %reduce_sum3A_1585 : i32
        %scan3A_1587 = arith.constant 2 : i32
        %scan3A_1588 = arith.addi %scan3A_1521, %scan3A_1587 : i32
        %mul3A_1589 = arith.constant 16 : i32
        %mul3A_1590 = arith.muli %scan3A_1588, %mul3A_1589 : i32
        %get3A_1591 = arith.index_cast %mul3A_1590 : i32 to index
        %get3A_1592 = tpu.vector_load %arg6[%get3A_1591] {strides = array<i32>} : memref<2048xi32, #tpu.memory_space<vmem>>, vector<16xi32>,
        %shift_right_logical3A_1593 = arith.constant 7 : i32
        %shift_right_logical3A_1594 = vector.broadcast %shift_right_logical3A_1593 : i32 to vector<16xi32>
        %shift_right_logical3A_1595 = arith.shrui %get3A_1592, %shift_right_logical3A_1594 : vector<16xi32>
        %ge3A_1596 = vector.broadcast %mul3A_2 : i32 to vector<16xi32>
        %ge3A_1597 = arith.cmpi sge, %shift_right_logical3A_1595, %ge3A_1596 : vector<16xi32>
        %lt3A_1598 = vector.broadcast %min3A_5 : i32 to vector<16xi32>
        %lt3A_1599 = arith.cmpi slt, %shift_right_logical3A_1595, %lt3A_1598 : vector<16xi32>
        %and3A_1600 = arith.andi %ge3A_1597, %lt3A_1599 : vector<16xi1>
        %convert_element_type3A_1601 = arith.extui %and3A_1600 : vector<16xi1> to vector<16xi32>
        %broadcast_in_dim3A_1602 = arith.constant true
        %broadcast_in_dim3A_1603 = vector.broadcast %broadcast_in_dim3A_1602 : i1 to vector<16xi1>
        %masked_cumsum3A_1604 = tpu.scan <sum>, %convert_element_type3A_1601 masked %broadcast_in_dim3A_1603 : vector<16xi32>, vector<16xi1> -> vector<16xi32>
        %sub3A_1605 = arith.subi %masked_cumsum3A_1604, %convert_element_type3A_1601 : vector<16xi32>
        %add3A_1606 = vector.broadcast %add3A_1586 : i32 to vector<16xi32>
        %add3A_1607 = arith.addi %add3A_1606, %sub3A_1605 : vector<16xi32>
        tpu.vector_store_idx %arg7[%add3A_1607], %get3A_1592 masked %and3A_1600 : memref<640xi32, #tpu.memory_space<vmem>>[vector<16xi32>], vector<16xi32>, vector<16xi1>
        %mul3A_1608 = arith.constant 2048 : i32
        %mul3A_1609 = arith.muli %scan3A_1511, %mul3A_1608 : i32
        %mul3A_1610 = arith.constant 16 : i32
        %mul3A_1611 = arith.muli %scan3A_1588, %mul3A_1610 : i32
        %add3A_1612 = arith.addi %mul3A_1609, %mul3A_1611 : i32
        %add3A_1613 = vector.broadcast %add3A_1612 : i32 to vector<16xi32>
        %add3A_1614 = arith.addi %add3A_1613, %iota3A : vector<16xi32>
        tpu.vector_store_idx %arg8[%add3A_1607], %add3A_1614 masked %and3A_1600 : memref<640xi32, #tpu.memory_space<vmem>>[vector<16xi32>], vector<16xi32>, vector<16xi1>
        %sub3A_1615 = vector.broadcast %mul3A_2 : i32 to vector<16xi32>
        %sub3A_1616 = arith.subi %shift_right_logical3A_1595, %sub3A_1615 : vector<16xi32>
        tpu.vector_store_idx %arg11[%sub3A_1616], %broadcast_in_dim3A_6 masked %and3A_1600 : memref<256xi32, #tpu.memory_space<vmem>>[vector<16xi32>], vector<16xi32>, vector<16xi1>
        %reduce_sum3A_1617 = arith.constant true
        %reduce_sum3A_1618 = vector.broadcast %reduce_sum3A_1617 : i1 to vector<16xi1>
        %reduce_sum3A_1619 = tpu.scan <sum>, %convert_element_type3A_1601 masked %reduce_sum3A_1618 : vector<16xi32>, vector<16xi1> -> vector<16xi32>
        %reduce_sum3A_1620 = vector.extract %reduce_sum3A_1619[15] : i32 from vector<16xi32>
        %add3A_1621 = arith.addi %add3A_1586, %reduce_sum3A_1620 : i32
        %scan3A_1622 = arith.constant 3 : i32
        %scan3A_1623 = arith.addi %scan3A_1521, %scan3A_1622 : i32
        %mul3A_1624 = arith.constant 16 : i32
        %mul3A_1625 = arith.muli %scan3A_1623, %mul3A_1624 : i32
        %get3A_1626 = arith.index_cast %mul3A_1625 : i32 to index
        %get3A_1627 = tpu.vector_load %arg6[%get3A_1626] {strides = array<i32>} : memref<2048xi32, #tpu.memory_space<vmem>>, vector<16xi32>,
        %shift_right_logical3A_1628 = arith.constant 7 : i32
        %shift_right_logical3A_1629 = vector.broadcast %shift_right_logical3A_1628 : i32 to vector<16xi32>
        %shift_right_logical3A_1630 = arith.shrui %get3A_1627, %shift_right_logical3A_1629 : vector<16xi32>
        %ge3A_1631 = vector.broadcast %mul3A_2 : i32 to vector<16xi32>
        %ge3A_1632 = arith.cmpi sge, %shift_right_logical3A_1630, %ge3A_1631 : vector<16xi32>
        %lt3A_1633 = vector.broadcast %min3A_5 : i32 to vector<16xi32>
        %lt3A_1634 = arith.cmpi slt, %shift_right_logical3A_1630, %lt3A_1633 : vector<16xi32>
        %and3A_1635 = arith.andi %ge3A_1632, %lt3A_1634 : vector<16xi1>
        %convert_element_type3A_1636 = arith.extui %and3A_1635 : vector<16xi1> to vector<16xi32>
        %broadcast_in_dim3A_1637 = arith.constant true
        %broadcast_in_dim3A_1638 = vector.broadcast %broadcast_in_dim3A_1637 : i1 to vector<16xi1>
        %masked_cumsum3A_1639 = tpu.scan <sum>, %convert_element_type3A_1636 masked %broadcast_in_dim3A_1638 : vector<16xi32>, vector<16xi1> -> vector<16xi32>
        %sub3A_1640 = arith.subi %masked_cumsum3A_1639, %convert_element_type3A_1636 : vector<16xi32>
        %add3A_1641 = vector.broadcast %add3A_1621 : i32 to vector<16xi32>
        %add3A_1642 = arith.addi %add3A_1641, %sub3A_1640 : vector<16xi32>
        tpu.vector_store_idx %arg7[%add3A_1642], %get3A_1627 masked %and3A_1635 : memref<640xi32, #tpu.memory_space<vmem>>[vector<16xi32>], vector<16xi32>, vector<16xi1>
        %mul3A_1643 = arith.constant 2048 : i32
        %mul3A_1644 = arith.muli %scan3A_1511, %mul3A_1643 : i32
        %mul3A_1645 = arith.constant 16 : i32
        %mul3A_1646 = arith.muli %scan3A_1623, %mul3A_1645 : i32
        %add3A_1647 = arith.addi %mul3A_1644, %mul3A_1646 : i32
        %add3A_1648 = vector.broadcast %add3A_1647 : i32 to vector<16xi32>
        %add3A_1649 = arith.addi %add3A_1648, %iota3A : vector<16xi32>
        tpu.vector_store_idx %arg8[%add3A_1642], %add3A_1649 masked %and3A_1635 : memref<640xi32, #tpu.memory_space<vmem>>[vector<16xi32>], vector<16xi32>, vector<16xi1>
        %sub3A_1650 = vector.broadcast %mul3A_2 : i32 to vector<16xi32>
        %sub3A_1651 = arith.subi %shift_right_logical3A_1630, %sub3A_1650 : vector<16xi32>
        tpu.vector_store_idx %arg11[%sub3A_1651], %broadcast_in_dim3A_6 masked %and3A_1635 : memref<256xi32, #tpu.memory_space<vmem>>[vector<16xi32>], vector<16xi32>, vector<16xi1>
        %reduce_sum3A_1652 = arith.constant true
        %reduce_sum3A_1653 = vector.broadcast %reduce_sum3A_1652 : i1 to vector<16xi1>
        %reduce_sum3A_1654 = tpu.scan <sum>, %convert_element_type3A_1636 masked %reduce_sum3A_1653 : vector<16xi32>, vector<16xi1> -> vector<16xi32>
        %reduce_sum3A_1655 = vector.extract %reduce_sum3A_1654[15] : i32 from vector<16xi32>
        %add3A_1656 = arith.addi %add3A_1621, %reduce_sum3A_1655 : i32
        scf.yield %add3A_1656 : i32
      }
      %scan3A_1520 = arith.constant 128 : i32
      scf.yield %scan3A_1519 : i32
    }
    %scan3A_685 = arith.constant 8 : i32
    %get3A = arith.constant 0 : index
    %get3A_686 = tpu.vector_load %arg11[%get3A] {strides = array<i32>} : memref<256xi32, #tpu.memory_space<vmem>>, vector<16xi32>,
    %gt3A = arith.constant 0 : i32
    %gt3A_687 = vector.broadcast %gt3A : i32 to vector<16xi32>
    %gt3A_688 = arith.cmpi sgt, %get3A_686, %gt3A_687 : vector<16xi32>
    %convert_element_type3A = arith.extui %gt3A_688 : vector<16xi1> to vector<16xi32>
    %broadcast_in_dim3A_689 = arith.constant true
    %broadcast_in_dim3A_690 = vector.broadcast %broadcast_in_dim3A_689 : i1 to vector<16xi1>
    %masked_cumsum3A = tpu.scan <sum>, %convert_element_type3A masked %broadcast_in_dim3A_690 : vector<16xi32>, vector<16xi1> -> vector<16xi32>
    %sub3A = arith.subi %masked_cumsum3A, %convert_element_type3A : vector<16xi32>
    %add3A_691 = arith.constant 0 : i32
    %add3A_692 = vector.broadcast %add3A_691 : i32 to vector<16xi32>
    %add3A_693 = arith.addi %add3A_692, %sub3A : vector<16xi32>
    %add3A_694 = arith.constant 0 : i32
    %add3A_695 = arith.addi %add3A_694, %mul3A_2 : i32
    %add3A_696 = vector.broadcast %add3A_695 : i32 to vector<16xi32>
    %add3A_697 = arith.addi %iota3A, %add3A_696 : vector<16xi32>
    tpu.vector_store_idx %arg12[%add3A_693], %add3A_697 masked %gt3A_688 : memref<256xi32, #tpu.memory_space<vmem>>[vector<16xi32>], vector<16xi32>, vector<16xi1>
    %reduce_sum3A = arith.constant true
    %reduce_sum3A_698 = vector.broadcast %reduce_sum3A : i1 to vector<16xi1>
    %reduce_sum3A_699 = tpu.scan <sum>, %convert_element_type3A masked %reduce_sum3A_698 : vector<16xi32>, vector<16xi1> -> vector<16xi32>
    %reduce_sum3A_700 = vector.extract %reduce_sum3A_699[15] : i32 from vector<16xi32>
    %add3A_701 = arith.constant 0 : i32
    %add3A_702 = arith.addi %add3A_701, %reduce_sum3A_700 : i32
    %get3A_703 = arith.constant 16 : index
    %get3A_704 = tpu.vector_load %arg11[%get3A_703] {strides = array<i32>} : memref<256xi32, #tpu.memory_space<vmem>>, vector<16xi32>,
    %gt3A_705 = arith.constant 0 : i32
    %gt3A_706 = vector.broadcast %gt3A_705 : i32 to vector<16xi32>
    %gt3A_707 = arith.cmpi sgt, %get3A_704, %gt3A_706 : vector<16xi32>
    %convert_element_type3A_708 = arith.extui %gt3A_707 : vector<16xi1> to vector<16xi32>
    %broadcast_in_dim3A_709 = arith.constant true
    %broadcast_in_dim3A_710 = vector.broadcast %broadcast_in_dim3A_709 : i1 to vector<16xi1>
    %masked_cumsum3A_711 = tpu.scan <sum>, %convert_element_type3A_708 masked %broadcast_in_dim3A_710 : vector<16xi32>, vector<16xi1> -> vector<16xi32>
    %sub3A_712 = arith.subi %masked_cumsum3A_711, %convert_element_type3A_708 : vector<16xi32>
    %add3A_713 = vector.broadcast %add3A_702 : i32 to vector<16xi32>
    %add3A_714 = arith.addi %add3A_713, %sub3A_712 : vector<16xi32>
    %add3A_715 = arith.constant 16 : i32
    %add3A_716 = arith.addi %add3A_715, %mul3A_2 : i32
    %add3A_717 = vector.broadcast %add3A_716 : i32 to vector<16xi32>
    %add3A_718 = arith.addi %iota3A, %add3A_717 : vector<16xi32>
    tpu.vector_store_idx %arg12[%add3A_714], %add3A_718 masked %gt3A_707 : memref<256xi32, #tpu.memory_space<vmem>>[vector<16xi32>], vector<16xi32>, vector<16xi1>
    %reduce_sum3A_719 = arith.constant true
    %reduce_sum3A_720 = vector.broadcast %reduce_sum3A_719 : i1 to vector<16xi1>
    %reduce_sum3A_721 = tpu.scan <sum>, %convert_element_type3A_708 masked %reduce_sum3A_720 : vector<16xi32>, vector<16xi1> -> vector<16xi32>
    %reduce_sum3A_722 = vector.extract %reduce_sum3A_721[15] : i32 from vector<16xi32>
    %add3A_723 = arith.addi %add3A_702, %reduce_sum3A_722 : i32
    %get3A_724 = arith.constant 32 : index
    %get3A_725 = tpu.vector_load %arg11[%get3A_724] {strides = array<i32>} : memref<256xi32, #tpu.memory_space<vmem>>, vector<16xi32>,
    %gt3A_726 = arith.constant 0 : i32
    %gt3A_727 = vector.broadcast %gt3A_726 : i32 to vector<16xi32>
    %gt3A_728 = arith.cmpi sgt, %get3A_725, %gt3A_727 : vector<16xi32>
    %convert_element_type3A_729 = arith.extui %gt3A_728 : vector<16xi1> to vector<16xi32>
    %broadcast_in_dim3A_730 = arith.constant true
    %broadcast_in_dim3A_731 = vector.broadcast %broadcast_in_dim3A_730 : i1 to vector<16xi1>
    %masked_cumsum3A_732 = tpu.scan <sum>, %convert_element_type3A_729 masked %broadcast_in_dim3A_731 : vector<16xi32>, vector<16xi1> -> vector<16xi32>
    %sub3A_733 = arith.subi %masked_cumsum3A_732, %convert_element_type3A_729 : vector<16xi32>
    %add3A_734 = vector.broadcast %add3A_723 : i32 to vector<16xi32>
    %add3A_735 = arith.addi %add3A_734, %sub3A_733 : vector<16xi32>
    %add3A_736 = arith.constant 32 : i32
    %add3A_737 = arith.addi %add3A_736, %mul3A_2 : i32
    %add3A_738 = vector.broadcast %add3A_737 : i32 to vector<16xi32>
    %add3A_739 = arith.addi %iota3A, %add3A_738 : vector<16xi32>
    tpu.vector_store_idx %arg12[%add3A_735], %add3A_739 masked %gt3A_728 : memref<256xi32, #tpu.memory_space<vmem>>[vector<16xi32>], vector<16xi32>, vector<16xi1>
    %reduce_sum3A_740 = arith.constant true
    %reduce_sum3A_741 = vector.broadcast %reduce_sum3A_740 : i1 to vector<16xi1>
    %reduce_sum3A_742 = tpu.scan <sum>, %convert_element_type3A_729 masked %reduce_sum3A_741 : vector<16xi32>, vector<16xi1> -> vector<16xi32>
    %reduce_sum3A_743 = vector.extract %reduce_sum3A_742[15] : i32 from vector<16xi32>
    %add3A_744 = arith.addi %add3A_723, %reduce_sum3A_743 : i32
    %get3A_745 = arith.constant 48 : index
    %get3A_746 = tpu.vector_load %arg11[%get3A_745] {strides = array<i32>} : memref<256xi32, #tpu.memory_space<vmem>>, vector<16xi32>,
    %gt3A_747 = arith.constant 0 : i32
    %gt3A_748 = vector.broadcast %gt3A_747 : i32 to vector<16xi32>
    %gt3A_749 = arith.cmpi sgt, %get3A_746, %gt3A_748 : vector<16xi32>
    %convert_element_type3A_750 = arith.extui %gt3A_749 : vector<16xi1> to vector<16xi32>
    %broadcast_in_dim3A_751 = arith.constant true
    %broadcast_in_dim3A_752 = vector.broadcast %broadcast_in_dim3A_751 : i1 to vector<16xi1>
    %masked_cumsum3A_753 = tpu.scan <sum>, %convert_element_type3A_750 masked %broadcast_in_dim3A_752 : vector<16xi32>, vector<16xi1> -> vector<16xi32>
    %sub3A_754 = arith.subi %masked_cumsum3A_753, %convert_element_type3A_750 : vector<16xi32>
    %add3A_755 = vector.broadcast %add3A_744 : i32 to vector<16xi32>
    %add3A_756 = arith.addi %add3A_755, %sub3A_754 : vector<16xi32>
    %add3A_757 = arith.constant 48 : i32
    %add3A_758 = arith.addi %add3A_757, %mul3A_2 : i32
    %add3A_759 = vector.broadcast %add3A_758 : i32 to vector<16xi32>
    %add3A_760 = arith.addi %iota3A, %add3A_759 : vector<16xi32>
    tpu.vector_store_idx %arg12[%add3A_756], %add3A_760 masked %gt3A_749 : memref<256xi32, #tpu.memory_space<vmem>>[vector<16xi32>], vector<16xi32>, vector<16xi1>
    %reduce_sum3A_761 = arith.constant true
    %reduce_sum3A_762 = vector.broadcast %reduce_sum3A_761 : i1 to vector<16xi1>
    %reduce_sum3A_763 = tpu.scan <sum>, %convert_element_type3A_750 masked %reduce_sum3A_762 : vector<16xi32>, vector<16xi1> -> vector<16xi32>
    %reduce_sum3A_764 = vector.extract %reduce_sum3A_763[15] : i32 from vector<16xi32>
    %add3A_765 = arith.addi %add3A_744, %reduce_sum3A_764 : i32
    %get3A_766 = arith.constant 64 : index
    %get3A_767 = tpu.vector_load %arg11[%get3A_766] {strides = array<i32>} : memref<256xi32, #tpu.memory_space<vmem>>, vector<16xi32>,
    %gt3A_768 = arith.constant 0 : i32
    %gt3A_769 = vector.broadcast %gt3A_768 : i32 to vector<16xi32>
    %gt3A_770 = arith.cmpi sgt, %get3A_767, %gt3A_769 : vector<16xi32>
    %convert_element_type3A_771 = arith.extui %gt3A_770 : vector<16xi1> to vector<16xi32>
    %broadcast_in_dim3A_772 = arith.constant true
    %broadcast_in_dim3A_773 = vector.broadcast %broadcast_in_dim3A_772 : i1 to vector<16xi1>
    %masked_cumsum3A_774 = tpu.scan <sum>, %convert_element_type3A_771 masked %broadcast_in_dim3A_773 : vector<16xi32>, vector<16xi1> -> vector<16xi32>
    %sub3A_775 = arith.subi %masked_cumsum3A_774, %convert_element_type3A_771 : vector<16xi32>
    %add3A_776 = vector.broadcast %add3A_765 : i32 to vector<16xi32>
    %add3A_777 = arith.addi %add3A_776, %sub3A_775 : vector<16xi32>
    %add3A_778 = arith.constant 64 : i32
    %add3A_779 = arith.addi %add3A_778, %mul3A_2 : i32
    %add3A_780 = vector.broadcast %add3A_779 : i32 to vector<16xi32>
    %add3A_781 = arith.addi %iota3A, %add3A_780 : vector<16xi32>
    tpu.vector_store_idx %arg12[%add3A_777], %add3A_781 masked %gt3A_770 : memref<256xi32, #tpu.memory_space<vmem>>[vector<16xi32>], vector<16xi32>, vector<16xi1>
    %reduce_sum3A_782 = arith.constant true
    %reduce_sum3A_783 = vector.broadcast %reduce_sum3A_782 : i1 to vector<16xi1>
    %reduce_sum3A_784 = tpu.scan <sum>, %convert_element_type3A_771 masked %reduce_sum3A_783 : vector<16xi32>, vector<16xi1> -> vector<16xi32>
    %reduce_sum3A_785 = vector.extract %reduce_sum3A_784[15] : i32 from vector<16xi32>
    %add3A_786 = arith.addi %add3A_765, %reduce_sum3A_785 : i32
    %get3A_787 = arith.constant 80 : index
    %get3A_788 = tpu.vector_load %arg11[%get3A_787] {strides = array<i32>} : memref<256xi32, #tpu.memory_space<vmem>>, vector<16xi32>,
    %gt3A_789 = arith.constant 0 : i32
    %gt3A_790 = vector.broadcast %gt3A_789 : i32 to vector<16xi32>
    %gt3A_791 = arith.cmpi sgt, %get3A_788, %gt3A_790 : vector<16xi32>
    %convert_element_type3A_792 = arith.extui %gt3A_791 : vector<16xi1> to vector<16xi32>
    %broadcast_in_dim3A_793 = arith.constant true
    %broadcast_in_dim3A_794 = vector.broadcast %broadcast_in_dim3A_793 : i1 to vector<16xi1>
    %masked_cumsum3A_795 = tpu.scan <sum>, %convert_element_type3A_792 masked %broadcast_in_dim3A_794 : vector<16xi32>, vector<16xi1> -> vector<16xi32>
    %sub3A_796 = arith.subi %masked_cumsum3A_795, %convert_element_type3A_792 : vector<16xi32>
    %add3A_797 = vector.broadcast %add3A_786 : i32 to vector<16xi32>
    %add3A_798 = arith.addi %add3A_797, %sub3A_796 : vector<16xi32>
    %add3A_799 = arith.constant 80 : i32
    %add3A_800 = arith.addi %add3A_799, %mul3A_2 : i32
    %add3A_801 = vector.broadcast %add3A_800 : i32 to vector<16xi32>
    %add3A_802 = arith.addi %iota3A, %add3A_801 : vector<16xi32>
    tpu.vector_store_idx %arg12[%add3A_798], %add3A_802 masked %gt3A_791 : memref<256xi32, #tpu.memory_space<vmem>>[vector<16xi32>], vector<16xi32>, vector<16xi1>
    %reduce_sum3A_803 = arith.constant true
    %reduce_sum3A_804 = vector.broadcast %reduce_sum3A_803 : i1 to vector<16xi1>
    %reduce_sum3A_805 = tpu.scan <sum>, %convert_element_type3A_792 masked %reduce_sum3A_804 : vector<16xi32>, vector<16xi1> -> vector<16xi32>
    %reduce_sum3A_806 = vector.extract %reduce_sum3A_805[15] : i32 from vector<16xi32>
    %add3A_807 = arith.addi %add3A_786, %reduce_sum3A_806 : i32
    %get3A_808 = arith.constant 96 : index
    %get3A_809 = tpu.vector_load %arg11[%get3A_808] {strides = array<i32>} : memref<256xi32, #tpu.memory_space<vmem>>, vector<16xi32>,
    %gt3A_810 = arith.constant 0 : i32
    %gt3A_811 = vector.broadcast %gt3A_810 : i32 to vector<16xi32>
    %gt3A_812 = arith.cmpi sgt, %get3A_809, %gt3A_811 : vector<16xi32>
    %convert_element_type3A_813 = arith.extui %gt3A_812 : vector<16xi1> to vector<16xi32>
    %broadcast_in_dim3A_814 = arith.constant true
    %broadcast_in_dim3A_815 = vector.broadcast %broadcast_in_dim3A_814 : i1 to vector<16xi1>
    %masked_cumsum3A_816 = tpu.scan <sum>, %convert_element_type3A_813 masked %broadcast_in_dim3A_815 : vector<16xi32>, vector<16xi1> -> vector<16xi32>
    %sub3A_817 = arith.subi %masked_cumsum3A_816, %convert_element_type3A_813 : vector<16xi32>
    %add3A_818 = vector.broadcast %add3A_807 : i32 to vector<16xi32>
    %add3A_819 = arith.addi %add3A_818, %sub3A_817 : vector<16xi32>
    %add3A_820 = arith.constant 96 : i32
    %add3A_821 = arith.addi %add3A_820, %mul3A_2 : i32
    %add3A_822 = vector.broadcast %add3A_821 : i32 to vector<16xi32>
    %add3A_823 = arith.addi %iota3A, %add3A_822 : vector<16xi32>
    tpu.vector_store_idx %arg12[%add3A_819], %add3A_823 masked %gt3A_812 : memref<256xi32, #tpu.memory_space<vmem>>[vector<16xi32>], vector<16xi32>, vector<16xi1>
    %reduce_sum3A_824 = arith.constant true
    %reduce_sum3A_825 = vector.broadcast %reduce_sum3A_824 : i1 to vector<16xi1>
    %reduce_sum3A_826 = tpu.scan <sum>, %convert_element_type3A_813 masked %reduce_sum3A_825 : vector<16xi32>, vector<16xi1> -> vector<16xi32>
    %reduce_sum3A_827 = vector.extract %reduce_sum3A_826[15] : i32 from vector<16xi32>
    %add3A_828 = arith.addi %add3A_807, %reduce_sum3A_827 : i32
    %get3A_829 = arith.constant 112 : index
    %get3A_830 = tpu.vector_load %arg11[%get3A_829] {strides = array<i32>} : memref<256xi32, #tpu.memory_space<vmem>>, vector<16xi32>,
    %gt3A_831 = arith.constant 0 : i32
    %gt3A_832 = vector.broadcast %gt3A_831 : i32 to vector<16xi32>
    %gt3A_833 = arith.cmpi sgt, %get3A_830, %gt3A_832 : vector<16xi32>
    %convert_element_type3A_834 = arith.extui %gt3A_833 : vector<16xi1> to vector<16xi32>
    %broadcast_in_dim3A_835 = arith.constant true
    %broadcast_in_dim3A_836 = vector.broadcast %broadcast_in_dim3A_835 : i1 to vector<16xi1>
    %masked_cumsum3A_837 = tpu.scan <sum>, %convert_element_type3A_834 masked %broadcast_in_dim3A_836 : vector<16xi32>, vector<16xi1> -> vector<16xi32>
    %sub3A_838 = arith.subi %masked_cumsum3A_837, %convert_element_type3A_834 : vector<16xi32>
    %add3A_839 = vector.broadcast %add3A_828 : i32 to vector<16xi32>
    %add3A_840 = arith.addi %add3A_839, %sub3A_838 : vector<16xi32>
    %add3A_841 = arith.constant 112 : i32
    %add3A_842 = arith.addi %add3A_841, %mul3A_2 : i32
    %add3A_843 = vector.broadcast %add3A_842 : i32 to vector<16xi32>
    %add3A_844 = arith.addi %iota3A, %add3A_843 : vector<16xi32>
    tpu.vector_store_idx %arg12[%add3A_840], %add3A_844 masked %gt3A_833 : memref<256xi32, #tpu.memory_space<vmem>>[vector<16xi32>], vector<16xi32>, vector<16xi1>
    %reduce_sum3A_845 = arith.constant true
    %reduce_sum3A_846 = vector.broadcast %reduce_sum3A_845 : i1 to vector<16xi1>
    %reduce_sum3A_847 = tpu.scan <sum>, %convert_element_type3A_834 masked %reduce_sum3A_846 : vector<16xi32>, vector<16xi1> -> vector<16xi32>
    %reduce_sum3A_848 = vector.extract %reduce_sum3A_847[15] : i32 from vector<16xi32>
    %add3A_849 = arith.addi %add3A_828, %reduce_sum3A_848 : i32
    %get3A_850 = arith.constant 128 : index
    %get3A_851 = tpu.vector_load %arg11[%get3A_850] {strides = array<i32>} : memref<256xi32, #tpu.memory_space<vmem>>, vector<16xi32>,
    %gt3A_852 = arith.constant 0 : i32
    %gt3A_853 = vector.broadcast %gt3A_852 : i32 to vector<16xi32>
    %gt3A_854 = arith.cmpi sgt, %get3A_851, %gt3A_853 : vector<16xi32>
    %convert_element_type3A_855 = arith.extui %gt3A_854 : vector<16xi1> to vector<16xi32>
    %broadcast_in_dim3A_856 = arith.constant true
    %broadcast_in_dim3A_857 = vector.broadcast %broadcast_in_dim3A_856 : i1 to vector<16xi1>
    %masked_cumsum3A_858 = tpu.scan <sum>, %convert_element_type3A_855 masked %broadcast_in_dim3A_857 : vector<16xi32>, vector<16xi1> -> vector<16xi32>
    %sub3A_859 = arith.subi %masked_cumsum3A_858, %convert_element_type3A_855 : vector<16xi32>
    %add3A_860 = vector.broadcast %add3A_849 : i32 to vector<16xi32>
    %add3A_861 = arith.addi %add3A_860, %sub3A_859 : vector<16xi32>
    %add3A_862 = arith.constant 128 : i32
    %add3A_863 = arith.addi %add3A_862, %mul3A_2 : i32
    %add3A_864 = vector.broadcast %add3A_863 : i32 to vector<16xi32>
    %add3A_865 = arith.addi %iota3A, %add3A_864 : vector<16xi32>
    tpu.vector_store_idx %arg12[%add3A_861], %add3A_865 masked %gt3A_854 : memref<256xi32, #tpu.memory_space<vmem>>[vector<16xi32>], vector<16xi32>, vector<16xi1>
    %reduce_sum3A_866 = arith.constant true
    %reduce_sum3A_867 = vector.broadcast %reduce_sum3A_866 : i1 to vector<16xi1>
    %reduce_sum3A_868 = tpu.scan <sum>, %convert_element_type3A_855 masked %reduce_sum3A_867 : vector<16xi32>, vector<16xi1> -> vector<16xi32>
    %reduce_sum3A_869 = vector.extract %reduce_sum3A_868[15] : i32 from vector<16xi32>
    %add3A_870 = arith.addi %add3A_849, %reduce_sum3A_869 : i32
    %get3A_871 = arith.constant 144 : index
    %get3A_872 = tpu.vector_load %arg11[%get3A_871] {strides = array<i32>} : memref<256xi32, #tpu.memory_space<vmem>>, vector<16xi32>,
    %gt3A_873 = arith.constant 0 : i32
    %gt3A_874 = vector.broadcast %gt3A_873 : i32 to vector<16xi32>
    %gt3A_875 = arith.cmpi sgt, %get3A_872, %gt3A_874 : vector<16xi32>
    %convert_element_type3A_876 = arith.extui %gt3A_875 : vector<16xi1> to vector<16xi32>
    %broadcast_in_dim3A_877 = arith.constant true
    %broadcast_in_dim3A_878 = vector.broadcast %broadcast_in_dim3A_877 : i1 to vector<16xi1>
    %masked_cumsum3A_879 = tpu.scan <sum>, %convert_element_type3A_876 masked %broadcast_in_dim3A_878 : vector<16xi32>, vector<16xi1> -> vector<16xi32>
    %sub3A_880 = arith.subi %masked_cumsum3A_879, %convert_element_type3A_876 : vector<16xi32>
    %add3A_881 = vector.broadcast %add3A_870 : i32 to vector<16xi32>
    %add3A_882 = arith.addi %add3A_881, %sub3A_880 : vector<16xi32>
    %add3A_883 = arith.constant 144 : i32
    %add3A_884 = arith.addi %add3A_883, %mul3A_2 : i32
    %add3A_885 = vector.broadcast %add3A_884 : i32 to vector<16xi32>
    %add3A_886 = arith.addi %iota3A, %add3A_885 : vector<16xi32>
    tpu.vector_store_idx %arg12[%add3A_882], %add3A_886 masked %gt3A_875 : memref<256xi32, #tpu.memory_space<vmem>>[vector<16xi32>], vector<16xi32>, vector<16xi1>
    %reduce_sum3A_887 = arith.constant true
    %reduce_sum3A_888 = vector.broadcast %reduce_sum3A_887 : i1 to vector<16xi1>
    %reduce_sum3A_889 = tpu.scan <sum>, %convert_element_type3A_876 masked %reduce_sum3A_888 : vector<16xi32>, vector<16xi1> -> vector<16xi32>
    %reduce_sum3A_890 = vector.extract %reduce_sum3A_889[15] : i32 from vector<16xi32>
    %add3A_891 = arith.addi %add3A_870, %reduce_sum3A_890 : i32
    %get3A_892 = arith.constant 160 : index
    %get3A_893 = tpu.vector_load %arg11[%get3A_892] {strides = array<i32>} : memref<256xi32, #tpu.memory_space<vmem>>, vector<16xi32>,
    %gt3A_894 = arith.constant 0 : i32
    %gt3A_895 = vector.broadcast %gt3A_894 : i32 to vector<16xi32>
    %gt3A_896 = arith.cmpi sgt, %get3A_893, %gt3A_895 : vector<16xi32>
    %convert_element_type3A_897 = arith.extui %gt3A_896 : vector<16xi1> to vector<16xi32>
    %broadcast_in_dim3A_898 = arith.constant true
    %broadcast_in_dim3A_899 = vector.broadcast %broadcast_in_dim3A_898 : i1 to vector<16xi1>
    %masked_cumsum3A_900 = tpu.scan <sum>, %convert_element_type3A_897 masked %broadcast_in_dim3A_899 : vector<16xi32>, vector<16xi1> -> vector<16xi32>
    %sub3A_901 = arith.subi %masked_cumsum3A_900, %convert_element_type3A_897 : vector<16xi32>
    %add3A_902 = vector.broadcast %add3A_891 : i32 to vector<16xi32>
    %add3A_903 = arith.addi %add3A_902, %sub3A_901 : vector<16xi32>
    %add3A_904 = arith.constant 160 : i32
    %add3A_905 = arith.addi %add3A_904, %mul3A_2 : i32
    %add3A_906 = vector.broadcast %add3A_905 : i32 to vector<16xi32>
    %add3A_907 = arith.addi %iota3A, %add3A_906 : vector<16xi32>
    tpu.vector_store_idx %arg12[%add3A_903], %add3A_907 masked %gt3A_896 : memref<256xi32, #tpu.memory_space<vmem>>[vector<16xi32>], vector<16xi32>, vector<16xi1>
    %reduce_sum3A_908 = arith.constant true
    %reduce_sum3A_909 = vector.broadcast %reduce_sum3A_908 : i1 to vector<16xi1>
    %reduce_sum3A_910 = tpu.scan <sum>, %convert_element_type3A_897 masked %reduce_sum3A_909 : vector<16xi32>, vector<16xi1> -> vector<16xi32>
    %reduce_sum3A_911 = vector.extract %reduce_sum3A_910[15] : i32 from vector<16xi32>
    %add3A_912 = arith.addi %add3A_891, %reduce_sum3A_911 : i32
    %get3A_913 = arith.constant 176 : index
    %get3A_914 = tpu.vector_load %arg11[%get3A_913] {strides = array<i32>} : memref<256xi32, #tpu.memory_space<vmem>>, vector<16xi32>,
    %gt3A_915 = arith.constant 0 : i32
    %gt3A_916 = vector.broadcast %gt3A_915 : i32 to vector<16xi32>
    %gt3A_917 = arith.cmpi sgt, %get3A_914, %gt3A_916 : vector<16xi32>
    %convert_element_type3A_918 = arith.extui %gt3A_917 : vector<16xi1> to vector<16xi32>
    %broadcast_in_dim3A_919 = arith.constant true
    %broadcast_in_dim3A_920 = vector.broadcast %broadcast_in_dim3A_919 : i1 to vector<16xi1>
    %masked_cumsum3A_921 = tpu.scan <sum>, %convert_element_type3A_918 masked %broadcast_in_dim3A_920 : vector<16xi32>, vector<16xi1> -> vector<16xi32>
    %sub3A_922 = arith.subi %masked_cumsum3A_921, %convert_element_type3A_918 : vector<16xi32>
    %add3A_923 = vector.broadcast %add3A_912 : i32 to vector<16xi32>
    %add3A_924 = arith.addi %add3A_923, %sub3A_922 : vector<16xi32>
    %add3A_925 = arith.constant 176 : i32
    %add3A_926 = arith.addi %add3A_925, %mul3A_2 : i32
    %add3A_927 = vector.broadcast %add3A_926 : i32 to vector<16xi32>
    %add3A_928 = arith.addi %iota3A, %add3A_927 : vector<16xi32>
    tpu.vector_store_idx %arg12[%add3A_924], %add3A_928 masked %gt3A_917 : memref<256xi32, #tpu.memory_space<vmem>>[vector<16xi32>], vector<16xi32>, vector<16xi1>
    %reduce_sum3A_929 = arith.constant true
    %reduce_sum3A_930 = vector.broadcast %reduce_sum3A_929 : i1 to vector<16xi1>
    %reduce_sum3A_931 = tpu.scan <sum>, %convert_element_type3A_918 masked %reduce_sum3A_930 : vector<16xi32>, vector<16xi1> -> vector<16xi32>
    %reduce_sum3A_932 = vector.extract %reduce_sum3A_931[15] : i32 from vector<16xi32>
    %add3A_933 = arith.addi %add3A_912, %reduce_sum3A_932 : i32
    %get3A_934 = arith.constant 192 : index
    %get3A_935 = tpu.vector_load %arg11[%get3A_934] {strides = array<i32>} : memref<256xi32, #tpu.memory_space<vmem>>, vector<16xi32>,
    %gt3A_936 = arith.constant 0 : i32
    %gt3A_937 = vector.broadcast %gt3A_936 : i32 to vector<16xi32>
    %gt3A_938 = arith.cmpi sgt, %get3A_935, %gt3A_937 : vector<16xi32>
    %convert_element_type3A_939 = arith.extui %gt3A_938 : vector<16xi1> to vector<16xi32>
    %broadcast_in_dim3A_940 = arith.constant true
    %broadcast_in_dim3A_941 = vector.broadcast %broadcast_in_dim3A_940 : i1 to vector<16xi1>
    %masked_cumsum3A_942 = tpu.scan <sum>, %convert_element_type3A_939 masked %broadcast_in_dim3A_941 : vector<16xi32>, vector<16xi1> -> vector<16xi32>
    %sub3A_943 = arith.subi %masked_cumsum3A_942, %convert_element_type3A_939 : vector<16xi32>
    %add3A_944 = vector.broadcast %add3A_933 : i32 to vector<16xi32>
    %add3A_945 = arith.addi %add3A_944, %sub3A_943 : vector<16xi32>
    %add3A_946 = arith.constant 192 : i32
    %add3A_947 = arith.addi %add3A_946, %mul3A_2 : i32
    %add3A_948 = vector.broadcast %add3A_947 : i32 to vector<16xi32>
    %add3A_949 = arith.addi %iota3A, %add3A_948 : vector<16xi32>
    tpu.vector_store_idx %arg12[%add3A_945], %add3A_949 masked %gt3A_938 : memref<256xi32, #tpu.memory_space<vmem>>[vector<16xi32>], vector<16xi32>, vector<16xi1>
    %reduce_sum3A_950 = arith.constant true
    %reduce_sum3A_951 = vector.broadcast %reduce_sum3A_950 : i1 to vector<16xi1>
    %reduce_sum3A_952 = tpu.scan <sum>, %convert_element_type3A_939 masked %reduce_sum3A_951 : vector<16xi32>, vector<16xi1> -> vector<16xi32>
    %reduce_sum3A_953 = vector.extract %reduce_sum3A_952[15] : i32 from vector<16xi32>
    %add3A_954 = arith.addi %add3A_933, %reduce_sum3A_953 : i32
    %get3A_955 = arith.constant 208 : index
    %get3A_956 = tpu.vector_load %arg11[%get3A_955] {strides = array<i32>} : memref<256xi32, #tpu.memory_space<vmem>>, vector<16xi32>,
    %gt3A_957 = arith.constant 0 : i32
    %gt3A_958 = vector.broadcast %gt3A_957 : i32 to vector<16xi32>
    %gt3A_959 = arith.cmpi sgt, %get3A_956, %gt3A_958 : vector<16xi32>
    %convert_element_type3A_960 = arith.extui %gt3A_959 : vector<16xi1> to vector<16xi32>
    %broadcast_in_dim3A_961 = arith.constant true
    %broadcast_in_dim3A_962 = vector.broadcast %broadcast_in_dim3A_961 : i1 to vector<16xi1>
    %masked_cumsum3A_963 = tpu.scan <sum>, %convert_element_type3A_960 masked %broadcast_in_dim3A_962 : vector<16xi32>, vector<16xi1> -> vector<16xi32>
    %sub3A_964 = arith.subi %masked_cumsum3A_963, %convert_element_type3A_960 : vector<16xi32>
    %add3A_965 = vector.broadcast %add3A_954 : i32 to vector<16xi32>
    %add3A_966 = arith.addi %add3A_965, %sub3A_964 : vector<16xi32>
    %add3A_967 = arith.constant 208 : i32
    %add3A_968 = arith.addi %add3A_967, %mul3A_2 : i32
    %add3A_969 = vector.broadcast %add3A_968 : i32 to vector<16xi32>
    %add3A_970 = arith.addi %iota3A, %add3A_969 : vector<16xi32>
    tpu.vector_store_idx %arg12[%add3A_966], %add3A_970 masked %gt3A_959 : memref<256xi32, #tpu.memory_space<vmem>>[vector<16xi32>], vector<16xi32>, vector<16xi1>
    %reduce_sum3A_971 = arith.constant true
    %reduce_sum3A_972 = vector.broadcast %reduce_sum3A_971 : i1 to vector<16xi1>
    %reduce_sum3A_973 = tpu.scan <sum>, %convert_element_type3A_960 masked %reduce_sum3A_972 : vector<16xi32>, vector<16xi1> -> vector<16xi32>
    %reduce_sum3A_974 = vector.extract %reduce_sum3A_973[15] : i32 from vector<16xi32>
    %add3A_975 = arith.addi %add3A_954, %reduce_sum3A_974 : i32
    %get3A_976 = arith.constant 224 : index
    %get3A_977 = tpu.vector_load %arg11[%get3A_976] {strides = array<i32>} : memref<256xi32, #tpu.memory_space<vmem>>, vector<16xi32>,
    %gt3A_978 = arith.constant 0 : i32
    %gt3A_979 = vector.broadcast %gt3A_978 : i32 to vector<16xi32>
    %gt3A_980 = arith.cmpi sgt, %get3A_977, %gt3A_979 : vector<16xi32>
    %convert_element_type3A_981 = arith.extui %gt3A_980 : vector<16xi1> to vector<16xi32>
    %broadcast_in_dim3A_982 = arith.constant true
    %broadcast_in_dim3A_983 = vector.broadcast %broadcast_in_dim3A_982 : i1 to vector<16xi1>
    %masked_cumsum3A_984 = tpu.scan <sum>, %convert_element_type3A_981 masked %broadcast_in_dim3A_983 : vector<16xi32>, vector<16xi1> -> vector<16xi32>
    %sub3A_985 = arith.subi %masked_cumsum3A_984, %convert_element_type3A_981 : vector<16xi32>
    %add3A_986 = vector.broadcast %add3A_975 : i32 to vector<16xi32>
    %add3A_987 = arith.addi %add3A_986, %sub3A_985 : vector<16xi32>
    %add3A_988 = arith.constant 224 : i32
    %add3A_989 = arith.addi %add3A_988, %mul3A_2 : i32
    %add3A_990 = vector.broadcast %add3A_989 : i32 to vector<16xi32>
    %add3A_991 = arith.addi %iota3A, %add3A_990 : vector<16xi32>
    tpu.vector_store_idx %arg12[%add3A_987], %add3A_991 masked %gt3A_980 : memref<256xi32, #tpu.memory_space<vmem>>[vector<16xi32>], vector<16xi32>, vector<16xi1>
    %reduce_sum3A_992 = arith.constant true
    %reduce_sum3A_993 = vector.broadcast %reduce_sum3A_992 : i1 to vector<16xi1>
    %reduce_sum3A_994 = tpu.scan <sum>, %convert_element_type3A_981 masked %reduce_sum3A_993 : vector<16xi32>, vector<16xi1> -> vector<16xi32>
    %reduce_sum3A_995 = vector.extract %reduce_sum3A_994[15] : i32 from vector<16xi32>
    %add3A_996 = arith.addi %add3A_975, %reduce_sum3A_995 : i32
    %get3A_997 = arith.constant 240 : index
    %get3A_998 = tpu.vector_load %arg11[%get3A_997] {strides = array<i32>} : memref<256xi32, #tpu.memory_space<vmem>>, vector<16xi32>,
    %gt3A_999 = arith.constant 0 : i32
    %gt3A_1000 = vector.broadcast %gt3A_999 : i32 to vector<16xi32>
    %gt3A_1001 = arith.cmpi sgt, %get3A_998, %gt3A_1000 : vector<16xi32>
    %convert_element_type3A_1002 = arith.extui %gt3A_1001 : vector<16xi1> to vector<16xi32>
    %broadcast_in_dim3A_1003 = arith.constant true
    %broadcast_in_dim3A_1004 = vector.broadcast %broadcast_in_dim3A_1003 : i1 to vector<16xi1>
    %masked_cumsum3A_1005 = tpu.scan <sum>, %convert_element_type3A_1002 masked %broadcast_in_dim3A_1004 : vector<16xi32>, vector<16xi1> -> vector<16xi32>
    %sub3A_1006 = arith.subi %masked_cumsum3A_1005, %convert_element_type3A_1002 : vector<16xi32>
    %add3A_1007 = vector.broadcast %add3A_996 : i32 to vector<16xi32>
    %add3A_1008 = arith.addi %add3A_1007, %sub3A_1006 : vector<16xi32>
    %add3A_1009 = arith.constant 240 : i32
    %add3A_1010 = arith.addi %add3A_1009, %mul3A_2 : i32
    %add3A_1011 = vector.broadcast %add3A_1010 : i32 to vector<16xi32>
    %add3A_1012 = arith.addi %iota3A, %add3A_1011 : vector<16xi32>
    tpu.vector_store_idx %arg12[%add3A_1008], %add3A_1012 masked %gt3A_1001 : memref<256xi32, #tpu.memory_space<vmem>>[vector<16xi32>], vector<16xi32>, vector<16xi1>
    %reduce_sum3A_1013 = arith.constant true
    %reduce_sum3A_1014 = vector.broadcast %reduce_sum3A_1013 : i1 to vector<16xi1>
    %reduce_sum3A_1015 = tpu.scan <sum>, %convert_element_type3A_1002 masked %reduce_sum3A_1014 : vector<16xi32>, vector<16xi1> -> vector<16xi32>
    %reduce_sum3A_1016 = vector.extract %reduce_sum3A_1015[15] : i32 from vector<16xi32>
    %add3A_1017 = arith.addi %add3A_996, %reduce_sum3A_1016 : i32
    %mul3A_1018 = arith.constant 0 : i32
    %mul3A_1019 = vector.broadcast %mul3A_1018 : i32 to vector<16xi32>
    %mul3A_1020 = arith.muli %iota3A, %mul3A_1019 : vector<16xi32>
    %while3A = arith.constant 0 : i32
    %while3A_1021 = arith.subi %scan3A_684, %while3A : i32
    %while3A_1022 = arith.addi %while3A, %while3A_1021 : i32
    %while3A_1023 = arith.constant 1 : i32
    %while3A_1024 = arith.divsi %while3A_1021, %while3A_1023 : i32
    %while3A_1025 = arith.muli %while3A_1024, %while3A_1023 : i32
    %while3A_1026 = arith.addi %while3A, %while3A_1025 : i32
    %while3A_1027 = arith.constant 1 : i32
    %while3A_1028:16 = scf.for %while3A_1511 = %while3A to %while3A_1026 step %while3A_1027 iter_args(%while3A_1512 = %mul3A_1020, %while3A_1513 = %mul3A_1020, %while3A_1514 = %mul3A_1020, %while3A_1515 = %mul3A_1020, %while3A_1516 = %mul3A_1020, %while3A_1517 = %mul3A_1020, %while3A_1518 = %mul3A_1020, %while3A_1519 = %mul3A_1020, %while3A_1520 = %mul3A_1020, %while3A_1521 = %mul3A_1020, %while3A_1522 = %mul3A_1020, %while3A_1523 = %mul3A_1020, %while3A_1524 = %mul3A_1020, %while3A_1525 = %mul3A_1020, %while3A_1526 = %mul3A_1020, %while3A_1527 = %mul3A_1020) -> (vector<16xi32>, vector<16xi32>, vector<16xi32>, vector<16xi32>, vector<16xi32>, vector<16xi32>, vector<16xi32>, vector<16xi32>, vector<16xi32>, vector<16xi32>, vector<16xi32>, vector<16xi32>, vector<16xi32>, vector<16xi32>, vector<16xi32>, vector<16xi32>)  : i32 {
      %add3A_1528 = vector.broadcast %while3A_1511 : i32 to vector<16xi32>
      %add3A_1529 = arith.addi %mul3A_1020, %add3A_1528 : vector<16xi32>
      %gather3A_1530 = tpu.vector_load_idx %arg7[%add3A_1529] : memref<640xi32, #tpu.memory_space<vmem>>[vector<16xi32>], vector<16xi32>,
      %shift_right_logical3A = arith.constant 7 : i32
      %shift_right_logical3A_1531 = vector.broadcast %shift_right_logical3A : i32 to vector<16xi32>
      %shift_right_logical3A_1532 = arith.shrui %gather3A_1530, %shift_right_logical3A_1531 : vector<16xi32>
      %sub3A_1533 = vector.broadcast %mul3A_2 : i32 to vector<16xi32>
      %sub3A_1534 = arith.subi %shift_right_logical3A_1532, %sub3A_1533 : vector<16xi32>
      %shift_right_logical3A_1535 = arith.constant 4 : i32
      %shift_right_logical3A_1536 = vector.broadcast %shift_right_logical3A_1535 : i32 to vector<16xi32>
      %shift_right_logical3A_1537 = arith.shrui %sub3A_1534, %shift_right_logical3A_1536 : vector<16xi32>
      %and3A = arith.constant 15 : i32
      %and3A_1538 = vector.broadcast %and3A : i32 to vector<16xi32>
      %and3A_1539 = arith.andi %sub3A_1534, %and3A_1538 : vector<16xi32>
      %eq3A_1540 = arith.cmpi eq, %iota3A, %and3A_1539 : vector<16xi32>
      %convert_element_type3A_1541 = arith.extui %eq3A_1540 : vector<16xi1> to vector<16xi32>
      %eq3A_1542 = arith.constant 0 : i32
      %eq3A_1543 = vector.broadcast %eq3A_1542 : i32 to vector<16xi32>
      %eq3A_1544 = arith.cmpi eq, %shift_right_logical3A_1537, %eq3A_1543 : vector<16xi32>
      %select_n3A_1545 = arith.select %eq3A_1544, %convert_element_type3A_1541, %mul3A_1020 : vector<16xi1>, vector<16xi32>
      %add3A_1546 = arith.addi %while3A_1512, %select_n3A_1545 : vector<16xi32>
      %eq3A_1547 = arith.constant 1 : i32
      %eq3A_1548 = vector.broadcast %eq3A_1547 : i32 to vector<16xi32>
      %eq3A_1549 = arith.cmpi eq, %shift_right_logical3A_1537, %eq3A_1548 : vector<16xi32>
      %select_n3A_1550 = arith.select %eq3A_1549, %convert_element_type3A_1541, %mul3A_1020 : vector<16xi1>, vector<16xi32>
      %add3A_1551 = arith.addi %while3A_1513, %select_n3A_1550 : vector<16xi32>
      %eq3A_1552 = arith.constant 2 : i32
      %eq3A_1553 = vector.broadcast %eq3A_1552 : i32 to vector<16xi32>
      %eq3A_1554 = arith.cmpi eq, %shift_right_logical3A_1537, %eq3A_1553 : vector<16xi32>
      %select_n3A_1555 = arith.select %eq3A_1554, %convert_element_type3A_1541, %mul3A_1020 : vector<16xi1>, vector<16xi32>
      %add3A_1556 = arith.addi %while3A_1514, %select_n3A_1555 : vector<16xi32>
      %eq3A_1557 = arith.constant 3 : i32
      %eq3A_1558 = vector.broadcast %eq3A_1557 : i32 to vector<16xi32>
      %eq3A_1559 = arith.cmpi eq, %shift_right_logical3A_1537, %eq3A_1558 : vector<16xi32>
      %select_n3A_1560 = arith.select %eq3A_1559, %convert_element_type3A_1541, %mul3A_1020 : vector<16xi1>, vector<16xi32>
      %add3A_1561 = arith.addi %while3A_1515, %select_n3A_1560 : vector<16xi32>
      %eq3A_1562 = arith.constant 4 : i32
      %eq3A_1563 = vector.broadcast %eq3A_1562 : i32 to vector<16xi32>
      %eq3A_1564 = arith.cmpi eq, %shift_right_logical3A_1537, %eq3A_1563 : vector<16xi32>
      %select_n3A_1565 = arith.select %eq3A_1564, %convert_element_type3A_1541, %mul3A_1020 : vector<16xi1>, vector<16xi32>
      %add3A_1566 = arith.addi %while3A_1516, %select_n3A_1565 : vector<16xi32>
      %eq3A_1567 = arith.constant 5 : i32
      %eq3A_1568 = vector.broadcast %eq3A_1567 : i32 to vector<16xi32>
      %eq3A_1569 = arith.cmpi eq, %shift_right_logical3A_1537, %eq3A_1568 : vector<16xi32>
      %select_n3A_1570 = arith.select %eq3A_1569, %convert_element_type3A_1541, %mul3A_1020 : vector<16xi1>, vector<16xi32>
      %add3A_1571 = arith.addi %while3A_1517, %select_n3A_1570 : vector<16xi32>
      %eq3A_1572 = arith.constant 6 : i32
      %eq3A_1573 = vector.broadcast %eq3A_1572 : i32 to vector<16xi32>
      %eq3A_1574 = arith.cmpi eq, %shift_right_logical3A_1537, %eq3A_1573 : vector<16xi32>
      %select_n3A_1575 = arith.select %eq3A_1574, %convert_element_type3A_1541, %mul3A_1020 : vector<16xi1>, vector<16xi32>
      %add3A_1576 = arith.addi %while3A_1518, %select_n3A_1575 : vector<16xi32>
      %eq3A_1577 = arith.constant 7 : i32
      %eq3A_1578 = vector.broadcast %eq3A_1577 : i32 to vector<16xi32>
      %eq3A_1579 = arith.cmpi eq, %shift_right_logical3A_1537, %eq3A_1578 : vector<16xi32>
      %select_n3A_1580 = arith.select %eq3A_1579, %convert_element_type3A_1541, %mul3A_1020 : vector<16xi1>, vector<16xi32>
      %add3A_1581 = arith.addi %while3A_1519, %select_n3A_1580 : vector<16xi32>
      %eq3A_1582 = arith.constant 8 : i32
      %eq3A_1583 = vector.broadcast %eq3A_1582 : i32 to vector<16xi32>
      %eq3A_1584 = arith.cmpi eq, %shift_right_logical3A_1537, %eq3A_1583 : vector<16xi32>
      %select_n3A_1585 = arith.select %eq3A_1584, %convert_element_type3A_1541, %mul3A_1020 : vector<16xi1>, vector<16xi32>
      %add3A_1586 = arith.addi %while3A_1520, %select_n3A_1585 : vector<16xi32>
      %eq3A_1587 = arith.constant 9 : i32
      %eq3A_1588 = vector.broadcast %eq3A_1587 : i32 to vector<16xi32>
      %eq3A_1589 = arith.cmpi eq, %shift_right_logical3A_1537, %eq3A_1588 : vector<16xi32>
      %select_n3A_1590 = arith.select %eq3A_1589, %convert_element_type3A_1541, %mul3A_1020 : vector<16xi1>, vector<16xi32>
      %add3A_1591 = arith.addi %while3A_1521, %select_n3A_1590 : vector<16xi32>
      %eq3A_1592 = arith.constant 10 : i32
      %eq3A_1593 = vector.broadcast %eq3A_1592 : i32 to vector<16xi32>
      %eq3A_1594 = arith.cmpi eq, %shift_right_logical3A_1537, %eq3A_1593 : vector<16xi32>
      %select_n3A_1595 = arith.select %eq3A_1594, %convert_element_type3A_1541, %mul3A_1020 : vector<16xi1>, vector<16xi32>
      %add3A_1596 = arith.addi %while3A_1522, %select_n3A_1595 : vector<16xi32>
      %eq3A_1597 = arith.constant 11 : i32
      %eq3A_1598 = vector.broadcast %eq3A_1597 : i32 to vector<16xi32>
      %eq3A_1599 = arith.cmpi eq, %shift_right_logical3A_1537, %eq3A_1598 : vector<16xi32>
      %select_n3A_1600 = arith.select %eq3A_1599, %convert_element_type3A_1541, %mul3A_1020 : vector<16xi1>, vector<16xi32>
      %add3A_1601 = arith.addi %while3A_1523, %select_n3A_1600 : vector<16xi32>
      %eq3A_1602 = arith.constant 12 : i32
      %eq3A_1603 = vector.broadcast %eq3A_1602 : i32 to vector<16xi32>
      %eq3A_1604 = arith.cmpi eq, %shift_right_logical3A_1537, %eq3A_1603 : vector<16xi32>
      %select_n3A_1605 = arith.select %eq3A_1604, %convert_element_type3A_1541, %mul3A_1020 : vector<16xi1>, vector<16xi32>
      %add3A_1606 = arith.addi %while3A_1524, %select_n3A_1605 : vector<16xi32>
      %eq3A_1607 = arith.constant 13 : i32
      %eq3A_1608 = vector.broadcast %eq3A_1607 : i32 to vector<16xi32>
      %eq3A_1609 = arith.cmpi eq, %shift_right_logical3A_1537, %eq3A_1608 : vector<16xi32>
      %select_n3A_1610 = arith.select %eq3A_1609, %convert_element_type3A_1541, %mul3A_1020 : vector<16xi1>, vector<16xi32>
      %add3A_1611 = arith.addi %while3A_1525, %select_n3A_1610 : vector<16xi32>
      %eq3A_1612 = arith.constant 14 : i32
      %eq3A_1613 = vector.broadcast %eq3A_1612 : i32 to vector<16xi32>
      %eq3A_1614 = arith.cmpi eq, %shift_right_logical3A_1537, %eq3A_1613 : vector<16xi32>
      %select_n3A_1615 = arith.select %eq3A_1614, %convert_element_type3A_1541, %mul3A_1020 : vector<16xi1>, vector<16xi32>
      %add3A_1616 = arith.addi %while3A_1526, %select_n3A_1615 : vector<16xi32>
      %eq3A_1617 = arith.constant 15 : i32
      %eq3A_1618 = vector.broadcast %eq3A_1617 : i32 to vector<16xi32>
      %eq3A_1619 = arith.cmpi eq, %shift_right_logical3A_1537, %eq3A_1618 : vector<16xi32>
      %select_n3A_1620 = arith.select %eq3A_1619, %convert_element_type3A_1541, %mul3A_1020 : vector<16xi1>, vector<16xi32>
      %add3A_1621 = arith.addi %while3A_1527, %select_n3A_1620 : vector<16xi32>
      scf.yield %add3A_1546, %add3A_1551, %add3A_1556, %add3A_1561, %add3A_1566, %add3A_1571, %add3A_1576, %add3A_1581, %add3A_1586, %add3A_1591, %add3A_1596, %add3A_1601, %add3A_1606, %add3A_1611, %add3A_1616, %add3A_1621 : vector<16xi32>, vector<16xi32>, vector<16xi32>, vector<16xi32>, vector<16xi32>, vector<16xi32>, vector<16xi32>, vector<16xi32>, vector<16xi32>, vector<16xi32>, vector<16xi32>, vector<16xi32>, vector<16xi32>, vector<16xi32>, vector<16xi32>, vector<16xi32>
    }
    %while3A_1029 = arith.constant 1 : i32
    %while3A_1030:16 = scf.for %while3A_1511 = %while3A_1026 to %while3A_1022 step %while3A_1029 iter_args(%while3A_1512 = %while3A_1028#0, %while3A_1513 = %while3A_1028#1, %while3A_1514 = %while3A_1028#2, %while3A_1515 = %while3A_1028#3, %while3A_1516 = %while3A_1028#4, %while3A_1517 = %while3A_1028#5, %while3A_1518 = %while3A_1028#6, %while3A_1519 = %while3A_1028#7, %while3A_1520 = %while3A_1028#8, %while3A_1521 = %while3A_1028#9, %while3A_1522 = %while3A_1028#10, %while3A_1523 = %while3A_1028#11, %while3A_1524 = %while3A_1028#12, %while3A_1525 = %while3A_1028#13, %while3A_1526 = %while3A_1028#14, %while3A_1527 = %while3A_1028#15) -> (vector<16xi32>, vector<16xi32>, vector<16xi32>, vector<16xi32>, vector<16xi32>, vector<16xi32>, vector<16xi32>, vector<16xi32>, vector<16xi32>, vector<16xi32>, vector<16xi32>, vector<16xi32>, vector<16xi32>, vector<16xi32>, vector<16xi32>, vector<16xi32>)  : i32 {
      %add3A_1528 = vector.broadcast %while3A_1511 : i32 to vector<16xi32>
      %add3A_1529 = arith.addi %mul3A_1020, %add3A_1528 : vector<16xi32>
      %gather3A_1530 = tpu.vector_load_idx %arg7[%add3A_1529] : memref<640xi32, #tpu.memory_space<vmem>>[vector<16xi32>], vector<16xi32>,
      %shift_right_logical3A = arith.constant 7 : i32
      %shift_right_logical3A_1531 = vector.broadcast %shift_right_logical3A : i32 to vector<16xi32>
      %shift_right_logical3A_1532 = arith.shrui %gather3A_1530, %shift_right_logical3A_1531 : vector<16xi32>
      %sub3A_1533 = vector.broadcast %mul3A_2 : i32 to vector<16xi32>
      %sub3A_1534 = arith.subi %shift_right_logical3A_1532, %sub3A_1533 : vector<16xi32>
      %shift_right_logical3A_1535 = arith.constant 4 : i32
      %shift_right_logical3A_1536 = vector.broadcast %shift_right_logical3A_1535 : i32 to vector<16xi32>
      %shift_right_logical3A_1537 = arith.shrui %sub3A_1534, %shift_right_logical3A_1536 : vector<16xi32>
      %and3A = arith.constant 15 : i32
      %and3A_1538 = vector.broadcast %and3A : i32 to vector<16xi32>
      %and3A_1539 = arith.andi %sub3A_1534, %and3A_1538 : vector<16xi32>
      %eq3A_1540 = arith.cmpi eq, %iota3A, %and3A_1539 : vector<16xi32>
      %convert_element_type3A_1541 = arith.extui %eq3A_1540 : vector<16xi1> to vector<16xi32>
      %eq3A_1542 = arith.constant 0 : i32
      %eq3A_1543 = vector.broadcast %eq3A_1542 : i32 to vector<16xi32>
      %eq3A_1544 = arith.cmpi eq, %shift_right_logical3A_1537, %eq3A_1543 : vector<16xi32>
      %select_n3A_1545 = arith.select %eq3A_1544, %convert_element_type3A_1541, %mul3A_1020 : vector<16xi1>, vector<16xi32>
      %add3A_1546 = arith.addi %while3A_1512, %select_n3A_1545 : vector<16xi32>
      %eq3A_1547 = arith.constant 1 : i32
      %eq3A_1548 = vector.broadcast %eq3A_1547 : i32 to vector<16xi32>
      %eq3A_1549 = arith.cmpi eq, %shift_right_logical3A_1537, %eq3A_1548 : vector<16xi32>
      %select_n3A_1550 = arith.select %eq3A_1549, %convert_element_type3A_1541, %mul3A_1020 : vector<16xi1>, vector<16xi32>
      %add3A_1551 = arith.addi %while3A_1513, %select_n3A_1550 : vector<16xi32>
      %eq3A_1552 = arith.constant 2 : i32
      %eq3A_1553 = vector.broadcast %eq3A_1552 : i32 to vector<16xi32>
      %eq3A_1554 = arith.cmpi eq, %shift_right_logical3A_1537, %eq3A_1553 : vector<16xi32>
      %select_n3A_1555 = arith.select %eq3A_1554, %convert_element_type3A_1541, %mul3A_1020 : vector<16xi1>, vector<16xi32>
      %add3A_1556 = arith.addi %while3A_1514, %select_n3A_1555 : vector<16xi32>
      %eq3A_1557 = arith.constant 3 : i32
      %eq3A_1558 = vector.broadcast %eq3A_1557 : i32 to vector<16xi32>
      %eq3A_1559 = arith.cmpi eq, %shift_right_logical3A_1537, %eq3A_1558 : vector<16xi32>
      %select_n3A_1560 = arith.select %eq3A_1559, %convert_element_type3A_1541, %mul3A_1020 : vector<16xi1>, vector<16xi32>
      %add3A_1561 = arith.addi %while3A_1515, %select_n3A_1560 : vector<16xi32>
      %eq3A_1562 = arith.constant 4 : i32
      %eq3A_1563 = vector.broadcast %eq3A_1562 : i32 to vector<16xi32>
      %eq3A_1564 = arith.cmpi eq, %shift_right_logical3A_1537, %eq3A_1563 : vector<16xi32>
      %select_n3A_1565 = arith.select %eq3A_1564, %convert_element_type3A_1541, %mul3A_1020 : vector<16xi1>, vector<16xi32>
      %add3A_1566 = arith.addi %while3A_1516, %select_n3A_1565 : vector<16xi32>
      %eq3A_1567 = arith.constant 5 : i32
      %eq3A_1568 = vector.broadcast %eq3A_1567 : i32 to vector<16xi32>
      %eq3A_1569 = arith.cmpi eq, %shift_right_logical3A_1537, %eq3A_1568 : vector<16xi32>
      %select_n3A_1570 = arith.select %eq3A_1569, %convert_element_type3A_1541, %mul3A_1020 : vector<16xi1>, vector<16xi32>
      %add3A_1571 = arith.addi %while3A_1517, %select_n3A_1570 : vector<16xi32>
      %eq3A_1572 = arith.constant 6 : i32
      %eq3A_1573 = vector.broadcast %eq3A_1572 : i32 to vector<16xi32>
      %eq3A_1574 = arith.cmpi eq, %shift_right_logical3A_1537, %eq3A_1573 : vector<16xi32>
      %select_n3A_1575 = arith.select %eq3A_1574, %convert_element_type3A_1541, %mul3A_1020 : vector<16xi1>, vector<16xi32>
      %add3A_1576 = arith.addi %while3A_1518, %select_n3A_1575 : vector<16xi32>
      %eq3A_1577 = arith.constant 7 : i32
      %eq3A_1578 = vector.broadcast %eq3A_1577 : i32 to vector<16xi32>
      %eq3A_1579 = arith.cmpi eq, %shift_right_logical3A_1537, %eq3A_1578 : vector<16xi32>
      %select_n3A_1580 = arith.select %eq3A_1579, %convert_element_type3A_1541, %mul3A_1020 : vector<16xi1>, vector<16xi32>
      %add3A_1581 = arith.addi %while3A_1519, %select_n3A_1580 : vector<16xi32>
      %eq3A_1582 = arith.constant 8 : i32
      %eq3A_1583 = vector.broadcast %eq3A_1582 : i32 to vector<16xi32>
      %eq3A_1584 = arith.cmpi eq, %shift_right_logical3A_1537, %eq3A_1583 : vector<16xi32>
      %select_n3A_1585 = arith.select %eq3A_1584, %convert_element_type3A_1541, %mul3A_1020 : vector<16xi1>, vector<16xi32>
      %add3A_1586 = arith.addi %while3A_1520, %select_n3A_1585 : vector<16xi32>
      %eq3A_1587 = arith.constant 9 : i32
      %eq3A_1588 = vector.broadcast %eq3A_1587 : i32 to vector<16xi32>
      %eq3A_1589 = arith.cmpi eq, %shift_right_logical3A_1537, %eq3A_1588 : vector<16xi32>
      %select_n3A_1590 = arith.select %eq3A_1589, %convert_element_type3A_1541, %mul3A_1020 : vector<16xi1>, vector<16xi32>
      %add3A_1591 = arith.addi %while3A_1521, %select_n3A_1590 : vector<16xi32>
      %eq3A_1592 = arith.constant 10 : i32
      %eq3A_1593 = vector.broadcast %eq3A_1592 : i32 to vector<16xi32>
      %eq3A_1594 = arith.cmpi eq, %shift_right_logical3A_1537, %eq3A_1593 : vector<16xi32>
      %select_n3A_1595 = arith.select %eq3A_1594, %convert_element_type3A_1541, %mul3A_1020 : vector<16xi1>, vector<16xi32>
      %add3A_1596 = arith.addi %while3A_1522, %select_n3A_1595 : vector<16xi32>
      %eq3A_1597 = arith.constant 11 : i32
      %eq3A_1598 = vector.broadcast %eq3A_1597 : i32 to vector<16xi32>
      %eq3A_1599 = arith.cmpi eq, %shift_right_logical3A_1537, %eq3A_1598 : vector<16xi32>
      %select_n3A_1600 = arith.select %eq3A_1599, %convert_element_type3A_1541, %mul3A_1020 : vector<16xi1>, vector<16xi32>
      %add3A_1601 = arith.addi %while3A_1523, %select_n3A_1600 : vector<16xi32>
      %eq3A_1602 = arith.constant 12 : i32
      %eq3A_1603 = vector.broadcast %eq3A_1602 : i32 to vector<16xi32>
      %eq3A_1604 = arith.cmpi eq, %shift_right_logical3A_1537, %eq3A_1603 : vector<16xi32>
      %select_n3A_1605 = arith.select %eq3A_1604, %convert_element_type3A_1541, %mul3A_1020 : vector<16xi1>, vector<16xi32>
      %add3A_1606 = arith.addi %while3A_1524, %select_n3A_1605 : vector<16xi32>
      %eq3A_1607 = arith.constant 13 : i32
      %eq3A_1608 = vector.broadcast %eq3A_1607 : i32 to vector<16xi32>
      %eq3A_1609 = arith.cmpi eq, %shift_right_logical3A_1537, %eq3A_1608 : vector<16xi32>
      %select_n3A_1610 = arith.select %eq3A_1609, %convert_element_type3A_1541, %mul3A_1020 : vector<16xi1>, vector<16xi32>
      %add3A_1611 = arith.addi %while3A_1525, %select_n3A_1610 : vector<16xi32>
      %eq3A_1612 = arith.constant 14 : i32
      %eq3A_1613 = vector.broadcast %eq3A_1612 : i32 to vector<16xi32>
      %eq3A_1614 = arith.cmpi eq, %shift_right_logical3A_1537, %eq3A_1613 : vector<16xi32>
      %select_n3A_1615 = arith.select %eq3A_1614, %convert_element_type3A_1541, %mul3A_1020 : vector<16xi1>, vector<16xi32>
      %add3A_1616 = arith.addi %while3A_1526, %select_n3A_1615 : vector<16xi32>
      %eq3A_1617 = arith.constant 15 : i32
      %eq3A_1618 = vector.broadcast %eq3A_1617 : i32 to vector<16xi32>
      %eq3A_1619 = arith.cmpi eq, %shift_right_logical3A_1537, %eq3A_1618 : vector<16xi32>
      %select_n3A_1620 = arith.select %eq3A_1619, %convert_element_type3A_1541, %mul3A_1020 : vector<16xi1>, vector<16xi32>
      %add3A_1621 = arith.addi %while3A_1527, %select_n3A_1620 : vector<16xi32>
      scf.yield %add3A_1546, %add3A_1551, %add3A_1556, %add3A_1561, %add3A_1566, %add3A_1571, %add3A_1576, %add3A_1581, %add3A_1586, %add3A_1591, %add3A_1596, %add3A_1601, %add3A_1606, %add3A_1611, %add3A_1616, %add3A_1621 : vector<16xi32>, vector<16xi32>, vector<16xi32>, vector<16xi32>, vector<16xi32>, vector<16xi32>, vector<16xi32>, vector<16xi32>, vector<16xi32>, vector<16xi32>, vector<16xi32>, vector<16xi32>, vector<16xi32>, vector<16xi32>, vector<16xi32>, vector<16xi32>
    }
    %broadcast_in_dim3A_1031 = arith.constant true
    %broadcast_in_dim3A_1032 = vector.broadcast %broadcast_in_dim3A_1031 : i1 to vector<16xi1>
    %masked_cumsum3A_1033 = tpu.scan <sum>, %while3A_1030#0 masked %broadcast_in_dim3A_1032 : vector<16xi32>, vector<16xi1> -> vector<16xi32>
    %add3A_1034 = arith.constant 0 : i32
    %add3A_1035 = vector.broadcast %add3A_1034 : i32 to vector<16xi32>
    %add3A_1036 = arith.addi %add3A_1035, %masked_cumsum3A_1033 : vector<16xi32>
    %sub3A_1037 = arith.subi %add3A_1036, %while3A_1030#0 : vector<16xi32>
    %reduce_sum3A_1038 = arith.constant true
    %reduce_sum3A_1039 = vector.broadcast %reduce_sum3A_1038 : i1 to vector<16xi1>
    %reduce_sum3A_1040 = tpu.scan <sum>, %while3A_1030#0 masked %reduce_sum3A_1039 : vector<16xi32>, vector<16xi1> -> vector<16xi32>
    %reduce_sum3A_1041 = vector.extract %reduce_sum3A_1040[15] : i32 from vector<16xi32>
    %add3A_1042 = arith.constant 0 : i32
    %add3A_1043 = arith.addi %add3A_1042, %reduce_sum3A_1041 : i32
    %broadcast_in_dim3A_1044 = arith.constant true
    %broadcast_in_dim3A_1045 = vector.broadcast %broadcast_in_dim3A_1044 : i1 to vector<16xi1>
    %masked_cumsum3A_1046 = tpu.scan <sum>, %while3A_1030#1 masked %broadcast_in_dim3A_1045 : vector<16xi32>, vector<16xi1> -> vector<16xi32>
    %add3A_1047 = vector.broadcast %add3A_1043 : i32 to vector<16xi32>
    %add3A_1048 = arith.addi %add3A_1047, %masked_cumsum3A_1046 : vector<16xi32>
    %sub3A_1049 = arith.subi %add3A_1048, %while3A_1030#1 : vector<16xi32>
    %reduce_sum3A_1050 = arith.constant true
    %reduce_sum3A_1051 = vector.broadcast %reduce_sum3A_1050 : i1 to vector<16xi1>
    %reduce_sum3A_1052 = tpu.scan <sum>, %while3A_1030#1 masked %reduce_sum3A_1051 : vector<16xi32>, vector<16xi1> -> vector<16xi32>
    %reduce_sum3A_1053 = vector.extract %reduce_sum3A_1052[15] : i32 from vector<16xi32>
    %add3A_1054 = arith.addi %add3A_1043, %reduce_sum3A_1053 : i32
    %broadcast_in_dim3A_1055 = arith.constant true
    %broadcast_in_dim3A_1056 = vector.broadcast %broadcast_in_dim3A_1055 : i1 to vector<16xi1>
    %masked_cumsum3A_1057 = tpu.scan <sum>, %while3A_1030#2 masked %broadcast_in_dim3A_1056 : vector<16xi32>, vector<16xi1> -> vector<16xi32>
    %add3A_1058 = vector.broadcast %add3A_1054 : i32 to vector<16xi32>
    %add3A_1059 = arith.addi %add3A_1058, %masked_cumsum3A_1057 : vector<16xi32>
    %sub3A_1060 = arith.subi %add3A_1059, %while3A_1030#2 : vector<16xi32>
    %reduce_sum3A_1061 = arith.constant true
    %reduce_sum3A_1062 = vector.broadcast %reduce_sum3A_1061 : i1 to vector<16xi1>
    %reduce_sum3A_1063 = tpu.scan <sum>, %while3A_1030#2 masked %reduce_sum3A_1062 : vector<16xi32>, vector<16xi1> -> vector<16xi32>
    %reduce_sum3A_1064 = vector.extract %reduce_sum3A_1063[15] : i32 from vector<16xi32>
    %add3A_1065 = arith.addi %add3A_1054, %reduce_sum3A_1064 : i32
    %broadcast_in_dim3A_1066 = arith.constant true
    %broadcast_in_dim3A_1067 = vector.broadcast %broadcast_in_dim3A_1066 : i1 to vector<16xi1>
    %masked_cumsum3A_1068 = tpu.scan <sum>, %while3A_1030#3 masked %broadcast_in_dim3A_1067 : vector<16xi32>, vector<16xi1> -> vector<16xi32>
    %add3A_1069 = vector.broadcast %add3A_1065 : i32 to vector<16xi32>
    %add3A_1070 = arith.addi %add3A_1069, %masked_cumsum3A_1068 : vector<16xi32>
    %sub3A_1071 = arith.subi %add3A_1070, %while3A_1030#3 : vector<16xi32>
    %reduce_sum3A_1072 = arith.constant true
    %reduce_sum3A_1073 = vector.broadcast %reduce_sum3A_1072 : i1 to vector<16xi1>
    %reduce_sum3A_1074 = tpu.scan <sum>, %while3A_1030#3 masked %reduce_sum3A_1073 : vector<16xi32>, vector<16xi1> -> vector<16xi32>
    %reduce_sum3A_1075 = vector.extract %reduce_sum3A_1074[15] : i32 from vector<16xi32>
    %add3A_1076 = arith.addi %add3A_1065, %reduce_sum3A_1075 : i32
    %broadcast_in_dim3A_1077 = arith.constant true
    %broadcast_in_dim3A_1078 = vector.broadcast %broadcast_in_dim3A_1077 : i1 to vector<16xi1>
    %masked_cumsum3A_1079 = tpu.scan <sum>, %while3A_1030#4 masked %broadcast_in_dim3A_1078 : vector<16xi32>, vector<16xi1> -> vector<16xi32>
    %add3A_1080 = vector.broadcast %add3A_1076 : i32 to vector<16xi32>
    %add3A_1081 = arith.addi %add3A_1080, %masked_cumsum3A_1079 : vector<16xi32>
    %sub3A_1082 = arith.subi %add3A_1081, %while3A_1030#4 : vector<16xi32>
    %reduce_sum3A_1083 = arith.constant true
    %reduce_sum3A_1084 = vector.broadcast %reduce_sum3A_1083 : i1 to vector<16xi1>
    %reduce_sum3A_1085 = tpu.scan <sum>, %while3A_1030#4 masked %reduce_sum3A_1084 : vector<16xi32>, vector<16xi1> -> vector<16xi32>
    %reduce_sum3A_1086 = vector.extract %reduce_sum3A_1085[15] : i32 from vector<16xi32>
    %add3A_1087 = arith.addi %add3A_1076, %reduce_sum3A_1086 : i32
    %broadcast_in_dim3A_1088 = arith.constant true
    %broadcast_in_dim3A_1089 = vector.broadcast %broadcast_in_dim3A_1088 : i1 to vector<16xi1>
    %masked_cumsum3A_1090 = tpu.scan <sum>, %while3A_1030#5 masked %broadcast_in_dim3A_1089 : vector<16xi32>, vector<16xi1> -> vector<16xi32>
    %add3A_1091 = vector.broadcast %add3A_1087 : i32 to vector<16xi32>
    %add3A_1092 = arith.addi %add3A_1091, %masked_cumsum3A_1090 : vector<16xi32>
    %sub3A_1093 = arith.subi %add3A_1092, %while3A_1030#5 : vector<16xi32>
    %reduce_sum3A_1094 = arith.constant true
    %reduce_sum3A_1095 = vector.broadcast %reduce_sum3A_1094 : i1 to vector<16xi1>
    %reduce_sum3A_1096 = tpu.scan <sum>, %while3A_1030#5 masked %reduce_sum3A_1095 : vector<16xi32>, vector<16xi1> -> vector<16xi32>
    %reduce_sum3A_1097 = vector.extract %reduce_sum3A_1096[15] : i32 from vector<16xi32>
    %add3A_1098 = arith.addi %add3A_1087, %reduce_sum3A_1097 : i32
    %broadcast_in_dim3A_1099 = arith.constant true
    %broadcast_in_dim3A_1100 = vector.broadcast %broadcast_in_dim3A_1099 : i1 to vector<16xi1>
    %masked_cumsum3A_1101 = tpu.scan <sum>, %while3A_1030#6 masked %broadcast_in_dim3A_1100 : vector<16xi32>, vector<16xi1> -> vector<16xi32>
    %add3A_1102 = vector.broadcast %add3A_1098 : i32 to vector<16xi32>
    %add3A_1103 = arith.addi %add3A_1102, %masked_cumsum3A_1101 : vector<16xi32>
    %sub3A_1104 = arith.subi %add3A_1103, %while3A_1030#6 : vector<16xi32>
    %reduce_sum3A_1105 = arith.constant true
    %reduce_sum3A_1106 = vector.broadcast %reduce_sum3A_1105 : i1 to vector<16xi1>
    %reduce_sum3A_1107 = tpu.scan <sum>, %while3A_1030#6 masked %reduce_sum3A_1106 : vector<16xi32>, vector<16xi1> -> vector<16xi32>
    %reduce_sum3A_1108 = vector.extract %reduce_sum3A_1107[15] : i32 from vector<16xi32>
    %add3A_1109 = arith.addi %add3A_1098, %reduce_sum3A_1108 : i32
    %broadcast_in_dim3A_1110 = arith.constant true
    %broadcast_in_dim3A_1111 = vector.broadcast %broadcast_in_dim3A_1110 : i1 to vector<16xi1>
    %masked_cumsum3A_1112 = tpu.scan <sum>, %while3A_1030#7 masked %broadcast_in_dim3A_1111 : vector<16xi32>, vector<16xi1> -> vector<16xi32>
    %add3A_1113 = vector.broadcast %add3A_1109 : i32 to vector<16xi32>
    %add3A_1114 = arith.addi %add3A_1113, %masked_cumsum3A_1112 : vector<16xi32>
    %sub3A_1115 = arith.subi %add3A_1114, %while3A_1030#7 : vector<16xi32>
    %reduce_sum3A_1116 = arith.constant true
    %reduce_sum3A_1117 = vector.broadcast %reduce_sum3A_1116 : i1 to vector<16xi1>
    %reduce_sum3A_1118 = tpu.scan <sum>, %while3A_1030#7 masked %reduce_sum3A_1117 : vector<16xi32>, vector<16xi1> -> vector<16xi32>
    %reduce_sum3A_1119 = vector.extract %reduce_sum3A_1118[15] : i32 from vector<16xi32>
    %add3A_1120 = arith.addi %add3A_1109, %reduce_sum3A_1119 : i32
    %broadcast_in_dim3A_1121 = arith.constant true
    %broadcast_in_dim3A_1122 = vector.broadcast %broadcast_in_dim3A_1121 : i1 to vector<16xi1>
    %masked_cumsum3A_1123 = tpu.scan <sum>, %while3A_1030#8 masked %broadcast_in_dim3A_1122 : vector<16xi32>, vector<16xi1> -> vector<16xi32>
    %add3A_1124 = vector.broadcast %add3A_1120 : i32 to vector<16xi32>
    %add3A_1125 = arith.addi %add3A_1124, %masked_cumsum3A_1123 : vector<16xi32>
    %sub3A_1126 = arith.subi %add3A_1125, %while3A_1030#8 : vector<16xi32>
    %reduce_sum3A_1127 = arith.constant true
    %reduce_sum3A_1128 = vector.broadcast %reduce_sum3A_1127 : i1 to vector<16xi1>
    %reduce_sum3A_1129 = tpu.scan <sum>, %while3A_1030#8 masked %reduce_sum3A_1128 : vector<16xi32>, vector<16xi1> -> vector<16xi32>
    %reduce_sum3A_1130 = vector.extract %reduce_sum3A_1129[15] : i32 from vector<16xi32>
    %add3A_1131 = arith.addi %add3A_1120, %reduce_sum3A_1130 : i32
    %broadcast_in_dim3A_1132 = arith.constant true
    %broadcast_in_dim3A_1133 = vector.broadcast %broadcast_in_dim3A_1132 : i1 to vector<16xi1>
    %masked_cumsum3A_1134 = tpu.scan <sum>, %while3A_1030#9 masked %broadcast_in_dim3A_1133 : vector<16xi32>, vector<16xi1> -> vector<16xi32>
    %add3A_1135 = vector.broadcast %add3A_1131 : i32 to vector<16xi32>
    %add3A_1136 = arith.addi %add3A_1135, %masked_cumsum3A_1134 : vector<16xi32>
    %sub3A_1137 = arith.subi %add3A_1136, %while3A_1030#9 : vector<16xi32>
    %reduce_sum3A_1138 = arith.constant true
    %reduce_sum3A_1139 = vector.broadcast %reduce_sum3A_1138 : i1 to vector<16xi1>
    %reduce_sum3A_1140 = tpu.scan <sum>, %while3A_1030#9 masked %reduce_sum3A_1139 : vector<16xi32>, vector<16xi1> -> vector<16xi32>
    %reduce_sum3A_1141 = vector.extract %reduce_sum3A_1140[15] : i32 from vector<16xi32>
    %add3A_1142 = arith.addi %add3A_1131, %reduce_sum3A_1141 : i32
    %broadcast_in_dim3A_1143 = arith.constant true
    %broadcast_in_dim3A_1144 = vector.broadcast %broadcast_in_dim3A_1143 : i1 to vector<16xi1>
    %masked_cumsum3A_1145 = tpu.scan <sum>, %while3A_1030#10 masked %broadcast_in_dim3A_1144 : vector<16xi32>, vector<16xi1> -> vector<16xi32>
    %add3A_1146 = vector.broadcast %add3A_1142 : i32 to vector<16xi32>
    %add3A_1147 = arith.addi %add3A_1146, %masked_cumsum3A_1145 : vector<16xi32>
    %sub3A_1148 = arith.subi %add3A_1147, %while3A_1030#10 : vector<16xi32>
    %reduce_sum3A_1149 = arith.constant true
    %reduce_sum3A_1150 = vector.broadcast %reduce_sum3A_1149 : i1 to vector<16xi1>
    %reduce_sum3A_1151 = tpu.scan <sum>, %while3A_1030#10 masked %reduce_sum3A_1150 : vector<16xi32>, vector<16xi1> -> vector<16xi32>
    %reduce_sum3A_1152 = vector.extract %reduce_sum3A_1151[15] : i32 from vector<16xi32>
    %add3A_1153 = arith.addi %add3A_1142, %reduce_sum3A_1152 : i32
    %broadcast_in_dim3A_1154 = arith.constant true
    %broadcast_in_dim3A_1155 = vector.broadcast %broadcast_in_dim3A_1154 : i1 to vector<16xi1>
    %masked_cumsum3A_1156 = tpu.scan <sum>, %while3A_1030#11 masked %broadcast_in_dim3A_1155 : vector<16xi32>, vector<16xi1> -> vector<16xi32>
    %add3A_1157 = vector.broadcast %add3A_1153 : i32 to vector<16xi32>
    %add3A_1158 = arith.addi %add3A_1157, %masked_cumsum3A_1156 : vector<16xi32>
    %sub3A_1159 = arith.subi %add3A_1158, %while3A_1030#11 : vector<16xi32>
    %reduce_sum3A_1160 = arith.constant true
    %reduce_sum3A_1161 = vector.broadcast %reduce_sum3A_1160 : i1 to vector<16xi1>
    %reduce_sum3A_1162 = tpu.scan <sum>, %while3A_1030#11 masked %reduce_sum3A_1161 : vector<16xi32>, vector<16xi1> -> vector<16xi32>
    %reduce_sum3A_1163 = vector.extract %reduce_sum3A_1162[15] : i32 from vector<16xi32>
    %add3A_1164 = arith.addi %add3A_1153, %reduce_sum3A_1163 : i32
    %broadcast_in_dim3A_1165 = arith.constant true
    %broadcast_in_dim3A_1166 = vector.broadcast %broadcast_in_dim3A_1165 : i1 to vector<16xi1>
    %masked_cumsum3A_1167 = tpu.scan <sum>, %while3A_1030#12 masked %broadcast_in_dim3A_1166 : vector<16xi32>, vector<16xi1> -> vector<16xi32>
    %add3A_1168 = vector.broadcast %add3A_1164 : i32 to vector<16xi32>
    %add3A_1169 = arith.addi %add3A_1168, %masked_cumsum3A_1167 : vector<16xi32>
    %sub3A_1170 = arith.subi %add3A_1169, %while3A_1030#12 : vector<16xi32>
    %reduce_sum3A_1171 = arith.constant true
    %reduce_sum3A_1172 = vector.broadcast %reduce_sum3A_1171 : i1 to vector<16xi1>
    %reduce_sum3A_1173 = tpu.scan <sum>, %while3A_1030#12 masked %reduce_sum3A_1172 : vector<16xi32>, vector<16xi1> -> vector<16xi32>
    %reduce_sum3A_1174 = vector.extract %reduce_sum3A_1173[15] : i32 from vector<16xi32>
    %add3A_1175 = arith.addi %add3A_1164, %reduce_sum3A_1174 : i32
    %broadcast_in_dim3A_1176 = arith.constant true
    %broadcast_in_dim3A_1177 = vector.broadcast %broadcast_in_dim3A_1176 : i1 to vector<16xi1>
    %masked_cumsum3A_1178 = tpu.scan <sum>, %while3A_1030#13 masked %broadcast_in_dim3A_1177 : vector<16xi32>, vector<16xi1> -> vector<16xi32>
    %add3A_1179 = vector.broadcast %add3A_1175 : i32 to vector<16xi32>
    %add3A_1180 = arith.addi %add3A_1179, %masked_cumsum3A_1178 : vector<16xi32>
    %sub3A_1181 = arith.subi %add3A_1180, %while3A_1030#13 : vector<16xi32>
    %reduce_sum3A_1182 = arith.constant true
    %reduce_sum3A_1183 = vector.broadcast %reduce_sum3A_1182 : i1 to vector<16xi1>
    %reduce_sum3A_1184 = tpu.scan <sum>, %while3A_1030#13 masked %reduce_sum3A_1183 : vector<16xi32>, vector<16xi1> -> vector<16xi32>
    %reduce_sum3A_1185 = vector.extract %reduce_sum3A_1184[15] : i32 from vector<16xi32>
    %add3A_1186 = arith.addi %add3A_1175, %reduce_sum3A_1185 : i32
    %broadcast_in_dim3A_1187 = arith.constant true
    %broadcast_in_dim3A_1188 = vector.broadcast %broadcast_in_dim3A_1187 : i1 to vector<16xi1>
    %masked_cumsum3A_1189 = tpu.scan <sum>, %while3A_1030#14 masked %broadcast_in_dim3A_1188 : vector<16xi32>, vector<16xi1> -> vector<16xi32>
    %add3A_1190 = vector.broadcast %add3A_1186 : i32 to vector<16xi32>
    %add3A_1191 = arith.addi %add3A_1190, %masked_cumsum3A_1189 : vector<16xi32>
    %sub3A_1192 = arith.subi %add3A_1191, %while3A_1030#14 : vector<16xi32>
    %reduce_sum3A_1193 = arith.constant true
    %reduce_sum3A_1194 = vector.broadcast %reduce_sum3A_1193 : i1 to vector<16xi1>
    %reduce_sum3A_1195 = tpu.scan <sum>, %while3A_1030#14 masked %reduce_sum3A_1194 : vector<16xi32>, vector<16xi1> -> vector<16xi32>
    %reduce_sum3A_1196 = vector.extract %reduce_sum3A_1195[15] : i32 from vector<16xi32>
    %add3A_1197 = arith.addi %add3A_1186, %reduce_sum3A_1196 : i32
    %broadcast_in_dim3A_1198 = arith.constant true
    %broadcast_in_dim3A_1199 = vector.broadcast %broadcast_in_dim3A_1198 : i1 to vector<16xi1>
    %masked_cumsum3A_1200 = tpu.scan <sum>, %while3A_1030#15 masked %broadcast_in_dim3A_1199 : vector<16xi32>, vector<16xi1> -> vector<16xi32>
    %add3A_1201 = vector.broadcast %add3A_1197 : i32 to vector<16xi32>
    %add3A_1202 = arith.addi %add3A_1201, %masked_cumsum3A_1200 : vector<16xi32>
    %sub3A_1203 = arith.subi %add3A_1202, %while3A_1030#15 : vector<16xi32>
    %reduce_sum3A_1204 = arith.constant true
    %reduce_sum3A_1205 = vector.broadcast %reduce_sum3A_1204 : i1 to vector<16xi1>
    %reduce_sum3A_1206 = tpu.scan <sum>, %while3A_1030#15 masked %reduce_sum3A_1205 : vector<16xi32>, vector<16xi1> -> vector<16xi32>
    %reduce_sum3A_1207 = vector.extract %reduce_sum3A_1206[15] : i32 from vector<16xi32>
    %add3A_1208 = arith.addi %add3A_1197, %reduce_sum3A_1207 : i32
    %swap3A_1209 = arith.constant 0 : index
    %swap3A_1210 = tpu.vector_load %arg18[%swap3A_1209] {strides = array<i32>} : memref<256xi32, #tpu.memory_space<vmem>>, vector<16xi32>,
    tpu.vector_store %arg18[%swap3A_1209], %while3A_1030#0 {strides = array<i32>} : memref<256xi32, #tpu.memory_space<vmem>>, vector<16xi32>,
    %swap3A_1211 = arith.constant 0 : index
    %swap3A_1212 = tpu.vector_load %arg19[%swap3A_1211] {strides = array<i32>} : memref<256xi32, #tpu.memory_space<vmem>>, vector<16xi32>,
    tpu.vector_store %arg19[%swap3A_1211], %sub3A_1037 {strides = array<i32>} : memref<256xi32, #tpu.memory_space<vmem>>, vector<16xi32>,
    %swap3A_1213 = arith.constant 16 : index
    %swap3A_1214 = tpu.vector_load %arg18[%swap3A_1213] {strides = array<i32>} : memref<256xi32, #tpu.memory_space<vmem>>, vector<16xi32>,
    tpu.vector_store %arg18[%swap3A_1213], %while3A_1030#1 {strides = array<i32>} : memref<256xi32, #tpu.memory_space<vmem>>, vector<16xi32>,
    %swap3A_1215 = arith.constant 16 : index
    %swap3A_1216 = tpu.vector_load %arg19[%swap3A_1215] {strides = array<i32>} : memref<256xi32, #tpu.memory_space<vmem>>, vector<16xi32>,
    tpu.vector_store %arg19[%swap3A_1215], %sub3A_1049 {strides = array<i32>} : memref<256xi32, #tpu.memory_space<vmem>>, vector<16xi32>,
    %swap3A_1217 = arith.constant 32 : index
    %swap3A_1218 = tpu.vector_load %arg18[%swap3A_1217] {strides = array<i32>} : memref<256xi32, #tpu.memory_space<vmem>>, vector<16xi32>,
    tpu.vector_store %arg18[%swap3A_1217], %while3A_1030#2 {strides = array<i32>} : memref<256xi32, #tpu.memory_space<vmem>>, vector<16xi32>,
    %swap3A_1219 = arith.constant 32 : index
    %swap3A_1220 = tpu.vector_load %arg19[%swap3A_1219] {strides = array<i32>} : memref<256xi32, #tpu.memory_space<vmem>>, vector<16xi32>,
    tpu.vector_store %arg19[%swap3A_1219], %sub3A_1060 {strides = array<i32>} : memref<256xi32, #tpu.memory_space<vmem>>, vector<16xi32>,
    %swap3A_1221 = arith.constant 48 : index
    %swap3A_1222 = tpu.vector_load %arg18[%swap3A_1221] {strides = array<i32>} : memref<256xi32, #tpu.memory_space<vmem>>, vector<16xi32>,
    tpu.vector_store %arg18[%swap3A_1221], %while3A_1030#3 {strides = array<i32>} : memref<256xi32, #tpu.memory_space<vmem>>, vector<16xi32>,
    %swap3A_1223 = arith.constant 48 : index
    %swap3A_1224 = tpu.vector_load %arg19[%swap3A_1223] {strides = array<i32>} : memref<256xi32, #tpu.memory_space<vmem>>, vector<16xi32>,
    tpu.vector_store %arg19[%swap3A_1223], %sub3A_1071 {strides = array<i32>} : memref<256xi32, #tpu.memory_space<vmem>>, vector<16xi32>,
    %swap3A_1225 = arith.constant 64 : index
    %swap3A_1226 = tpu.vector_load %arg18[%swap3A_1225] {strides = array<i32>} : memref<256xi32, #tpu.memory_space<vmem>>, vector<16xi32>,
    tpu.vector_store %arg18[%swap3A_1225], %while3A_1030#4 {strides = array<i32>} : memref<256xi32, #tpu.memory_space<vmem>>, vector<16xi32>,
    %swap3A_1227 = arith.constant 64 : index
    %swap3A_1228 = tpu.vector_load %arg19[%swap3A_1227] {strides = array<i32>} : memref<256xi32, #tpu.memory_space<vmem>>, vector<16xi32>,
    tpu.vector_store %arg19[%swap3A_1227], %sub3A_1082 {strides = array<i32>} : memref<256xi32, #tpu.memory_space<vmem>>, vector<16xi32>,
    %swap3A_1229 = arith.constant 80 : index
    %swap3A_1230 = tpu.vector_load %arg18[%swap3A_1229] {strides = array<i32>} : memref<256xi32, #tpu.memory_space<vmem>>, vector<16xi32>,
    tpu.vector_store %arg18[%swap3A_1229], %while3A_1030#5 {strides = array<i32>} : memref<256xi32, #tpu.memory_space<vmem>>, vector<16xi32>,
    %swap3A_1231 = arith.constant 80 : index
    %swap3A_1232 = tpu.vector_load %arg19[%swap3A_1231] {strides = array<i32>} : memref<256xi32, #tpu.memory_space<vmem>>, vector<16xi32>,
    tpu.vector_store %arg19[%swap3A_1231], %sub3A_1093 {strides = array<i32>} : memref<256xi32, #tpu.memory_space<vmem>>, vector<16xi32>,
    %swap3A_1233 = arith.constant 96 : index
    %swap3A_1234 = tpu.vector_load %arg18[%swap3A_1233] {strides = array<i32>} : memref<256xi32, #tpu.memory_space<vmem>>, vector<16xi32>,
    tpu.vector_store %arg18[%swap3A_1233], %while3A_1030#6 {strides = array<i32>} : memref<256xi32, #tpu.memory_space<vmem>>, vector<16xi32>,
    %swap3A_1235 = arith.constant 96 : index
    %swap3A_1236 = tpu.vector_load %arg19[%swap3A_1235] {strides = array<i32>} : memref<256xi32, #tpu.memory_space<vmem>>, vector<16xi32>,
    tpu.vector_store %arg19[%swap3A_1235], %sub3A_1104 {strides = array<i32>} : memref<256xi32, #tpu.memory_space<vmem>>, vector<16xi32>,
    %swap3A_1237 = arith.constant 112 : index
    %swap3A_1238 = tpu.vector_load %arg18[%swap3A_1237] {strides = array<i32>} : memref<256xi32, #tpu.memory_space<vmem>>, vector<16xi32>,
    tpu.vector_store %arg18[%swap3A_1237], %while3A_1030#7 {strides = array<i32>} : memref<256xi32, #tpu.memory_space<vmem>>, vector<16xi32>,
    %swap3A_1239 = arith.constant 112 : index
    %swap3A_1240 = tpu.vector_load %arg19[%swap3A_1239] {strides = array<i32>} : memref<256xi32, #tpu.memory_space<vmem>>, vector<16xi32>,
    tpu.vector_store %arg19[%swap3A_1239], %sub3A_1115 {strides = array<i32>} : memref<256xi32, #tpu.memory_space<vmem>>, vector<16xi32>,
    %swap3A_1241 = arith.constant 128 : index
    %swap3A_1242 = tpu.vector_load %arg18[%swap3A_1241] {strides = array<i32>} : memref<256xi32, #tpu.memory_space<vmem>>, vector<16xi32>,
    tpu.vector_store %arg18[%swap3A_1241], %while3A_1030#8 {strides = array<i32>} : memref<256xi32, #tpu.memory_space<vmem>>, vector<16xi32>,
    %swap3A_1243 = arith.constant 128 : index
    %swap3A_1244 = tpu.vector_load %arg19[%swap3A_1243] {strides = array<i32>} : memref<256xi32, #tpu.memory_space<vmem>>, vector<16xi32>,
    tpu.vector_store %arg19[%swap3A_1243], %sub3A_1126 {strides = array<i32>} : memref<256xi32, #tpu.memory_space<vmem>>, vector<16xi32>,
    %swap3A_1245 = arith.constant 144 : index
    %swap3A_1246 = tpu.vector_load %arg18[%swap3A_1245] {strides = array<i32>} : memref<256xi32, #tpu.memory_space<vmem>>, vector<16xi32>,
    tpu.vector_store %arg18[%swap3A_1245], %while3A_1030#9 {strides = array<i32>} : memref<256xi32, #tpu.memory_space<vmem>>, vector<16xi32>,
    %swap3A_1247 = arith.constant 144 : index
    %swap3A_1248 = tpu.vector_load %arg19[%swap3A_1247] {strides = array<i32>} : memref<256xi32, #tpu.memory_space<vmem>>, vector<16xi32>,
    tpu.vector_store %arg19[%swap3A_1247], %sub3A_1137 {strides = array<i32>} : memref<256xi32, #tpu.memory_space<vmem>>, vector<16xi32>,
    %swap3A_1249 = arith.constant 160 : index
    %swap3A_1250 = tpu.vector_load %arg18[%swap3A_1249] {strides = array<i32>} : memref<256xi32, #tpu.memory_space<vmem>>, vector<16xi32>,
    tpu.vector_store %arg18[%swap3A_1249], %while3A_1030#10 {strides = array<i32>} : memref<256xi32, #tpu.memory_space<vmem>>, vector<16xi32>,
    %swap3A_1251 = arith.constant 160 : index
    %swap3A_1252 = tpu.vector_load %arg19[%swap3A_1251] {strides = array<i32>} : memref<256xi32, #tpu.memory_space<vmem>>, vector<16xi32>,
    tpu.vector_store %arg19[%swap3A_1251], %sub3A_1148 {strides = array<i32>} : memref<256xi32, #tpu.memory_space<vmem>>, vector<16xi32>,
    %swap3A_1253 = arith.constant 176 : index
    %swap3A_1254 = tpu.vector_load %arg18[%swap3A_1253] {strides = array<i32>} : memref<256xi32, #tpu.memory_space<vmem>>, vector<16xi32>,
    tpu.vector_store %arg18[%swap3A_1253], %while3A_1030#11 {strides = array<i32>} : memref<256xi32, #tpu.memory_space<vmem>>, vector<16xi32>,
    %swap3A_1255 = arith.constant 176 : index
    %swap3A_1256 = tpu.vector_load %arg19[%swap3A_1255] {strides = array<i32>} : memref<256xi32, #tpu.memory_space<vmem>>, vector<16xi32>,
    tpu.vector_store %arg19[%swap3A_1255], %sub3A_1159 {strides = array<i32>} : memref<256xi32, #tpu.memory_space<vmem>>, vector<16xi32>,
    %swap3A_1257 = arith.constant 192 : index
    %swap3A_1258 = tpu.vector_load %arg18[%swap3A_1257] {strides = array<i32>} : memref<256xi32, #tpu.memory_space<vmem>>, vector<16xi32>,
    tpu.vector_store %arg18[%swap3A_1257], %while3A_1030#12 {strides = array<i32>} : memref<256xi32, #tpu.memory_space<vmem>>, vector<16xi32>,
    %swap3A_1259 = arith.constant 192 : index
    %swap3A_1260 = tpu.vector_load %arg19[%swap3A_1259] {strides = array<i32>} : memref<256xi32, #tpu.memory_space<vmem>>, vector<16xi32>,
    tpu.vector_store %arg19[%swap3A_1259], %sub3A_1170 {strides = array<i32>} : memref<256xi32, #tpu.memory_space<vmem>>, vector<16xi32>,
    %swap3A_1261 = arith.constant 208 : index
    %swap3A_1262 = tpu.vector_load %arg18[%swap3A_1261] {strides = array<i32>} : memref<256xi32, #tpu.memory_space<vmem>>, vector<16xi32>,
    tpu.vector_store %arg18[%swap3A_1261], %while3A_1030#13 {strides = array<i32>} : memref<256xi32, #tpu.memory_space<vmem>>, vector<16xi32>,
    %swap3A_1263 = arith.constant 208 : index
    %swap3A_1264 = tpu.vector_load %arg19[%swap3A_1263] {strides = array<i32>} : memref<256xi32, #tpu.memory_space<vmem>>, vector<16xi32>,
    tpu.vector_store %arg19[%swap3A_1263], %sub3A_1181 {strides = array<i32>} : memref<256xi32, #tpu.memory_space<vmem>>, vector<16xi32>,
    %swap3A_1265 = arith.constant 224 : index
    %swap3A_1266 = tpu.vector_load %arg18[%swap3A_1265] {strides = array<i32>} : memref<256xi32, #tpu.memory_space<vmem>>, vector<16xi32>,
    tpu.vector_store %arg18[%swap3A_1265], %while3A_1030#14 {strides = array<i32>} : memref<256xi32, #tpu.memory_space<vmem>>, vector<16xi32>,
    %swap3A_1267 = arith.constant 224 : index
    %swap3A_1268 = tpu.vector_load %arg19[%swap3A_1267] {strides = array<i32>} : memref<256xi32, #tpu.memory_space<vmem>>, vector<16xi32>,
    tpu.vector_store %arg19[%swap3A_1267], %sub3A_1192 {strides = array<i32>} : memref<256xi32, #tpu.memory_space<vmem>>, vector<16xi32>,
    %swap3A_1269 = arith.constant 240 : index
    %swap3A_1270 = tpu.vector_load %arg18[%swap3A_1269] {strides = array<i32>} : memref<256xi32, #tpu.memory_space<vmem>>, vector<16xi32>,
    tpu.vector_store %arg18[%swap3A_1269], %while3A_1030#15 {strides = array<i32>} : memref<256xi32, #tpu.memory_space<vmem>>, vector<16xi32>,
    %swap3A_1271 = arith.constant 240 : index
    %swap3A_1272 = tpu.vector_load %arg19[%swap3A_1271] {strides = array<i32>} : memref<256xi32, #tpu.memory_space<vmem>>, vector<16xi32>,
    tpu.vector_store %arg19[%swap3A_1271], %sub3A_1203 {strides = array<i32>} : memref<256xi32, #tpu.memory_space<vmem>>, vector<16xi32>,
    %while3A_1273 = arith.constant 0 : i32
    %while3A_1274 = arith.subi %scan3A_684, %while3A_1273 : i32
    %while3A_1275 = arith.addi %while3A_1273, %while3A_1274 : i32
    %while3A_1276 = arith.constant 1 : i32
    %while3A_1277 = arith.divsi %while3A_1274, %while3A_1276 : i32
    %while3A_1278 = arith.muli %while3A_1277, %while3A_1276 : i32
    %while3A_1279 = arith.addi %while3A_1273, %while3A_1278 : i32
    %while3A_1280 = arith.constant 1 : i32
    %while3A_1281:16 = scf.for %while3A_1511 = %while3A_1273 to %while3A_1279 step %while3A_1280 iter_args(%while3A_1512 = %sub3A_1037, %while3A_1513 = %sub3A_1049, %while3A_1514 = %sub3A_1060, %while3A_1515 = %sub3A_1071, %while3A_1516 = %sub3A_1082, %while3A_1517 = %sub3A_1093, %while3A_1518 = %sub3A_1104, %while3A_1519 = %sub3A_1115, %while3A_1520 = %sub3A_1126, %while3A_1521 = %sub3A_1137, %while3A_1522 = %sub3A_1148, %while3A_1523 = %sub3A_1159, %while3A_1524 = %sub3A_1170, %while3A_1525 = %sub3A_1181, %while3A_1526 = %sub3A_1192, %while3A_1527 = %sub3A_1203) -> (vector<16xi32>, vector<16xi32>, vector<16xi32>, vector<16xi32>, vector<16xi32>, vector<16xi32>, vector<16xi32>, vector<16xi32>, vector<16xi32>, vector<16xi32>, vector<16xi32>, vector<16xi32>, vector<16xi32>, vector<16xi32>, vector<16xi32>, vector<16xi32>)  : i32 {
      %add3A_1528 = vector.broadcast %while3A_1511 : i32 to vector<16xi32>
      %add3A_1529 = arith.addi %mul3A_1020, %add3A_1528 : vector<16xi32>
      %gather3A_1530 = tpu.vector_load_idx %arg7[%add3A_1529] : memref<640xi32, #tpu.memory_space<vmem>>[vector<16xi32>], vector<16xi32>,
      %add3A_1531 = vector.broadcast %while3A_1511 : i32 to vector<16xi32>
      %add3A_1532 = arith.addi %mul3A_1020, %add3A_1531 : vector<16xi32>
      %gather3A_1533 = tpu.vector_load_idx %arg8[%add3A_1532] : memref<640xi32, #tpu.memory_space<vmem>>[vector<16xi32>], vector<16xi32>,
      %shift_right_logical3A = arith.constant 7 : i32
      %shift_right_logical3A_1534 = vector.broadcast %shift_right_logical3A : i32 to vector<16xi32>
      %shift_right_logical3A_1535 = arith.shrui %gather3A_1530, %shift_right_logical3A_1534 : vector<16xi32>
      %sub3A_1536 = vector.broadcast %mul3A_2 : i32 to vector<16xi32>
      %sub3A_1537 = arith.subi %shift_right_logical3A_1535, %sub3A_1536 : vector<16xi32>
      %shift_right_logical3A_1538 = arith.constant 4 : i32
      %shift_right_logical3A_1539 = vector.broadcast %shift_right_logical3A_1538 : i32 to vector<16xi32>
      %shift_right_logical3A_1540 = arith.shrui %sub3A_1537, %shift_right_logical3A_1539 : vector<16xi32>
      %and3A = arith.constant 15 : i32
      %and3A_1541 = vector.broadcast %and3A : i32 to vector<16xi32>
      %and3A_1542 = arith.andi %sub3A_1537, %and3A_1541 : vector<16xi32>
      %eq3A_1543 = arith.cmpi eq, %iota3A, %and3A_1542 : vector<16xi32>
      %convert_element_type3A_1544 = arith.extui %eq3A_1543 : vector<16xi1> to vector<16xi32>
      %eq3A_1545 = arith.constant 0 : i32
      %eq3A_1546 = vector.broadcast %eq3A_1545 : i32 to vector<16xi32>
      %eq3A_1547 = arith.cmpi eq, %shift_right_logical3A_1540, %eq3A_1546 : vector<16xi32>
      %select_n3A_1548 = arith.select %eq3A_1547, %while3A_1512, %mul3A_1020 : vector<16xi1>, vector<16xi32>
      %add3A_1549 = arith.addi %mul3A_1020, %select_n3A_1548 : vector<16xi32>
      %eq3A_1550 = arith.constant 1 : i32
      %eq3A_1551 = vector.broadcast %eq3A_1550 : i32 to vector<16xi32>
      %eq3A_1552 = arith.cmpi eq, %shift_right_logical3A_1540, %eq3A_1551 : vector<16xi32>
      %select_n3A_1553 = arith.select %eq3A_1552, %while3A_1513, %mul3A_1020 : vector<16xi1>, vector<16xi32>
      %add3A_1554 = arith.addi %add3A_1549, %select_n3A_1553 : vector<16xi32>
      %eq3A_1555 = arith.constant 2 : i32
      %eq3A_1556 = vector.broadcast %eq3A_1555 : i32 to vector<16xi32>
      %eq3A_1557 = arith.cmpi eq, %shift_right_logical3A_1540, %eq3A_1556 : vector<16xi32>
      %select_n3A_1558 = arith.select %eq3A_1557, %while3A_1514, %mul3A_1020 : vector<16xi1>, vector<16xi32>
      %add3A_1559 = arith.addi %add3A_1554, %select_n3A_1558 : vector<16xi32>
      %eq3A_1560 = arith.constant 3 : i32
      %eq3A_1561 = vector.broadcast %eq3A_1560 : i32 to vector<16xi32>
      %eq3A_1562 = arith.cmpi eq, %shift_right_logical3A_1540, %eq3A_1561 : vector<16xi32>
      %select_n3A_1563 = arith.select %eq3A_1562, %while3A_1515, %mul3A_1020 : vector<16xi1>, vector<16xi32>
      %add3A_1564 = arith.addi %add3A_1559, %select_n3A_1563 : vector<16xi32>
      %eq3A_1565 = arith.constant 4 : i32
      %eq3A_1566 = vector.broadcast %eq3A_1565 : i32 to vector<16xi32>
      %eq3A_1567 = arith.cmpi eq, %shift_right_logical3A_1540, %eq3A_1566 : vector<16xi32>
      %select_n3A_1568 = arith.select %eq3A_1567, %while3A_1516, %mul3A_1020 : vector<16xi1>, vector<16xi32>
      %add3A_1569 = arith.addi %add3A_1564, %select_n3A_1568 : vector<16xi32>
      %eq3A_1570 = arith.constant 5 : i32
      %eq3A_1571 = vector.broadcast %eq3A_1570 : i32 to vector<16xi32>
      %eq3A_1572 = arith.cmpi eq, %shift_right_logical3A_1540, %eq3A_1571 : vector<16xi32>
      %select_n3A_1573 = arith.select %eq3A_1572, %while3A_1517, %mul3A_1020 : vector<16xi1>, vector<16xi32>
      %add3A_1574 = arith.addi %add3A_1569, %select_n3A_1573 : vector<16xi32>
      %eq3A_1575 = arith.constant 6 : i32
      %eq3A_1576 = vector.broadcast %eq3A_1575 : i32 to vector<16xi32>
      %eq3A_1577 = arith.cmpi eq, %shift_right_logical3A_1540, %eq3A_1576 : vector<16xi32>
      %select_n3A_1578 = arith.select %eq3A_1577, %while3A_1518, %mul3A_1020 : vector<16xi1>, vector<16xi32>
      %add3A_1579 = arith.addi %add3A_1574, %select_n3A_1578 : vector<16xi32>
      %eq3A_1580 = arith.constant 7 : i32
      %eq3A_1581 = vector.broadcast %eq3A_1580 : i32 to vector<16xi32>
      %eq3A_1582 = arith.cmpi eq, %shift_right_logical3A_1540, %eq3A_1581 : vector<16xi32>
      %select_n3A_1583 = arith.select %eq3A_1582, %while3A_1519, %mul3A_1020 : vector<16xi1>, vector<16xi32>
      %add3A_1584 = arith.addi %add3A_1579, %select_n3A_1583 : vector<16xi32>
      %eq3A_1585 = arith.constant 8 : i32
      %eq3A_1586 = vector.broadcast %eq3A_1585 : i32 to vector<16xi32>
      %eq3A_1587 = arith.cmpi eq, %shift_right_logical3A_1540, %eq3A_1586 : vector<16xi32>
      %select_n3A_1588 = arith.select %eq3A_1587, %while3A_1520, %mul3A_1020 : vector<16xi1>, vector<16xi32>
      %add3A_1589 = arith.addi %add3A_1584, %select_n3A_1588 : vector<16xi32>
      %eq3A_1590 = arith.constant 9 : i32
      %eq3A_1591 = vector.broadcast %eq3A_1590 : i32 to vector<16xi32>
      %eq3A_1592 = arith.cmpi eq, %shift_right_logical3A_1540, %eq3A_1591 : vector<16xi32>
      %select_n3A_1593 = arith.select %eq3A_1592, %while3A_1521, %mul3A_1020 : vector<16xi1>, vector<16xi32>
      %add3A_1594 = arith.addi %add3A_1589, %select_n3A_1593 : vector<16xi32>
      %eq3A_1595 = arith.constant 10 : i32
      %eq3A_1596 = vector.broadcast %eq3A_1595 : i32 to vector<16xi32>
      %eq3A_1597 = arith.cmpi eq, %shift_right_logical3A_1540, %eq3A_1596 : vector<16xi32>
      %select_n3A_1598 = arith.select %eq3A_1597, %while3A_1522, %mul3A_1020 : vector<16xi1>, vector<16xi32>
      %add3A_1599 = arith.addi %add3A_1594, %select_n3A_1598 : vector<16xi32>
      %eq3A_1600 = arith.constant 11 : i32
      %eq3A_1601 = vector.broadcast %eq3A_1600 : i32 to vector<16xi32>
      %eq3A_1602 = arith.cmpi eq, %shift_right_logical3A_1540, %eq3A_1601 : vector<16xi32>
      %select_n3A_1603 = arith.select %eq3A_1602, %while3A_1523, %mul3A_1020 : vector<16xi1>, vector<16xi32>
      %add3A_1604 = arith.addi %add3A_1599, %select_n3A_1603 : vector<16xi32>
      %eq3A_1605 = arith.constant 12 : i32
      %eq3A_1606 = vector.broadcast %eq3A_1605 : i32 to vector<16xi32>
      %eq3A_1607 = arith.cmpi eq, %shift_right_logical3A_1540, %eq3A_1606 : vector<16xi32>
      %select_n3A_1608 = arith.select %eq3A_1607, %while3A_1524, %mul3A_1020 : vector<16xi1>, vector<16xi32>
      %add3A_1609 = arith.addi %add3A_1604, %select_n3A_1608 : vector<16xi32>
      %eq3A_1610 = arith.constant 13 : i32
      %eq3A_1611 = vector.broadcast %eq3A_1610 : i32 to vector<16xi32>
      %eq3A_1612 = arith.cmpi eq, %shift_right_logical3A_1540, %eq3A_1611 : vector<16xi32>
      %select_n3A_1613 = arith.select %eq3A_1612, %while3A_1525, %mul3A_1020 : vector<16xi1>, vector<16xi32>
      %add3A_1614 = arith.addi %add3A_1609, %select_n3A_1613 : vector<16xi32>
      %eq3A_1615 = arith.constant 14 : i32
      %eq3A_1616 = vector.broadcast %eq3A_1615 : i32 to vector<16xi32>
      %eq3A_1617 = arith.cmpi eq, %shift_right_logical3A_1540, %eq3A_1616 : vector<16xi32>
      %select_n3A_1618 = arith.select %eq3A_1617, %while3A_1526, %mul3A_1020 : vector<16xi1>, vector<16xi32>
      %add3A_1619 = arith.addi %add3A_1614, %select_n3A_1618 : vector<16xi32>
      %eq3A_1620 = arith.constant 15 : i32
      %eq3A_1621 = vector.broadcast %eq3A_1620 : i32 to vector<16xi32>
      %eq3A_1622 = arith.cmpi eq, %shift_right_logical3A_1540, %eq3A_1621 : vector<16xi32>
      %select_n3A_1623 = arith.select %eq3A_1622, %while3A_1527, %mul3A_1020 : vector<16xi1>, vector<16xi32>
      %add3A_1624 = arith.addi %add3A_1619, %select_n3A_1623 : vector<16xi32>
      %mul3A_1625 = arith.muli %add3A_1624, %convert_element_type3A_1544 : vector<16xi32>
      %reduce_sum3A_1626 = arith.constant true
      %reduce_sum3A_1627 = vector.broadcast %reduce_sum3A_1626 : i1 to vector<16xi1>
      %reduce_sum3A_1628 = tpu.scan <sum>, %mul3A_1625 masked %reduce_sum3A_1627 : vector<16xi32>, vector<16xi1> -> vector<16xi32>
      %reduce_sum3A_1629 = vector.extract %reduce_sum3A_1628[15] : i32 from vector<16xi32>
      %add3A_1630 = vector.broadcast %reduce_sum3A_1629 : i32 to vector<16xi32>
      %add3A_1631 = arith.addi %mul3A_1020, %add3A_1630 : vector<16xi32>
      %eq3A_1632 = arith.constant 0 : i32
      %eq3A_1633 = vector.broadcast %eq3A_1632 : i32 to vector<16xi32>
      %eq3A_1634 = arith.cmpi eq, %iota3A, %eq3A_1633 : vector<16xi32>
      %and3A_1635 = arith.constant 127 : i32
      %and3A_1636 = vector.broadcast %and3A_1635 : i32 to vector<16xi32>
      %and3A_1637 = arith.andi %gather3A_1530, %and3A_1636 : vector<16xi32>
      tpu.vector_store_idx %arg9[%add3A_1631], %and3A_1637 masked %eq3A_1634 : memref<640xi32, #tpu.memory_space<vmem>>[vector<16xi32>], vector<16xi32>, vector<16xi1>
      %shift_right_logical3A_1638 = arith.constant 7 : i32
      %shift_right_logical3A_1639 = vector.broadcast %shift_right_logical3A_1638 : i32 to vector<16xi32>
      %shift_right_logical3A_1640 = arith.shrui %add3A_1631, %shift_right_logical3A_1639 : vector<16xi32>
      %and3A_1641 = arith.constant 127 : i32
      %and3A_1642 = vector.broadcast %and3A_1641 : i32 to vector<16xi32>
      %and3A_1643 = arith.andi %add3A_1631, %and3A_1642 : vector<16xi32>
      tpu.vector_store_idx %arg10[%shift_right_logical3A_1640, %and3A_1643], %gather3A_1533 masked %eq3A_1634 : memref<5x128xi32, #tpu.memory_space<vmem>>[vector<16xi32>, vector<16xi32>], vector<16xi32>, vector<16xi1>
      %eq3A_1644 = arith.constant 0 : i32
      %eq3A_1645 = vector.broadcast %eq3A_1644 : i32 to vector<16xi32>
      %eq3A_1646 = arith.cmpi eq, %shift_right_logical3A_1540, %eq3A_1645 : vector<16xi32>
      %select_n3A_1647 = arith.select %eq3A_1646, %convert_element_type3A_1544, %mul3A_1020 : vector<16xi1>, vector<16xi32>
      %add3A_1648 = arith.addi %while3A_1512, %select_n3A_1647 : vector<16xi32>
      %eq3A_1649 = arith.constant 1 : i32
      %eq3A_1650 = vector.broadcast %eq3A_1649 : i32 to vector<16xi32>
      %eq3A_1651 = arith.cmpi eq, %shift_right_logical3A_1540, %eq3A_1650 : vector<16xi32>
      %select_n3A_1652 = arith.select %eq3A_1651, %convert_element_type3A_1544, %mul3A_1020 : vector<16xi1>, vector<16xi32>
      %add3A_1653 = arith.addi %while3A_1513, %select_n3A_1652 : vector<16xi32>
      %eq3A_1654 = arith.constant 2 : i32
      %eq3A_1655 = vector.broadcast %eq3A_1654 : i32 to vector<16xi32>
      %eq3A_1656 = arith.cmpi eq, %shift_right_logical3A_1540, %eq3A_1655 : vector<16xi32>
      %select_n3A_1657 = arith.select %eq3A_1656, %convert_element_type3A_1544, %mul3A_1020 : vector<16xi1>, vector<16xi32>
      %add3A_1658 = arith.addi %while3A_1514, %select_n3A_1657 : vector<16xi32>
      %eq3A_1659 = arith.constant 3 : i32
      %eq3A_1660 = vector.broadcast %eq3A_1659 : i32 to vector<16xi32>
      %eq3A_1661 = arith.cmpi eq, %shift_right_logical3A_1540, %eq3A_1660 : vector<16xi32>
      %select_n3A_1662 = arith.select %eq3A_1661, %convert_element_type3A_1544, %mul3A_1020 : vector<16xi1>, vector<16xi32>
      %add3A_1663 = arith.addi %while3A_1515, %select_n3A_1662 : vector<16xi32>
      %eq3A_1664 = arith.constant 4 : i32
      %eq3A_1665 = vector.broadcast %eq3A_1664 : i32 to vector<16xi32>
      %eq3A_1666 = arith.cmpi eq, %shift_right_logical3A_1540, %eq3A_1665 : vector<16xi32>
      %select_n3A_1667 = arith.select %eq3A_1666, %convert_element_type3A_1544, %mul3A_1020 : vector<16xi1>, vector<16xi32>
      %add3A_1668 = arith.addi %while3A_1516, %select_n3A_1667 : vector<16xi32>
      %eq3A_1669 = arith.constant 5 : i32
      %eq3A_1670 = vector.broadcast %eq3A_1669 : i32 to vector<16xi32>
      %eq3A_1671 = arith.cmpi eq, %shift_right_logical3A_1540, %eq3A_1670 : vector<16xi32>
      %select_n3A_1672 = arith.select %eq3A_1671, %convert_element_type3A_1544, %mul3A_1020 : vector<16xi1>, vector<16xi32>
      %add3A_1673 = arith.addi %while3A_1517, %select_n3A_1672 : vector<16xi32>
      %eq3A_1674 = arith.constant 6 : i32
      %eq3A_1675 = vector.broadcast %eq3A_1674 : i32 to vector<16xi32>
      %eq3A_1676 = arith.cmpi eq, %shift_right_logical3A_1540, %eq3A_1675 : vector<16xi32>
      %select_n3A_1677 = arith.select %eq3A_1676, %convert_element_type3A_1544, %mul3A_1020 : vector<16xi1>, vector<16xi32>
      %add3A_1678 = arith.addi %while3A_1518, %select_n3A_1677 : vector<16xi32>
      %eq3A_1679 = arith.constant 7 : i32
      %eq3A_1680 = vector.broadcast %eq3A_1679 : i32 to vector<16xi32>
      %eq3A_1681 = arith.cmpi eq, %shift_right_logical3A_1540, %eq3A_1680 : vector<16xi32>
      %select_n3A_1682 = arith.select %eq3A_1681, %convert_element_type3A_1544, %mul3A_1020 : vector<16xi1>, vector<16xi32>
      %add3A_1683 = arith.addi %while3A_1519, %select_n3A_1682 : vector<16xi32>
      %eq3A_1684 = arith.constant 8 : i32
      %eq3A_1685 = vector.broadcast %eq3A_1684 : i32 to vector<16xi32>
      %eq3A_1686 = arith.cmpi eq, %shift_right_logical3A_1540, %eq3A_1685 : vector<16xi32>
      %select_n3A_1687 = arith.select %eq3A_1686, %convert_element_type3A_1544, %mul3A_1020 : vector<16xi1>, vector<16xi32>
      %add3A_1688 = arith.addi %while3A_1520, %select_n3A_1687 : vector<16xi32>
      %eq3A_1689 = arith.constant 9 : i32
      %eq3A_1690 = vector.broadcast %eq3A_1689 : i32 to vector<16xi32>
      %eq3A_1691 = arith.cmpi eq, %shift_right_logical3A_1540, %eq3A_1690 : vector<16xi32>
      %select_n3A_1692 = arith.select %eq3A_1691, %convert_element_type3A_1544, %mul3A_1020 : vector<16xi1>, vector<16xi32>
      %add3A_1693 = arith.addi %while3A_1521, %select_n3A_1692 : vector<16xi32>
      %eq3A_1694 = arith.constant 10 : i32
      %eq3A_1695 = vector.broadcast %eq3A_1694 : i32 to vector<16xi32>
      %eq3A_1696 = arith.cmpi eq, %shift_right_logical3A_1540, %eq3A_1695 : vector<16xi32>
      %select_n3A_1697 = arith.select %eq3A_1696, %convert_element_type3A_1544, %mul3A_1020 : vector<16xi1>, vector<16xi32>
      %add3A_1698 = arith.addi %while3A_1522, %select_n3A_1697 : vector<16xi32>
      %eq3A_1699 = arith.constant 11 : i32
      %eq3A_1700 = vector.broadcast %eq3A_1699 : i32 to vector<16xi32>
      %eq3A_1701 = arith.cmpi eq, %shift_right_logical3A_1540, %eq3A_1700 : vector<16xi32>
      %select_n3A_1702 = arith.select %eq3A_1701, %convert_element_type3A_1544, %mul3A_1020 : vector<16xi1>, vector<16xi32>
      %add3A_1703 = arith.addi %while3A_1523, %select_n3A_1702 : vector<16xi32>
      %eq3A_1704 = arith.constant 12 : i32
      %eq3A_1705 = vector.broadcast %eq3A_1704 : i32 to vector<16xi32>
      %eq3A_1706 = arith.cmpi eq, %shift_right_logical3A_1540, %eq3A_1705 : vector<16xi32>
      %select_n3A_1707 = arith.select %eq3A_1706, %convert_element_type3A_1544, %mul3A_1020 : vector<16xi1>, vector<16xi32>
      %add3A_1708 = arith.addi %while3A_1524, %select_n3A_1707 : vector<16xi32>
      %eq3A_1709 = arith.constant 13 : i32
      %eq3A_1710 = vector.broadcast %eq3A_1709 : i32 to vector<16xi32>
      %eq3A_1711 = arith.cmpi eq, %shift_right_logical3A_1540, %eq3A_1710 : vector<16xi32>
      %select_n3A_1712 = arith.select %eq3A_1711, %convert_element_type3A_1544, %mul3A_1020 : vector<16xi1>, vector<16xi32>
      %add3A_1713 = arith.addi %while3A_1525, %select_n3A_1712 : vector<16xi32>
      %eq3A_1714 = arith.constant 14 : i32
      %eq3A_1715 = vector.broadcast %eq3A_1714 : i32 to vector<16xi32>
      %eq3A_1716 = arith.cmpi eq, %shift_right_logical3A_1540, %eq3A_1715 : vector<16xi32>
      %select_n3A_1717 = arith.select %eq3A_1716, %convert_element_type3A_1544, %mul3A_1020 : vector<16xi1>, vector<16xi32>
      %add3A_1718 = arith.addi %while3A_1526, %select_n3A_1717 : vector<16xi32>
      %eq3A_1719 = arith.constant 15 : i32
      %eq3A_1720 = vector.broadcast %eq3A_1719 : i32 to vector<16xi32>
      %eq3A_1721 = arith.cmpi eq, %shift_right_logical3A_1540, %eq3A_1720 : vector<16xi32>
      %select_n3A_1722 = arith.select %eq3A_1721, %convert_element_type3A_1544, %mul3A_1020 : vector<16xi1>, vector<16xi32>
      %add3A_1723 = arith.addi %while3A_1527, %select_n3A_1722 : vector<16xi32>
      scf.yield %add3A_1648, %add3A_1653, %add3A_1658, %add3A_1663, %add3A_1668, %add3A_1673, %add3A_1678, %add3A_1683, %add3A_1688, %add3A_1693, %add3A_1698, %add3A_1703, %add3A_1708, %add3A_1713, %add3A_1718, %add3A_1723 : vector<16xi32>, vector<16xi32>, vector<16xi32>, vector<16xi32>, vector<16xi32>, vector<16xi32>, vector<16xi32>, vector<16xi32>, vector<16xi32>, vector<16xi32>, vector<16xi32>, vector<16xi32>, vector<16xi32>, vector<16xi32>, vector<16xi32>, vector<16xi32>
    }
    %while3A_1282 = arith.constant 1 : i32
    %while3A_1283:16 = scf.for %while3A_1511 = %while3A_1279 to %while3A_1275 step %while3A_1282 iter_args(%while3A_1512 = %while3A_1281#0, %while3A_1513 = %while3A_1281#1, %while3A_1514 = %while3A_1281#2, %while3A_1515 = %while3A_1281#3, %while3A_1516 = %while3A_1281#4, %while3A_1517 = %while3A_1281#5, %while3A_1518 = %while3A_1281#6, %while3A_1519 = %while3A_1281#7, %while3A_1520 = %while3A_1281#8, %while3A_1521 = %while3A_1281#9, %while3A_1522 = %while3A_1281#10, %while3A_1523 = %while3A_1281#11, %while3A_1524 = %while3A_1281#12, %while3A_1525 = %while3A_1281#13, %while3A_1526 = %while3A_1281#14, %while3A_1527 = %while3A_1281#15) -> (vector<16xi32>, vector<16xi32>, vector<16xi32>, vector<16xi32>, vector<16xi32>, vector<16xi32>, vector<16xi32>, vector<16xi32>, vector<16xi32>, vector<16xi32>, vector<16xi32>, vector<16xi32>, vector<16xi32>, vector<16xi32>, vector<16xi32>, vector<16xi32>)  : i32 {
      %add3A_1528 = vector.broadcast %while3A_1511 : i32 to vector<16xi32>
      %add3A_1529 = arith.addi %mul3A_1020, %add3A_1528 : vector<16xi32>
      %gather3A_1530 = tpu.vector_load_idx %arg7[%add3A_1529] : memref<640xi32, #tpu.memory_space<vmem>>[vector<16xi32>], vector<16xi32>,
      %add3A_1531 = vector.broadcast %while3A_1511 : i32 to vector<16xi32>
      %add3A_1532 = arith.addi %mul3A_1020, %add3A_1531 : vector<16xi32>
      %gather3A_1533 = tpu.vector_load_idx %arg8[%add3A_1532] : memref<640xi32, #tpu.memory_space<vmem>>[vector<16xi32>], vector<16xi32>,
      %shift_right_logical3A = arith.constant 7 : i32
      %shift_right_logical3A_1534 = vector.broadcast %shift_right_logical3A : i32 to vector<16xi32>
      %shift_right_logical3A_1535 = arith.shrui %gather3A_1530, %shift_right_logical3A_1534 : vector<16xi32>
      %sub3A_1536 = vector.broadcast %mul3A_2 : i32 to vector<16xi32>
      %sub3A_1537 = arith.subi %shift_right_logical3A_1535, %sub3A_1536 : vector<16xi32>
      %shift_right_logical3A_1538 = arith.constant 4 : i32
      %shift_right_logical3A_1539 = vector.broadcast %shift_right_logical3A_1538 : i32 to vector<16xi32>
      %shift_right_logical3A_1540 = arith.shrui %sub3A_1537, %shift_right_logical3A_1539 : vector<16xi32>
      %and3A = arith.constant 15 : i32
      %and3A_1541 = vector.broadcast %and3A : i32 to vector<16xi32>
      %and3A_1542 = arith.andi %sub3A_1537, %and3A_1541 : vector<16xi32>
      %eq3A_1543 = arith.cmpi eq, %iota3A, %and3A_1542 : vector<16xi32>
      %convert_element_type3A_1544 = arith.extui %eq3A_1543 : vector<16xi1> to vector<16xi32>
      %eq3A_1545 = arith.constant 0 : i32
      %eq3A_1546 = vector.broadcast %eq3A_1545 : i32 to vector<16xi32>
      %eq3A_1547 = arith.cmpi eq, %shift_right_logical3A_1540, %eq3A_1546 : vector<16xi32>
      %select_n3A_1548 = arith.select %eq3A_1547, %while3A_1512, %mul3A_1020 : vector<16xi1>, vector<16xi32>
      %add3A_1549 = arith.addi %mul3A_1020, %select_n3A_1548 : vector<16xi32>
      %eq3A_1550 = arith.constant 1 : i32
      %eq3A_1551 = vector.broadcast %eq3A_1550 : i32 to vector<16xi32>
      %eq3A_1552 = arith.cmpi eq, %shift_right_logical3A_1540, %eq3A_1551 : vector<16xi32>
      %select_n3A_1553 = arith.select %eq3A_1552, %while3A_1513, %mul3A_1020 : vector<16xi1>, vector<16xi32>
      %add3A_1554 = arith.addi %add3A_1549, %select_n3A_1553 : vector<16xi32>
      %eq3A_1555 = arith.constant 2 : i32
      %eq3A_1556 = vector.broadcast %eq3A_1555 : i32 to vector<16xi32>
      %eq3A_1557 = arith.cmpi eq, %shift_right_logical3A_1540, %eq3A_1556 : vector<16xi32>
      %select_n3A_1558 = arith.select %eq3A_1557, %while3A_1514, %mul3A_1020 : vector<16xi1>, vector<16xi32>
      %add3A_1559 = arith.addi %add3A_1554, %select_n3A_1558 : vector<16xi32>
      %eq3A_1560 = arith.constant 3 : i32
      %eq3A_1561 = vector.broadcast %eq3A_1560 : i32 to vector<16xi32>
      %eq3A_1562 = arith.cmpi eq, %shift_right_logical3A_1540, %eq3A_1561 : vector<16xi32>
      %select_n3A_1563 = arith.select %eq3A_1562, %while3A_1515, %mul3A_1020 : vector<16xi1>, vector<16xi32>
      %add3A_1564 = arith.addi %add3A_1559, %select_n3A_1563 : vector<16xi32>
      %eq3A_1565 = arith.constant 4 : i32
      %eq3A_1566 = vector.broadcast %eq3A_1565 : i32 to vector<16xi32>
      %eq3A_1567 = arith.cmpi eq, %shift_right_logical3A_1540, %eq3A_1566 : vector<16xi32>
      %select_n3A_1568 = arith.select %eq3A_1567, %while3A_1516, %mul3A_1020 : vector<16xi1>, vector<16xi32>
      %add3A_1569 = arith.addi %add3A_1564, %select_n3A_1568 : vector<16xi32>
      %eq3A_1570 = arith.constant 5 : i32
      %eq3A_1571 = vector.broadcast %eq3A_1570 : i32 to vector<16xi32>
      %eq3A_1572 = arith.cmpi eq, %shift_right_logical3A_1540, %eq3A_1571 : vector<16xi32>
      %select_n3A_1573 = arith.select %eq3A_1572, %while3A_1517, %mul3A_1020 : vector<16xi1>, vector<16xi32>
      %add3A_1574 = arith.addi %add3A_1569, %select_n3A_1573 : vector<16xi32>
      %eq3A_1575 = arith.constant 6 : i32
      %eq3A_1576 = vector.broadcast %eq3A_1575 : i32 to vector<16xi32>
      %eq3A_1577 = arith.cmpi eq, %shift_right_logical3A_1540, %eq3A_1576 : vector<16xi32>
      %select_n3A_1578 = arith.select %eq3A_1577, %while3A_1518, %mul3A_1020 : vector<16xi1>, vector<16xi32>
      %add3A_1579 = arith.addi %add3A_1574, %select_n3A_1578 : vector<16xi32>
      %eq3A_1580 = arith.constant 7 : i32
      %eq3A_1581 = vector.broadcast %eq3A_1580 : i32 to vector<16xi32>
      %eq3A_1582 = arith.cmpi eq, %shift_right_logical3A_1540, %eq3A_1581 : vector<16xi32>
      %select_n3A_1583 = arith.select %eq3A_1582, %while3A_1519, %mul3A_1020 : vector<16xi1>, vector<16xi32>
      %add3A_1584 = arith.addi %add3A_1579, %select_n3A_1583 : vector<16xi32>
      %eq3A_1585 = arith.constant 8 : i32
      %eq3A_1586 = vector.broadcast %eq3A_1585 : i32 to vector<16xi32>
      %eq3A_1587 = arith.cmpi eq, %shift_right_logical3A_1540, %eq3A_1586 : vector<16xi32>
      %select_n3A_1588 = arith.select %eq3A_1587, %while3A_1520, %mul3A_1020 : vector<16xi1>, vector<16xi32>
      %add3A_1589 = arith.addi %add3A_1584, %select_n3A_1588 : vector<16xi32>
      %eq3A_1590 = arith.constant 9 : i32
      %eq3A_1591 = vector.broadcast %eq3A_1590 : i32 to vector<16xi32>
      %eq3A_1592 = arith.cmpi eq, %shift_right_logical3A_1540, %eq3A_1591 : vector<16xi32>
      %select_n3A_1593 = arith.select %eq3A_1592, %while3A_1521, %mul3A_1020 : vector<16xi1>, vector<16xi32>
      %add3A_1594 = arith.addi %add3A_1589, %select_n3A_1593 : vector<16xi32>
      %eq3A_1595 = arith.constant 10 : i32
      %eq3A_1596 = vector.broadcast %eq3A_1595 : i32 to vector<16xi32>
      %eq3A_1597 = arith.cmpi eq, %shift_right_logical3A_1540, %eq3A_1596 : vector<16xi32>
      %select_n3A_1598 = arith.select %eq3A_1597, %while3A_1522, %mul3A_1020 : vector<16xi1>, vector<16xi32>
      %add3A_1599 = arith.addi %add3A_1594, %select_n3A_1598 : vector<16xi32>
      %eq3A_1600 = arith.constant 11 : i32
      %eq3A_1601 = vector.broadcast %eq3A_1600 : i32 to vector<16xi32>
      %eq3A_1602 = arith.cmpi eq, %shift_right_logical3A_1540, %eq3A_1601 : vector<16xi32>
      %select_n3A_1603 = arith.select %eq3A_1602, %while3A_1523, %mul3A_1020 : vector<16xi1>, vector<16xi32>
      %add3A_1604 = arith.addi %add3A_1599, %select_n3A_1603 : vector<16xi32>
      %eq3A_1605 = arith.constant 12 : i32
      %eq3A_1606 = vector.broadcast %eq3A_1605 : i32 to vector<16xi32>
      %eq3A_1607 = arith.cmpi eq, %shift_right_logical3A_1540, %eq3A_1606 : vector<16xi32>
      %select_n3A_1608 = arith.select %eq3A_1607, %while3A_1524, %mul3A_1020 : vector<16xi1>, vector<16xi32>
      %add3A_1609 = arith.addi %add3A_1604, %select_n3A_1608 : vector<16xi32>
      %eq3A_1610 = arith.constant 13 : i32
      %eq3A_1611 = vector.broadcast %eq3A_1610 : i32 to vector<16xi32>
      %eq3A_1612 = arith.cmpi eq, %shift_right_logical3A_1540, %eq3A_1611 : vector<16xi32>
      %select_n3A_1613 = arith.select %eq3A_1612, %while3A_1525, %mul3A_1020 : vector<16xi1>, vector<16xi32>
      %add3A_1614 = arith.addi %add3A_1609, %select_n3A_1613 : vector<16xi32>
      %eq3A_1615 = arith.constant 14 : i32
      %eq3A_1616 = vector.broadcast %eq3A_1615 : i32 to vector<16xi32>
      %eq3A_1617 = arith.cmpi eq, %shift_right_logical3A_1540, %eq3A_1616 : vector<16xi32>
      %select_n3A_1618 = arith.select %eq3A_1617, %while3A_1526, %mul3A_1020 : vector<16xi1>, vector<16xi32>
      %add3A_1619 = arith.addi %add3A_1614, %select_n3A_1618 : vector<16xi32>
      %eq3A_1620 = arith.constant 15 : i32
      %eq3A_1621 = vector.broadcast %eq3A_1620 : i32 to vector<16xi32>
      %eq3A_1622 = arith.cmpi eq, %shift_right_logical3A_1540, %eq3A_1621 : vector<16xi32>
      %select_n3A_1623 = arith.select %eq3A_1622, %while3A_1527, %mul3A_1020 : vector<16xi1>, vector<16xi32>
      %add3A_1624 = arith.addi %add3A_1619, %select_n3A_1623 : vector<16xi32>
      %mul3A_1625 = arith.muli %add3A_1624, %convert_element_type3A_1544 : vector<16xi32>
      %reduce_sum3A_1626 = arith.constant true
      %reduce_sum3A_1627 = vector.broadcast %reduce_sum3A_1626 : i1 to vector<16xi1>
      %reduce_sum3A_1628 = tpu.scan <sum>, %mul3A_1625 masked %reduce_sum3A_1627 : vector<16xi32>, vector<16xi1> -> vector<16xi32>
      %reduce_sum3A_1629 = vector.extract %reduce_sum3A_1628[15] : i32 from vector<16xi32>
      %add3A_1630 = vector.broadcast %reduce_sum3A_1629 : i32 to vector<16xi32>
      %add3A_1631 = arith.addi %mul3A_1020, %add3A_1630 : vector<16xi32>
      %eq3A_1632 = arith.constant 0 : i32
      %eq3A_1633 = vector.broadcast %eq3A_1632 : i32 to vector<16xi32>
      %eq3A_1634 = arith.cmpi eq, %iota3A, %eq3A_1633 : vector<16xi32>
      %and3A_1635 = arith.constant 127 : i32
      %and3A_1636 = vector.broadcast %and3A_1635 : i32 to vector<16xi32>
      %and3A_1637 = arith.andi %gather3A_1530, %and3A_1636 : vector<16xi32>
      tpu.vector_store_idx %arg9[%add3A_1631], %and3A_1637 masked %eq3A_1634 : memref<640xi32, #tpu.memory_space<vmem>>[vector<16xi32>], vector<16xi32>, vector<16xi1>
      %shift_right_logical3A_1638 = arith.constant 7 : i32
      %shift_right_logical3A_1639 = vector.broadcast %shift_right_logical3A_1638 : i32 to vector<16xi32>
      %shift_right_logical3A_1640 = arith.shrui %add3A_1631, %shift_right_logical3A_1639 : vector<16xi32>
      %and3A_1641 = arith.constant 127 : i32
      %and3A_1642 = vector.broadcast %and3A_1641 : i32 to vector<16xi32>
      %and3A_1643 = arith.andi %add3A_1631, %and3A_1642 : vector<16xi32>
      tpu.vector_store_idx %arg10[%shift_right_logical3A_1640, %and3A_1643], %gather3A_1533 masked %eq3A_1634 : memref<5x128xi32, #tpu.memory_space<vmem>>[vector<16xi32>, vector<16xi32>], vector<16xi32>, vector<16xi1>
      %eq3A_1644 = arith.constant 0 : i32
      %eq3A_1645 = vector.broadcast %eq3A_1644 : i32 to vector<16xi32>
      %eq3A_1646 = arith.cmpi eq, %shift_right_logical3A_1540, %eq3A_1645 : vector<16xi32>
      %select_n3A_1647 = arith.select %eq3A_1646, %convert_element_type3A_1544, %mul3A_1020 : vector<16xi1>, vector<16xi32>
      %add3A_1648 = arith.addi %while3A_1512, %select_n3A_1647 : vector<16xi32>
      %eq3A_1649 = arith.constant 1 : i32
      %eq3A_1650 = vector.broadcast %eq3A_1649 : i32 to vector<16xi32>
      %eq3A_1651 = arith.cmpi eq, %shift_right_logical3A_1540, %eq3A_1650 : vector<16xi32>
      %select_n3A_1652 = arith.select %eq3A_1651, %convert_element_type3A_1544, %mul3A_1020 : vector<16xi1>, vector<16xi32>
      %add3A_1653 = arith.addi %while3A_1513, %select_n3A_1652 : vector<16xi32>
      %eq3A_1654 = arith.constant 2 : i32
      %eq3A_1655 = vector.broadcast %eq3A_1654 : i32 to vector<16xi32>
      %eq3A_1656 = arith.cmpi eq, %shift_right_logical3A_1540, %eq3A_1655 : vector<16xi32>
      %select_n3A_1657 = arith.select %eq3A_1656, %convert_element_type3A_1544, %mul3A_1020 : vector<16xi1>, vector<16xi32>
      %add3A_1658 = arith.addi %while3A_1514, %select_n3A_1657 : vector<16xi32>
      %eq3A_1659 = arith.constant 3 : i32
      %eq3A_1660 = vector.broadcast %eq3A_1659 : i32 to vector<16xi32>
      %eq3A_1661 = arith.cmpi eq, %shift_right_logical3A_1540, %eq3A_1660 : vector<16xi32>
      %select_n3A_1662 = arith.select %eq3A_1661, %convert_element_type3A_1544, %mul3A_1020 : vector<16xi1>, vector<16xi32>
      %add3A_1663 = arith.addi %while3A_1515, %select_n3A_1662 : vector<16xi32>
      %eq3A_1664 = arith.constant 4 : i32
      %eq3A_1665 = vector.broadcast %eq3A_1664 : i32 to vector<16xi32>
      %eq3A_1666 = arith.cmpi eq, %shift_right_logical3A_1540, %eq3A_1665 : vector<16xi32>
      %select_n3A_1667 = arith.select %eq3A_1666, %convert_element_type3A_1544, %mul3A_1020 : vector<16xi1>, vector<16xi32>
      %add3A_1668 = arith.addi %while3A_1516, %select_n3A_1667 : vector<16xi32>
      %eq3A_1669 = arith.constant 5 : i32
      %eq3A_1670 = vector.broadcast %eq3A_1669 : i32 to vector<16xi32>
      %eq3A_1671 = arith.cmpi eq, %shift_right_logical3A_1540, %eq3A_1670 : vector<16xi32>
      %select_n3A_1672 = arith.select %eq3A_1671, %convert_element_type3A_1544, %mul3A_1020 : vector<16xi1>, vector<16xi32>
      %add3A_1673 = arith.addi %while3A_1517, %select_n3A_1672 : vector<16xi32>
      %eq3A_1674 = arith.constant 6 : i32
      %eq3A_1675 = vector.broadcast %eq3A_1674 : i32 to vector<16xi32>
      %eq3A_1676 = arith.cmpi eq, %shift_right_logical3A_1540, %eq3A_1675 : vector<16xi32>
      %select_n3A_1677 = arith.select %eq3A_1676, %convert_element_type3A_1544, %mul3A_1020 : vector<16xi1>, vector<16xi32>
      %add3A_1678 = arith.addi %while3A_1518, %select_n3A_1677 : vector<16xi32>
      %eq3A_1679 = arith.constant 7 : i32
      %eq3A_1680 = vector.broadcast %eq3A_1679 : i32 to vector<16xi32>
      %eq3A_1681 = arith.cmpi eq, %shift_right_logical3A_1540, %eq3A_1680 : vector<16xi32>
      %select_n3A_1682 = arith.select %eq3A_1681, %convert_element_type3A_1544, %mul3A_1020 : vector<16xi1>, vector<16xi32>
      %add3A_1683 = arith.addi %while3A_1519, %select_n3A_1682 : vector<16xi32>
      %eq3A_1684 = arith.constant 8 : i32
      %eq3A_1685 = vector.broadcast %eq3A_1684 : i32 to vector<16xi32>
      %eq3A_1686 = arith.cmpi eq, %shift_right_logical3A_1540, %eq3A_1685 : vector<16xi32>
      %select_n3A_1687 = arith.select %eq3A_1686, %convert_element_type3A_1544, %mul3A_1020 : vector<16xi1>, vector<16xi32>
      %add3A_1688 = arith.addi %while3A_1520, %select_n3A_1687 : vector<16xi32>
      %eq3A_1689 = arith.constant 9 : i32
      %eq3A_1690 = vector.broadcast %eq3A_1689 : i32 to vector<16xi32>
      %eq3A_1691 = arith.cmpi eq, %shift_right_logical3A_1540, %eq3A_1690 : vector<16xi32>
      %select_n3A_1692 = arith.select %eq3A_1691, %convert_element_type3A_1544, %mul3A_1020 : vector<16xi1>, vector<16xi32>
      %add3A_1693 = arith.addi %while3A_1521, %select_n3A_1692 : vector<16xi32>
      %eq3A_1694 = arith.constant 10 : i32
      %eq3A_1695 = vector.broadcast %eq3A_1694 : i32 to vector<16xi32>
      %eq3A_1696 = arith.cmpi eq, %shift_right_logical3A_1540, %eq3A_1695 : vector<16xi32>
      %select_n3A_1697 = arith.select %eq3A_1696, %convert_element_type3A_1544, %mul3A_1020 : vector<16xi1>, vector<16xi32>
      %add3A_1698 = arith.addi %while3A_1522, %select_n3A_1697 : vector<16xi32>
      %eq3A_1699 = arith.constant 11 : i32
      %eq3A_1700 = vector.broadcast %eq3A_1699 : i32 to vector<16xi32>
      %eq3A_1701 = arith.cmpi eq, %shift_right_logical3A_1540, %eq3A_1700 : vector<16xi32>
      %select_n3A_1702 = arith.select %eq3A_1701, %convert_element_type3A_1544, %mul3A_1020 : vector<16xi1>, vector<16xi32>
      %add3A_1703 = arith.addi %while3A_1523, %select_n3A_1702 : vector<16xi32>
      %eq3A_1704 = arith.constant 12 : i32
      %eq3A_1705 = vector.broadcast %eq3A_1704 : i32 to vector<16xi32>
      %eq3A_1706 = arith.cmpi eq, %shift_right_logical3A_1540, %eq3A_1705 : vector<16xi32>
      %select_n3A_1707 = arith.select %eq3A_1706, %convert_element_type3A_1544, %mul3A_1020 : vector<16xi1>, vector<16xi32>
      %add3A_1708 = arith.addi %while3A_1524, %select_n3A_1707 : vector<16xi32>
      %eq3A_1709 = arith.constant 13 : i32
      %eq3A_1710 = vector.broadcast %eq3A_1709 : i32 to vector<16xi32>
      %eq3A_1711 = arith.cmpi eq, %shift_right_logical3A_1540, %eq3A_1710 : vector<16xi32>
      %select_n3A_1712 = arith.select %eq3A_1711, %convert_element_type3A_1544, %mul3A_1020 : vector<16xi1>, vector<16xi32>
      %add3A_1713 = arith.addi %while3A_1525, %select_n3A_1712 : vector<16xi32>
      %eq3A_1714 = arith.constant 14 : i32
      %eq3A_1715 = vector.broadcast %eq3A_1714 : i32 to vector<16xi32>
      %eq3A_1716 = arith.cmpi eq, %shift_right_logical3A_1540, %eq3A_1715 : vector<16xi32>
      %select_n3A_1717 = arith.select %eq3A_1716, %convert_element_type3A_1544, %mul3A_1020 : vector<16xi1>, vector<16xi32>
      %add3A_1718 = arith.addi %while3A_1526, %select_n3A_1717 : vector<16xi32>
      %eq3A_1719 = arith.constant 15 : i32
      %eq3A_1720 = vector.broadcast %eq3A_1719 : i32 to vector<16xi32>
      %eq3A_1721 = arith.cmpi eq, %shift_right_logical3A_1540, %eq3A_1720 : vector<16xi32>
      %select_n3A_1722 = arith.select %eq3A_1721, %convert_element_type3A_1544, %mul3A_1020 : vector<16xi1>, vector<16xi32>
      %add3A_1723 = arith.addi %while3A_1527, %select_n3A_1722 : vector<16xi32>
      scf.yield %add3A_1648, %add3A_1653, %add3A_1658, %add3A_1663, %add3A_1668, %add3A_1673, %add3A_1678, %add3A_1683, %add3A_1688, %add3A_1693, %add3A_1698, %add3A_1703, %add3A_1708, %add3A_1713, %add3A_1718, %add3A_1723 : vector<16xi32>, vector<16xi32>, vector<16xi32>, vector<16xi32>, vector<16xi32>, vector<16xi32>, vector<16xi32>, vector<16xi32>, vector<16xi32>, vector<16xi32>, vector<16xi32>, vector<16xi32>, vector<16xi32>, vector<16xi32>, vector<16xi32>, vector<16xi32>
    }
    %broadcast_in_dim3A_1284 = arith.constant 0 : i32
    %broadcast_in_dim3A_1285 = vector.broadcast %broadcast_in_dim3A_1284 : i32 to vector<16xi32>
    %add3A_1286 = arith.constant 0 : i32
    %add3A_1287 = vector.broadcast %add3A_1286 : i32 to vector<16xi32>
    %add3A_1288 = arith.addi %broadcast_in_dim3A_1285, %add3A_1287 : vector<16xi32>
    %gather3A = tpu.vector_load_idx %arg12[%add3A_1288] : memref<256xi32, #tpu.memory_space<vmem>>[vector<16xi32>], vector<16xi32>,
    %reduce_max3A = arith.constant true
    %reduce_max3A_1289 = vector.broadcast %reduce_max3A : i1 to vector<16xi1>
    %reduce_max3A_1290 = arith.constant -2147483648 : i32
    %reduce_max3A_1291 = vector.broadcast %reduce_max3A_1290 : i32 to vector<16xi32>
    %reduce_max3A_1292 = arith.xori %gather3A, %reduce_max3A_1291 : vector<16xi32>
    %reduce_max3A_1293 = tpu.scan <max>, %reduce_max3A_1292 masked %reduce_max3A_1289 : vector<16xi32>, vector<16xi1> -> vector<16xi32>
    %reduce_max3A_1294 = arith.xori %reduce_max3A_1293, %reduce_max3A_1291 : vector<16xi32>
    %reduce_max3A_1295 = vector.extract %reduce_max3A_1294[15] : i32 from vector<16xi32>
    %eq3A_1296 = arith.constant 7812 : i32
    %eq3A_1297 = arith.cmpi eq, %reduce_max3A_1295, %eq3A_1296 : i32
    %convert_element_type3A_1298 = arith.extui %eq3A_1297 : i1 to i32
    %cond3A = arith.constant 0 : i32
    %cond3A_1299 = arith.cmpi ne, %convert_element_type3A_1298, %cond3A : i32
    scf.if %cond3A_1299 {
      tpu.enqueue_dma source(%arg3 : memref<64x128xf32, #tpu.memory_space<hbm>>) target(%arg13 : memref<64x128xf32, #tpu.memory_space<vmem>>) target_semaphore(%arg20 : memref<!tpu.dma_semaphore, #tpu.memory_space<semaphore_mem>>)
    } else {
    }
    %ne3A = arith.constant 7812 : i32
    %ne3A_1300 = arith.cmpi ne, %reduce_max3A_1295, %ne3A : i32
    %convert_element_type3A_1301 = arith.extui %ne3A_1300 : i1 to i32
    %cond3A_1302 = arith.constant 0 : i32
    %cond3A_1303 = arith.cmpi ne, %convert_element_type3A_1301, %cond3A_1302 : i32
    scf.if %cond3A_1303 {
      %mul3A_1511 = arith.constant 128 : i32
      %mul3A_1512 = arith.muli %reduce_max3A_1295, %mul3A_1511 : i32
      %multiple_of3A = tpu.assume_multiple %mul3A_1512, 128 : i32
      %dma_start3A_1513 = arith.constant 0 : i32
      %dma_start3A_1514 = tpu.memref_slice %arg2[%dma_start3A_1513, %multiple_of3A] : memref<64x1000000xf32, #tpu.memory_space<hbm>> -> memref<64x128xf32, #tpu.memory_space<hbm>>
      %dma_start3A_1515 = arith.constant 0 : i32
      %dma_start3A_1516 = tpu.memref_slice %arg2[%dma_start3A_1515, %multiple_of3A] : memref<64x1000000xf32, #tpu.memory_space<hbm>> -> memref<64x128xf32, #tpu.memory_space<hbm>>
      tpu.enqueue_dma source(%dma_start3A_1516 : memref<64x128xf32, #tpu.memory_space<hbm>>) target(%arg13 : memref<64x128xf32, #tpu.memory_space<vmem>>) target_semaphore(%arg20 : memref<!tpu.dma_semaphore, #tpu.memory_space<semaphore_mem>>)
    } else {
    }
    %broadcast_in_dim3A_1304 = arith.constant 0 : i32
    %broadcast_in_dim3A_1305 = vector.broadcast %broadcast_in_dim3A_1304 : i32 to vector<16xi32>
    %add3A_1306 = arith.constant 1 : i32
    %add3A_1307 = vector.broadcast %add3A_1306 : i32 to vector<16xi32>
    %add3A_1308 = arith.addi %broadcast_in_dim3A_1305, %add3A_1307 : vector<16xi32>
    %gather3A_1309 = tpu.vector_load_idx %arg12[%add3A_1308] : memref<256xi32, #tpu.memory_space<vmem>>[vector<16xi32>], vector<16xi32>,
    %reduce_max3A_1310 = arith.constant true
    %reduce_max3A_1311 = vector.broadcast %reduce_max3A_1310 : i1 to vector<16xi1>
    %reduce_max3A_1312 = arith.constant -2147483648 : i32
    %reduce_max3A_1313 = vector.broadcast %reduce_max3A_1312 : i32 to vector<16xi32>
    %reduce_max3A_1314 = arith.xori %gather3A_1309, %reduce_max3A_1313 : vector<16xi32>
    %reduce_max3A_1315 = tpu.scan <max>, %reduce_max3A_1314 masked %reduce_max3A_1311 : vector<16xi32>, vector<16xi1> -> vector<16xi32>
    %reduce_max3A_1316 = arith.xori %reduce_max3A_1315, %reduce_max3A_1313 : vector<16xi32>
    %reduce_max3A_1317 = vector.extract %reduce_max3A_1316[15] : i32 from vector<16xi32>
    %eq3A_1318 = arith.constant 7812 : i32
    %eq3A_1319 = arith.cmpi eq, %reduce_max3A_1317, %eq3A_1318 : i32
    %convert_element_type3A_1320 = arith.extui %eq3A_1319 : i1 to i32
    %cond3A_1321 = arith.constant 0 : i32
    %cond3A_1322 = arith.cmpi ne, %convert_element_type3A_1320, %cond3A_1321 : i32
    scf.if %cond3A_1322 {
      tpu.enqueue_dma source(%arg3 : memref<64x128xf32, #tpu.memory_space<hbm>>) target(%arg14 : memref<64x128xf32, #tpu.memory_space<vmem>>) target_semaphore(%arg21 : memref<!tpu.dma_semaphore, #tpu.memory_space<semaphore_mem>>)
    } else {
    }
    %ne3A_1323 = arith.constant 7812 : i32
    %ne3A_1324 = arith.cmpi ne, %reduce_max3A_1317, %ne3A_1323 : i32
    %convert_element_type3A_1325 = arith.extui %ne3A_1324 : i1 to i32
    %cond3A_1326 = arith.constant 0 : i32
    %cond3A_1327 = arith.cmpi ne, %convert_element_type3A_1325, %cond3A_1326 : i32
    scf.if %cond3A_1327 {
      %mul3A_1511 = arith.constant 128 : i32
      %mul3A_1512 = arith.muli %reduce_max3A_1317, %mul3A_1511 : i32
      %multiple_of3A = tpu.assume_multiple %mul3A_1512, 128 : i32
      %dma_start3A_1513 = arith.constant 0 : i32
      %dma_start3A_1514 = tpu.memref_slice %arg2[%dma_start3A_1513, %multiple_of3A] : memref<64x1000000xf32, #tpu.memory_space<hbm>> -> memref<64x128xf32, #tpu.memory_space<hbm>>
      %dma_start3A_1515 = arith.constant 0 : i32
      %dma_start3A_1516 = tpu.memref_slice %arg2[%dma_start3A_1515, %multiple_of3A] : memref<64x1000000xf32, #tpu.memory_space<hbm>> -> memref<64x128xf32, #tpu.memory_space<hbm>>
      tpu.enqueue_dma source(%dma_start3A_1516 : memref<64x128xf32, #tpu.memory_space<hbm>>) target(%arg14 : memref<64x128xf32, #tpu.memory_space<vmem>>) target_semaphore(%arg21 : memref<!tpu.dma_semaphore, #tpu.memory_space<semaphore_mem>>)
    } else {
    }
    %broadcast_in_dim3A_1328 = arith.constant 0 : i32
    %broadcast_in_dim3A_1329 = vector.broadcast %broadcast_in_dim3A_1328 : i32 to vector<16xi32>
    %add3A_1330 = arith.constant 2 : i32
    %add3A_1331 = vector.broadcast %add3A_1330 : i32 to vector<16xi32>
    %add3A_1332 = arith.addi %broadcast_in_dim3A_1329, %add3A_1331 : vector<16xi32>
    %gather3A_1333 = tpu.vector_load_idx %arg12[%add3A_1332] : memref<256xi32, #tpu.memory_space<vmem>>[vector<16xi32>], vector<16xi32>,
    %reduce_max3A_1334 = arith.constant true
    %reduce_max3A_1335 = vector.broadcast %reduce_max3A_1334 : i1 to vector<16xi1>
    %reduce_max3A_1336 = arith.constant -2147483648 : i32
    %reduce_max3A_1337 = vector.broadcast %reduce_max3A_1336 : i32 to vector<16xi32>
    %reduce_max3A_1338 = arith.xori %gather3A_1333, %reduce_max3A_1337 : vector<16xi32>
    %reduce_max3A_1339 = tpu.scan <max>, %reduce_max3A_1338 masked %reduce_max3A_1335 : vector<16xi32>, vector<16xi1> -> vector<16xi32>
    %reduce_max3A_1340 = arith.xori %reduce_max3A_1339, %reduce_max3A_1337 : vector<16xi32>
    %reduce_max3A_1341 = vector.extract %reduce_max3A_1340[15] : i32 from vector<16xi32>
    %eq3A_1342 = arith.constant 7812 : i32
    %eq3A_1343 = arith.cmpi eq, %reduce_max3A_1341, %eq3A_1342 : i32
    %convert_element_type3A_1344 = arith.extui %eq3A_1343 : i1 to i32
    %cond3A_1345 = arith.constant 0 : i32
    %cond3A_1346 = arith.cmpi ne, %convert_element_type3A_1344, %cond3A_1345 : i32
    scf.if %cond3A_1346 {
      tpu.enqueue_dma source(%arg3 : memref<64x128xf32, #tpu.memory_space<hbm>>) target(%arg15 : memref<64x128xf32, #tpu.memory_space<vmem>>) target_semaphore(%arg22 : memref<!tpu.dma_semaphore, #tpu.memory_space<semaphore_mem>>)
    } else {
    }
    %ne3A_1347 = arith.constant 7812 : i32
    %ne3A_1348 = arith.cmpi ne, %reduce_max3A_1341, %ne3A_1347 : i32
    %convert_element_type3A_1349 = arith.extui %ne3A_1348 : i1 to i32
    %cond3A_1350 = arith.constant 0 : i32
    %cond3A_1351 = arith.cmpi ne, %convert_element_type3A_1349, %cond3A_1350 : i32
    scf.if %cond3A_1351 {
      %mul3A_1511 = arith.constant 128 : i32
      %mul3A_1512 = arith.muli %reduce_max3A_1341, %mul3A_1511 : i32
      %multiple_of3A = tpu.assume_multiple %mul3A_1512, 128 : i32
      %dma_start3A_1513 = arith.constant 0 : i32
      %dma_start3A_1514 = tpu.memref_slice %arg2[%dma_start3A_1513, %multiple_of3A] : memref<64x1000000xf32, #tpu.memory_space<hbm>> -> memref<64x128xf32, #tpu.memory_space<hbm>>
      %dma_start3A_1515 = arith.constant 0 : i32
      %dma_start3A_1516 = tpu.memref_slice %arg2[%dma_start3A_1515, %multiple_of3A] : memref<64x1000000xf32, #tpu.memory_space<hbm>> -> memref<64x128xf32, #tpu.memory_space<hbm>>
      tpu.enqueue_dma source(%dma_start3A_1516 : memref<64x128xf32, #tpu.memory_space<hbm>>) target(%arg15 : memref<64x128xf32, #tpu.memory_space<vmem>>) target_semaphore(%arg22 : memref<!tpu.dma_semaphore, #tpu.memory_space<semaphore_mem>>)
    } else {
    }
    %broadcast_in_dim3A_1352 = arith.constant 0 : i32
    %broadcast_in_dim3A_1353 = vector.broadcast %broadcast_in_dim3A_1352 : i32 to vector<16xi32>
    %add3A_1354 = arith.constant 3 : i32
    %add3A_1355 = vector.broadcast %add3A_1354 : i32 to vector<16xi32>
    %add3A_1356 = arith.addi %broadcast_in_dim3A_1353, %add3A_1355 : vector<16xi32>
    %gather3A_1357 = tpu.vector_load_idx %arg12[%add3A_1356] : memref<256xi32, #tpu.memory_space<vmem>>[vector<16xi32>], vector<16xi32>,
    %reduce_max3A_1358 = arith.constant true
    %reduce_max3A_1359 = vector.broadcast %reduce_max3A_1358 : i1 to vector<16xi1>
    %reduce_max3A_1360 = arith.constant -2147483648 : i32
    %reduce_max3A_1361 = vector.broadcast %reduce_max3A_1360 : i32 to vector<16xi32>
    %reduce_max3A_1362 = arith.xori %gather3A_1357, %reduce_max3A_1361 : vector<16xi32>
    %reduce_max3A_1363 = tpu.scan <max>, %reduce_max3A_1362 masked %reduce_max3A_1359 : vector<16xi32>, vector<16xi1> -> vector<16xi32>
    %reduce_max3A_1364 = arith.xori %reduce_max3A_1363, %reduce_max3A_1361 : vector<16xi32>
    %reduce_max3A_1365 = vector.extract %reduce_max3A_1364[15] : i32 from vector<16xi32>
    %eq3A_1366 = arith.constant 7812 : i32
    %eq3A_1367 = arith.cmpi eq, %reduce_max3A_1365, %eq3A_1366 : i32
    %convert_element_type3A_1368 = arith.extui %eq3A_1367 : i1 to i32
    %cond3A_1369 = arith.constant 0 : i32
    %cond3A_1370 = arith.cmpi ne, %convert_element_type3A_1368, %cond3A_1369 : i32
    scf.if %cond3A_1370 {
      tpu.enqueue_dma source(%arg3 : memref<64x128xf32, #tpu.memory_space<hbm>>) target(%arg16 : memref<64x128xf32, #tpu.memory_space<vmem>>) target_semaphore(%arg23 : memref<!tpu.dma_semaphore, #tpu.memory_space<semaphore_mem>>)
    } else {
    }
    %ne3A_1371 = arith.constant 7812 : i32
    %ne3A_1372 = arith.cmpi ne, %reduce_max3A_1365, %ne3A_1371 : i32
    %convert_element_type3A_1373 = arith.extui %ne3A_1372 : i1 to i32
    %cond3A_1374 = arith.constant 0 : i32
    %cond3A_1375 = arith.cmpi ne, %convert_element_type3A_1373, %cond3A_1374 : i32
    scf.if %cond3A_1375 {
      %mul3A_1511 = arith.constant 128 : i32
      %mul3A_1512 = arith.muli %reduce_max3A_1365, %mul3A_1511 : i32
      %multiple_of3A = tpu.assume_multiple %mul3A_1512, 128 : i32
      %dma_start3A_1513 = arith.constant 0 : i32
      %dma_start3A_1514 = tpu.memref_slice %arg2[%dma_start3A_1513, %multiple_of3A] : memref<64x1000000xf32, #tpu.memory_space<hbm>> -> memref<64x128xf32, #tpu.memory_space<hbm>>
      %dma_start3A_1515 = arith.constant 0 : i32
      %dma_start3A_1516 = tpu.memref_slice %arg2[%dma_start3A_1515, %multiple_of3A] : memref<64x1000000xf32, #tpu.memory_space<hbm>> -> memref<64x128xf32, #tpu.memory_space<hbm>>
      tpu.enqueue_dma source(%dma_start3A_1516 : memref<64x128xf32, #tpu.memory_space<hbm>>) target(%arg16 : memref<64x128xf32, #tpu.memory_space<vmem>>) target_semaphore(%arg23 : memref<!tpu.dma_semaphore, #tpu.memory_space<semaphore_mem>>)
    } else {
    }
    %add3A_1376 = arith.constant 3 : i32
    %add3A_1377 = arith.addi %add3A_1017, %add3A_1376 : i32
    %div3A = arith.constant 4 : i32
    %div3A_1378 = arith.divsi %add3A_1377, %div3A : i32
    %while3A_1379 = arith.constant 0 : i32
    %while3A_1380 = arith.constant 0 : i32
    %while3A_1381 = arith.subi %div3A_1378, %while3A_1380 : i32
    %while3A_1382 = arith.addi %while3A_1380, %while3A_1381 : i32
    %while3A_1383 = arith.constant 1 : i32
    %while3A_1384 = arith.divsi %while3A_1381, %while3A_1383 : i32
    %while3A_1385 = arith.muli %while3A_1384, %while3A_1383 : i32
    %while3A_1386 = arith.addi %while3A_1380, %while3A_1385 : i32
    %while3A_1387 = arith.constant 1 : i32
    scf.for %while3A_1511 = %while3A_1380 to %while3A_1386 step %while3A_1387  : i32 {
      %mul3A_1512 = arith.constant 4 : i32
      %mul3A_1513 = arith.muli %while3A_1511, %mul3A_1512 : i32
      %add3A_1514 = arith.constant 0 : i32
      %add3A_1515 = arith.addi %mul3A_1513, %add3A_1514 : i32
      %broadcast_in_dim3A_1516 = arith.constant 0 : i32
      %broadcast_in_dim3A_1517 = vector.broadcast %broadcast_in_dim3A_1516 : i32 to vector<16xi32>
      %add3A_1518 = vector.broadcast %add3A_1515 : i32 to vector<16xi32>
      %add3A_1519 = arith.addi %broadcast_in_dim3A_1517, %add3A_1518 : vector<16xi32>
      %gather3A_1520 = tpu.vector_load_idx %arg12[%add3A_1519] : memref<256xi32, #tpu.memory_space<vmem>>[vector<16xi32>], vector<16xi32>,
      %reduce_max3A_1521 = arith.constant true
      %reduce_max3A_1522 = vector.broadcast %reduce_max3A_1521 : i1 to vector<16xi1>
      %reduce_max3A_1523 = arith.constant -2147483648 : i32
      %reduce_max3A_1524 = vector.broadcast %reduce_max3A_1523 : i32 to vector<16xi32>
      %reduce_max3A_1525 = arith.xori %gather3A_1520, %reduce_max3A_1524 : vector<16xi32>
      %reduce_max3A_1526 = tpu.scan <max>, %reduce_max3A_1525 masked %reduce_max3A_1522 : vector<16xi32>, vector<16xi1> -> vector<16xi32>
      %reduce_max3A_1527 = arith.xori %reduce_max3A_1526, %reduce_max3A_1524 : vector<16xi32>
      %reduce_max3A_1528 = vector.extract %reduce_max3A_1527[15] : i32 from vector<16xi32>
      %ne3A_1529 = arith.cmpi ne, %reduce_max3A_1528, %select_n3A : i32
      %sub3A_1530 = arith.subi %reduce_max3A_1528, %mul3A_2 : i32
      %jit3A_1531 = arith.constant 0 : i32
      %jit3A_1532 = arith.constant 255 : i32
      %max3A = arith.maxsi %jit3A_1531, %sub3A_1530 : i32
      %min3A_1533 = arith.minsi %jit3A_1532, %max3A : i32
      %broadcast_in_dim3A_1534 = arith.constant 0 : i32
      %broadcast_in_dim3A_1535 = vector.broadcast %broadcast_in_dim3A_1534 : i32 to vector<16xi32>
      %add3A_1536 = vector.broadcast %min3A_1533 : i32 to vector<16xi32>
      %add3A_1537 = arith.addi %broadcast_in_dim3A_1535, %add3A_1536 : vector<16xi32>
      %gather3A_1538 = tpu.vector_load_idx %arg19[%add3A_1537] : memref<256xi32, #tpu.memory_space<vmem>>[vector<16xi32>], vector<16xi32>,
      %reduce_max3A_1539 = arith.constant true
      %reduce_max3A_1540 = vector.broadcast %reduce_max3A_1539 : i1 to vector<16xi1>
      %reduce_max3A_1541 = arith.constant -2147483648 : i32
      %reduce_max3A_1542 = vector.broadcast %reduce_max3A_1541 : i32 to vector<16xi32>
      %reduce_max3A_1543 = arith.xori %gather3A_1538, %reduce_max3A_1542 : vector<16xi32>
      %reduce_max3A_1544 = tpu.scan <max>, %reduce_max3A_1543 masked %reduce_max3A_1540 : vector<16xi32>, vector<16xi1> -> vector<16xi32>
      %reduce_max3A_1545 = arith.xori %reduce_max3A_1544, %reduce_max3A_1542 : vector<16xi32>
      %reduce_max3A_1546 = vector.extract %reduce_max3A_1545[15] : i32 from vector<16xi32>
      %jit3A_1547 = arith.constant 0 : i32
      %select_n3A_1548 = arith.select %ne3A_1529, %reduce_max3A_1546, %jit3A_1547 : i32
      %broadcast_in_dim3A_1549 = arith.constant 0 : i32
      %broadcast_in_dim3A_1550 = vector.broadcast %broadcast_in_dim3A_1549 : i32 to vector<16xi32>
      %add3A_1551 = vector.broadcast %min3A_1533 : i32 to vector<16xi32>
      %add3A_1552 = arith.addi %broadcast_in_dim3A_1550, %add3A_1551 : vector<16xi32>
      %gather3A_1553 = tpu.vector_load_idx %arg18[%add3A_1552] : memref<256xi32, #tpu.memory_space<vmem>>[vector<16xi32>], vector<16xi32>,
      %reduce_max3A_1554 = arith.constant true
      %reduce_max3A_1555 = vector.broadcast %reduce_max3A_1554 : i1 to vector<16xi1>
      %reduce_max3A_1556 = arith.constant -2147483648 : i32
      %reduce_max3A_1557 = vector.broadcast %reduce_max3A_1556 : i32 to vector<16xi32>
      %reduce_max3A_1558 = arith.xori %gather3A_1553, %reduce_max3A_1557 : vector<16xi32>
      %reduce_max3A_1559 = tpu.scan <max>, %reduce_max3A_1558 masked %reduce_max3A_1555 : vector<16xi32>, vector<16xi1> -> vector<16xi32>
      %reduce_max3A_1560 = arith.xori %reduce_max3A_1559, %reduce_max3A_1557 : vector<16xi32>
      %reduce_max3A_1561 = vector.extract %reduce_max3A_1560[15] : i32 from vector<16xi32>
      %jit3A_1562 = arith.constant 0 : i32
      %select_n3A_1563 = arith.select %ne3A_1529, %reduce_max3A_1561, %jit3A_1562 : i32
      %add3A_1564 = arith.addi %select_n3A_1548, %select_n3A_1563 : i32
      %dma_wait3A_1565 = arith.constant 0 : i32
      %dma_wait3A_1566 = arith.constant 0 : i32
      %dma_wait3A_1567 = tpu.memref_slice %arg2[%dma_wait3A_1565, %dma_wait3A_1566] : memref<64x1000000xf32, #tpu.memory_space<hbm>> -> memref<64x128xf32, #tpu.memory_space<hbm>>
      %dma_wait3A_1568 = arith.constant 0 : i32
      %dma_wait3A_1569 = arith.constant 0 : i32
      %dma_wait3A_1570 = tpu.memref_slice %arg2[%dma_wait3A_1568, %dma_wait3A_1569] : memref<64x1000000xf32, #tpu.memory_space<hbm>> -> memref<64x128xf32, #tpu.memory_space<hbm>>
      tpu.wait_dma2 semaphore(%arg20 : memref<!tpu.dma_semaphore, #tpu.memory_space<semaphore_mem>>) src(%dma_wait3A_1570 : memref<64x128xf32, #tpu.memory_space<hbm>>) dst(%arg13 : memref<64x128xf32, #tpu.memory_space<vmem>>)
      %while3A_1571 = arith.constant 0 : i32
      %while3A_1572 = arith.subi %add3A_1564, %select_n3A_1548 : i32
      %while3A_1573 = arith.addi %select_n3A_1548, %while3A_1572 : i32
      %while3A_1574 = arith.constant 1 : i32
      %while3A_1575 = arith.divsi %while3A_1572, %while3A_1574 : i32
      %while3A_1576 = arith.muli %while3A_1575, %while3A_1574 : i32
      %while3A_1577 = arith.addi %select_n3A_1548, %while3A_1576 : i32
      %while3A_1578 = arith.constant 1 : i32
      scf.for %while3A_1887 = %select_n3A_1548 to %while3A_1577 step %while3A_1578  : i32 {
        %broadcast_in_dim3A_1888 = arith.constant 0 : i32
        %broadcast_in_dim3A_1889 = vector.broadcast %broadcast_in_dim3A_1888 : i32 to vector<16xi32>
        %add3A_1890 = vector.broadcast %while3A_1887 : i32 to vector<16xi32>
        %add3A_1891 = arith.addi %broadcast_in_dim3A_1889, %add3A_1890 : vector<16xi32>
        %gather3A_1892 = tpu.vector_load_idx %arg9[%add3A_1891] : memref<640xi32, #tpu.memory_space<vmem>>[vector<16xi32>], vector<16xi32>,
        %add3A_1893 = arith.constant 0 : i32
        %add3A_1894 = vector.broadcast %add3A_1893 : i32 to vector<16xi32>
        %add3A_1895 = arith.addi %iota3A, %add3A_1894 : vector<16xi32>
        %gather3A_1896 = tpu.vector_load_idx %arg13[%add3A_1895, %gather3A_1892] : memref<64x128xf32, #tpu.memory_space<vmem>>[vector<16xi32>, vector<16xi32>], vector<16xf32>,
        %neg3A = arith.constant 0.000000e+00 : f32
        %neg3A_1897 = vector.broadcast %neg3A : f32 to vector<16xf32>
        %neg3A_1898 = arith.subf %neg3A_1897, %gather3A_1896 : vector<16xf32>
        %exp3A = math.exp %neg3A_1898 : vector<16xf32>
        %add3A_1899 = arith.constant 1.000000e+00 : f32
        %add3A_1900 = vector.broadcast %add3A_1899 : f32 to vector<16xf32>
        %add3A_1901 = arith.addf %add3A_1900, %exp3A : vector<16xf32>
        %div3A_1902 = arith.constant 1.000000e+00 : f32
        %div3A_1903 = vector.broadcast %div3A_1902 : f32 to vector<16xf32>
        %div3A_1904 = arith.divf %div3A_1903, %add3A_1901 : vector<16xf32>
        %swap3A_1905 = arith.index_cast %while3A_1887 : i32 to index
        %swap3A_1906 = arith.constant 0 : index
        %swap3A_1907 = tpu.vector_load %arg17[%swap3A_1905, %swap3A_1906] {strides = array<i32>} : memref<640x128xf32, #tpu.memory_space<vmem>>, vector<16xf32>,
        tpu.vector_store %arg17[%swap3A_1905, %swap3A_1906], %div3A_1904 {strides = array<i32>} : memref<640x128xf32, #tpu.memory_space<vmem>>, vector<16xf32>,
        %add3A_1908 = arith.constant 16 : i32
        %add3A_1909 = vector.broadcast %add3A_1908 : i32 to vector<16xi32>
        %add3A_1910 = arith.addi %iota3A, %add3A_1909 : vector<16xi32>
        %gather3A_1911 = tpu.vector_load_idx %arg13[%add3A_1910, %gather3A_1892] : memref<64x128xf32, #tpu.memory_space<vmem>>[vector<16xi32>, vector<16xi32>], vector<16xf32>,
        %neg3A_1912 = arith.constant 0.000000e+00 : f32
        %neg3A_1913 = vector.broadcast %neg3A_1912 : f32 to vector<16xf32>
        %neg3A_1914 = arith.subf %neg3A_1913, %gather3A_1911 : vector<16xf32>
        %exp3A_1915 = math.exp %neg3A_1914 : vector<16xf32>
        %add3A_1916 = arith.constant 1.000000e+00 : f32
        %add3A_1917 = vector.broadcast %add3A_1916 : f32 to vector<16xf32>
        %add3A_1918 = arith.addf %add3A_1917, %exp3A_1915 : vector<16xf32>
        %div3A_1919 = arith.constant 1.000000e+00 : f32
        %div3A_1920 = vector.broadcast %div3A_1919 : f32 to vector<16xf32>
        %div3A_1921 = arith.divf %div3A_1920, %add3A_1918 : vector<16xf32>
        %swap3A_1922 = arith.index_cast %while3A_1887 : i32 to index
        %swap3A_1923 = arith.constant 16 : index
        %swap3A_1924 = tpu.vector_load %arg17[%swap3A_1922, %swap3A_1923] {strides = array<i32>} : memref<640x128xf32, #tpu.memory_space<vmem>>, vector<16xf32>,
        tpu.vector_store %arg17[%swap3A_1922, %swap3A_1923], %div3A_1921 {strides = array<i32>} : memref<640x128xf32, #tpu.memory_space<vmem>>, vector<16xf32>,
        %add3A_1925 = arith.constant 32 : i32
        %add3A_1926 = vector.broadcast %add3A_1925 : i32 to vector<16xi32>
        %add3A_1927 = arith.addi %iota3A, %add3A_1926 : vector<16xi32>
        %gather3A_1928 = tpu.vector_load_idx %arg13[%add3A_1927, %gather3A_1892] : memref<64x128xf32, #tpu.memory_space<vmem>>[vector<16xi32>, vector<16xi32>], vector<16xf32>,
        %neg3A_1929 = arith.constant 0.000000e+00 : f32
        %neg3A_1930 = vector.broadcast %neg3A_1929 : f32 to vector<16xf32>
        %neg3A_1931 = arith.subf %neg3A_1930, %gather3A_1928 : vector<16xf32>
        %exp3A_1932 = math.exp %neg3A_1931 : vector<16xf32>
        %add3A_1933 = arith.constant 1.000000e+00 : f32
        %add3A_1934 = vector.broadcast %add3A_1933 : f32 to vector<16xf32>
        %add3A_1935 = arith.addf %add3A_1934, %exp3A_1932 : vector<16xf32>
        %div3A_1936 = arith.constant 1.000000e+00 : f32
        %div3A_1937 = vector.broadcast %div3A_1936 : f32 to vector<16xf32>
        %div3A_1938 = arith.divf %div3A_1937, %add3A_1935 : vector<16xf32>
        %swap3A_1939 = arith.index_cast %while3A_1887 : i32 to index
        %swap3A_1940 = arith.constant 32 : index
        %swap3A_1941 = tpu.vector_load %arg17[%swap3A_1939, %swap3A_1940] {strides = array<i32>} : memref<640x128xf32, #tpu.memory_space<vmem>>, vector<16xf32>,
        tpu.vector_store %arg17[%swap3A_1939, %swap3A_1940], %div3A_1938 {strides = array<i32>} : memref<640x128xf32, #tpu.memory_space<vmem>>, vector<16xf32>,
        %add3A_1942 = arith.constant 48 : i32
        %add3A_1943 = vector.broadcast %add3A_1942 : i32 to vector<16xi32>
        %add3A_1944 = arith.addi %iota3A, %add3A_1943 : vector<16xi32>
        %gather3A_1945 = tpu.vector_load_idx %arg13[%add3A_1944, %gather3A_1892] : memref<64x128xf32, #tpu.memory_space<vmem>>[vector<16xi32>, vector<16xi32>], vector<16xf32>,
        %neg3A_1946 = arith.constant 0.000000e+00 : f32
        %neg3A_1947 = vector.broadcast %neg3A_1946 : f32 to vector<16xf32>
        %neg3A_1948 = arith.subf %neg3A_1947, %gather3A_1945 : vector<16xf32>
        %exp3A_1949 = math.exp %neg3A_1948 : vector<16xf32>
        %add3A_1950 = arith.constant 1.000000e+00 : f32
        %add3A_1951 = vector.broadcast %add3A_1950 : f32 to vector<16xf32>
        %add3A_1952 = arith.addf %add3A_1951, %exp3A_1949 : vector<16xf32>
        %div3A_1953 = arith.constant 1.000000e+00 : f32
        %div3A_1954 = vector.broadcast %div3A_1953 : f32 to vector<16xf32>
        %div3A_1955 = arith.divf %div3A_1954, %add3A_1952 : vector<16xf32>
        %swap3A_1956 = arith.index_cast %while3A_1887 : i32 to index
        %swap3A_1957 = arith.constant 48 : index
        %swap3A_1958 = tpu.vector_load %arg17[%swap3A_1956, %swap3A_1957] {strides = array<i32>} : memref<640x128xf32, #tpu.memory_space<vmem>>, vector<16xf32>,
        tpu.vector_store %arg17[%swap3A_1956, %swap3A_1957], %div3A_1955 {strides = array<i32>} : memref<640x128xf32, #tpu.memory_space<vmem>>, vector<16xf32>,
      }
      %while3A_1579 = arith.constant 1 : i32
      scf.for %while3A_1887 = %while3A_1577 to %while3A_1573 step %while3A_1579  : i32 {
        %broadcast_in_dim3A_1888 = arith.constant 0 : i32
        %broadcast_in_dim3A_1889 = vector.broadcast %broadcast_in_dim3A_1888 : i32 to vector<16xi32>
        %add3A_1890 = vector.broadcast %while3A_1887 : i32 to vector<16xi32>
        %add3A_1891 = arith.addi %broadcast_in_dim3A_1889, %add3A_1890 : vector<16xi32>
        %gather3A_1892 = tpu.vector_load_idx %arg9[%add3A_1891] : memref<640xi32, #tpu.memory_space<vmem>>[vector<16xi32>], vector<16xi32>,
        %add3A_1893 = arith.constant 0 : i32
        %add3A_1894 = vector.broadcast %add3A_1893 : i32 to vector<16xi32>
        %add3A_1895 = arith.addi %iota3A, %add3A_1894 : vector<16xi32>
        %gather3A_1896 = tpu.vector_load_idx %arg13[%add3A_1895, %gather3A_1892] : memref<64x128xf32, #tpu.memory_space<vmem>>[vector<16xi32>, vector<16xi32>], vector<16xf32>,
        %neg3A = arith.constant 0.000000e+00 : f32
        %neg3A_1897 = vector.broadcast %neg3A : f32 to vector<16xf32>
        %neg3A_1898 = arith.subf %neg3A_1897, %gather3A_1896 : vector<16xf32>
        %exp3A = math.exp %neg3A_1898 : vector<16xf32>
        %add3A_1899 = arith.constant 1.000000e+00 : f32
        %add3A_1900 = vector.broadcast %add3A_1899 : f32 to vector<16xf32>
        %add3A_1901 = arith.addf %add3A_1900, %exp3A : vector<16xf32>
        %div3A_1902 = arith.constant 1.000000e+00 : f32
        %div3A_1903 = vector.broadcast %div3A_1902 : f32 to vector<16xf32>
        %div3A_1904 = arith.divf %div3A_1903, %add3A_1901 : vector<16xf32>
        %swap3A_1905 = arith.index_cast %while3A_1887 : i32 to index
        %swap3A_1906 = arith.constant 0 : index
        %swap3A_1907 = tpu.vector_load %arg17[%swap3A_1905, %swap3A_1906] {strides = array<i32>} : memref<640x128xf32, #tpu.memory_space<vmem>>, vector<16xf32>,
        tpu.vector_store %arg17[%swap3A_1905, %swap3A_1906], %div3A_1904 {strides = array<i32>} : memref<640x128xf32, #tpu.memory_space<vmem>>, vector<16xf32>,
        %add3A_1908 = arith.constant 16 : i32
        %add3A_1909 = vector.broadcast %add3A_1908 : i32 to vector<16xi32>
        %add3A_1910 = arith.addi %iota3A, %add3A_1909 : vector<16xi32>
        %gather3A_1911 = tpu.vector_load_idx %arg13[%add3A_1910, %gather3A_1892] : memref<64x128xf32, #tpu.memory_space<vmem>>[vector<16xi32>, vector<16xi32>], vector<16xf32>,
        %neg3A_1912 = arith.constant 0.000000e+00 : f32
        %neg3A_1913 = vector.broadcast %neg3A_1912 : f32 to vector<16xf32>
        %neg3A_1914 = arith.subf %neg3A_1913, %gather3A_1911 : vector<16xf32>
        %exp3A_1915 = math.exp %neg3A_1914 : vector<16xf32>
        %add3A_1916 = arith.constant 1.000000e+00 : f32
        %add3A_1917 = vector.broadcast %add3A_1916 : f32 to vector<16xf32>
        %add3A_1918 = arith.addf %add3A_1917, %exp3A_1915 : vector<16xf32>
        %div3A_1919 = arith.constant 1.000000e+00 : f32
        %div3A_1920 = vector.broadcast %div3A_1919 : f32 to vector<16xf32>
        %div3A_1921 = arith.divf %div3A_1920, %add3A_1918 : vector<16xf32>
        %swap3A_1922 = arith.index_cast %while3A_1887 : i32 to index
        %swap3A_1923 = arith.constant 16 : index
        %swap3A_1924 = tpu.vector_load %arg17[%swap3A_1922, %swap3A_1923] {strides = array<i32>} : memref<640x128xf32, #tpu.memory_space<vmem>>, vector<16xf32>,
        tpu.vector_store %arg17[%swap3A_1922, %swap3A_1923], %div3A_1921 {strides = array<i32>} : memref<640x128xf32, #tpu.memory_space<vmem>>, vector<16xf32>,
        %add3A_1925 = arith.constant 32 : i32
        %add3A_1926 = vector.broadcast %add3A_1925 : i32 to vector<16xi32>
        %add3A_1927 = arith.addi %iota3A, %add3A_1926 : vector<16xi32>
        %gather3A_1928 = tpu.vector_load_idx %arg13[%add3A_1927, %gather3A_1892] : memref<64x128xf32, #tpu.memory_space<vmem>>[vector<16xi32>, vector<16xi32>], vector<16xf32>,
        %neg3A_1929 = arith.constant 0.000000e+00 : f32
        %neg3A_1930 = vector.broadcast %neg3A_1929 : f32 to vector<16xf32>
        %neg3A_1931 = arith.subf %neg3A_1930, %gather3A_1928 : vector<16xf32>
        %exp3A_1932 = math.exp %neg3A_1931 : vector<16xf32>
        %add3A_1933 = arith.constant 1.000000e+00 : f32
        %add3A_1934 = vector.broadcast %add3A_1933 : f32 to vector<16xf32>
        %add3A_1935 = arith.addf %add3A_1934, %exp3A_1932 : vector<16xf32>
        %div3A_1936 = arith.constant 1.000000e+00 : f32
        %div3A_1937 = vector.broadcast %div3A_1936 : f32 to vector<16xf32>
        %div3A_1938 = arith.divf %div3A_1937, %add3A_1935 : vector<16xf32>
        %swap3A_1939 = arith.index_cast %while3A_1887 : i32 to index
        %swap3A_1940 = arith.constant 32 : index
        %swap3A_1941 = tpu.vector_load %arg17[%swap3A_1939, %swap3A_1940] {strides = array<i32>} : memref<640x128xf32, #tpu.memory_space<vmem>>, vector<16xf32>,
        tpu.vector_store %arg17[%swap3A_1939, %swap3A_1940], %div3A_1938 {strides = array<i32>} : memref<640x128xf32, #tpu.memory_space<vmem>>, vector<16xf32>,
        %add3A_1942 = arith.constant 48 : i32
        %add3A_1943 = vector.broadcast %add3A_1942 : i32 to vector<16xi32>
        %add3A_1944 = arith.addi %iota3A, %add3A_1943 : vector<16xi32>
        %gather3A_1945 = tpu.vector_load_idx %arg13[%add3A_1944, %gather3A_1892] : memref<64x128xf32, #tpu.memory_space<vmem>>[vector<16xi32>, vector<16xi32>], vector<16xf32>,
        %neg3A_1946 = arith.constant 0.000000e+00 : f32
        %neg3A_1947 = vector.broadcast %neg3A_1946 : f32 to vector<16xf32>
        %neg3A_1948 = arith.subf %neg3A_1947, %gather3A_1945 : vector<16xf32>
        %exp3A_1949 = math.exp %neg3A_1948 : vector<16xf32>
        %add3A_1950 = arith.constant 1.000000e+00 : f32
        %add3A_1951 = vector.broadcast %add3A_1950 : f32 to vector<16xf32>
        %add3A_1952 = arith.addf %add3A_1951, %exp3A_1949 : vector<16xf32>
        %div3A_1953 = arith.constant 1.000000e+00 : f32
        %div3A_1954 = vector.broadcast %div3A_1953 : f32 to vector<16xf32>
        %div3A_1955 = arith.divf %div3A_1954, %add3A_1952 : vector<16xf32>
        %swap3A_1956 = arith.index_cast %while3A_1887 : i32 to index
        %swap3A_1957 = arith.constant 48 : index
        %swap3A_1958 = tpu.vector_load %arg17[%swap3A_1956, %swap3A_1957] {strides = array<i32>} : memref<640x128xf32, #tpu.memory_space<vmem>>, vector<16xf32>,
        tpu.vector_store %arg17[%swap3A_1956, %swap3A_1957], %div3A_1955 {strides = array<i32>} : memref<640x128xf32, #tpu.memory_space<vmem>>, vector<16xf32>,
      }
      %add3A_1580 = arith.constant 4 : i32
      %add3A_1581 = arith.addi %add3A_1515, %add3A_1580 : i32
      %broadcast_in_dim3A_1582 = arith.constant 0 : i32
      %broadcast_in_dim3A_1583 = vector.broadcast %broadcast_in_dim3A_1582 : i32 to vector<16xi32>
      %add3A_1584 = vector.broadcast %add3A_1581 : i32 to vector<16xi32>
      %add3A_1585 = arith.addi %broadcast_in_dim3A_1583, %add3A_1584 : vector<16xi32>
      %gather3A_1586 = tpu.vector_load_idx %arg12[%add3A_1585] : memref<256xi32, #tpu.memory_space<vmem>>[vector<16xi32>], vector<16xi32>,
      %reduce_max3A_1587 = arith.constant true
      %reduce_max3A_1588 = vector.broadcast %reduce_max3A_1587 : i1 to vector<16xi1>
      %reduce_max3A_1589 = arith.constant -2147483648 : i32
      %reduce_max3A_1590 = vector.broadcast %reduce_max3A_1589 : i32 to vector<16xi32>
      %reduce_max3A_1591 = arith.xori %gather3A_1586, %reduce_max3A_1590 : vector<16xi32>
      %reduce_max3A_1592 = tpu.scan <max>, %reduce_max3A_1591 masked %reduce_max3A_1588 : vector<16xi32>, vector<16xi1> -> vector<16xi32>
      %reduce_max3A_1593 = arith.xori %reduce_max3A_1592, %reduce_max3A_1590 : vector<16xi32>
      %reduce_max3A_1594 = vector.extract %reduce_max3A_1593[15] : i32 from vector<16xi32>
      %eq3A_1595 = arith.constant 7812 : i32
      %eq3A_1596 = arith.cmpi eq, %reduce_max3A_1594, %eq3A_1595 : i32
      %convert_element_type3A_1597 = arith.extui %eq3A_1596 : i1 to i32
      %cond3A_1598 = arith.constant 0 : i32
      %cond3A_1599 = arith.cmpi ne, %convert_element_type3A_1597, %cond3A_1598 : i32
      scf.if %cond3A_1599 {
        tpu.enqueue_dma source(%arg3 : memref<64x128xf32, #tpu.memory_space<hbm>>) target(%arg13 : memref<64x128xf32, #tpu.memory_space<vmem>>) target_semaphore(%arg20 : memref<!tpu.dma_semaphore, #tpu.memory_space<semaphore_mem>>)
      } else {
      }
      %ne3A_1600 = arith.constant 7812 : i32
      %ne3A_1601 = arith.cmpi ne, %reduce_max3A_1594, %ne3A_1600 : i32
      %convert_element_type3A_1602 = arith.extui %ne3A_1601 : i1 to i32
      %cond3A_1603 = arith.constant 0 : i32
      %cond3A_1604 = arith.cmpi ne, %convert_element_type3A_1602, %cond3A_1603 : i32
      scf.if %cond3A_1604 {
        %mul3A_1887 = arith.constant 128 : i32
        %mul3A_1888 = arith.muli %reduce_max3A_1594, %mul3A_1887 : i32
        %multiple_of3A = tpu.assume_multiple %mul3A_1888, 128 : i32
        %dma_start3A_1889 = arith.constant 0 : i32
        %dma_start3A_1890 = tpu.memref_slice %arg2[%dma_start3A_1889, %multiple_of3A] : memref<64x1000000xf32, #tpu.memory_space<hbm>> -> memref<64x128xf32, #tpu.memory_space<hbm>>
        %dma_start3A_1891 = arith.constant 0 : i32
        %dma_start3A_1892 = tpu.memref_slice %arg2[%dma_start3A_1891, %multiple_of3A] : memref<64x1000000xf32, #tpu.memory_space<hbm>> -> memref<64x128xf32, #tpu.memory_space<hbm>>
        tpu.enqueue_dma source(%dma_start3A_1892 : memref<64x128xf32, #tpu.memory_space<hbm>>) target(%arg13 : memref<64x128xf32, #tpu.memory_space<vmem>>) target_semaphore(%arg20 : memref<!tpu.dma_semaphore, #tpu.memory_space<semaphore_mem>>)
      } else {
      }
      %mul3A_1605 = arith.constant 4 : i32
      %mul3A_1606 = arith.muli %while3A_1511, %mul3A_1605 : i32
      %add3A_1607 = arith.constant 1 : i32
      %add3A_1608 = arith.addi %mul3A_1606, %add3A_1607 : i32
      %broadcast_in_dim3A_1609 = arith.constant 0 : i32
      %broadcast_in_dim3A_1610 = vector.broadcast %broadcast_in_dim3A_1609 : i32 to vector<16xi32>
      %add3A_1611 = vector.broadcast %add3A_1608 : i32 to vector<16xi32>
      %add3A_1612 = arith.addi %broadcast_in_dim3A_1610, %add3A_1611 : vector<16xi32>
      %gather3A_1613 = tpu.vector_load_idx %arg12[%add3A_1612] : memref<256xi32, #tpu.memory_space<vmem>>[vector<16xi32>], vector<16xi32>,
      %reduce_max3A_1614 = arith.constant true
      %reduce_max3A_1615 = vector.broadcast %reduce_max3A_1614 : i1 to vector<16xi1>
      %reduce_max3A_1616 = arith.constant -2147483648 : i32
      %reduce_max3A_1617 = vector.broadcast %reduce_max3A_1616 : i32 to vector<16xi32>
      %reduce_max3A_1618 = arith.xori %gather3A_1613, %reduce_max3A_1617 : vector<16xi32>
      %reduce_max3A_1619 = tpu.scan <max>, %reduce_max3A_1618 masked %reduce_max3A_1615 : vector<16xi32>, vector<16xi1> -> vector<16xi32>
      %reduce_max3A_1620 = arith.xori %reduce_max3A_1619, %reduce_max3A_1617 : vector<16xi32>
      %reduce_max3A_1621 = vector.extract %reduce_max3A_1620[15] : i32 from vector<16xi32>
      %ne3A_1622 = arith.cmpi ne, %reduce_max3A_1621, %select_n3A : i32
      %sub3A_1623 = arith.subi %reduce_max3A_1621, %mul3A_2 : i32
      %jit3A_1624 = arith.constant 0 : i32
      %jit3A_1625 = arith.constant 255 : i32
      %max3A_1626 = arith.maxsi %jit3A_1624, %sub3A_1623 : i32
      %min3A_1627 = arith.minsi %jit3A_1625, %max3A_1626 : i32
      %broadcast_in_dim3A_1628 = arith.constant 0 : i32
      %broadcast_in_dim3A_1629 = vector.broadcast %broadcast_in_dim3A_1628 : i32 to vector<16xi32>
      %add3A_1630 = vector.broadcast %min3A_1627 : i32 to vector<16xi32>
      %add3A_1631 = arith.addi %broadcast_in_dim3A_1629, %add3A_1630 : vector<16xi32>
      %gather3A_1632 = tpu.vector_load_idx %arg19[%add3A_1631] : memref<256xi32, #tpu.memory_space<vmem>>[vector<16xi32>], vector<16xi32>,
      %reduce_max3A_1633 = arith.constant true
      %reduce_max3A_1634 = vector.broadcast %reduce_max3A_1633 : i1 to vector<16xi1>
      %reduce_max3A_1635 = arith.constant -2147483648 : i32
      %reduce_max3A_1636 = vector.broadcast %reduce_max3A_1635 : i32 to vector<16xi32>
      %reduce_max3A_1637 = arith.xori %gather3A_1632, %reduce_max3A_1636 : vector<16xi32>
      %reduce_max3A_1638 = tpu.scan <max>, %reduce_max3A_1637 masked %reduce_max3A_1634 : vector<16xi32>, vector<16xi1> -> vector<16xi32>
      %reduce_max3A_1639 = arith.xori %reduce_max3A_1638, %reduce_max3A_1636 : vector<16xi32>
      %reduce_max3A_1640 = vector.extract %reduce_max3A_1639[15] : i32 from vector<16xi32>
      %jit3A_1641 = arith.constant 0 : i32
      %select_n3A_1642 = arith.select %ne3A_1622, %reduce_max3A_1640, %jit3A_1641 : i32
      %broadcast_in_dim3A_1643 = arith.constant 0 : i32
      %broadcast_in_dim3A_1644 = vector.broadcast %broadcast_in_dim3A_1643 : i32 to vector<16xi32>
      %add3A_1645 = vector.broadcast %min3A_1627 : i32 to vector<16xi32>
      %add3A_1646 = arith.addi %broadcast_in_dim3A_1644, %add3A_1645 : vector<16xi32>
      %gather3A_1647 = tpu.vector_load_idx %arg18[%add3A_1646] : memref<256xi32, #tpu.memory_space<vmem>>[vector<16xi32>], vector<16xi32>,
      %reduce_max3A_1648 = arith.constant true
      %reduce_max3A_1649 = vector.broadcast %reduce_max3A_1648 : i1 to vector<16xi1>
      %reduce_max3A_1650 = arith.constant -2147483648 : i32
      %reduce_max3A_1651 = vector.broadcast %reduce_max3A_1650 : i32 to vector<16xi32>
      %reduce_max3A_1652 = arith.xori %gather3A_1647, %reduce_max3A_1651 : vector<16xi32>
      %reduce_max3A_1653 = tpu.scan <max>, %reduce_max3A_1652 masked %reduce_max3A_1649 : vector<16xi32>, vector<16xi1> -> vector<16xi32>
      %reduce_max3A_1654 = arith.xori %reduce_max3A_1653, %reduce_max3A_1651 : vector<16xi32>
      %reduce_max3A_1655 = vector.extract %reduce_max3A_1654[15] : i32 from vector<16xi32>
      %jit3A_1656 = arith.constant 0 : i32
      %select_n3A_1657 = arith.select %ne3A_1622, %reduce_max3A_1655, %jit3A_1656 : i32
      %add3A_1658 = arith.addi %select_n3A_1642, %select_n3A_1657 : i32
      %dma_wait3A_1659 = arith.constant 0 : i32
      %dma_wait3A_1660 = arith.constant 0 : i32
      %dma_wait3A_1661 = tpu.memref_slice %arg2[%dma_wait3A_1659, %dma_wait3A_1660] : memref<64x1000000xf32, #tpu.memory_space<hbm>> -> memref<64x128xf32, #tpu.memory_space<hbm>>
      %dma_wait3A_1662 = arith.constant 0 : i32
      %dma_wait3A_1663 = arith.constant 0 : i32
      %dma_wait3A_1664 = tpu.memref_slice %arg2[%dma_wait3A_1662, %dma_wait3A_1663] : memref<64x1000000xf32, #tpu.memory_space<hbm>> -> memref<64x128xf32, #tpu.memory_space<hbm>>
      tpu.wait_dma2 semaphore(%arg21 : memref<!tpu.dma_semaphore, #tpu.memory_space<semaphore_mem>>) src(%dma_wait3A_1664 : memref<64x128xf32, #tpu.memory_space<hbm>>) dst(%arg14 : memref<64x128xf32, #tpu.memory_space<vmem>>)
      %while3A_1665 = arith.constant 0 : i32
      %while3A_1666 = arith.subi %add3A_1658, %select_n3A_1642 : i32
      %while3A_1667 = arith.addi %select_n3A_1642, %while3A_1666 : i32
      %while3A_1668 = arith.constant 1 : i32
      %while3A_1669 = arith.divsi %while3A_1666, %while3A_1668 : i32
      %while3A_1670 = arith.muli %while3A_1669, %while3A_1668 : i32
      %while3A_1671 = arith.addi %select_n3A_1642, %while3A_1670 : i32
      %while3A_1672 = arith.constant 1 : i32
      scf.for %while3A_1887 = %select_n3A_1642 to %while3A_1671 step %while3A_1672  : i32 {
        %broadcast_in_dim3A_1888 = arith.constant 0 : i32
        %broadcast_in_dim3A_1889 = vector.broadcast %broadcast_in_dim3A_1888 : i32 to vector<16xi32>
        %add3A_1890 = vector.broadcast %while3A_1887 : i32 to vector<16xi32>
        %add3A_1891 = arith.addi %broadcast_in_dim3A_1889, %add3A_1890 : vector<16xi32>
        %gather3A_1892 = tpu.vector_load_idx %arg9[%add3A_1891] : memref<640xi32, #tpu.memory_space<vmem>>[vector<16xi32>], vector<16xi32>,
        %add3A_1893 = arith.constant 0 : i32
        %add3A_1894 = vector.broadcast %add3A_1893 : i32 to vector<16xi32>
        %add3A_1895 = arith.addi %iota3A, %add3A_1894 : vector<16xi32>
        %gather3A_1896 = tpu.vector_load_idx %arg14[%add3A_1895, %gather3A_1892] : memref<64x128xf32, #tpu.memory_space<vmem>>[vector<16xi32>, vector<16xi32>], vector<16xf32>,
        %neg3A = arith.constant 0.000000e+00 : f32
        %neg3A_1897 = vector.broadcast %neg3A : f32 to vector<16xf32>
        %neg3A_1898 = arith.subf %neg3A_1897, %gather3A_1896 : vector<16xf32>
        %exp3A = math.exp %neg3A_1898 : vector<16xf32>
        %add3A_1899 = arith.constant 1.000000e+00 : f32
        %add3A_1900 = vector.broadcast %add3A_1899 : f32 to vector<16xf32>
        %add3A_1901 = arith.addf %add3A_1900, %exp3A : vector<16xf32>
        %div3A_1902 = arith.constant 1.000000e+00 : f32
        %div3A_1903 = vector.broadcast %div3A_1902 : f32 to vector<16xf32>
        %div3A_1904 = arith.divf %div3A_1903, %add3A_1901 : vector<16xf32>
        %swap3A_1905 = arith.index_cast %while3A_1887 : i32 to index
        %swap3A_1906 = arith.constant 0 : index
        %swap3A_1907 = tpu.vector_load %arg17[%swap3A_1905, %swap3A_1906] {strides = array<i32>} : memref<640x128xf32, #tpu.memory_space<vmem>>, vector<16xf32>,
        tpu.vector_store %arg17[%swap3A_1905, %swap3A_1906], %div3A_1904 {strides = array<i32>} : memref<640x128xf32, #tpu.memory_space<vmem>>, vector<16xf32>,
        %add3A_1908 = arith.constant 16 : i32
        %add3A_1909 = vector.broadcast %add3A_1908 : i32 to vector<16xi32>
        %add3A_1910 = arith.addi %iota3A, %add3A_1909 : vector<16xi32>
        %gather3A_1911 = tpu.vector_load_idx %arg14[%add3A_1910, %gather3A_1892] : memref<64x128xf32, #tpu.memory_space<vmem>>[vector<16xi32>, vector<16xi32>], vector<16xf32>,
        %neg3A_1912 = arith.constant 0.000000e+00 : f32
        %neg3A_1913 = vector.broadcast %neg3A_1912 : f32 to vector<16xf32>
        %neg3A_1914 = arith.subf %neg3A_1913, %gather3A_1911 : vector<16xf32>
        %exp3A_1915 = math.exp %neg3A_1914 : vector<16xf32>
        %add3A_1916 = arith.constant 1.000000e+00 : f32
        %add3A_1917 = vector.broadcast %add3A_1916 : f32 to vector<16xf32>
        %add3A_1918 = arith.addf %add3A_1917, %exp3A_1915 : vector<16xf32>
        %div3A_1919 = arith.constant 1.000000e+00 : f32
        %div3A_1920 = vector.broadcast %div3A_1919 : f32 to vector<16xf32>
        %div3A_1921 = arith.divf %div3A_1920, %add3A_1918 : vector<16xf32>
        %swap3A_1922 = arith.index_cast %while3A_1887 : i32 to index
        %swap3A_1923 = arith.constant 16 : index
        %swap3A_1924 = tpu.vector_load %arg17[%swap3A_1922, %swap3A_1923] {strides = array<i32>} : memref<640x128xf32, #tpu.memory_space<vmem>>, vector<16xf32>,
        tpu.vector_store %arg17[%swap3A_1922, %swap3A_1923], %div3A_1921 {strides = array<i32>} : memref<640x128xf32, #tpu.memory_space<vmem>>, vector<16xf32>,
        %add3A_1925 = arith.constant 32 : i32
        %add3A_1926 = vector.broadcast %add3A_1925 : i32 to vector<16xi32>
        %add3A_1927 = arith.addi %iota3A, %add3A_1926 : vector<16xi32>
        %gather3A_1928 = tpu.vector_load_idx %arg14[%add3A_1927, %gather3A_1892] : memref<64x128xf32, #tpu.memory_space<vmem>>[vector<16xi32>, vector<16xi32>], vector<16xf32>,
        %neg3A_1929 = arith.constant 0.000000e+00 : f32
        %neg3A_1930 = vector.broadcast %neg3A_1929 : f32 to vector<16xf32>
        %neg3A_1931 = arith.subf %neg3A_1930, %gather3A_1928 : vector<16xf32>
        %exp3A_1932 = math.exp %neg3A_1931 : vector<16xf32>
        %add3A_1933 = arith.constant 1.000000e+00 : f32
        %add3A_1934 = vector.broadcast %add3A_1933 : f32 to vector<16xf32>
        %add3A_1935 = arith.addf %add3A_1934, %exp3A_1932 : vector<16xf32>
        %div3A_1936 = arith.constant 1.000000e+00 : f32
        %div3A_1937 = vector.broadcast %div3A_1936 : f32 to vector<16xf32>
        %div3A_1938 = arith.divf %div3A_1937, %add3A_1935 : vector<16xf32>
        %swap3A_1939 = arith.index_cast %while3A_1887 : i32 to index
        %swap3A_1940 = arith.constant 32 : index
        %swap3A_1941 = tpu.vector_load %arg17[%swap3A_1939, %swap3A_1940] {strides = array<i32>} : memref<640x128xf32, #tpu.memory_space<vmem>>, vector<16xf32>,
        tpu.vector_store %arg17[%swap3A_1939, %swap3A_1940], %div3A_1938 {strides = array<i32>} : memref<640x128xf32, #tpu.memory_space<vmem>>, vector<16xf32>,
        %add3A_1942 = arith.constant 48 : i32
        %add3A_1943 = vector.broadcast %add3A_1942 : i32 to vector<16xi32>
        %add3A_1944 = arith.addi %iota3A, %add3A_1943 : vector<16xi32>
        %gather3A_1945 = tpu.vector_load_idx %arg14[%add3A_1944, %gather3A_1892] : memref<64x128xf32, #tpu.memory_space<vmem>>[vector<16xi32>, vector<16xi32>], vector<16xf32>,
        %neg3A_1946 = arith.constant 0.000000e+00 : f32
        %neg3A_1947 = vector.broadcast %neg3A_1946 : f32 to vector<16xf32>
        %neg3A_1948 = arith.subf %neg3A_1947, %gather3A_1945 : vector<16xf32>
        %exp3A_1949 = math.exp %neg3A_1948 : vector<16xf32>
        %add3A_1950 = arith.constant 1.000000e+00 : f32
        %add3A_1951 = vector.broadcast %add3A_1950 : f32 to vector<16xf32>
        %add3A_1952 = arith.addf %add3A_1951, %exp3A_1949 : vector<16xf32>
        %div3A_1953 = arith.constant 1.000000e+00 : f32
        %div3A_1954 = vector.broadcast %div3A_1953 : f32 to vector<16xf32>
        %div3A_1955 = arith.divf %div3A_1954, %add3A_1952 : vector<16xf32>
        %swap3A_1956 = arith.index_cast %while3A_1887 : i32 to index
        %swap3A_1957 = arith.constant 48 : index
        %swap3A_1958 = tpu.vector_load %arg17[%swap3A_1956, %swap3A_1957] {strides = array<i32>} : memref<640x128xf32, #tpu.memory_space<vmem>>, vector<16xf32>,
        tpu.vector_store %arg17[%swap3A_1956, %swap3A_1957], %div3A_1955 {strides = array<i32>} : memref<640x128xf32, #tpu.memory_space<vmem>>, vector<16xf32>,
      }
      %while3A_1673 = arith.constant 1 : i32
      scf.for %while3A_1887 = %while3A_1671 to %while3A_1667 step %while3A_1673  : i32 {
        %broadcast_in_dim3A_1888 = arith.constant 0 : i32
        %broadcast_in_dim3A_1889 = vector.broadcast %broadcast_in_dim3A_1888 : i32 to vector<16xi32>
        %add3A_1890 = vector.broadcast %while3A_1887 : i32 to vector<16xi32>
        %add3A_1891 = arith.addi %broadcast_in_dim3A_1889, %add3A_1890 : vector<16xi32>
        %gather3A_1892 = tpu.vector_load_idx %arg9[%add3A_1891] : memref<640xi32, #tpu.memory_space<vmem>>[vector<16xi32>], vector<16xi32>,
        %add3A_1893 = arith.constant 0 : i32
        %add3A_1894 = vector.broadcast %add3A_1893 : i32 to vector<16xi32>
        %add3A_1895 = arith.addi %iota3A, %add3A_1894 : vector<16xi32>
        %gather3A_1896 = tpu.vector_load_idx %arg14[%add3A_1895, %gather3A_1892] : memref<64x128xf32, #tpu.memory_space<vmem>>[vector<16xi32>, vector<16xi32>], vector<16xf32>,
        %neg3A = arith.constant 0.000000e+00 : f32
        %neg3A_1897 = vector.broadcast %neg3A : f32 to vector<16xf32>
        %neg3A_1898 = arith.subf %neg3A_1897, %gather3A_1896 : vector<16xf32>
        %exp3A = math.exp %neg3A_1898 : vector<16xf32>
        %add3A_1899 = arith.constant 1.000000e+00 : f32
        %add3A_1900 = vector.broadcast %add3A_1899 : f32 to vector<16xf32>
        %add3A_1901 = arith.addf %add3A_1900, %exp3A : vector<16xf32>
        %div3A_1902 = arith.constant 1.000000e+00 : f32
        %div3A_1903 = vector.broadcast %div3A_1902 : f32 to vector<16xf32>
        %div3A_1904 = arith.divf %div3A_1903, %add3A_1901 : vector<16xf32>
        %swap3A_1905 = arith.index_cast %while3A_1887 : i32 to index
        %swap3A_1906 = arith.constant 0 : index
        %swap3A_1907 = tpu.vector_load %arg17[%swap3A_1905, %swap3A_1906] {strides = array<i32>} : memref<640x128xf32, #tpu.memory_space<vmem>>, vector<16xf32>,
        tpu.vector_store %arg17[%swap3A_1905, %swap3A_1906], %div3A_1904 {strides = array<i32>} : memref<640x128xf32, #tpu.memory_space<vmem>>, vector<16xf32>,
        %add3A_1908 = arith.constant 16 : i32
        %add3A_1909 = vector.broadcast %add3A_1908 : i32 to vector<16xi32>
        %add3A_1910 = arith.addi %iota3A, %add3A_1909 : vector<16xi32>
        %gather3A_1911 = tpu.vector_load_idx %arg14[%add3A_1910, %gather3A_1892] : memref<64x128xf32, #tpu.memory_space<vmem>>[vector<16xi32>, vector<16xi32>], vector<16xf32>,
        %neg3A_1912 = arith.constant 0.000000e+00 : f32
        %neg3A_1913 = vector.broadcast %neg3A_1912 : f32 to vector<16xf32>
        %neg3A_1914 = arith.subf %neg3A_1913, %gather3A_1911 : vector<16xf32>
        %exp3A_1915 = math.exp %neg3A_1914 : vector<16xf32>
        %add3A_1916 = arith.constant 1.000000e+00 : f32
        %add3A_1917 = vector.broadcast %add3A_1916 : f32 to vector<16xf32>
        %add3A_1918 = arith.addf %add3A_1917, %exp3A_1915 : vector<16xf32>
        %div3A_1919 = arith.constant 1.000000e+00 : f32
        %div3A_1920 = vector.broadcast %div3A_1919 : f32 to vector<16xf32>
        %div3A_1921 = arith.divf %div3A_1920, %add3A_1918 : vector<16xf32>
        %swap3A_1922 = arith.index_cast %while3A_1887 : i32 to index
        %swap3A_1923 = arith.constant 16 : index
        %swap3A_1924 = tpu.vector_load %arg17[%swap3A_1922, %swap3A_1923] {strides = array<i32>} : memref<640x128xf32, #tpu.memory_space<vmem>>, vector<16xf32>,
        tpu.vector_store %arg17[%swap3A_1922, %swap3A_1923], %div3A_1921 {strides = array<i32>} : memref<640x128xf32, #tpu.memory_space<vmem>>, vector<16xf32>,
        %add3A_1925 = arith.constant 32 : i32
        %add3A_1926 = vector.broadcast %add3A_1925 : i32 to vector<16xi32>
        %add3A_1927 = arith.addi %iota3A, %add3A_1926 : vector<16xi32>
        %gather3A_1928 = tpu.vector_load_idx %arg14[%add3A_1927, %gather3A_1892] : memref<64x128xf32, #tpu.memory_space<vmem>>[vector<16xi32>, vector<16xi32>], vector<16xf32>,
        %neg3A_1929 = arith.constant 0.000000e+00 : f32
        %neg3A_1930 = vector.broadcast %neg3A_1929 : f32 to vector<16xf32>
        %neg3A_1931 = arith.subf %neg3A_1930, %gather3A_1928 : vector<16xf32>
        %exp3A_1932 = math.exp %neg3A_1931 : vector<16xf32>
        %add3A_1933 = arith.constant 1.000000e+00 : f32
        %add3A_1934 = vector.broadcast %add3A_1933 : f32 to vector<16xf32>
        %add3A_1935 = arith.addf %add3A_1934, %exp3A_1932 : vector<16xf32>
        %div3A_1936 = arith.constant 1.000000e+00 : f32
        %div3A_1937 = vector.broadcast %div3A_1936 : f32 to vector<16xf32>
        %div3A_1938 = arith.divf %div3A_1937, %add3A_1935 : vector<16xf32>
        %swap3A_1939 = arith.index_cast %while3A_1887 : i32 to index
        %swap3A_1940 = arith.constant 32 : index
        %swap3A_1941 = tpu.vector_load %arg17[%swap3A_1939, %swap3A_1940] {strides = array<i32>} : memref<640x128xf32, #tpu.memory_space<vmem>>, vector<16xf32>,
        tpu.vector_store %arg17[%swap3A_1939, %swap3A_1940], %div3A_1938 {strides = array<i32>} : memref<640x128xf32, #tpu.memory_space<vmem>>, vector<16xf32>,
        %add3A_1942 = arith.constant 48 : i32
        %add3A_1943 = vector.broadcast %add3A_1942 : i32 to vector<16xi32>
        %add3A_1944 = arith.addi %iota3A, %add3A_1943 : vector<16xi32>
        %gather3A_1945 = tpu.vector_load_idx %arg14[%add3A_1944, %gather3A_1892] : memref<64x128xf32, #tpu.memory_space<vmem>>[vector<16xi32>, vector<16xi32>], vector<16xf32>,
        %neg3A_1946 = arith.constant 0.000000e+00 : f32
        %neg3A_1947 = vector.broadcast %neg3A_1946 : f32 to vector<16xf32>
        %neg3A_1948 = arith.subf %neg3A_1947, %gather3A_1945 : vector<16xf32>
        %exp3A_1949 = math.exp %neg3A_1948 : vector<16xf32>
        %add3A_1950 = arith.constant 1.000000e+00 : f32
        %add3A_1951 = vector.broadcast %add3A_1950 : f32 to vector<16xf32>
        %add3A_1952 = arith.addf %add3A_1951, %exp3A_1949 : vector<16xf32>
        %div3A_1953 = arith.constant 1.000000e+00 : f32
        %div3A_1954 = vector.broadcast %div3A_1953 : f32 to vector<16xf32>
        %div3A_1955 = arith.divf %div3A_1954, %add3A_1952 : vector<16xf32>
        %swap3A_1956 = arith.index_cast %while3A_1887 : i32 to index
        %swap3A_1957 = arith.constant 48 : index
        %swap3A_1958 = tpu.vector_load %arg17[%swap3A_1956, %swap3A_1957] {strides = array<i32>} : memref<640x128xf32, #tpu.memory_space<vmem>>, vector<16xf32>,
        tpu.vector_store %arg17[%swap3A_1956, %swap3A_1957], %div3A_1955 {strides = array<i32>} : memref<640x128xf32, #tpu.memory_space<vmem>>, vector<16xf32>,
      }
      %add3A_1674 = arith.constant 4 : i32
      %add3A_1675 = arith.addi %add3A_1608, %add3A_1674 : i32
      %broadcast_in_dim3A_1676 = arith.constant 0 : i32
      %broadcast_in_dim3A_1677 = vector.broadcast %broadcast_in_dim3A_1676 : i32 to vector<16xi32>
      %add3A_1678 = vector.broadcast %add3A_1675 : i32 to vector<16xi32>
      %add3A_1679 = arith.addi %broadcast_in_dim3A_1677, %add3A_1678 : vector<16xi32>
      %gather3A_1680 = tpu.vector_load_idx %arg12[%add3A_1679] : memref<256xi32, #tpu.memory_space<vmem>>[vector<16xi32>], vector<16xi32>,
      %reduce_max3A_1681 = arith.constant true
      %reduce_max3A_1682 = vector.broadcast %reduce_max3A_1681 : i1 to vector<16xi1>
      %reduce_max3A_1683 = arith.constant -2147483648 : i32
      %reduce_max3A_1684 = vector.broadcast %reduce_max3A_1683 : i32 to vector<16xi32>
      %reduce_max3A_1685 = arith.xori %gather3A_1680, %reduce_max3A_1684 : vector<16xi32>
      %reduce_max3A_1686 = tpu.scan <max>, %reduce_max3A_1685 masked %reduce_max3A_1682 : vector<16xi32>, vector<16xi1> -> vector<16xi32>
      %reduce_max3A_1687 = arith.xori %reduce_max3A_1686, %reduce_max3A_1684 : vector<16xi32>
      %reduce_max3A_1688 = vector.extract %reduce_max3A_1687[15] : i32 from vector<16xi32>
      %eq3A_1689 = arith.constant 7812 : i32
      %eq3A_1690 = arith.cmpi eq, %reduce_max3A_1688, %eq3A_1689 : i32
      %convert_element_type3A_1691 = arith.extui %eq3A_1690 : i1 to i32
      %cond3A_1692 = arith.constant 0 : i32
      %cond3A_1693 = arith.cmpi ne, %convert_element_type3A_1691, %cond3A_1692 : i32
      scf.if %cond3A_1693 {
        tpu.enqueue_dma source(%arg3 : memref<64x128xf32, #tpu.memory_space<hbm>>) target(%arg14 : memref<64x128xf32, #tpu.memory_space<vmem>>) target_semaphore(%arg21 : memref<!tpu.dma_semaphore, #tpu.memory_space<semaphore_mem>>)
      } else {
      }
      %ne3A_1694 = arith.constant 7812 : i32
      %ne3A_1695 = arith.cmpi ne, %reduce_max3A_1688, %ne3A_1694 : i32
      %convert_element_type3A_1696 = arith.extui %ne3A_1695 : i1 to i32
      %cond3A_1697 = arith.constant 0 : i32
      %cond3A_1698 = arith.cmpi ne, %convert_element_type3A_1696, %cond3A_1697 : i32
      scf.if %cond3A_1698 {
        %mul3A_1887 = arith.constant 128 : i32
        %mul3A_1888 = arith.muli %reduce_max3A_1688, %mul3A_1887 : i32
        %multiple_of3A = tpu.assume_multiple %mul3A_1888, 128 : i32
        %dma_start3A_1889 = arith.constant 0 : i32
        %dma_start3A_1890 = tpu.memref_slice %arg2[%dma_start3A_1889, %multiple_of3A] : memref<64x1000000xf32, #tpu.memory_space<hbm>> -> memref<64x128xf32, #tpu.memory_space<hbm>>
        %dma_start3A_1891 = arith.constant 0 : i32
        %dma_start3A_1892 = tpu.memref_slice %arg2[%dma_start3A_1891, %multiple_of3A] : memref<64x1000000xf32, #tpu.memory_space<hbm>> -> memref<64x128xf32, #tpu.memory_space<hbm>>
        tpu.enqueue_dma source(%dma_start3A_1892 : memref<64x128xf32, #tpu.memory_space<hbm>>) target(%arg14 : memref<64x128xf32, #tpu.memory_space<vmem>>) target_semaphore(%arg21 : memref<!tpu.dma_semaphore, #tpu.memory_space<semaphore_mem>>)
      } else {
      }
      %mul3A_1699 = arith.constant 4 : i32
      %mul3A_1700 = arith.muli %while3A_1511, %mul3A_1699 : i32
      %add3A_1701 = arith.constant 2 : i32
      %add3A_1702 = arith.addi %mul3A_1700, %add3A_1701 : i32
      %broadcast_in_dim3A_1703 = arith.constant 0 : i32
      %broadcast_in_dim3A_1704 = vector.broadcast %broadcast_in_dim3A_1703 : i32 to vector<16xi32>
      %add3A_1705 = vector.broadcast %add3A_1702 : i32 to vector<16xi32>
      %add3A_1706 = arith.addi %broadcast_in_dim3A_1704, %add3A_1705 : vector<16xi32>
      %gather3A_1707 = tpu.vector_load_idx %arg12[%add3A_1706] : memref<256xi32, #tpu.memory_space<vmem>>[vector<16xi32>], vector<16xi32>,
      %reduce_max3A_1708 = arith.constant true
      %reduce_max3A_1709 = vector.broadcast %reduce_max3A_1708 : i1 to vector<16xi1>
      %reduce_max3A_1710 = arith.constant -2147483648 : i32
      %reduce_max3A_1711 = vector.broadcast %reduce_max3A_1710 : i32 to vector<16xi32>
      %reduce_max3A_1712 = arith.xori %gather3A_1707, %reduce_max3A_1711 : vector<16xi32>
      %reduce_max3A_1713 = tpu.scan <max>, %reduce_max3A_1712 masked %reduce_max3A_1709 : vector<16xi32>, vector<16xi1> -> vector<16xi32>
      %reduce_max3A_1714 = arith.xori %reduce_max3A_1713, %reduce_max3A_1711 : vector<16xi32>
      %reduce_max3A_1715 = vector.extract %reduce_max3A_1714[15] : i32 from vector<16xi32>
      %ne3A_1716 = arith.cmpi ne, %reduce_max3A_1715, %select_n3A : i32
      %sub3A_1717 = arith.subi %reduce_max3A_1715, %mul3A_2 : i32
      %jit3A_1718 = arith.constant 0 : i32
      %jit3A_1719 = arith.constant 255 : i32
      %max3A_1720 = arith.maxsi %jit3A_1718, %sub3A_1717 : i32
      %min3A_1721 = arith.minsi %jit3A_1719, %max3A_1720 : i32
      %broadcast_in_dim3A_1722 = arith.constant 0 : i32
      %broadcast_in_dim3A_1723 = vector.broadcast %broadcast_in_dim3A_1722 : i32 to vector<16xi32>
      %add3A_1724 = vector.broadcast %min3A_1721 : i32 to vector<16xi32>
      %add3A_1725 = arith.addi %broadcast_in_dim3A_1723, %add3A_1724 : vector<16xi32>
      %gather3A_1726 = tpu.vector_load_idx %arg19[%add3A_1725] : memref<256xi32, #tpu.memory_space<vmem>>[vector<16xi32>], vector<16xi32>,
      %reduce_max3A_1727 = arith.constant true
      %reduce_max3A_1728 = vector.broadcast %reduce_max3A_1727 : i1 to vector<16xi1>
      %reduce_max3A_1729 = arith.constant -2147483648 : i32
      %reduce_max3A_1730 = vector.broadcast %reduce_max3A_1729 : i32 to vector<16xi32>
      %reduce_max3A_1731 = arith.xori %gather3A_1726, %reduce_max3A_1730 : vector<16xi32>
      %reduce_max3A_1732 = tpu.scan <max>, %reduce_max3A_1731 masked %reduce_max3A_1728 : vector<16xi32>, vector<16xi1> -> vector<16xi32>
      %reduce_max3A_1733 = arith.xori %reduce_max3A_1732, %reduce_max3A_1730 : vector<16xi32>
      %reduce_max3A_1734 = vector.extract %reduce_max3A_1733[15] : i32 from vector<16xi32>
      %jit3A_1735 = arith.constant 0 : i32
      %select_n3A_1736 = arith.select %ne3A_1716, %reduce_max3A_1734, %jit3A_1735 : i32
      %broadcast_in_dim3A_1737 = arith.constant 0 : i32
      %broadcast_in_dim3A_1738 = vector.broadcast %broadcast_in_dim3A_1737 : i32 to vector<16xi32>
      %add3A_1739 = vector.broadcast %min3A_1721 : i32 to vector<16xi32>
      %add3A_1740 = arith.addi %broadcast_in_dim3A_1738, %add3A_1739 : vector<16xi32>
      %gather3A_1741 = tpu.vector_load_idx %arg18[%add3A_1740] : memref<256xi32, #tpu.memory_space<vmem>>[vector<16xi32>], vector<16xi32>,
      %reduce_max3A_1742 = arith.constant true
      %reduce_max3A_1743 = vector.broadcast %reduce_max3A_1742 : i1 to vector<16xi1>
      %reduce_max3A_1744 = arith.constant -2147483648 : i32
      %reduce_max3A_1745 = vector.broadcast %reduce_max3A_1744 : i32 to vector<16xi32>
      %reduce_max3A_1746 = arith.xori %gather3A_1741, %reduce_max3A_1745 : vector<16xi32>
      %reduce_max3A_1747 = tpu.scan <max>, %reduce_max3A_1746 masked %reduce_max3A_1743 : vector<16xi32>, vector<16xi1> -> vector<16xi32>
      %reduce_max3A_1748 = arith.xori %reduce_max3A_1747, %reduce_max3A_1745 : vector<16xi32>
      %reduce_max3A_1749 = vector.extract %reduce_max3A_1748[15] : i32 from vector<16xi32>
      %jit3A_1750 = arith.constant 0 : i32
      %select_n3A_1751 = arith.select %ne3A_1716, %reduce_max3A_1749, %jit3A_1750 : i32
      %add3A_1752 = arith.addi %select_n3A_1736, %select_n3A_1751 : i32
      %dma_wait3A_1753 = arith.constant 0 : i32
      %dma_wait3A_1754 = arith.constant 0 : i32
      %dma_wait3A_1755 = tpu.memref_slice %arg2[%dma_wait3A_1753, %dma_wait3A_1754] : memref<64x1000000xf32, #tpu.memory_space<hbm>> -> memref<64x128xf32, #tpu.memory_space<hbm>>
      %dma_wait3A_1756 = arith.constant 0 : i32
      %dma_wait3A_1757 = arith.constant 0 : i32
      %dma_wait3A_1758 = tpu.memref_slice %arg2[%dma_wait3A_1756, %dma_wait3A_1757] : memref<64x1000000xf32, #tpu.memory_space<hbm>> -> memref<64x128xf32, #tpu.memory_space<hbm>>
      tpu.wait_dma2 semaphore(%arg22 : memref<!tpu.dma_semaphore, #tpu.memory_space<semaphore_mem>>) src(%dma_wait3A_1758 : memref<64x128xf32, #tpu.memory_space<hbm>>) dst(%arg15 : memref<64x128xf32, #tpu.memory_space<vmem>>)
      %while3A_1759 = arith.constant 0 : i32
      %while3A_1760 = arith.subi %add3A_1752, %select_n3A_1736 : i32
      %while3A_1761 = arith.addi %select_n3A_1736, %while3A_1760 : i32
      %while3A_1762 = arith.constant 1 : i32
      %while3A_1763 = arith.divsi %while3A_1760, %while3A_1762 : i32
      %while3A_1764 = arith.muli %while3A_1763, %while3A_1762 : i32
      %while3A_1765 = arith.addi %select_n3A_1736, %while3A_1764 : i32
      %while3A_1766 = arith.constant 1 : i32
      scf.for %while3A_1887 = %select_n3A_1736 to %while3A_1765 step %while3A_1766  : i32 {
        %broadcast_in_dim3A_1888 = arith.constant 0 : i32
        %broadcast_in_dim3A_1889 = vector.broadcast %broadcast_in_dim3A_1888 : i32 to vector<16xi32>
        %add3A_1890 = vector.broadcast %while3A_1887 : i32 to vector<16xi32>
        %add3A_1891 = arith.addi %broadcast_in_dim3A_1889, %add3A_1890 : vector<16xi32>
        %gather3A_1892 = tpu.vector_load_idx %arg9[%add3A_1891] : memref<640xi32, #tpu.memory_space<vmem>>[vector<16xi32>], vector<16xi32>,
        %add3A_1893 = arith.constant 0 : i32
        %add3A_1894 = vector.broadcast %add3A_1893 : i32 to vector<16xi32>
        %add3A_1895 = arith.addi %iota3A, %add3A_1894 : vector<16xi32>
        %gather3A_1896 = tpu.vector_load_idx %arg15[%add3A_1895, %gather3A_1892] : memref<64x128xf32, #tpu.memory_space<vmem>>[vector<16xi32>, vector<16xi32>], vector<16xf32>,
        %neg3A = arith.constant 0.000000e+00 : f32
        %neg3A_1897 = vector.broadcast %neg3A : f32 to vector<16xf32>
        %neg3A_1898 = arith.subf %neg3A_1897, %gather3A_1896 : vector<16xf32>
        %exp3A = math.exp %neg3A_1898 : vector<16xf32>
        %add3A_1899 = arith.constant 1.000000e+00 : f32
        %add3A_1900 = vector.broadcast %add3A_1899 : f32 to vector<16xf32>
        %add3A_1901 = arith.addf %add3A_1900, %exp3A : vector<16xf32>
        %div3A_1902 = arith.constant 1.000000e+00 : f32
        %div3A_1903 = vector.broadcast %div3A_1902 : f32 to vector<16xf32>
        %div3A_1904 = arith.divf %div3A_1903, %add3A_1901 : vector<16xf32>
        %swap3A_1905 = arith.index_cast %while3A_1887 : i32 to index
        %swap3A_1906 = arith.constant 0 : index
        %swap3A_1907 = tpu.vector_load %arg17[%swap3A_1905, %swap3A_1906] {strides = array<i32>} : memref<640x128xf32, #tpu.memory_space<vmem>>, vector<16xf32>,
        tpu.vector_store %arg17[%swap3A_1905, %swap3A_1906], %div3A_1904 {strides = array<i32>} : memref<640x128xf32, #tpu.memory_space<vmem>>, vector<16xf32>,
        %add3A_1908 = arith.constant 16 : i32
        %add3A_1909 = vector.broadcast %add3A_1908 : i32 to vector<16xi32>
        %add3A_1910 = arith.addi %iota3A, %add3A_1909 : vector<16xi32>
        %gather3A_1911 = tpu.vector_load_idx %arg15[%add3A_1910, %gather3A_1892] : memref<64x128xf32, #tpu.memory_space<vmem>>[vector<16xi32>, vector<16xi32>], vector<16xf32>,
        %neg3A_1912 = arith.constant 0.000000e+00 : f32
        %neg3A_1913 = vector.broadcast %neg3A_1912 : f32 to vector<16xf32>
        %neg3A_1914 = arith.subf %neg3A_1913, %gather3A_1911 : vector<16xf32>
        %exp3A_1915 = math.exp %neg3A_1914 : vector<16xf32>
        %add3A_1916 = arith.constant 1.000000e+00 : f32
        %add3A_1917 = vector.broadcast %add3A_1916 : f32 to vector<16xf32>
        %add3A_1918 = arith.addf %add3A_1917, %exp3A_1915 : vector<16xf32>
        %div3A_1919 = arith.constant 1.000000e+00 : f32
        %div3A_1920 = vector.broadcast %div3A_1919 : f32 to vector<16xf32>
        %div3A_1921 = arith.divf %div3A_1920, %add3A_1918 : vector<16xf32>
        %swap3A_1922 = arith.index_cast %while3A_1887 : i32 to index
        %swap3A_1923 = arith.constant 16 : index
        %swap3A_1924 = tpu.vector_load %arg17[%swap3A_1922, %swap3A_1923] {strides = array<i32>} : memref<640x128xf32, #tpu.memory_space<vmem>>, vector<16xf32>,
        tpu.vector_store %arg17[%swap3A_1922, %swap3A_1923], %div3A_1921 {strides = array<i32>} : memref<640x128xf32, #tpu.memory_space<vmem>>, vector<16xf32>,
        %add3A_1925 = arith.constant 32 : i32
        %add3A_1926 = vector.broadcast %add3A_1925 : i32 to vector<16xi32>
        %add3A_1927 = arith.addi %iota3A, %add3A_1926 : vector<16xi32>
        %gather3A_1928 = tpu.vector_load_idx %arg15[%add3A_1927, %gather3A_1892] : memref<64x128xf32, #tpu.memory_space<vmem>>[vector<16xi32>, vector<16xi32>], vector<16xf32>,
        %neg3A_1929 = arith.constant 0.000000e+00 : f32
        %neg3A_1930 = vector.broadcast %neg3A_1929 : f32 to vector<16xf32>
        %neg3A_1931 = arith.subf %neg3A_1930, %gather3A_1928 : vector<16xf32>
        %exp3A_1932 = math.exp %neg3A_1931 : vector<16xf32>
        %add3A_1933 = arith.constant 1.000000e+00 : f32
        %add3A_1934 = vector.broadcast %add3A_1933 : f32 to vector<16xf32>
        %add3A_1935 = arith.addf %add3A_1934, %exp3A_1932 : vector<16xf32>
        %div3A_1936 = arith.constant 1.000000e+00 : f32
        %div3A_1937 = vector.broadcast %div3A_1936 : f32 to vector<16xf32>
        %div3A_1938 = arith.divf %div3A_1937, %add3A_1935 : vector<16xf32>
        %swap3A_1939 = arith.index_cast %while3A_1887 : i32 to index
        %swap3A_1940 = arith.constant 32 : index
        %swap3A_1941 = tpu.vector_load %arg17[%swap3A_1939, %swap3A_1940] {strides = array<i32>} : memref<640x128xf32, #tpu.memory_space<vmem>>, vector<16xf32>,
        tpu.vector_store %arg17[%swap3A_1939, %swap3A_1940], %div3A_1938 {strides = array<i32>} : memref<640x128xf32, #tpu.memory_space<vmem>>, vector<16xf32>,
        %add3A_1942 = arith.constant 48 : i32
        %add3A_1943 = vector.broadcast %add3A_1942 : i32 to vector<16xi32>
        %add3A_1944 = arith.addi %iota3A, %add3A_1943 : vector<16xi32>
        %gather3A_1945 = tpu.vector_load_idx %arg15[%add3A_1944, %gather3A_1892] : memref<64x128xf32, #tpu.memory_space<vmem>>[vector<16xi32>, vector<16xi32>], vector<16xf32>,
        %neg3A_1946 = arith.constant 0.000000e+00 : f32
        %neg3A_1947 = vector.broadcast %neg3A_1946 : f32 to vector<16xf32>
        %neg3A_1948 = arith.subf %neg3A_1947, %gather3A_1945 : vector<16xf32>
        %exp3A_1949 = math.exp %neg3A_1948 : vector<16xf32>
        %add3A_1950 = arith.constant 1.000000e+00 : f32
        %add3A_1951 = vector.broadcast %add3A_1950 : f32 to vector<16xf32>
        %add3A_1952 = arith.addf %add3A_1951, %exp3A_1949 : vector<16xf32>
        %div3A_1953 = arith.constant 1.000000e+00 : f32
        %div3A_1954 = vector.broadcast %div3A_1953 : f32 to vector<16xf32>
        %div3A_1955 = arith.divf %div3A_1954, %add3A_1952 : vector<16xf32>
        %swap3A_1956 = arith.index_cast %while3A_1887 : i32 to index
        %swap3A_1957 = arith.constant 48 : index
        %swap3A_1958 = tpu.vector_load %arg17[%swap3A_1956, %swap3A_1957] {strides = array<i32>} : memref<640x128xf32, #tpu.memory_space<vmem>>, vector<16xf32>,
        tpu.vector_store %arg17[%swap3A_1956, %swap3A_1957], %div3A_1955 {strides = array<i32>} : memref<640x128xf32, #tpu.memory_space<vmem>>, vector<16xf32>,
      }
      %while3A_1767 = arith.constant 1 : i32
      scf.for %while3A_1887 = %while3A_1765 to %while3A_1761 step %while3A_1767  : i32 {
        %broadcast_in_dim3A_1888 = arith.constant 0 : i32
        %broadcast_in_dim3A_1889 = vector.broadcast %broadcast_in_dim3A_1888 : i32 to vector<16xi32>
        %add3A_1890 = vector.broadcast %while3A_1887 : i32 to vector<16xi32>
        %add3A_1891 = arith.addi %broadcast_in_dim3A_1889, %add3A_1890 : vector<16xi32>
        %gather3A_1892 = tpu.vector_load_idx %arg9[%add3A_1891] : memref<640xi32, #tpu.memory_space<vmem>>[vector<16xi32>], vector<16xi32>,
        %add3A_1893 = arith.constant 0 : i32
        %add3A_1894 = vector.broadcast %add3A_1893 : i32 to vector<16xi32>
        %add3A_1895 = arith.addi %iota3A, %add3A_1894 : vector<16xi32>
        %gather3A_1896 = tpu.vector_load_idx %arg15[%add3A_1895, %gather3A_1892] : memref<64x128xf32, #tpu.memory_space<vmem>>[vector<16xi32>, vector<16xi32>], vector<16xf32>,
        %neg3A = arith.constant 0.000000e+00 : f32
        %neg3A_1897 = vector.broadcast %neg3A : f32 to vector<16xf32>
        %neg3A_1898 = arith.subf %neg3A_1897, %gather3A_1896 : vector<16xf32>
        %exp3A = math.exp %neg3A_1898 : vector<16xf32>
        %add3A_1899 = arith.constant 1.000000e+00 : f32
        %add3A_1900 = vector.broadcast %add3A_1899 : f32 to vector<16xf32>
        %add3A_1901 = arith.addf %add3A_1900, %exp3A : vector<16xf32>
        %div3A_1902 = arith.constant 1.000000e+00 : f32
        %div3A_1903 = vector.broadcast %div3A_1902 : f32 to vector<16xf32>
        %div3A_1904 = arith.divf %div3A_1903, %add3A_1901 : vector<16xf32>
        %swap3A_1905 = arith.index_cast %while3A_1887 : i32 to index
        %swap3A_1906 = arith.constant 0 : index
        %swap3A_1907 = tpu.vector_load %arg17[%swap3A_1905, %swap3A_1906] {strides = array<i32>} : memref<640x128xf32, #tpu.memory_space<vmem>>, vector<16xf32>,
        tpu.vector_store %arg17[%swap3A_1905, %swap3A_1906], %div3A_1904 {strides = array<i32>} : memref<640x128xf32, #tpu.memory_space<vmem>>, vector<16xf32>,
        %add3A_1908 = arith.constant 16 : i32
        %add3A_1909 = vector.broadcast %add3A_1908 : i32 to vector<16xi32>
        %add3A_1910 = arith.addi %iota3A, %add3A_1909 : vector<16xi32>
        %gather3A_1911 = tpu.vector_load_idx %arg15[%add3A_1910, %gather3A_1892] : memref<64x128xf32, #tpu.memory_space<vmem>>[vector<16xi32>, vector<16xi32>], vector<16xf32>,
        %neg3A_1912 = arith.constant 0.000000e+00 : f32
        %neg3A_1913 = vector.broadcast %neg3A_1912 : f32 to vector<16xf32>
        %neg3A_1914 = arith.subf %neg3A_1913, %gather3A_1911 : vector<16xf32>
        %exp3A_1915 = math.exp %neg3A_1914 : vector<16xf32>
        %add3A_1916 = arith.constant 1.000000e+00 : f32
        %add3A_1917 = vector.broadcast %add3A_1916 : f32 to vector<16xf32>
        %add3A_1918 = arith.addf %add3A_1917, %exp3A_1915 : vector<16xf32>
        %div3A_1919 = arith.constant 1.000000e+00 : f32
        %div3A_1920 = vector.broadcast %div3A_1919 : f32 to vector<16xf32>
        %div3A_1921 = arith.divf %div3A_1920, %add3A_1918 : vector<16xf32>
        %swap3A_1922 = arith.index_cast %while3A_1887 : i32 to index
        %swap3A_1923 = arith.constant 16 : index
        %swap3A_1924 = tpu.vector_load %arg17[%swap3A_1922, %swap3A_1923] {strides = array<i32>} : memref<640x128xf32, #tpu.memory_space<vmem>>, vector<16xf32>,
        tpu.vector_store %arg17[%swap3A_1922, %swap3A_1923], %div3A_1921 {strides = array<i32>} : memref<640x128xf32, #tpu.memory_space<vmem>>, vector<16xf32>,
        %add3A_1925 = arith.constant 32 : i32
        %add3A_1926 = vector.broadcast %add3A_1925 : i32 to vector<16xi32>
        %add3A_1927 = arith.addi %iota3A, %add3A_1926 : vector<16xi32>
        %gather3A_1928 = tpu.vector_load_idx %arg15[%add3A_1927, %gather3A_1892] : memref<64x128xf32, #tpu.memory_space<vmem>>[vector<16xi32>, vector<16xi32>], vector<16xf32>,
        %neg3A_1929 = arith.constant 0.000000e+00 : f32
        %neg3A_1930 = vector.broadcast %neg3A_1929 : f32 to vector<16xf32>
        %neg3A_1931 = arith.subf %neg3A_1930, %gather3A_1928 : vector<16xf32>
        %exp3A_1932 = math.exp %neg3A_1931 : vector<16xf32>
        %add3A_1933 = arith.constant 1.000000e+00 : f32
        %add3A_1934 = vector.broadcast %add3A_1933 : f32 to vector<16xf32>
        %add3A_1935 = arith.addf %add3A_1934, %exp3A_1932 : vector<16xf32>
        %div3A_1936 = arith.constant 1.000000e+00 : f32
        %div3A_1937 = vector.broadcast %div3A_1936 : f32 to vector<16xf32>
        %div3A_1938 = arith.divf %div3A_1937, %add3A_1935 : vector<16xf32>
        %swap3A_1939 = arith.index_cast %while3A_1887 : i32 to index
        %swap3A_1940 = arith.constant 32 : index
        %swap3A_1941 = tpu.vector_load %arg17[%swap3A_1939, %swap3A_1940] {strides = array<i32>} : memref<640x128xf32, #tpu.memory_space<vmem>>, vector<16xf32>,
        tpu.vector_store %arg17[%swap3A_1939, %swap3A_1940], %div3A_1938 {strides = array<i32>} : memref<640x128xf32, #tpu.memory_space<vmem>>, vector<16xf32>,
        %add3A_1942 = arith.constant 48 : i32
        %add3A_1943 = vector.broadcast %add3A_1942 : i32 to vector<16xi32>
        %add3A_1944 = arith.addi %iota3A, %add3A_1943 : vector<16xi32>
        %gather3A_1945 = tpu.vector_load_idx %arg15[%add3A_1944, %gather3A_1892] : memref<64x128xf32, #tpu.memory_space<vmem>>[vector<16xi32>, vector<16xi32>], vector<16xf32>,
        %neg3A_1946 = arith.constant 0.000000e+00 : f32
        %neg3A_1947 = vector.broadcast %neg3A_1946 : f32 to vector<16xf32>
        %neg3A_1948 = arith.subf %neg3A_1947, %gather3A_1945 : vector<16xf32>
        %exp3A_1949 = math.exp %neg3A_1948 : vector<16xf32>
        %add3A_1950 = arith.constant 1.000000e+00 : f32
        %add3A_1951 = vector.broadcast %add3A_1950 : f32 to vector<16xf32>
        %add3A_1952 = arith.addf %add3A_1951, %exp3A_1949 : vector<16xf32>
        %div3A_1953 = arith.constant 1.000000e+00 : f32
        %div3A_1954 = vector.broadcast %div3A_1953 : f32 to vector<16xf32>
        %div3A_1955 = arith.divf %div3A_1954, %add3A_1952 : vector<16xf32>
        %swap3A_1956 = arith.index_cast %while3A_1887 : i32 to index
        %swap3A_1957 = arith.constant 48 : index
        %swap3A_1958 = tpu.vector_load %arg17[%swap3A_1956, %swap3A_1957] {strides = array<i32>} : memref<640x128xf32, #tpu.memory_space<vmem>>, vector<16xf32>,
        tpu.vector_store %arg17[%swap3A_1956, %swap3A_1957], %div3A_1955 {strides = array<i32>} : memref<640x128xf32, #tpu.memory_space<vmem>>, vector<16xf32>,
      }
      %add3A_1768 = arith.constant 4 : i32
      %add3A_1769 = arith.addi %add3A_1702, %add3A_1768 : i32
      %broadcast_in_dim3A_1770 = arith.constant 0 : i32
      %broadcast_in_dim3A_1771 = vector.broadcast %broadcast_in_dim3A_1770 : i32 to vector<16xi32>
      %add3A_1772 = vector.broadcast %add3A_1769 : i32 to vector<16xi32>
      %add3A_1773 = arith.addi %broadcast_in_dim3A_1771, %add3A_1772 : vector<16xi32>
      %gather3A_1774 = tpu.vector_load_idx %arg12[%add3A_1773] : memref<256xi32, #tpu.memory_space<vmem>>[vector<16xi32>], vector<16xi32>,
      %reduce_max3A_1775 = arith.constant true
      %reduce_max3A_1776 = vector.broadcast %reduce_max3A_1775 : i1 to vector<16xi1>
      %reduce_max3A_1777 = arith.constant -2147483648 : i32
      %reduce_max3A_1778 = vector.broadcast %reduce_max3A_1777 : i32 to vector<16xi32>
      %reduce_max3A_1779 = arith.xori %gather3A_1774, %reduce_max3A_1778 : vector<16xi32>
      %reduce_max3A_1780 = tpu.scan <max>, %reduce_max3A_1779 masked %reduce_max3A_1776 : vector<16xi32>, vector<16xi1> -> vector<16xi32>
      %reduce_max3A_1781 = arith.xori %reduce_max3A_1780, %reduce_max3A_1778 : vector<16xi32>
      %reduce_max3A_1782 = vector.extract %reduce_max3A_1781[15] : i32 from vector<16xi32>
      %eq3A_1783 = arith.constant 7812 : i32
      %eq3A_1784 = arith.cmpi eq, %reduce_max3A_1782, %eq3A_1783 : i32
      %convert_element_type3A_1785 = arith.extui %eq3A_1784 : i1 to i32
      %cond3A_1786 = arith.constant 0 : i32
      %cond3A_1787 = arith.cmpi ne, %convert_element_type3A_1785, %cond3A_1786 : i32
      scf.if %cond3A_1787 {
        tpu.enqueue_dma source(%arg3 : memref<64x128xf32, #tpu.memory_space<hbm>>) target(%arg15 : memref<64x128xf32, #tpu.memory_space<vmem>>) target_semaphore(%arg22 : memref<!tpu.dma_semaphore, #tpu.memory_space<semaphore_mem>>)
      } else {
      }
      %ne3A_1788 = arith.constant 7812 : i32
      %ne3A_1789 = arith.cmpi ne, %reduce_max3A_1782, %ne3A_1788 : i32
      %convert_element_type3A_1790 = arith.extui %ne3A_1789 : i1 to i32
      %cond3A_1791 = arith.constant 0 : i32
      %cond3A_1792 = arith.cmpi ne, %convert_element_type3A_1790, %cond3A_1791 : i32
      scf.if %cond3A_1792 {
        %mul3A_1887 = arith.constant 128 : i32
        %mul3A_1888 = arith.muli %reduce_max3A_1782, %mul3A_1887 : i32
        %multiple_of3A = tpu.assume_multiple %mul3A_1888, 128 : i32
        %dma_start3A_1889 = arith.constant 0 : i32
        %dma_start3A_1890 = tpu.memref_slice %arg2[%dma_start3A_1889, %multiple_of3A] : memref<64x1000000xf32, #tpu.memory_space<hbm>> -> memref<64x128xf32, #tpu.memory_space<hbm>>
        %dma_start3A_1891 = arith.constant 0 : i32
        %dma_start3A_1892 = tpu.memref_slice %arg2[%dma_start3A_1891, %multiple_of3A] : memref<64x1000000xf32, #tpu.memory_space<hbm>> -> memref<64x128xf32, #tpu.memory_space<hbm>>
        tpu.enqueue_dma source(%dma_start3A_1892 : memref<64x128xf32, #tpu.memory_space<hbm>>) target(%arg15 : memref<64x128xf32, #tpu.memory_space<vmem>>) target_semaphore(%arg22 : memref<!tpu.dma_semaphore, #tpu.memory_space<semaphore_mem>>)
      } else {
      }
      %mul3A_1793 = arith.constant 4 : i32
      %mul3A_1794 = arith.muli %while3A_1511, %mul3A_1793 : i32
      %add3A_1795 = arith.constant 3 : i32
      %add3A_1796 = arith.addi %mul3A_1794, %add3A_1795 : i32
      %broadcast_in_dim3A_1797 = arith.constant 0 : i32
      %broadcast_in_dim3A_1798 = vector.broadcast %broadcast_in_dim3A_1797 : i32 to vector<16xi32>
      %add3A_1799 = vector.broadcast %add3A_1796 : i32 to vector<16xi32>
      %add3A_1800 = arith.addi %broadcast_in_dim3A_1798, %add3A_1799 : vector<16xi32>
      %gather3A_1801 = tpu.vector_load_idx %arg12[%add3A_1800] : memref<256xi32, #tpu.memory_space<vmem>>[vector<16xi32>], vector<16xi32>,
      %reduce_max3A_1802 = arith.constant true
      %reduce_max3A_1803 = vector.broadcast %reduce_max3A_1802 : i1 to vector<16xi1>
      %reduce_max3A_1804 = arith.constant -2147483648 : i32
      %reduce_max3A_1805 = vector.broadcast %reduce_max3A_1804 : i32 to vector<16xi32>
      %reduce_max3A_1806 = arith.xori %gather3A_1801, %reduce_max3A_1805 : vector<16xi32>
      %reduce_max3A_1807 = tpu.scan <max>, %reduce_max3A_1806 masked %reduce_max3A_1803 : vector<16xi32>, vector<16xi1> -> vector<16xi32>
      %reduce_max3A_1808 = arith.xori %reduce_max3A_1807, %reduce_max3A_1805 : vector<16xi32>
      %reduce_max3A_1809 = vector.extract %reduce_max3A_1808[15] : i32 from vector<16xi32>
      %ne3A_1810 = arith.cmpi ne, %reduce_max3A_1809, %select_n3A : i32
      %sub3A_1811 = arith.subi %reduce_max3A_1809, %mul3A_2 : i32
      %jit3A_1812 = arith.constant 0 : i32
      %jit3A_1813 = arith.constant 255 : i32
      %max3A_1814 = arith.maxsi %jit3A_1812, %sub3A_1811 : i32
      %min3A_1815 = arith.minsi %jit3A_1813, %max3A_1814 : i32
      %broadcast_in_dim3A_1816 = arith.constant 0 : i32
      %broadcast_in_dim3A_1817 = vector.broadcast %broadcast_in_dim3A_1816 : i32 to vector<16xi32>
      %add3A_1818 = vector.broadcast %min3A_1815 : i32 to vector<16xi32>
      %add3A_1819 = arith.addi %broadcast_in_dim3A_1817, %add3A_1818 : vector<16xi32>
      %gather3A_1820 = tpu.vector_load_idx %arg19[%add3A_1819] : memref<256xi32, #tpu.memory_space<vmem>>[vector<16xi32>], vector<16xi32>,
      %reduce_max3A_1821 = arith.constant true
      %reduce_max3A_1822 = vector.broadcast %reduce_max3A_1821 : i1 to vector<16xi1>
      %reduce_max3A_1823 = arith.constant -2147483648 : i32
      %reduce_max3A_1824 = vector.broadcast %reduce_max3A_1823 : i32 to vector<16xi32>
      %reduce_max3A_1825 = arith.xori %gather3A_1820, %reduce_max3A_1824 : vector<16xi32>
      %reduce_max3A_1826 = tpu.scan <max>, %reduce_max3A_1825 masked %reduce_max3A_1822 : vector<16xi32>, vector<16xi1> -> vector<16xi32>
      %reduce_max3A_1827 = arith.xori %reduce_max3A_1826, %reduce_max3A_1824 : vector<16xi32>
      %reduce_max3A_1828 = vector.extract %reduce_max3A_1827[15] : i32 from vector<16xi32>
      %jit3A_1829 = arith.constant 0 : i32
      %select_n3A_1830 = arith.select %ne3A_1810, %reduce_max3A_1828, %jit3A_1829 : i32
      %broadcast_in_dim3A_1831 = arith.constant 0 : i32
      %broadcast_in_dim3A_1832 = vector.broadcast %broadcast_in_dim3A_1831 : i32 to vector<16xi32>
      %add3A_1833 = vector.broadcast %min3A_1815 : i32 to vector<16xi32>
      %add3A_1834 = arith.addi %broadcast_in_dim3A_1832, %add3A_1833 : vector<16xi32>
      %gather3A_1835 = tpu.vector_load_idx %arg18[%add3A_1834] : memref<256xi32, #tpu.memory_space<vmem>>[vector<16xi32>], vector<16xi32>,
      %reduce_max3A_1836 = arith.constant true
      %reduce_max3A_1837 = vector.broadcast %reduce_max3A_1836 : i1 to vector<16xi1>
      %reduce_max3A_1838 = arith.constant -2147483648 : i32
      %reduce_max3A_1839 = vector.broadcast %reduce_max3A_1838 : i32 to vector<16xi32>
      %reduce_max3A_1840 = arith.xori %gather3A_1835, %reduce_max3A_1839 : vector<16xi32>
      %reduce_max3A_1841 = tpu.scan <max>, %reduce_max3A_1840 masked %reduce_max3A_1837 : vector<16xi32>, vector<16xi1> -> vector<16xi32>
      %reduce_max3A_1842 = arith.xori %reduce_max3A_1841, %reduce_max3A_1839 : vector<16xi32>
      %reduce_max3A_1843 = vector.extract %reduce_max3A_1842[15] : i32 from vector<16xi32>
      %jit3A_1844 = arith.constant 0 : i32
      %select_n3A_1845 = arith.select %ne3A_1810, %reduce_max3A_1843, %jit3A_1844 : i32
      %add3A_1846 = arith.addi %select_n3A_1830, %select_n3A_1845 : i32
      %dma_wait3A_1847 = arith.constant 0 : i32
      %dma_wait3A_1848 = arith.constant 0 : i32
      %dma_wait3A_1849 = tpu.memref_slice %arg2[%dma_wait3A_1847, %dma_wait3A_1848] : memref<64x1000000xf32, #tpu.memory_space<hbm>> -> memref<64x128xf32, #tpu.memory_space<hbm>>
      %dma_wait3A_1850 = arith.constant 0 : i32
      %dma_wait3A_1851 = arith.constant 0 : i32
      %dma_wait3A_1852 = tpu.memref_slice %arg2[%dma_wait3A_1850, %dma_wait3A_1851] : memref<64x1000000xf32, #tpu.memory_space<hbm>> -> memref<64x128xf32, #tpu.memory_space<hbm>>
      tpu.wait_dma2 semaphore(%arg23 : memref<!tpu.dma_semaphore, #tpu.memory_space<semaphore_mem>>) src(%dma_wait3A_1852 : memref<64x128xf32, #tpu.memory_space<hbm>>) dst(%arg16 : memref<64x128xf32, #tpu.memory_space<vmem>>)
      %while3A_1853 = arith.constant 0 : i32
      %while3A_1854 = arith.subi %add3A_1846, %select_n3A_1830 : i32
      %while3A_1855 = arith.addi %select_n3A_1830, %while3A_1854 : i32
      %while3A_1856 = arith.constant 1 : i32
      %while3A_1857 = arith.divsi %while3A_1854, %while3A_1856 : i32
      %while3A_1858 = arith.muli %while3A_1857, %while3A_1856 : i32
      %while3A_1859 = arith.addi %select_n3A_1830, %while3A_1858 : i32
      %while3A_1860 = arith.constant 1 : i32
      scf.for %while3A_1887 = %select_n3A_1830 to %while3A_1859 step %while3A_1860  : i32 {
        %broadcast_in_dim3A_1888 = arith.constant 0 : i32
        %broadcast_in_dim3A_1889 = vector.broadcast %broadcast_in_dim3A_1888 : i32 to vector<16xi32>
        %add3A_1890 = vector.broadcast %while3A_1887 : i32 to vector<16xi32>
        %add3A_1891 = arith.addi %broadcast_in_dim3A_1889, %add3A_1890 : vector<16xi32>
        %gather3A_1892 = tpu.vector_load_idx %arg9[%add3A_1891] : memref<640xi32, #tpu.memory_space<vmem>>[vector<16xi32>], vector<16xi32>,
        %add3A_1893 = arith.constant 0 : i32
        %add3A_1894 = vector.broadcast %add3A_1893 : i32 to vector<16xi32>
        %add3A_1895 = arith.addi %iota3A, %add3A_1894 : vector<16xi32>
        %gather3A_1896 = tpu.vector_load_idx %arg16[%add3A_1895, %gather3A_1892] : memref<64x128xf32, #tpu.memory_space<vmem>>[vector<16xi32>, vector<16xi32>], vector<16xf32>,
        %neg3A = arith.constant 0.000000e+00 : f32
        %neg3A_1897 = vector.broadcast %neg3A : f32 to vector<16xf32>
        %neg3A_1898 = arith.subf %neg3A_1897, %gather3A_1896 : vector<16xf32>
        %exp3A = math.exp %neg3A_1898 : vector<16xf32>
        %add3A_1899 = arith.constant 1.000000e+00 : f32
        %add3A_1900 = vector.broadcast %add3A_1899 : f32 to vector<16xf32>
        %add3A_1901 = arith.addf %add3A_1900, %exp3A : vector<16xf32>
        %div3A_1902 = arith.constant 1.000000e+00 : f32
        %div3A_1903 = vector.broadcast %div3A_1902 : f32 to vector<16xf32>
        %div3A_1904 = arith.divf %div3A_1903, %add3A_1901 : vector<16xf32>
        %swap3A_1905 = arith.index_cast %while3A_1887 : i32 to index
        %swap3A_1906 = arith.constant 0 : index
        %swap3A_1907 = tpu.vector_load %arg17[%swap3A_1905, %swap3A_1906] {strides = array<i32>} : memref<640x128xf32, #tpu.memory_space<vmem>>, vector<16xf32>,
        tpu.vector_store %arg17[%swap3A_1905, %swap3A_1906], %div3A_1904 {strides = array<i32>} : memref<640x128xf32, #tpu.memory_space<vmem>>, vector<16xf32>,
        %add3A_1908 = arith.constant 16 : i32
        %add3A_1909 = vector.broadcast %add3A_1908 : i32 to vector<16xi32>
        %add3A_1910 = arith.addi %iota3A, %add3A_1909 : vector<16xi32>
        %gather3A_1911 = tpu.vector_load_idx %arg16[%add3A_1910, %gather3A_1892] : memref<64x128xf32, #tpu.memory_space<vmem>>[vector<16xi32>, vector<16xi32>], vector<16xf32>,
        %neg3A_1912 = arith.constant 0.000000e+00 : f32
        %neg3A_1913 = vector.broadcast %neg3A_1912 : f32 to vector<16xf32>
        %neg3A_1914 = arith.subf %neg3A_1913, %gather3A_1911 : vector<16xf32>
        %exp3A_1915 = math.exp %neg3A_1914 : vector<16xf32>
        %add3A_1916 = arith.constant 1.000000e+00 : f32
        %add3A_1917 = vector.broadcast %add3A_1916 : f32 to vector<16xf32>
        %add3A_1918 = arith.addf %add3A_1917, %exp3A_1915 : vector<16xf32>
        %div3A_1919 = arith.constant 1.000000e+00 : f32
        %div3A_1920 = vector.broadcast %div3A_1919 : f32 to vector<16xf32>
        %div3A_1921 = arith.divf %div3A_1920, %add3A_1918 : vector<16xf32>
        %swap3A_1922 = arith.index_cast %while3A_1887 : i32 to index
        %swap3A_1923 = arith.constant 16 : index
        %swap3A_1924 = tpu.vector_load %arg17[%swap3A_1922, %swap3A_1923] {strides = array<i32>} : memref<640x128xf32, #tpu.memory_space<vmem>>, vector<16xf32>,
        tpu.vector_store %arg17[%swap3A_1922, %swap3A_1923], %div3A_1921 {strides = array<i32>} : memref<640x128xf32, #tpu.memory_space<vmem>>, vector<16xf32>,
        %add3A_1925 = arith.constant 32 : i32
        %add3A_1926 = vector.broadcast %add3A_1925 : i32 to vector<16xi32>
        %add3A_1927 = arith.addi %iota3A, %add3A_1926 : vector<16xi32>
        %gather3A_1928 = tpu.vector_load_idx %arg16[%add3A_1927, %gather3A_1892] : memref<64x128xf32, #tpu.memory_space<vmem>>[vector<16xi32>, vector<16xi32>], vector<16xf32>,
        %neg3A_1929 = arith.constant 0.000000e+00 : f32
        %neg3A_1930 = vector.broadcast %neg3A_1929 : f32 to vector<16xf32>
        %neg3A_1931 = arith.subf %neg3A_1930, %gather3A_1928 : vector<16xf32>
        %exp3A_1932 = math.exp %neg3A_1931 : vector<16xf32>
        %add3A_1933 = arith.constant 1.000000e+00 : f32
        %add3A_1934 = vector.broadcast %add3A_1933 : f32 to vector<16xf32>
        %add3A_1935 = arith.addf %add3A_1934, %exp3A_1932 : vector<16xf32>
        %div3A_1936 = arith.constant 1.000000e+00 : f32
        %div3A_1937 = vector.broadcast %div3A_1936 : f32 to vector<16xf32>
        %div3A_1938 = arith.divf %div3A_1937, %add3A_1935 : vector<16xf32>
        %swap3A_1939 = arith.index_cast %while3A_1887 : i32 to index
        %swap3A_1940 = arith.constant 32 : index
        %swap3A_1941 = tpu.vector_load %arg17[%swap3A_1939, %swap3A_1940] {strides = array<i32>} : memref<640x128xf32, #tpu.memory_space<vmem>>, vector<16xf32>,
        tpu.vector_store %arg17[%swap3A_1939, %swap3A_1940], %div3A_1938 {strides = array<i32>} : memref<640x128xf32, #tpu.memory_space<vmem>>, vector<16xf32>,
        %add3A_1942 = arith.constant 48 : i32
        %add3A_1943 = vector.broadcast %add3A_1942 : i32 to vector<16xi32>
        %add3A_1944 = arith.addi %iota3A, %add3A_1943 : vector<16xi32>
        %gather3A_1945 = tpu.vector_load_idx %arg16[%add3A_1944, %gather3A_1892] : memref<64x128xf32, #tpu.memory_space<vmem>>[vector<16xi32>, vector<16xi32>], vector<16xf32>,
        %neg3A_1946 = arith.constant 0.000000e+00 : f32
        %neg3A_1947 = vector.broadcast %neg3A_1946 : f32 to vector<16xf32>
        %neg3A_1948 = arith.subf %neg3A_1947, %gather3A_1945 : vector<16xf32>
        %exp3A_1949 = math.exp %neg3A_1948 : vector<16xf32>
        %add3A_1950 = arith.constant 1.000000e+00 : f32
        %add3A_1951 = vector.broadcast %add3A_1950 : f32 to vector<16xf32>
        %add3A_1952 = arith.addf %add3A_1951, %exp3A_1949 : vector<16xf32>
        %div3A_1953 = arith.constant 1.000000e+00 : f32
        %div3A_1954 = vector.broadcast %div3A_1953 : f32 to vector<16xf32>
        %div3A_1955 = arith.divf %div3A_1954, %add3A_1952 : vector<16xf32>
        %swap3A_1956 = arith.index_cast %while3A_1887 : i32 to index
        %swap3A_1957 = arith.constant 48 : index
        %swap3A_1958 = tpu.vector_load %arg17[%swap3A_1956, %swap3A_1957] {strides = array<i32>} : memref<640x128xf32, #tpu.memory_space<vmem>>, vector<16xf32>,
        tpu.vector_store %arg17[%swap3A_1956, %swap3A_1957], %div3A_1955 {strides = array<i32>} : memref<640x128xf32, #tpu.memory_space<vmem>>, vector<16xf32>,
      }
      %while3A_1861 = arith.constant 1 : i32
      scf.for %while3A_1887 = %while3A_1859 to %while3A_1855 step %while3A_1861  : i32 {
        %broadcast_in_dim3A_1888 = arith.constant 0 : i32
        %broadcast_in_dim3A_1889 = vector.broadcast %broadcast_in_dim3A_1888 : i32 to vector<16xi32>
        %add3A_1890 = vector.broadcast %while3A_1887 : i32 to vector<16xi32>
        %add3A_1891 = arith.addi %broadcast_in_dim3A_1889, %add3A_1890 : vector<16xi32>
        %gather3A_1892 = tpu.vector_load_idx %arg9[%add3A_1891] : memref<640xi32, #tpu.memory_space<vmem>>[vector<16xi32>], vector<16xi32>,
        %add3A_1893 = arith.constant 0 : i32
        %add3A_1894 = vector.broadcast %add3A_1893 : i32 to vector<16xi32>
        %add3A_1895 = arith.addi %iota3A, %add3A_1894 : vector<16xi32>
        %gather3A_1896 = tpu.vector_load_idx %arg16[%add3A_1895, %gather3A_1892] : memref<64x128xf32, #tpu.memory_space<vmem>>[vector<16xi32>, vector<16xi32>], vector<16xf32>,
        %neg3A = arith.constant 0.000000e+00 : f32
        %neg3A_1897 = vector.broadcast %neg3A : f32 to vector<16xf32>
        %neg3A_1898 = arith.subf %neg3A_1897, %gather3A_1896 : vector<16xf32>
        %exp3A = math.exp %neg3A_1898 : vector<16xf32>
        %add3A_1899 = arith.constant 1.000000e+00 : f32
        %add3A_1900 = vector.broadcast %add3A_1899 : f32 to vector<16xf32>
        %add3A_1901 = arith.addf %add3A_1900, %exp3A : vector<16xf32>
        %div3A_1902 = arith.constant 1.000000e+00 : f32
        %div3A_1903 = vector.broadcast %div3A_1902 : f32 to vector<16xf32>
        %div3A_1904 = arith.divf %div3A_1903, %add3A_1901 : vector<16xf32>
        %swap3A_1905 = arith.index_cast %while3A_1887 : i32 to index
        %swap3A_1906 = arith.constant 0 : index
        %swap3A_1907 = tpu.vector_load %arg17[%swap3A_1905, %swap3A_1906] {strides = array<i32>} : memref<640x128xf32, #tpu.memory_space<vmem>>, vector<16xf32>,
        tpu.vector_store %arg17[%swap3A_1905, %swap3A_1906], %div3A_1904 {strides = array<i32>} : memref<640x128xf32, #tpu.memory_space<vmem>>, vector<16xf32>,
        %add3A_1908 = arith.constant 16 : i32
        %add3A_1909 = vector.broadcast %add3A_1908 : i32 to vector<16xi32>
        %add3A_1910 = arith.addi %iota3A, %add3A_1909 : vector<16xi32>
        %gather3A_1911 = tpu.vector_load_idx %arg16[%add3A_1910, %gather3A_1892] : memref<64x128xf32, #tpu.memory_space<vmem>>[vector<16xi32>, vector<16xi32>], vector<16xf32>,
        %neg3A_1912 = arith.constant 0.000000e+00 : f32
        %neg3A_1913 = vector.broadcast %neg3A_1912 : f32 to vector<16xf32>
        %neg3A_1914 = arith.subf %neg3A_1913, %gather3A_1911 : vector<16xf32>
        %exp3A_1915 = math.exp %neg3A_1914 : vector<16xf32>
        %add3A_1916 = arith.constant 1.000000e+00 : f32
        %add3A_1917 = vector.broadcast %add3A_1916 : f32 to vector<16xf32>
        %add3A_1918 = arith.addf %add3A_1917, %exp3A_1915 : vector<16xf32>
        %div3A_1919 = arith.constant 1.000000e+00 : f32
        %div3A_1920 = vector.broadcast %div3A_1919 : f32 to vector<16xf32>
        %div3A_1921 = arith.divf %div3A_1920, %add3A_1918 : vector<16xf32>
        %swap3A_1922 = arith.index_cast %while3A_1887 : i32 to index
        %swap3A_1923 = arith.constant 16 : index
        %swap3A_1924 = tpu.vector_load %arg17[%swap3A_1922, %swap3A_1923] {strides = array<i32>} : memref<640x128xf32, #tpu.memory_space<vmem>>, vector<16xf32>,
        tpu.vector_store %arg17[%swap3A_1922, %swap3A_1923], %div3A_1921 {strides = array<i32>} : memref<640x128xf32, #tpu.memory_space<vmem>>, vector<16xf32>,
        %add3A_1925 = arith.constant 32 : i32
        %add3A_1926 = vector.broadcast %add3A_1925 : i32 to vector<16xi32>
        %add3A_1927 = arith.addi %iota3A, %add3A_1926 : vector<16xi32>
        %gather3A_1928 = tpu.vector_load_idx %arg16[%add3A_1927, %gather3A_1892] : memref<64x128xf32, #tpu.memory_space<vmem>>[vector<16xi32>, vector<16xi32>], vector<16xf32>,
        %neg3A_1929 = arith.constant 0.000000e+00 : f32
        %neg3A_1930 = vector.broadcast %neg3A_1929 : f32 to vector<16xf32>
        %neg3A_1931 = arith.subf %neg3A_1930, %gather3A_1928 : vector<16xf32>
        %exp3A_1932 = math.exp %neg3A_1931 : vector<16xf32>
        %add3A_1933 = arith.constant 1.000000e+00 : f32
        %add3A_1934 = vector.broadcast %add3A_1933 : f32 to vector<16xf32>
        %add3A_1935 = arith.addf %add3A_1934, %exp3A_1932 : vector<16xf32>
        %div3A_1936 = arith.constant 1.000000e+00 : f32
        %div3A_1937 = vector.broadcast %div3A_1936 : f32 to vector<16xf32>
        %div3A_1938 = arith.divf %div3A_1937, %add3A_1935 : vector<16xf32>
        %swap3A_1939 = arith.index_cast %while3A_1887 : i32 to index
        %swap3A_1940 = arith.constant 32 : index
        %swap3A_1941 = tpu.vector_load %arg17[%swap3A_1939, %swap3A_1940] {strides = array<i32>} : memref<640x128xf32, #tpu.memory_space<vmem>>, vector<16xf32>,
        tpu.vector_store %arg17[%swap3A_1939, %swap3A_1940], %div3A_1938 {strides = array<i32>} : memref<640x128xf32, #tpu.memory_space<vmem>>, vector<16xf32>,
        %add3A_1942 = arith.constant 48 : i32
        %add3A_1943 = vector.broadcast %add3A_1942 : i32 to vector<16xi32>
        %add3A_1944 = arith.addi %iota3A, %add3A_1943 : vector<16xi32>
        %gather3A_1945 = tpu.vector_load_idx %arg16[%add3A_1944, %gather3A_1892] : memref<64x128xf32, #tpu.memory_space<vmem>>[vector<16xi32>, vector<16xi32>], vector<16xf32>,
        %neg3A_1946 = arith.constant 0.000000e+00 : f32
        %neg3A_1947 = vector.broadcast %neg3A_1946 : f32 to vector<16xf32>
        %neg3A_1948 = arith.subf %neg3A_1947, %gather3A_1945 : vector<16xf32>
        %exp3A_1949 = math.exp %neg3A_1948 : vector<16xf32>
        %add3A_1950 = arith.constant 1.000000e+00 : f32
        %add3A_1951 = vector.broadcast %add3A_1950 : f32 to vector<16xf32>
        %add3A_1952 = arith.addf %add3A_1951, %exp3A_1949 : vector<16xf32>
        %div3A_1953 = arith.constant 1.000000e+00 : f32
        %div3A_1954 = vector.broadcast %div3A_1953 : f32 to vector<16xf32>
        %div3A_1955 = arith.divf %div3A_1954, %add3A_1952 : vector<16xf32>
        %swap3A_1956 = arith.index_cast %while3A_1887 : i32 to index
        %swap3A_1957 = arith.constant 48 : index
        %swap3A_1958 = tpu.vector_load %arg17[%swap3A_1956, %swap3A_1957] {strides = array<i32>} : memref<640x128xf32, #tpu.memory_space<vmem>>, vector<16xf32>,
        tpu.vector_store %arg17[%swap3A_1956, %swap3A_1957], %div3A_1955 {strides = array<i32>} : memref<640x128xf32, #tpu.memory_space<vmem>>, vector<16xf32>,
      }
      %add3A_1862 = arith.constant 4 : i32
      %add3A_1863 = arith.addi %add3A_1796, %add3A_1862 : i32
      %broadcast_in_dim3A_1864 = arith.constant 0 : i32
      %broadcast_in_dim3A_1865 = vector.broadcast %broadcast_in_dim3A_1864 : i32 to vector<16xi32>
      %add3A_1866 = vector.broadcast %add3A_1863 : i32 to vector<16xi32>
      %add3A_1867 = arith.addi %broadcast_in_dim3A_1865, %add3A_1866 : vector<16xi32>
      %gather3A_1868 = tpu.vector_load_idx %arg12[%add3A_1867] : memref<256xi32, #tpu.memory_space<vmem>>[vector<16xi32>], vector<16xi32>,
      %reduce_max3A_1869 = arith.constant true
      %reduce_max3A_1870 = vector.broadcast %reduce_max3A_1869 : i1 to vector<16xi1>
      %reduce_max3A_1871 = arith.constant -2147483648 : i32
      %reduce_max3A_1872 = vector.broadcast %reduce_max3A_1871 : i32 to vector<16xi32>
      %reduce_max3A_1873 = arith.xori %gather3A_1868, %reduce_max3A_1872 : vector<16xi32>
      %reduce_max3A_1874 = tpu.scan <max>, %reduce_max3A_1873 masked %reduce_max3A_1870 : vector<16xi32>, vector<16xi1> -> vector<16xi32>
      %reduce_max3A_1875 = arith.xori %reduce_max3A_1874, %reduce_max3A_1872 : vector<16xi32>
      %reduce_max3A_1876 = vector.extract %reduce_max3A_1875[15] : i32 from vector<16xi32>
      %eq3A_1877 = arith.constant 7812 : i32
      %eq3A_1878 = arith.cmpi eq, %reduce_max3A_1876, %eq3A_1877 : i32
      %convert_element_type3A_1879 = arith.extui %eq3A_1878 : i1 to i32
      %cond3A_1880 = arith.constant 0 : i32
      %cond3A_1881 = arith.cmpi ne, %convert_element_type3A_1879, %cond3A_1880 : i32
      scf.if %cond3A_1881 {
        tpu.enqueue_dma source(%arg3 : memref<64x128xf32, #tpu.memory_space<hbm>>) target(%arg16 : memref<64x128xf32, #tpu.memory_space<vmem>>) target_semaphore(%arg23 : memref<!tpu.dma_semaphore, #tpu.memory_space<semaphore_mem>>)
      } else {
      }
      %ne3A_1882 = arith.constant 7812 : i32
      %ne3A_1883 = arith.cmpi ne, %reduce_max3A_1876, %ne3A_1882 : i32
      %convert_element_type3A_1884 = arith.extui %ne3A_1883 : i1 to i32
      %cond3A_1885 = arith.constant 0 : i32
      %cond3A_1886 = arith.cmpi ne, %convert_element_type3A_1884, %cond3A_1885 : i32
      scf.if %cond3A_1886 {
        %mul3A_1887 = arith.constant 128 : i32
        %mul3A_1888 = arith.muli %reduce_max3A_1876, %mul3A_1887 : i32
        %multiple_of3A = tpu.assume_multiple %mul3A_1888, 128 : i32
        %dma_start3A_1889 = arith.constant 0 : i32
        %dma_start3A_1890 = tpu.memref_slice %arg2[%dma_start3A_1889, %multiple_of3A] : memref<64x1000000xf32, #tpu.memory_space<hbm>> -> memref<64x128xf32, #tpu.memory_space<hbm>>
        %dma_start3A_1891 = arith.constant 0 : i32
        %dma_start3A_1892 = tpu.memref_slice %arg2[%dma_start3A_1891, %multiple_of3A] : memref<64x1000000xf32, #tpu.memory_space<hbm>> -> memref<64x128xf32, #tpu.memory_space<hbm>>
        tpu.enqueue_dma source(%dma_start3A_1892 : memref<64x128xf32, #tpu.memory_space<hbm>>) target(%arg16 : memref<64x128xf32, #tpu.memory_space<vmem>>) target_semaphore(%arg23 : memref<!tpu.dma_semaphore, #tpu.memory_space<semaphore_mem>>)
      } else {
      }
    }
    %while3A_1388 = arith.constant 1 : i32
    scf.for %while3A_1511 = %while3A_1386 to %while3A_1382 step %while3A_1388  : i32 {
      %mul3A_1512 = arith.constant 4 : i32
      %mul3A_1513 = arith.muli %while3A_1511, %mul3A_1512 : i32
      %add3A_1514 = arith.constant 0 : i32
      %add3A_1515 = arith.addi %mul3A_1513, %add3A_1514 : i32
      %broadcast_in_dim3A_1516 = arith.constant 0 : i32
      %broadcast_in_dim3A_1517 = vector.broadcast %broadcast_in_dim3A_1516 : i32 to vector<16xi32>
      %add3A_1518 = vector.broadcast %add3A_1515 : i32 to vector<16xi32>
      %add3A_1519 = arith.addi %broadcast_in_dim3A_1517, %add3A_1518 : vector<16xi32>
      %gather3A_1520 = tpu.vector_load_idx %arg12[%add3A_1519] : memref<256xi32, #tpu.memory_space<vmem>>[vector<16xi32>], vector<16xi32>,
      %reduce_max3A_1521 = arith.constant true
      %reduce_max3A_1522 = vector.broadcast %reduce_max3A_1521 : i1 to vector<16xi1>
      %reduce_max3A_1523 = arith.constant -2147483648 : i32
      %reduce_max3A_1524 = vector.broadcast %reduce_max3A_1523 : i32 to vector<16xi32>
      %reduce_max3A_1525 = arith.xori %gather3A_1520, %reduce_max3A_1524 : vector<16xi32>
      %reduce_max3A_1526 = tpu.scan <max>, %reduce_max3A_1525 masked %reduce_max3A_1522 : vector<16xi32>, vector<16xi1> -> vector<16xi32>
      %reduce_max3A_1527 = arith.xori %reduce_max3A_1526, %reduce_max3A_1524 : vector<16xi32>
      %reduce_max3A_1528 = vector.extract %reduce_max3A_1527[15] : i32 from vector<16xi32>
      %ne3A_1529 = arith.cmpi ne, %reduce_max3A_1528, %select_n3A : i32
      %sub3A_1530 = arith.subi %reduce_max3A_1528, %mul3A_2 : i32
      %jit3A_1531 = arith.constant 0 : i32
      %jit3A_1532 = arith.constant 255 : i32
      %max3A = arith.maxsi %jit3A_1531, %sub3A_1530 : i32
      %min3A_1533 = arith.minsi %jit3A_1532, %max3A : i32
      %broadcast_in_dim3A_1534 = arith.constant 0 : i32
      %broadcast_in_dim3A_1535 = vector.broadcast %broadcast_in_dim3A_1534 : i32 to vector<16xi32>
      %add3A_1536 = vector.broadcast %min3A_1533 : i32 to vector<16xi32>
      %add3A_1537 = arith.addi %broadcast_in_dim3A_1535, %add3A_1536 : vector<16xi32>
      %gather3A_1538 = tpu.vector_load_idx %arg19[%add3A_1537] : memref<256xi32, #tpu.memory_space<vmem>>[vector<16xi32>], vector<16xi32>,
      %reduce_max3A_1539 = arith.constant true
      %reduce_max3A_1540 = vector.broadcast %reduce_max3A_1539 : i1 to vector<16xi1>
      %reduce_max3A_1541 = arith.constant -2147483648 : i32
      %reduce_max3A_1542 = vector.broadcast %reduce_max3A_1541 : i32 to vector<16xi32>
      %reduce_max3A_1543 = arith.xori %gather3A_1538, %reduce_max3A_1542 : vector<16xi32>
      %reduce_max3A_1544 = tpu.scan <max>, %reduce_max3A_1543 masked %reduce_max3A_1540 : vector<16xi32>, vector<16xi1> -> vector<16xi32>
      %reduce_max3A_1545 = arith.xori %reduce_max3A_1544, %reduce_max3A_1542 : vector<16xi32>
      %reduce_max3A_1546 = vector.extract %reduce_max3A_1545[15] : i32 from vector<16xi32>
      %jit3A_1547 = arith.constant 0 : i32
      %select_n3A_1548 = arith.select %ne3A_1529, %reduce_max3A_1546, %jit3A_1547 : i32
      %broadcast_in_dim3A_1549 = arith.constant 0 : i32
      %broadcast_in_dim3A_1550 = vector.broadcast %broadcast_in_dim3A_1549 : i32 to vector<16xi32>
      %add3A_1551 = vector.broadcast %min3A_1533 : i32 to vector<16xi32>
      %add3A_1552 = arith.addi %broadcast_in_dim3A_1550, %add3A_1551 : vector<16xi32>
      %gather3A_1553 = tpu.vector_load_idx %arg18[%add3A_1552] : memref<256xi32, #tpu.memory_space<vmem>>[vector<16xi32>], vector<16xi32>,
      %reduce_max3A_1554 = arith.constant true
      %reduce_max3A_1555 = vector.broadcast %reduce_max3A_1554 : i1 to vector<16xi1>
      %reduce_max3A_1556 = arith.constant -2147483648 : i32
      %reduce_max3A_1557 = vector.broadcast %reduce_max3A_1556 : i32 to vector<16xi32>
      %reduce_max3A_1558 = arith.xori %gather3A_1553, %reduce_max3A_1557 : vector<16xi32>
      %reduce_max3A_1559 = tpu.scan <max>, %reduce_max3A_1558 masked %reduce_max3A_1555 : vector<16xi32>, vector<16xi1> -> vector<16xi32>
      %reduce_max3A_1560 = arith.xori %reduce_max3A_1559, %reduce_max3A_1557 : vector<16xi32>
      %reduce_max3A_1561 = vector.extract %reduce_max3A_1560[15] : i32 from vector<16xi32>
      %jit3A_1562 = arith.constant 0 : i32
      %select_n3A_1563 = arith.select %ne3A_1529, %reduce_max3A_1561, %jit3A_1562 : i32
      %add3A_1564 = arith.addi %select_n3A_1548, %select_n3A_1563 : i32
      %dma_wait3A_1565 = arith.constant 0 : i32
      %dma_wait3A_1566 = arith.constant 0 : i32
      %dma_wait3A_1567 = tpu.memref_slice %arg2[%dma_wait3A_1565, %dma_wait3A_1566] : memref<64x1000000xf32, #tpu.memory_space<hbm>> -> memref<64x128xf32, #tpu.memory_space<hbm>>
      %dma_wait3A_1568 = arith.constant 0 : i32
      %dma_wait3A_1569 = arith.constant 0 : i32
      %dma_wait3A_1570 = tpu.memref_slice %arg2[%dma_wait3A_1568, %dma_wait3A_1569] : memref<64x1000000xf32, #tpu.memory_space<hbm>> -> memref<64x128xf32, #tpu.memory_space<hbm>>
      tpu.wait_dma2 semaphore(%arg20 : memref<!tpu.dma_semaphore, #tpu.memory_space<semaphore_mem>>) src(%dma_wait3A_1570 : memref<64x128xf32, #tpu.memory_space<hbm>>) dst(%arg13 : memref<64x128xf32, #tpu.memory_space<vmem>>)
      %while3A_1571 = arith.constant 0 : i32
      %while3A_1572 = arith.subi %add3A_1564, %select_n3A_1548 : i32
      %while3A_1573 = arith.addi %select_n3A_1548, %while3A_1572 : i32
      %while3A_1574 = arith.constant 1 : i32
      %while3A_1575 = arith.divsi %while3A_1572, %while3A_1574 : i32
      %while3A_1576 = arith.muli %while3A_1575, %while3A_1574 : i32
      %while3A_1577 = arith.addi %select_n3A_1548, %while3A_1576 : i32
      %while3A_1578 = arith.constant 1 : i32
      scf.for %while3A_1887 = %select_n3A_1548 to %while3A_1577 step %while3A_1578  : i32 {
        %broadcast_in_dim3A_1888 = arith.constant 0 : i32
        %broadcast_in_dim3A_1889 = vector.broadcast %broadcast_in_dim3A_1888 : i32 to vector<16xi32>
        %add3A_1890 = vector.broadcast %while3A_1887 : i32 to vector<16xi32>
        %add3A_1891 = arith.addi %broadcast_in_dim3A_1889, %add3A_1890 : vector<16xi32>
        %gather3A_1892 = tpu.vector_load_idx %arg9[%add3A_1891] : memref<640xi32, #tpu.memory_space<vmem>>[vector<16xi32>], vector<16xi32>,
        %add3A_1893 = arith.constant 0 : i32
        %add3A_1894 = vector.broadcast %add3A_1893 : i32 to vector<16xi32>
        %add3A_1895 = arith.addi %iota3A, %add3A_1894 : vector<16xi32>
        %gather3A_1896 = tpu.vector_load_idx %arg13[%add3A_1895, %gather3A_1892] : memref<64x128xf32, #tpu.memory_space<vmem>>[vector<16xi32>, vector<16xi32>], vector<16xf32>,
        %neg3A = arith.constant 0.000000e+00 : f32
        %neg3A_1897 = vector.broadcast %neg3A : f32 to vector<16xf32>
        %neg3A_1898 = arith.subf %neg3A_1897, %gather3A_1896 : vector<16xf32>
        %exp3A = math.exp %neg3A_1898 : vector<16xf32>
        %add3A_1899 = arith.constant 1.000000e+00 : f32
        %add3A_1900 = vector.broadcast %add3A_1899 : f32 to vector<16xf32>
        %add3A_1901 = arith.addf %add3A_1900, %exp3A : vector<16xf32>
        %div3A_1902 = arith.constant 1.000000e+00 : f32
        %div3A_1903 = vector.broadcast %div3A_1902 : f32 to vector<16xf32>
        %div3A_1904 = arith.divf %div3A_1903, %add3A_1901 : vector<16xf32>
        %swap3A_1905 = arith.index_cast %while3A_1887 : i32 to index
        %swap3A_1906 = arith.constant 0 : index
        %swap3A_1907 = tpu.vector_load %arg17[%swap3A_1905, %swap3A_1906] {strides = array<i32>} : memref<640x128xf32, #tpu.memory_space<vmem>>, vector<16xf32>,
        tpu.vector_store %arg17[%swap3A_1905, %swap3A_1906], %div3A_1904 {strides = array<i32>} : memref<640x128xf32, #tpu.memory_space<vmem>>, vector<16xf32>,
        %add3A_1908 = arith.constant 16 : i32
        %add3A_1909 = vector.broadcast %add3A_1908 : i32 to vector<16xi32>
        %add3A_1910 = arith.addi %iota3A, %add3A_1909 : vector<16xi32>
        %gather3A_1911 = tpu.vector_load_idx %arg13[%add3A_1910, %gather3A_1892] : memref<64x128xf32, #tpu.memory_space<vmem>>[vector<16xi32>, vector<16xi32>], vector<16xf32>,
        %neg3A_1912 = arith.constant 0.000000e+00 : f32
        %neg3A_1913 = vector.broadcast %neg3A_1912 : f32 to vector<16xf32>
        %neg3A_1914 = arith.subf %neg3A_1913, %gather3A_1911 : vector<16xf32>
        %exp3A_1915 = math.exp %neg3A_1914 : vector<16xf32>
        %add3A_1916 = arith.constant 1.000000e+00 : f32
        %add3A_1917 = vector.broadcast %add3A_1916 : f32 to vector<16xf32>
        %add3A_1918 = arith.addf %add3A_1917, %exp3A_1915 : vector<16xf32>
        %div3A_1919 = arith.constant 1.000000e+00 : f32
        %div3A_1920 = vector.broadcast %div3A_1919 : f32 to vector<16xf32>
        %div3A_1921 = arith.divf %div3A_1920, %add3A_1918 : vector<16xf32>
        %swap3A_1922 = arith.index_cast %while3A_1887 : i32 to index
        %swap3A_1923 = arith.constant 16 : index
        %swap3A_1924 = tpu.vector_load %arg17[%swap3A_1922, %swap3A_1923] {strides = array<i32>} : memref<640x128xf32, #tpu.memory_space<vmem>>, vector<16xf32>,
        tpu.vector_store %arg17[%swap3A_1922, %swap3A_1923], %div3A_1921 {strides = array<i32>} : memref<640x128xf32, #tpu.memory_space<vmem>>, vector<16xf32>,
        %add3A_1925 = arith.constant 32 : i32
        %add3A_1926 = vector.broadcast %add3A_1925 : i32 to vector<16xi32>
        %add3A_1927 = arith.addi %iota3A, %add3A_1926 : vector<16xi32>
        %gather3A_1928 = tpu.vector_load_idx %arg13[%add3A_1927, %gather3A_1892] : memref<64x128xf32, #tpu.memory_space<vmem>>[vector<16xi32>, vector<16xi32>], vector<16xf32>,
        %neg3A_1929 = arith.constant 0.000000e+00 : f32
        %neg3A_1930 = vector.broadcast %neg3A_1929 : f32 to vector<16xf32>
        %neg3A_1931 = arith.subf %neg3A_1930, %gather3A_1928 : vector<16xf32>
        %exp3A_1932 = math.exp %neg3A_1931 : vector<16xf32>
        %add3A_1933 = arith.constant 1.000000e+00 : f32
        %add3A_1934 = vector.broadcast %add3A_1933 : f32 to vector<16xf32>
        %add3A_1935 = arith.addf %add3A_1934, %exp3A_1932 : vector<16xf32>
        %div3A_1936 = arith.constant 1.000000e+00 : f32
        %div3A_1937 = vector.broadcast %div3A_1936 : f32 to vector<16xf32>
        %div3A_1938 = arith.divf %div3A_1937, %add3A_1935 : vector<16xf32>
        %swap3A_1939 = arith.index_cast %while3A_1887 : i32 to index
        %swap3A_1940 = arith.constant 32 : index
        %swap3A_1941 = tpu.vector_load %arg17[%swap3A_1939, %swap3A_1940] {strides = array<i32>} : memref<640x128xf32, #tpu.memory_space<vmem>>, vector<16xf32>,
        tpu.vector_store %arg17[%swap3A_1939, %swap3A_1940], %div3A_1938 {strides = array<i32>} : memref<640x128xf32, #tpu.memory_space<vmem>>, vector<16xf32>,
        %add3A_1942 = arith.constant 48 : i32
        %add3A_1943 = vector.broadcast %add3A_1942 : i32 to vector<16xi32>
        %add3A_1944 = arith.addi %iota3A, %add3A_1943 : vector<16xi32>
        %gather3A_1945 = tpu.vector_load_idx %arg13[%add3A_1944, %gather3A_1892] : memref<64x128xf32, #tpu.memory_space<vmem>>[vector<16xi32>, vector<16xi32>], vector<16xf32>,
        %neg3A_1946 = arith.constant 0.000000e+00 : f32
        %neg3A_1947 = vector.broadcast %neg3A_1946 : f32 to vector<16xf32>
        %neg3A_1948 = arith.subf %neg3A_1947, %gather3A_1945 : vector<16xf32>
        %exp3A_1949 = math.exp %neg3A_1948 : vector<16xf32>
        %add3A_1950 = arith.constant 1.000000e+00 : f32
        %add3A_1951 = vector.broadcast %add3A_1950 : f32 to vector<16xf32>
        %add3A_1952 = arith.addf %add3A_1951, %exp3A_1949 : vector<16xf32>
        %div3A_1953 = arith.constant 1.000000e+00 : f32
        %div3A_1954 = vector.broadcast %div3A_1953 : f32 to vector<16xf32>
        %div3A_1955 = arith.divf %div3A_1954, %add3A_1952 : vector<16xf32>
        %swap3A_1956 = arith.index_cast %while3A_1887 : i32 to index
        %swap3A_1957 = arith.constant 48 : index
        %swap3A_1958 = tpu.vector_load %arg17[%swap3A_1956, %swap3A_1957] {strides = array<i32>} : memref<640x128xf32, #tpu.memory_space<vmem>>, vector<16xf32>,
        tpu.vector_store %arg17[%swap3A_1956, %swap3A_1957], %div3A_1955 {strides = array<i32>} : memref<640x128xf32, #tpu.memory_space<vmem>>, vector<16xf32>,
      }
      %while3A_1579 = arith.constant 1 : i32
      scf.for %while3A_1887 = %while3A_1577 to %while3A_1573 step %while3A_1579  : i32 {
        %broadcast_in_dim3A_1888 = arith.constant 0 : i32
        %broadcast_in_dim3A_1889 = vector.broadcast %broadcast_in_dim3A_1888 : i32 to vector<16xi32>
        %add3A_1890 = vector.broadcast %while3A_1887 : i32 to vector<16xi32>
        %add3A_1891 = arith.addi %broadcast_in_dim3A_1889, %add3A_1890 : vector<16xi32>
        %gather3A_1892 = tpu.vector_load_idx %arg9[%add3A_1891] : memref<640xi32, #tpu.memory_space<vmem>>[vector<16xi32>], vector<16xi32>,
        %add3A_1893 = arith.constant 0 : i32
        %add3A_1894 = vector.broadcast %add3A_1893 : i32 to vector<16xi32>
        %add3A_1895 = arith.addi %iota3A, %add3A_1894 : vector<16xi32>
        %gather3A_1896 = tpu.vector_load_idx %arg13[%add3A_1895, %gather3A_1892] : memref<64x128xf32, #tpu.memory_space<vmem>>[vector<16xi32>, vector<16xi32>], vector<16xf32>,
        %neg3A = arith.constant 0.000000e+00 : f32
        %neg3A_1897 = vector.broadcast %neg3A : f32 to vector<16xf32>
        %neg3A_1898 = arith.subf %neg3A_1897, %gather3A_1896 : vector<16xf32>
        %exp3A = math.exp %neg3A_1898 : vector<16xf32>
        %add3A_1899 = arith.constant 1.000000e+00 : f32
        %add3A_1900 = vector.broadcast %add3A_1899 : f32 to vector<16xf32>
        %add3A_1901 = arith.addf %add3A_1900, %exp3A : vector<16xf32>
        %div3A_1902 = arith.constant 1.000000e+00 : f32
        %div3A_1903 = vector.broadcast %div3A_1902 : f32 to vector<16xf32>
        %div3A_1904 = arith.divf %div3A_1903, %add3A_1901 : vector<16xf32>
        %swap3A_1905 = arith.index_cast %while3A_1887 : i32 to index
        %swap3A_1906 = arith.constant 0 : index
        %swap3A_1907 = tpu.vector_load %arg17[%swap3A_1905, %swap3A_1906] {strides = array<i32>} : memref<640x128xf32, #tpu.memory_space<vmem>>, vector<16xf32>,
        tpu.vector_store %arg17[%swap3A_1905, %swap3A_1906], %div3A_1904 {strides = array<i32>} : memref<640x128xf32, #tpu.memory_space<vmem>>, vector<16xf32>,
        %add3A_1908 = arith.constant 16 : i32
        %add3A_1909 = vector.broadcast %add3A_1908 : i32 to vector<16xi32>
        %add3A_1910 = arith.addi %iota3A, %add3A_1909 : vector<16xi32>
        %gather3A_1911 = tpu.vector_load_idx %arg13[%add3A_1910, %gather3A_1892] : memref<64x128xf32, #tpu.memory_space<vmem>>[vector<16xi32>, vector<16xi32>], vector<16xf32>,
        %neg3A_1912 = arith.constant 0.000000e+00 : f32
        %neg3A_1913 = vector.broadcast %neg3A_1912 : f32 to vector<16xf32>
        %neg3A_1914 = arith.subf %neg3A_1913, %gather3A_1911 : vector<16xf32>
        %exp3A_1915 = math.exp %neg3A_1914 : vector<16xf32>
        %add3A_1916 = arith.constant 1.000000e+00 : f32
        %add3A_1917 = vector.broadcast %add3A_1916 : f32 to vector<16xf32>
        %add3A_1918 = arith.addf %add3A_1917, %exp3A_1915 : vector<16xf32>
        %div3A_1919 = arith.constant 1.000000e+00 : f32
        %div3A_1920 = vector.broadcast %div3A_1919 : f32 to vector<16xf32>
        %div3A_1921 = arith.divf %div3A_1920, %add3A_1918 : vector<16xf32>
        %swap3A_1922 = arith.index_cast %while3A_1887 : i32 to index
        %swap3A_1923 = arith.constant 16 : index
        %swap3A_1924 = tpu.vector_load %arg17[%swap3A_1922, %swap3A_1923] {strides = array<i32>} : memref<640x128xf32, #tpu.memory_space<vmem>>, vector<16xf32>,
        tpu.vector_store %arg17[%swap3A_1922, %swap3A_1923], %div3A_1921 {strides = array<i32>} : memref<640x128xf32, #tpu.memory_space<vmem>>, vector<16xf32>,
        %add3A_1925 = arith.constant 32 : i32
        %add3A_1926 = vector.broadcast %add3A_1925 : i32 to vector<16xi32>
        %add3A_1927 = arith.addi %iota3A, %add3A_1926 : vector<16xi32>
        %gather3A_1928 = tpu.vector_load_idx %arg13[%add3A_1927, %gather3A_1892] : memref<64x128xf32, #tpu.memory_space<vmem>>[vector<16xi32>, vector<16xi32>], vector<16xf32>,
        %neg3A_1929 = arith.constant 0.000000e+00 : f32
        %neg3A_1930 = vector.broadcast %neg3A_1929 : f32 to vector<16xf32>
        %neg3A_1931 = arith.subf %neg3A_1930, %gather3A_1928 : vector<16xf32>
        %exp3A_1932 = math.exp %neg3A_1931 : vector<16xf32>
        %add3A_1933 = arith.constant 1.000000e+00 : f32
        %add3A_1934 = vector.broadcast %add3A_1933 : f32 to vector<16xf32>
        %add3A_1935 = arith.addf %add3A_1934, %exp3A_1932 : vector<16xf32>
        %div3A_1936 = arith.constant 1.000000e+00 : f32
        %div3A_1937 = vector.broadcast %div3A_1936 : f32 to vector<16xf32>
        %div3A_1938 = arith.divf %div3A_1937, %add3A_1935 : vector<16xf32>
        %swap3A_1939 = arith.index_cast %while3A_1887 : i32 to index
        %swap3A_1940 = arith.constant 32 : index
        %swap3A_1941 = tpu.vector_load %arg17[%swap3A_1939, %swap3A_1940] {strides = array<i32>} : memref<640x128xf32, #tpu.memory_space<vmem>>, vector<16xf32>,
        tpu.vector_store %arg17[%swap3A_1939, %swap3A_1940], %div3A_1938 {strides = array<i32>} : memref<640x128xf32, #tpu.memory_space<vmem>>, vector<16xf32>,
        %add3A_1942 = arith.constant 48 : i32
        %add3A_1943 = vector.broadcast %add3A_1942 : i32 to vector<16xi32>
        %add3A_1944 = arith.addi %iota3A, %add3A_1943 : vector<16xi32>
        %gather3A_1945 = tpu.vector_load_idx %arg13[%add3A_1944, %gather3A_1892] : memref<64x128xf32, #tpu.memory_space<vmem>>[vector<16xi32>, vector<16xi32>], vector<16xf32>,
        %neg3A_1946 = arith.constant 0.000000e+00 : f32
        %neg3A_1947 = vector.broadcast %neg3A_1946 : f32 to vector<16xf32>
        %neg3A_1948 = arith.subf %neg3A_1947, %gather3A_1945 : vector<16xf32>
        %exp3A_1949 = math.exp %neg3A_1948 : vector<16xf32>
        %add3A_1950 = arith.constant 1.000000e+00 : f32
        %add3A_1951 = vector.broadcast %add3A_1950 : f32 to vector<16xf32>
        %add3A_1952 = arith.addf %add3A_1951, %exp3A_1949 : vector<16xf32>
        %div3A_1953 = arith.constant 1.000000e+00 : f32
        %div3A_1954 = vector.broadcast %div3A_1953 : f32 to vector<16xf32>
        %div3A_1955 = arith.divf %div3A_1954, %add3A_1952 : vector<16xf32>
        %swap3A_1956 = arith.index_cast %while3A_1887 : i32 to index
        %swap3A_1957 = arith.constant 48 : index
        %swap3A_1958 = tpu.vector_load %arg17[%swap3A_1956, %swap3A_1957] {strides = array<i32>} : memref<640x128xf32, #tpu.memory_space<vmem>>, vector<16xf32>,
        tpu.vector_store %arg17[%swap3A_1956, %swap3A_1957], %div3A_1955 {strides = array<i32>} : memref<640x128xf32, #tpu.memory_space<vmem>>, vector<16xf32>,
      }
      %add3A_1580 = arith.constant 4 : i32
      %add3A_1581 = arith.addi %add3A_1515, %add3A_1580 : i32
      %broadcast_in_dim3A_1582 = arith.constant 0 : i32
      %broadcast_in_dim3A_1583 = vector.broadcast %broadcast_in_dim3A_1582 : i32 to vector<16xi32>
      %add3A_1584 = vector.broadcast %add3A_1581 : i32 to vector<16xi32>
      %add3A_1585 = arith.addi %broadcast_in_dim3A_1583, %add3A_1584 : vector<16xi32>
      %gather3A_1586 = tpu.vector_load_idx %arg12[%add3A_1585] : memref<256xi32, #tpu.memory_space<vmem>>[vector<16xi32>], vector<16xi32>,
      %reduce_max3A_1587 = arith.constant true
      %reduce_max3A_1588 = vector.broadcast %reduce_max3A_1587 : i1 to vector<16xi1>
      %reduce_max3A_1589 = arith.constant -2147483648 : i32
      %reduce_max3A_1590 = vector.broadcast %reduce_max3A_1589 : i32 to vector<16xi32>
      %reduce_max3A_1591 = arith.xori %gather3A_1586, %reduce_max3A_1590 : vector<16xi32>
      %reduce_max3A_1592 = tpu.scan <max>, %reduce_max3A_1591 masked %reduce_max3A_1588 : vector<16xi32>, vector<16xi1> -> vector<16xi32>
      %reduce_max3A_1593 = arith.xori %reduce_max3A_1592, %reduce_max3A_1590 : vector<16xi32>
      %reduce_max3A_1594 = vector.extract %reduce_max3A_1593[15] : i32 from vector<16xi32>
      %eq3A_1595 = arith.constant 7812 : i32
      %eq3A_1596 = arith.cmpi eq, %reduce_max3A_1594, %eq3A_1595 : i32
      %convert_element_type3A_1597 = arith.extui %eq3A_1596 : i1 to i32
      %cond3A_1598 = arith.constant 0 : i32
      %cond3A_1599 = arith.cmpi ne, %convert_element_type3A_1597, %cond3A_1598 : i32
      scf.if %cond3A_1599 {
        tpu.enqueue_dma source(%arg3 : memref<64x128xf32, #tpu.memory_space<hbm>>) target(%arg13 : memref<64x128xf32, #tpu.memory_space<vmem>>) target_semaphore(%arg20 : memref<!tpu.dma_semaphore, #tpu.memory_space<semaphore_mem>>)
      } else {
      }
      %ne3A_1600 = arith.constant 7812 : i32
      %ne3A_1601 = arith.cmpi ne, %reduce_max3A_1594, %ne3A_1600 : i32
      %convert_element_type3A_1602 = arith.extui %ne3A_1601 : i1 to i32
      %cond3A_1603 = arith.constant 0 : i32
      %cond3A_1604 = arith.cmpi ne, %convert_element_type3A_1602, %cond3A_1603 : i32
      scf.if %cond3A_1604 {
        %mul3A_1887 = arith.constant 128 : i32
        %mul3A_1888 = arith.muli %reduce_max3A_1594, %mul3A_1887 : i32
        %multiple_of3A = tpu.assume_multiple %mul3A_1888, 128 : i32
        %dma_start3A_1889 = arith.constant 0 : i32
        %dma_start3A_1890 = tpu.memref_slice %arg2[%dma_start3A_1889, %multiple_of3A] : memref<64x1000000xf32, #tpu.memory_space<hbm>> -> memref<64x128xf32, #tpu.memory_space<hbm>>
        %dma_start3A_1891 = arith.constant 0 : i32
        %dma_start3A_1892 = tpu.memref_slice %arg2[%dma_start3A_1891, %multiple_of3A] : memref<64x1000000xf32, #tpu.memory_space<hbm>> -> memref<64x128xf32, #tpu.memory_space<hbm>>
        tpu.enqueue_dma source(%dma_start3A_1892 : memref<64x128xf32, #tpu.memory_space<hbm>>) target(%arg13 : memref<64x128xf32, #tpu.memory_space<vmem>>) target_semaphore(%arg20 : memref<!tpu.dma_semaphore, #tpu.memory_space<semaphore_mem>>)
      } else {
      }
      %mul3A_1605 = arith.constant 4 : i32
      %mul3A_1606 = arith.muli %while3A_1511, %mul3A_1605 : i32
      %add3A_1607 = arith.constant 1 : i32
      %add3A_1608 = arith.addi %mul3A_1606, %add3A_1607 : i32
      %broadcast_in_dim3A_1609 = arith.constant 0 : i32
      %broadcast_in_dim3A_1610 = vector.broadcast %broadcast_in_dim3A_1609 : i32 to vector<16xi32>
      %add3A_1611 = vector.broadcast %add3A_1608 : i32 to vector<16xi32>
      %add3A_1612 = arith.addi %broadcast_in_dim3A_1610, %add3A_1611 : vector<16xi32>
      %gather3A_1613 = tpu.vector_load_idx %arg12[%add3A_1612] : memref<256xi32, #tpu.memory_space<vmem>>[vector<16xi32>], vector<16xi32>,
      %reduce_max3A_1614 = arith.constant true
      %reduce_max3A_1615 = vector.broadcast %reduce_max3A_1614 : i1 to vector<16xi1>
      %reduce_max3A_1616 = arith.constant -2147483648 : i32
      %reduce_max3A_1617 = vector.broadcast %reduce_max3A_1616 : i32 to vector<16xi32>
      %reduce_max3A_1618 = arith.xori %gather3A_1613, %reduce_max3A_1617 : vector<16xi32>
      %reduce_max3A_1619 = tpu.scan <max>, %reduce_max3A_1618 masked %reduce_max3A_1615 : vector<16xi32>, vector<16xi1> -> vector<16xi32>
      %reduce_max3A_1620 = arith.xori %reduce_max3A_1619, %reduce_max3A_1617 : vector<16xi32>
      %reduce_max3A_1621 = vector.extract %reduce_max3A_1620[15] : i32 from vector<16xi32>
      %ne3A_1622 = arith.cmpi ne, %reduce_max3A_1621, %select_n3A : i32
      %sub3A_1623 = arith.subi %reduce_max3A_1621, %mul3A_2 : i32
      %jit3A_1624 = arith.constant 0 : i32
      %jit3A_1625 = arith.constant 255 : i32
      %max3A_1626 = arith.maxsi %jit3A_1624, %sub3A_1623 : i32
      %min3A_1627 = arith.minsi %jit3A_1625, %max3A_1626 : i32
      %broadcast_in_dim3A_1628 = arith.constant 0 : i32
      %broadcast_in_dim3A_1629 = vector.broadcast %broadcast_in_dim3A_1628 : i32 to vector<16xi32>
      %add3A_1630 = vector.broadcast %min3A_1627 : i32 to vector<16xi32>
      %add3A_1631 = arith.addi %broadcast_in_dim3A_1629, %add3A_1630 : vector<16xi32>
      %gather3A_1632 = tpu.vector_load_idx %arg19[%add3A_1631] : memref<256xi32, #tpu.memory_space<vmem>>[vector<16xi32>], vector<16xi32>,
      %reduce_max3A_1633 = arith.constant true
      %reduce_max3A_1634 = vector.broadcast %reduce_max3A_1633 : i1 to vector<16xi1>
      %reduce_max3A_1635 = arith.constant -2147483648 : i32
      %reduce_max3A_1636 = vector.broadcast %reduce_max3A_1635 : i32 to vector<16xi32>
      %reduce_max3A_1637 = arith.xori %gather3A_1632, %reduce_max3A_1636 : vector<16xi32>
      %reduce_max3A_1638 = tpu.scan <max>, %reduce_max3A_1637 masked %reduce_max3A_1634 : vector<16xi32>, vector<16xi1> -> vector<16xi32>
      %reduce_max3A_1639 = arith.xori %reduce_max3A_1638, %reduce_max3A_1636 : vector<16xi32>
      %reduce_max3A_1640 = vector.extract %reduce_max3A_1639[15] : i32 from vector<16xi32>
      %jit3A_1641 = arith.constant 0 : i32
      %select_n3A_1642 = arith.select %ne3A_1622, %reduce_max3A_1640, %jit3A_1641 : i32
      %broadcast_in_dim3A_1643 = arith.constant 0 : i32
      %broadcast_in_dim3A_1644 = vector.broadcast %broadcast_in_dim3A_1643 : i32 to vector<16xi32>
      %add3A_1645 = vector.broadcast %min3A_1627 : i32 to vector<16xi32>
      %add3A_1646 = arith.addi %broadcast_in_dim3A_1644, %add3A_1645 : vector<16xi32>
      %gather3A_1647 = tpu.vector_load_idx %arg18[%add3A_1646] : memref<256xi32, #tpu.memory_space<vmem>>[vector<16xi32>], vector<16xi32>,
      %reduce_max3A_1648 = arith.constant true
      %reduce_max3A_1649 = vector.broadcast %reduce_max3A_1648 : i1 to vector<16xi1>
      %reduce_max3A_1650 = arith.constant -2147483648 : i32
      %reduce_max3A_1651 = vector.broadcast %reduce_max3A_1650 : i32 to vector<16xi32>
      %reduce_max3A_1652 = arith.xori %gather3A_1647, %reduce_max3A_1651 : vector<16xi32>
      %reduce_max3A_1653 = tpu.scan <max>, %reduce_max3A_1652 masked %reduce_max3A_1649 : vector<16xi32>, vector<16xi1> -> vector<16xi32>
      %reduce_max3A_1654 = arith.xori %reduce_max3A_1653, %reduce_max3A_1651 : vector<16xi32>
      %reduce_max3A_1655 = vector.extract %reduce_max3A_1654[15] : i32 from vector<16xi32>
      %jit3A_1656 = arith.constant 0 : i32
      %select_n3A_1657 = arith.select %ne3A_1622, %reduce_max3A_1655, %jit3A_1656 : i32
      %add3A_1658 = arith.addi %select_n3A_1642, %select_n3A_1657 : i32
      %dma_wait3A_1659 = arith.constant 0 : i32
      %dma_wait3A_1660 = arith.constant 0 : i32
      %dma_wait3A_1661 = tpu.memref_slice %arg2[%dma_wait3A_1659, %dma_wait3A_1660] : memref<64x1000000xf32, #tpu.memory_space<hbm>> -> memref<64x128xf32, #tpu.memory_space<hbm>>
      %dma_wait3A_1662 = arith.constant 0 : i32
      %dma_wait3A_1663 = arith.constant 0 : i32
      %dma_wait3A_1664 = tpu.memref_slice %arg2[%dma_wait3A_1662, %dma_wait3A_1663] : memref<64x1000000xf32, #tpu.memory_space<hbm>> -> memref<64x128xf32, #tpu.memory_space<hbm>>
      tpu.wait_dma2 semaphore(%arg21 : memref<!tpu.dma_semaphore, #tpu.memory_space<semaphore_mem>>) src(%dma_wait3A_1664 : memref<64x128xf32, #tpu.memory_space<hbm>>) dst(%arg14 : memref<64x128xf32, #tpu.memory_space<vmem>>)
      %while3A_1665 = arith.constant 0 : i32
      %while3A_1666 = arith.subi %add3A_1658, %select_n3A_1642 : i32
      %while3A_1667 = arith.addi %select_n3A_1642, %while3A_1666 : i32
      %while3A_1668 = arith.constant 1 : i32
      %while3A_1669 = arith.divsi %while3A_1666, %while3A_1668 : i32
      %while3A_1670 = arith.muli %while3A_1669, %while3A_1668 : i32
      %while3A_1671 = arith.addi %select_n3A_1642, %while3A_1670 : i32
      %while3A_1672 = arith.constant 1 : i32
      scf.for %while3A_1887 = %select_n3A_1642 to %while3A_1671 step %while3A_1672  : i32 {
        %broadcast_in_dim3A_1888 = arith.constant 0 : i32
        %broadcast_in_dim3A_1889 = vector.broadcast %broadcast_in_dim3A_1888 : i32 to vector<16xi32>
        %add3A_1890 = vector.broadcast %while3A_1887 : i32 to vector<16xi32>
        %add3A_1891 = arith.addi %broadcast_in_dim3A_1889, %add3A_1890 : vector<16xi32>
        %gather3A_1892 = tpu.vector_load_idx %arg9[%add3A_1891] : memref<640xi32, #tpu.memory_space<vmem>>[vector<16xi32>], vector<16xi32>,
        %add3A_1893 = arith.constant 0 : i32
        %add3A_1894 = vector.broadcast %add3A_1893 : i32 to vector<16xi32>
        %add3A_1895 = arith.addi %iota3A, %add3A_1894 : vector<16xi32>
        %gather3A_1896 = tpu.vector_load_idx %arg14[%add3A_1895, %gather3A_1892] : memref<64x128xf32, #tpu.memory_space<vmem>>[vector<16xi32>, vector<16xi32>], vector<16xf32>,
        %neg3A = arith.constant 0.000000e+00 : f32
        %neg3A_1897 = vector.broadcast %neg3A : f32 to vector<16xf32>
        %neg3A_1898 = arith.subf %neg3A_1897, %gather3A_1896 : vector<16xf32>
        %exp3A = math.exp %neg3A_1898 : vector<16xf32>
        %add3A_1899 = arith.constant 1.000000e+00 : f32
        %add3A_1900 = vector.broadcast %add3A_1899 : f32 to vector<16xf32>
        %add3A_1901 = arith.addf %add3A_1900, %exp3A : vector<16xf32>
        %div3A_1902 = arith.constant 1.000000e+00 : f32
        %div3A_1903 = vector.broadcast %div3A_1902 : f32 to vector<16xf32>
        %div3A_1904 = arith.divf %div3A_1903, %add3A_1901 : vector<16xf32>
        %swap3A_1905 = arith.index_cast %while3A_1887 : i32 to index
        %swap3A_1906 = arith.constant 0 : index
        %swap3A_1907 = tpu.vector_load %arg17[%swap3A_1905, %swap3A_1906] {strides = array<i32>} : memref<640x128xf32, #tpu.memory_space<vmem>>, vector<16xf32>,
        tpu.vector_store %arg17[%swap3A_1905, %swap3A_1906], %div3A_1904 {strides = array<i32>} : memref<640x128xf32, #tpu.memory_space<vmem>>, vector<16xf32>,
        %add3A_1908 = arith.constant 16 : i32
        %add3A_1909 = vector.broadcast %add3A_1908 : i32 to vector<16xi32>
        %add3A_1910 = arith.addi %iota3A, %add3A_1909 : vector<16xi32>
        %gather3A_1911 = tpu.vector_load_idx %arg14[%add3A_1910, %gather3A_1892] : memref<64x128xf32, #tpu.memory_space<vmem>>[vector<16xi32>, vector<16xi32>], vector<16xf32>,
        %neg3A_1912 = arith.constant 0.000000e+00 : f32
        %neg3A_1913 = vector.broadcast %neg3A_1912 : f32 to vector<16xf32>
        %neg3A_1914 = arith.subf %neg3A_1913, %gather3A_1911 : vector<16xf32>
        %exp3A_1915 = math.exp %neg3A_1914 : vector<16xf32>
        %add3A_1916 = arith.constant 1.000000e+00 : f32
        %add3A_1917 = vector.broadcast %add3A_1916 : f32 to vector<16xf32>
        %add3A_1918 = arith.addf %add3A_1917, %exp3A_1915 : vector<16xf32>
        %div3A_1919 = arith.constant 1.000000e+00 : f32
        %div3A_1920 = vector.broadcast %div3A_1919 : f32 to vector<16xf32>
        %div3A_1921 = arith.divf %div3A_1920, %add3A_1918 : vector<16xf32>
        %swap3A_1922 = arith.index_cast %while3A_1887 : i32 to index
        %swap3A_1923 = arith.constant 16 : index
        %swap3A_1924 = tpu.vector_load %arg17[%swap3A_1922, %swap3A_1923] {strides = array<i32>} : memref<640x128xf32, #tpu.memory_space<vmem>>, vector<16xf32>,
        tpu.vector_store %arg17[%swap3A_1922, %swap3A_1923], %div3A_1921 {strides = array<i32>} : memref<640x128xf32, #tpu.memory_space<vmem>>, vector<16xf32>,
        %add3A_1925 = arith.constant 32 : i32
        %add3A_1926 = vector.broadcast %add3A_1925 : i32 to vector<16xi32>
        %add3A_1927 = arith.addi %iota3A, %add3A_1926 : vector<16xi32>
        %gather3A_1928 = tpu.vector_load_idx %arg14[%add3A_1927, %gather3A_1892] : memref<64x128xf32, #tpu.memory_space<vmem>>[vector<16xi32>, vector<16xi32>], vector<16xf32>,
        %neg3A_1929 = arith.constant 0.000000e+00 : f32
        %neg3A_1930 = vector.broadcast %neg3A_1929 : f32 to vector<16xf32>
        %neg3A_1931 = arith.subf %neg3A_1930, %gather3A_1928 : vector<16xf32>
        %exp3A_1932 = math.exp %neg3A_1931 : vector<16xf32>
        %add3A_1933 = arith.constant 1.000000e+00 : f32
        %add3A_1934 = vector.broadcast %add3A_1933 : f32 to vector<16xf32>
        %add3A_1935 = arith.addf %add3A_1934, %exp3A_1932 : vector<16xf32>
        %div3A_1936 = arith.constant 1.000000e+00 : f32
        %div3A_1937 = vector.broadcast %div3A_1936 : f32 to vector<16xf32>
        %div3A_1938 = arith.divf %div3A_1937, %add3A_1935 : vector<16xf32>
        %swap3A_1939 = arith.index_cast %while3A_1887 : i32 to index
        %swap3A_1940 = arith.constant 32 : index
        %swap3A_1941 = tpu.vector_load %arg17[%swap3A_1939, %swap3A_1940] {strides = array<i32>} : memref<640x128xf32, #tpu.memory_space<vmem>>, vector<16xf32>,
        tpu.vector_store %arg17[%swap3A_1939, %swap3A_1940], %div3A_1938 {strides = array<i32>} : memref<640x128xf32, #tpu.memory_space<vmem>>, vector<16xf32>,
        %add3A_1942 = arith.constant 48 : i32
        %add3A_1943 = vector.broadcast %add3A_1942 : i32 to vector<16xi32>
        %add3A_1944 = arith.addi %iota3A, %add3A_1943 : vector<16xi32>
        %gather3A_1945 = tpu.vector_load_idx %arg14[%add3A_1944, %gather3A_1892] : memref<64x128xf32, #tpu.memory_space<vmem>>[vector<16xi32>, vector<16xi32>], vector<16xf32>,
        %neg3A_1946 = arith.constant 0.000000e+00 : f32
        %neg3A_1947 = vector.broadcast %neg3A_1946 : f32 to vector<16xf32>
        %neg3A_1948 = arith.subf %neg3A_1947, %gather3A_1945 : vector<16xf32>
        %exp3A_1949 = math.exp %neg3A_1948 : vector<16xf32>
        %add3A_1950 = arith.constant 1.000000e+00 : f32
        %add3A_1951 = vector.broadcast %add3A_1950 : f32 to vector<16xf32>
        %add3A_1952 = arith.addf %add3A_1951, %exp3A_1949 : vector<16xf32>
        %div3A_1953 = arith.constant 1.000000e+00 : f32
        %div3A_1954 = vector.broadcast %div3A_1953 : f32 to vector<16xf32>
        %div3A_1955 = arith.divf %div3A_1954, %add3A_1952 : vector<16xf32>
        %swap3A_1956 = arith.index_cast %while3A_1887 : i32 to index
        %swap3A_1957 = arith.constant 48 : index
        %swap3A_1958 = tpu.vector_load %arg17[%swap3A_1956, %swap3A_1957] {strides = array<i32>} : memref<640x128xf32, #tpu.memory_space<vmem>>, vector<16xf32>,
        tpu.vector_store %arg17[%swap3A_1956, %swap3A_1957], %div3A_1955 {strides = array<i32>} : memref<640x128xf32, #tpu.memory_space<vmem>>, vector<16xf32>,
      }
      %while3A_1673 = arith.constant 1 : i32
      scf.for %while3A_1887 = %while3A_1671 to %while3A_1667 step %while3A_1673  : i32 {
        %broadcast_in_dim3A_1888 = arith.constant 0 : i32
        %broadcast_in_dim3A_1889 = vector.broadcast %broadcast_in_dim3A_1888 : i32 to vector<16xi32>
        %add3A_1890 = vector.broadcast %while3A_1887 : i32 to vector<16xi32>
        %add3A_1891 = arith.addi %broadcast_in_dim3A_1889, %add3A_1890 : vector<16xi32>
        %gather3A_1892 = tpu.vector_load_idx %arg9[%add3A_1891] : memref<640xi32, #tpu.memory_space<vmem>>[vector<16xi32>], vector<16xi32>,
        %add3A_1893 = arith.constant 0 : i32
        %add3A_1894 = vector.broadcast %add3A_1893 : i32 to vector<16xi32>
        %add3A_1895 = arith.addi %iota3A, %add3A_1894 : vector<16xi32>
        %gather3A_1896 = tpu.vector_load_idx %arg14[%add3A_1895, %gather3A_1892] : memref<64x128xf32, #tpu.memory_space<vmem>>[vector<16xi32>, vector<16xi32>], vector<16xf32>,
        %neg3A = arith.constant 0.000000e+00 : f32
        %neg3A_1897 = vector.broadcast %neg3A : f32 to vector<16xf32>
        %neg3A_1898 = arith.subf %neg3A_1897, %gather3A_1896 : vector<16xf32>
        %exp3A = math.exp %neg3A_1898 : vector<16xf32>
        %add3A_1899 = arith.constant 1.000000e+00 : f32
        %add3A_1900 = vector.broadcast %add3A_1899 : f32 to vector<16xf32>
        %add3A_1901 = arith.addf %add3A_1900, %exp3A : vector<16xf32>
        %div3A_1902 = arith.constant 1.000000e+00 : f32
        %div3A_1903 = vector.broadcast %div3A_1902 : f32 to vector<16xf32>
        %div3A_1904 = arith.divf %div3A_1903, %add3A_1901 : vector<16xf32>
        %swap3A_1905 = arith.index_cast %while3A_1887 : i32 to index
        %swap3A_1906 = arith.constant 0 : index
        %swap3A_1907 = tpu.vector_load %arg17[%swap3A_1905, %swap3A_1906] {strides = array<i32>} : memref<640x128xf32, #tpu.memory_space<vmem>>, vector<16xf32>,
        tpu.vector_store %arg17[%swap3A_1905, %swap3A_1906], %div3A_1904 {strides = array<i32>} : memref<640x128xf32, #tpu.memory_space<vmem>>, vector<16xf32>,
        %add3A_1908 = arith.constant 16 : i32
        %add3A_1909 = vector.broadcast %add3A_1908 : i32 to vector<16xi32>
        %add3A_1910 = arith.addi %iota3A, %add3A_1909 : vector<16xi32>
        %gather3A_1911 = tpu.vector_load_idx %arg14[%add3A_1910, %gather3A_1892] : memref<64x128xf32, #tpu.memory_space<vmem>>[vector<16xi32>, vector<16xi32>], vector<16xf32>,
        %neg3A_1912 = arith.constant 0.000000e+00 : f32
        %neg3A_1913 = vector.broadcast %neg3A_1912 : f32 to vector<16xf32>
        %neg3A_1914 = arith.subf %neg3A_1913, %gather3A_1911 : vector<16xf32>
        %exp3A_1915 = math.exp %neg3A_1914 : vector<16xf32>
        %add3A_1916 = arith.constant 1.000000e+00 : f32
        %add3A_1917 = vector.broadcast %add3A_1916 : f32 to vector<16xf32>
        %add3A_1918 = arith.addf %add3A_1917, %exp3A_1915 : vector<16xf32>
        %div3A_1919 = arith.constant 1.000000e+00 : f32
        %div3A_1920 = vector.broadcast %div3A_1919 : f32 to vector<16xf32>
        %div3A_1921 = arith.divf %div3A_1920, %add3A_1918 : vector<16xf32>
        %swap3A_1922 = arith.index_cast %while3A_1887 : i32 to index
        %swap3A_1923 = arith.constant 16 : index
        %swap3A_1924 = tpu.vector_load %arg17[%swap3A_1922, %swap3A_1923] {strides = array<i32>} : memref<640x128xf32, #tpu.memory_space<vmem>>, vector<16xf32>,
        tpu.vector_store %arg17[%swap3A_1922, %swap3A_1923], %div3A_1921 {strides = array<i32>} : memref<640x128xf32, #tpu.memory_space<vmem>>, vector<16xf32>,
        %add3A_1925 = arith.constant 32 : i32
        %add3A_1926 = vector.broadcast %add3A_1925 : i32 to vector<16xi32>
        %add3A_1927 = arith.addi %iota3A, %add3A_1926 : vector<16xi32>
        %gather3A_1928 = tpu.vector_load_idx %arg14[%add3A_1927, %gather3A_1892] : memref<64x128xf32, #tpu.memory_space<vmem>>[vector<16xi32>, vector<16xi32>], vector<16xf32>,
        %neg3A_1929 = arith.constant 0.000000e+00 : f32
        %neg3A_1930 = vector.broadcast %neg3A_1929 : f32 to vector<16xf32>
        %neg3A_1931 = arith.subf %neg3A_1930, %gather3A_1928 : vector<16xf32>
        %exp3A_1932 = math.exp %neg3A_1931 : vector<16xf32>
        %add3A_1933 = arith.constant 1.000000e+00 : f32
        %add3A_1934 = vector.broadcast %add3A_1933 : f32 to vector<16xf32>
        %add3A_1935 = arith.addf %add3A_1934, %exp3A_1932 : vector<16xf32>
        %div3A_1936 = arith.constant 1.000000e+00 : f32
        %div3A_1937 = vector.broadcast %div3A_1936 : f32 to vector<16xf32>
        %div3A_1938 = arith.divf %div3A_1937, %add3A_1935 : vector<16xf32>
        %swap3A_1939 = arith.index_cast %while3A_1887 : i32 to index
        %swap3A_1940 = arith.constant 32 : index
        %swap3A_1941 = tpu.vector_load %arg17[%swap3A_1939, %swap3A_1940] {strides = array<i32>} : memref<640x128xf32, #tpu.memory_space<vmem>>, vector<16xf32>,
        tpu.vector_store %arg17[%swap3A_1939, %swap3A_1940], %div3A_1938 {strides = array<i32>} : memref<640x128xf32, #tpu.memory_space<vmem>>, vector<16xf32>,
        %add3A_1942 = arith.constant 48 : i32
        %add3A_1943 = vector.broadcast %add3A_1942 : i32 to vector<16xi32>
        %add3A_1944 = arith.addi %iota3A, %add3A_1943 : vector<16xi32>
        %gather3A_1945 = tpu.vector_load_idx %arg14[%add3A_1944, %gather3A_1892] : memref<64x128xf32, #tpu.memory_space<vmem>>[vector<16xi32>, vector<16xi32>], vector<16xf32>,
        %neg3A_1946 = arith.constant 0.000000e+00 : f32
        %neg3A_1947 = vector.broadcast %neg3A_1946 : f32 to vector<16xf32>
        %neg3A_1948 = arith.subf %neg3A_1947, %gather3A_1945 : vector<16xf32>
        %exp3A_1949 = math.exp %neg3A_1948 : vector<16xf32>
        %add3A_1950 = arith.constant 1.000000e+00 : f32
        %add3A_1951 = vector.broadcast %add3A_1950 : f32 to vector<16xf32>
        %add3A_1952 = arith.addf %add3A_1951, %exp3A_1949 : vector<16xf32>
        %div3A_1953 = arith.constant 1.000000e+00 : f32
        %div3A_1954 = vector.broadcast %div3A_1953 : f32 to vector<16xf32>
        %div3A_1955 = arith.divf %div3A_1954, %add3A_1952 : vector<16xf32>
        %swap3A_1956 = arith.index_cast %while3A_1887 : i32 to index
        %swap3A_1957 = arith.constant 48 : index
        %swap3A_1958 = tpu.vector_load %arg17[%swap3A_1956, %swap3A_1957] {strides = array<i32>} : memref<640x128xf32, #tpu.memory_space<vmem>>, vector<16xf32>,
        tpu.vector_store %arg17[%swap3A_1956, %swap3A_1957], %div3A_1955 {strides = array<i32>} : memref<640x128xf32, #tpu.memory_space<vmem>>, vector<16xf32>,
      }
      %add3A_1674 = arith.constant 4 : i32
      %add3A_1675 = arith.addi %add3A_1608, %add3A_1674 : i32
      %broadcast_in_dim3A_1676 = arith.constant 0 : i32
      %broadcast_in_dim3A_1677 = vector.broadcast %broadcast_in_dim3A_1676 : i32 to vector<16xi32>
      %add3A_1678 = vector.broadcast %add3A_1675 : i32 to vector<16xi32>
      %add3A_1679 = arith.addi %broadcast_in_dim3A_1677, %add3A_1678 : vector<16xi32>
      %gather3A_1680 = tpu.vector_load_idx %arg12[%add3A_1679] : memref<256xi32, #tpu.memory_space<vmem>>[vector<16xi32>], vector<16xi32>,
      %reduce_max3A_1681 = arith.constant true
      %reduce_max3A_1682 = vector.broadcast %reduce_max3A_1681 : i1 to vector<16xi1>
      %reduce_max3A_1683 = arith.constant -2147483648 : i32
      %reduce_max3A_1684 = vector.broadcast %reduce_max3A_1683 : i32 to vector<16xi32>
      %reduce_max3A_1685 = arith.xori %gather3A_1680, %reduce_max3A_1684 : vector<16xi32>
      %reduce_max3A_1686 = tpu.scan <max>, %reduce_max3A_1685 masked %reduce_max3A_1682 : vector<16xi32>, vector<16xi1> -> vector<16xi32>
      %reduce_max3A_1687 = arith.xori %reduce_max3A_1686, %reduce_max3A_1684 : vector<16xi32>
      %reduce_max3A_1688 = vector.extract %reduce_max3A_1687[15] : i32 from vector<16xi32>
      %eq3A_1689 = arith.constant 7812 : i32
      %eq3A_1690 = arith.cmpi eq, %reduce_max3A_1688, %eq3A_1689 : i32
      %convert_element_type3A_1691 = arith.extui %eq3A_1690 : i1 to i32
      %cond3A_1692 = arith.constant 0 : i32
      %cond3A_1693 = arith.cmpi ne, %convert_element_type3A_1691, %cond3A_1692 : i32
      scf.if %cond3A_1693 {
        tpu.enqueue_dma source(%arg3 : memref<64x128xf32, #tpu.memory_space<hbm>>) target(%arg14 : memref<64x128xf32, #tpu.memory_space<vmem>>) target_semaphore(%arg21 : memref<!tpu.dma_semaphore, #tpu.memory_space<semaphore_mem>>)
      } else {
      }
      %ne3A_1694 = arith.constant 7812 : i32
      %ne3A_1695 = arith.cmpi ne, %reduce_max3A_1688, %ne3A_1694 : i32
      %convert_element_type3A_1696 = arith.extui %ne3A_1695 : i1 to i32
      %cond3A_1697 = arith.constant 0 : i32
      %cond3A_1698 = arith.cmpi ne, %convert_element_type3A_1696, %cond3A_1697 : i32
      scf.if %cond3A_1698 {
        %mul3A_1887 = arith.constant 128 : i32
        %mul3A_1888 = arith.muli %reduce_max3A_1688, %mul3A_1887 : i32
        %multiple_of3A = tpu.assume_multiple %mul3A_1888, 128 : i32
        %dma_start3A_1889 = arith.constant 0 : i32
        %dma_start3A_1890 = tpu.memref_slice %arg2[%dma_start3A_1889, %multiple_of3A] : memref<64x1000000xf32, #tpu.memory_space<hbm>> -> memref<64x128xf32, #tpu.memory_space<hbm>>
        %dma_start3A_1891 = arith.constant 0 : i32
        %dma_start3A_1892 = tpu.memref_slice %arg2[%dma_start3A_1891, %multiple_of3A] : memref<64x1000000xf32, #tpu.memory_space<hbm>> -> memref<64x128xf32, #tpu.memory_space<hbm>>
        tpu.enqueue_dma source(%dma_start3A_1892 : memref<64x128xf32, #tpu.memory_space<hbm>>) target(%arg14 : memref<64x128xf32, #tpu.memory_space<vmem>>) target_semaphore(%arg21 : memref<!tpu.dma_semaphore, #tpu.memory_space<semaphore_mem>>)
      } else {
      }
      %mul3A_1699 = arith.constant 4 : i32
      %mul3A_1700 = arith.muli %while3A_1511, %mul3A_1699 : i32
      %add3A_1701 = arith.constant 2 : i32
      %add3A_1702 = arith.addi %mul3A_1700, %add3A_1701 : i32
      %broadcast_in_dim3A_1703 = arith.constant 0 : i32
      %broadcast_in_dim3A_1704 = vector.broadcast %broadcast_in_dim3A_1703 : i32 to vector<16xi32>
      %add3A_1705 = vector.broadcast %add3A_1702 : i32 to vector<16xi32>
      %add3A_1706 = arith.addi %broadcast_in_dim3A_1704, %add3A_1705 : vector<16xi32>
      %gather3A_1707 = tpu.vector_load_idx %arg12[%add3A_1706] : memref<256xi32, #tpu.memory_space<vmem>>[vector<16xi32>], vector<16xi32>,
      %reduce_max3A_1708 = arith.constant true
      %reduce_max3A_1709 = vector.broadcast %reduce_max3A_1708 : i1 to vector<16xi1>
      %reduce_max3A_1710 = arith.constant -2147483648 : i32
      %reduce_max3A_1711 = vector.broadcast %reduce_max3A_1710 : i32 to vector<16xi32>
      %reduce_max3A_1712 = arith.xori %gather3A_1707, %reduce_max3A_1711 : vector<16xi32>
      %reduce_max3A_1713 = tpu.scan <max>, %reduce_max3A_1712 masked %reduce_max3A_1709 : vector<16xi32>, vector<16xi1> -> vector<16xi32>
      %reduce_max3A_1714 = arith.xori %reduce_max3A_1713, %reduce_max3A_1711 : vector<16xi32>
      %reduce_max3A_1715 = vector.extract %reduce_max3A_1714[15] : i32 from vector<16xi32>
      %ne3A_1716 = arith.cmpi ne, %reduce_max3A_1715, %select_n3A : i32
      %sub3A_1717 = arith.subi %reduce_max3A_1715, %mul3A_2 : i32
      %jit3A_1718 = arith.constant 0 : i32
      %jit3A_1719 = arith.constant 255 : i32
      %max3A_1720 = arith.maxsi %jit3A_1718, %sub3A_1717 : i32
      %min3A_1721 = arith.minsi %jit3A_1719, %max3A_1720 : i32
      %broadcast_in_dim3A_1722 = arith.constant 0 : i32
      %broadcast_in_dim3A_1723 = vector.broadcast %broadcast_in_dim3A_1722 : i32 to vector<16xi32>
      %add3A_1724 = vector.broadcast %min3A_1721 : i32 to vector<16xi32>
      %add3A_1725 = arith.addi %broadcast_in_dim3A_1723, %add3A_1724 : vector<16xi32>
      %gather3A_1726 = tpu.vector_load_idx %arg19[%add3A_1725] : memref<256xi32, #tpu.memory_space<vmem>>[vector<16xi32>], vector<16xi32>,
      %reduce_max3A_1727 = arith.constant true
      %reduce_max3A_1728 = vector.broadcast %reduce_max3A_1727 : i1 to vector<16xi1>
      %reduce_max3A_1729 = arith.constant -2147483648 : i32
      %reduce_max3A_1730 = vector.broadcast %reduce_max3A_1729 : i32 to vector<16xi32>
      %reduce_max3A_1731 = arith.xori %gather3A_1726, %reduce_max3A_1730 : vector<16xi32>
      %reduce_max3A_1732 = tpu.scan <max>, %reduce_max3A_1731 masked %reduce_max3A_1728 : vector<16xi32>, vector<16xi1> -> vector<16xi32>
      %reduce_max3A_1733 = arith.xori %reduce_max3A_1732, %reduce_max3A_1730 : vector<16xi32>
      %reduce_max3A_1734 = vector.extract %reduce_max3A_1733[15] : i32 from vector<16xi32>
      %jit3A_1735 = arith.constant 0 : i32
      %select_n3A_1736 = arith.select %ne3A_1716, %reduce_max3A_1734, %jit3A_1735 : i32
      %broadcast_in_dim3A_1737 = arith.constant 0 : i32
      %broadcast_in_dim3A_1738 = vector.broadcast %broadcast_in_dim3A_1737 : i32 to vector<16xi32>
      %add3A_1739 = vector.broadcast %min3A_1721 : i32 to vector<16xi32>
      %add3A_1740 = arith.addi %broadcast_in_dim3A_1738, %add3A_1739 : vector<16xi32>
      %gather3A_1741 = tpu.vector_load_idx %arg18[%add3A_1740] : memref<256xi32, #tpu.memory_space<vmem>>[vector<16xi32>], vector<16xi32>,
      %reduce_max3A_1742 = arith.constant true
      %reduce_max3A_1743 = vector.broadcast %reduce_max3A_1742 : i1 to vector<16xi1>
      %reduce_max3A_1744 = arith.constant -2147483648 : i32
      %reduce_max3A_1745 = vector.broadcast %reduce_max3A_1744 : i32 to vector<16xi32>
      %reduce_max3A_1746 = arith.xori %gather3A_1741, %reduce_max3A_1745 : vector<16xi32>
      %reduce_max3A_1747 = tpu.scan <max>, %reduce_max3A_1746 masked %reduce_max3A_1743 : vector<16xi32>, vector<16xi1> -> vector<16xi32>
      %reduce_max3A_1748 = arith.xori %reduce_max3A_1747, %reduce_max3A_1745 : vector<16xi32>
      %reduce_max3A_1749 = vector.extract %reduce_max3A_1748[15] : i32 from vector<16xi32>
      %jit3A_1750 = arith.constant 0 : i32
      %select_n3A_1751 = arith.select %ne3A_1716, %reduce_max3A_1749, %jit3A_1750 : i32
      %add3A_1752 = arith.addi %select_n3A_1736, %select_n3A_1751 : i32
      %dma_wait3A_1753 = arith.constant 0 : i32
      %dma_wait3A_1754 = arith.constant 0 : i32
      %dma_wait3A_1755 = tpu.memref_slice %arg2[%dma_wait3A_1753, %dma_wait3A_1754] : memref<64x1000000xf32, #tpu.memory_space<hbm>> -> memref<64x128xf32, #tpu.memory_space<hbm>>
      %dma_wait3A_1756 = arith.constant 0 : i32
      %dma_wait3A_1757 = arith.constant 0 : i32
      %dma_wait3A_1758 = tpu.memref_slice %arg2[%dma_wait3A_1756, %dma_wait3A_1757] : memref<64x1000000xf32, #tpu.memory_space<hbm>> -> memref<64x128xf32, #tpu.memory_space<hbm>>
      tpu.wait_dma2 semaphore(%arg22 : memref<!tpu.dma_semaphore, #tpu.memory_space<semaphore_mem>>) src(%dma_wait3A_1758 : memref<64x128xf32, #tpu.memory_space<hbm>>) dst(%arg15 : memref<64x128xf32, #tpu.memory_space<vmem>>)
      %while3A_1759 = arith.constant 0 : i32
      %while3A_1760 = arith.subi %add3A_1752, %select_n3A_1736 : i32
      %while3A_1761 = arith.addi %select_n3A_1736, %while3A_1760 : i32
      %while3A_1762 = arith.constant 1 : i32
      %while3A_1763 = arith.divsi %while3A_1760, %while3A_1762 : i32
      %while3A_1764 = arith.muli %while3A_1763, %while3A_1762 : i32
      %while3A_1765 = arith.addi %select_n3A_1736, %while3A_1764 : i32
      %while3A_1766 = arith.constant 1 : i32
      scf.for %while3A_1887 = %select_n3A_1736 to %while3A_1765 step %while3A_1766  : i32 {
        %broadcast_in_dim3A_1888 = arith.constant 0 : i32
        %broadcast_in_dim3A_1889 = vector.broadcast %broadcast_in_dim3A_1888 : i32 to vector<16xi32>
        %add3A_1890 = vector.broadcast %while3A_1887 : i32 to vector<16xi32>
        %add3A_1891 = arith.addi %broadcast_in_dim3A_1889, %add3A_1890 : vector<16xi32>
        %gather3A_1892 = tpu.vector_load_idx %arg9[%add3A_1891] : memref<640xi32, #tpu.memory_space<vmem>>[vector<16xi32>], vector<16xi32>,
        %add3A_1893 = arith.constant 0 : i32
        %add3A_1894 = vector.broadcast %add3A_1893 : i32 to vector<16xi32>
        %add3A_1895 = arith.addi %iota3A, %add3A_1894 : vector<16xi32>
        %gather3A_1896 = tpu.vector_load_idx %arg15[%add3A_1895, %gather3A_1892] : memref<64x128xf32, #tpu.memory_space<vmem>>[vector<16xi32>, vector<16xi32>], vector<16xf32>,
        %neg3A = arith.constant 0.000000e+00 : f32
        %neg3A_1897 = vector.broadcast %neg3A : f32 to vector<16xf32>
        %neg3A_1898 = arith.subf %neg3A_1897, %gather3A_1896 : vector<16xf32>
        %exp3A = math.exp %neg3A_1898 : vector<16xf32>
        %add3A_1899 = arith.constant 1.000000e+00 : f32
        %add3A_1900 = vector.broadcast %add3A_1899 : f32 to vector<16xf32>
        %add3A_1901 = arith.addf %add3A_1900, %exp3A : vector<16xf32>
        %div3A_1902 = arith.constant 1.000000e+00 : f32
        %div3A_1903 = vector.broadcast %div3A_1902 : f32 to vector<16xf32>
        %div3A_1904 = arith.divf %div3A_1903, %add3A_1901 : vector<16xf32>
        %swap3A_1905 = arith.index_cast %while3A_1887 : i32 to index
        %swap3A_1906 = arith.constant 0 : index
        %swap3A_1907 = tpu.vector_load %arg17[%swap3A_1905, %swap3A_1906] {strides = array<i32>} : memref<640x128xf32, #tpu.memory_space<vmem>>, vector<16xf32>,
        tpu.vector_store %arg17[%swap3A_1905, %swap3A_1906], %div3A_1904 {strides = array<i32>} : memref<640x128xf32, #tpu.memory_space<vmem>>, vector<16xf32>,
        %add3A_1908 = arith.constant 16 : i32
        %add3A_1909 = vector.broadcast %add3A_1908 : i32 to vector<16xi32>
        %add3A_1910 = arith.addi %iota3A, %add3A_1909 : vector<16xi32>
        %gather3A_1911 = tpu.vector_load_idx %arg15[%add3A_1910, %gather3A_1892] : memref<64x128xf32, #tpu.memory_space<vmem>>[vector<16xi32>, vector<16xi32>], vector<16xf32>,
        %neg3A_1912 = arith.constant 0.000000e+00 : f32
        %neg3A_1913 = vector.broadcast %neg3A_1912 : f32 to vector<16xf32>
        %neg3A_1914 = arith.subf %neg3A_1913, %gather3A_1911 : vector<16xf32>
        %exp3A_1915 = math.exp %neg3A_1914 : vector<16xf32>
        %add3A_1916 = arith.constant 1.000000e+00 : f32
        %add3A_1917 = vector.broadcast %add3A_1916 : f32 to vector<16xf32>
        %add3A_1918 = arith.addf %add3A_1917, %exp3A_1915 : vector<16xf32>
        %div3A_1919 = arith.constant 1.000000e+00 : f32
        %div3A_1920 = vector.broadcast %div3A_1919 : f32 to vector<16xf32>
        %div3A_1921 = arith.divf %div3A_1920, %add3A_1918 : vector<16xf32>
        %swap3A_1922 = arith.index_cast %while3A_1887 : i32 to index
        %swap3A_1923 = arith.constant 16 : index
        %swap3A_1924 = tpu.vector_load %arg17[%swap3A_1922, %swap3A_1923] {strides = array<i32>} : memref<640x128xf32, #tpu.memory_space<vmem>>, vector<16xf32>,
        tpu.vector_store %arg17[%swap3A_1922, %swap3A_1923], %div3A_1921 {strides = array<i32>} : memref<640x128xf32, #tpu.memory_space<vmem>>, vector<16xf32>,
        %add3A_1925 = arith.constant 32 : i32
        %add3A_1926 = vector.broadcast %add3A_1925 : i32 to vector<16xi32>
        %add3A_1927 = arith.addi %iota3A, %add3A_1926 : vector<16xi32>
        %gather3A_1928 = tpu.vector_load_idx %arg15[%add3A_1927, %gather3A_1892] : memref<64x128xf32, #tpu.memory_space<vmem>>[vector<16xi32>, vector<16xi32>], vector<16xf32>,
        %neg3A_1929 = arith.constant 0.000000e+00 : f32
        %neg3A_1930 = vector.broadcast %neg3A_1929 : f32 to vector<16xf32>
        %neg3A_1931 = arith.subf %neg3A_1930, %gather3A_1928 : vector<16xf32>
        %exp3A_1932 = math.exp %neg3A_1931 : vector<16xf32>
        %add3A_1933 = arith.constant 1.000000e+00 : f32
        %add3A_1934 = vector.broadcast %add3A_1933 : f32 to vector<16xf32>
        %add3A_1935 = arith.addf %add3A_1934, %exp3A_1932 : vector<16xf32>
        %div3A_1936 = arith.constant 1.000000e+00 : f32
        %div3A_1937 = vector.broadcast %div3A_1936 : f32 to vector<16xf32>
        %div3A_1938 = arith.divf %div3A_1937, %add3A_1935 : vector<16xf32>
        %swap3A_1939 = arith.index_cast %while3A_1887 : i32 to index
        %swap3A_1940 = arith.constant 32 : index
        %swap3A_1941 = tpu.vector_load %arg17[%swap3A_1939, %swap3A_1940] {strides = array<i32>} : memref<640x128xf32, #tpu.memory_space<vmem>>, vector<16xf32>,
        tpu.vector_store %arg17[%swap3A_1939, %swap3A_1940], %div3A_1938 {strides = array<i32>} : memref<640x128xf32, #tpu.memory_space<vmem>>, vector<16xf32>,
        %add3A_1942 = arith.constant 48 : i32
        %add3A_1943 = vector.broadcast %add3A_1942 : i32 to vector<16xi32>
        %add3A_1944 = arith.addi %iota3A, %add3A_1943 : vector<16xi32>
        %gather3A_1945 = tpu.vector_load_idx %arg15[%add3A_1944, %gather3A_1892] : memref<64x128xf32, #tpu.memory_space<vmem>>[vector<16xi32>, vector<16xi32>], vector<16xf32>,
        %neg3A_1946 = arith.constant 0.000000e+00 : f32
        %neg3A_1947 = vector.broadcast %neg3A_1946 : f32 to vector<16xf32>
        %neg3A_1948 = arith.subf %neg3A_1947, %gather3A_1945 : vector<16xf32>
        %exp3A_1949 = math.exp %neg3A_1948 : vector<16xf32>
        %add3A_1950 = arith.constant 1.000000e+00 : f32
        %add3A_1951 = vector.broadcast %add3A_1950 : f32 to vector<16xf32>
        %add3A_1952 = arith.addf %add3A_1951, %exp3A_1949 : vector<16xf32>
        %div3A_1953 = arith.constant 1.000000e+00 : f32
        %div3A_1954 = vector.broadcast %div3A_1953 : f32 to vector<16xf32>
        %div3A_1955 = arith.divf %div3A_1954, %add3A_1952 : vector<16xf32>
        %swap3A_1956 = arith.index_cast %while3A_1887 : i32 to index
        %swap3A_1957 = arith.constant 48 : index
        %swap3A_1958 = tpu.vector_load %arg17[%swap3A_1956, %swap3A_1957] {strides = array<i32>} : memref<640x128xf32, #tpu.memory_space<vmem>>, vector<16xf32>,
        tpu.vector_store %arg17[%swap3A_1956, %swap3A_1957], %div3A_1955 {strides = array<i32>} : memref<640x128xf32, #tpu.memory_space<vmem>>, vector<16xf32>,
      }
      %while3A_1767 = arith.constant 1 : i32
      scf.for %while3A_1887 = %while3A_1765 to %while3A_1761 step %while3A_1767  : i32 {
        %broadcast_in_dim3A_1888 = arith.constant 0 : i32
        %broadcast_in_dim3A_1889 = vector.broadcast %broadcast_in_dim3A_1888 : i32 to vector<16xi32>
        %add3A_1890 = vector.broadcast %while3A_1887 : i32 to vector<16xi32>
        %add3A_1891 = arith.addi %broadcast_in_dim3A_1889, %add3A_1890 : vector<16xi32>
        %gather3A_1892 = tpu.vector_load_idx %arg9[%add3A_1891] : memref<640xi32, #tpu.memory_space<vmem>>[vector<16xi32>], vector<16xi32>,
        %add3A_1893 = arith.constant 0 : i32
        %add3A_1894 = vector.broadcast %add3A_1893 : i32 to vector<16xi32>
        %add3A_1895 = arith.addi %iota3A, %add3A_1894 : vector<16xi32>
        %gather3A_1896 = tpu.vector_load_idx %arg15[%add3A_1895, %gather3A_1892] : memref<64x128xf32, #tpu.memory_space<vmem>>[vector<16xi32>, vector<16xi32>], vector<16xf32>,
        %neg3A = arith.constant 0.000000e+00 : f32
        %neg3A_1897 = vector.broadcast %neg3A : f32 to vector<16xf32>
        %neg3A_1898 = arith.subf %neg3A_1897, %gather3A_1896 : vector<16xf32>
        %exp3A = math.exp %neg3A_1898 : vector<16xf32>
        %add3A_1899 = arith.constant 1.000000e+00 : f32
        %add3A_1900 = vector.broadcast %add3A_1899 : f32 to vector<16xf32>
        %add3A_1901 = arith.addf %add3A_1900, %exp3A : vector<16xf32>
        %div3A_1902 = arith.constant 1.000000e+00 : f32
        %div3A_1903 = vector.broadcast %div3A_1902 : f32 to vector<16xf32>
        %div3A_1904 = arith.divf %div3A_1903, %add3A_1901 : vector<16xf32>
        %swap3A_1905 = arith.index_cast %while3A_1887 : i32 to index
        %swap3A_1906 = arith.constant 0 : index
        %swap3A_1907 = tpu.vector_load %arg17[%swap3A_1905, %swap3A_1906] {strides = array<i32>} : memref<640x128xf32, #tpu.memory_space<vmem>>, vector<16xf32>,
        tpu.vector_store %arg17[%swap3A_1905, %swap3A_1906], %div3A_1904 {strides = array<i32>} : memref<640x128xf32, #tpu.memory_space<vmem>>, vector<16xf32>,
        %add3A_1908 = arith.constant 16 : i32
        %add3A_1909 = vector.broadcast %add3A_1908 : i32 to vector<16xi32>
        %add3A_1910 = arith.addi %iota3A, %add3A_1909 : vector<16xi32>
        %gather3A_1911 = tpu.vector_load_idx %arg15[%add3A_1910, %gather3A_1892] : memref<64x128xf32, #tpu.memory_space<vmem>>[vector<16xi32>, vector<16xi32>], vector<16xf32>,
        %neg3A_1912 = arith.constant 0.000000e+00 : f32
        %neg3A_1913 = vector.broadcast %neg3A_1912 : f32 to vector<16xf32>
        %neg3A_1914 = arith.subf %neg3A_1913, %gather3A_1911 : vector<16xf32>
        %exp3A_1915 = math.exp %neg3A_1914 : vector<16xf32>
        %add3A_1916 = arith.constant 1.000000e+00 : f32
        %add3A_1917 = vector.broadcast %add3A_1916 : f32 to vector<16xf32>
        %add3A_1918 = arith.addf %add3A_1917, %exp3A_1915 : vector<16xf32>
        %div3A_1919 = arith.constant 1.000000e+00 : f32
        %div3A_1920 = vector.broadcast %div3A_1919 : f32 to vector<16xf32>
        %div3A_1921 = arith.divf %div3A_1920, %add3A_1918 : vector<16xf32>
        %swap3A_1922 = arith.index_cast %while3A_1887 : i32 to index
        %swap3A_1923 = arith.constant 16 : index
        %swap3A_1924 = tpu.vector_load %arg17[%swap3A_1922, %swap3A_1923] {strides = array<i32>} : memref<640x128xf32, #tpu.memory_space<vmem>>, vector<16xf32>,
        tpu.vector_store %arg17[%swap3A_1922, %swap3A_1923], %div3A_1921 {strides = array<i32>} : memref<640x128xf32, #tpu.memory_space<vmem>>, vector<16xf32>,
        %add3A_1925 = arith.constant 32 : i32
        %add3A_1926 = vector.broadcast %add3A_1925 : i32 to vector<16xi32>
        %add3A_1927 = arith.addi %iota3A, %add3A_1926 : vector<16xi32>
        %gather3A_1928 = tpu.vector_load_idx %arg15[%add3A_1927, %gather3A_1892] : memref<64x128xf32, #tpu.memory_space<vmem>>[vector<16xi32>, vector<16xi32>], vector<16xf32>,
        %neg3A_1929 = arith.constant 0.000000e+00 : f32
        %neg3A_1930 = vector.broadcast %neg3A_1929 : f32 to vector<16xf32>
        %neg3A_1931 = arith.subf %neg3A_1930, %gather3A_1928 : vector<16xf32>
        %exp3A_1932 = math.exp %neg3A_1931 : vector<16xf32>
        %add3A_1933 = arith.constant 1.000000e+00 : f32
        %add3A_1934 = vector.broadcast %add3A_1933 : f32 to vector<16xf32>
        %add3A_1935 = arith.addf %add3A_1934, %exp3A_1932 : vector<16xf32>
        %div3A_1936 = arith.constant 1.000000e+00 : f32
        %div3A_1937 = vector.broadcast %div3A_1936 : f32 to vector<16xf32>
        %div3A_1938 = arith.divf %div3A_1937, %add3A_1935 : vector<16xf32>
        %swap3A_1939 = arith.index_cast %while3A_1887 : i32 to index
        %swap3A_1940 = arith.constant 32 : index
        %swap3A_1941 = tpu.vector_load %arg17[%swap3A_1939, %swap3A_1940] {strides = array<i32>} : memref<640x128xf32, #tpu.memory_space<vmem>>, vector<16xf32>,
        tpu.vector_store %arg17[%swap3A_1939, %swap3A_1940], %div3A_1938 {strides = array<i32>} : memref<640x128xf32, #tpu.memory_space<vmem>>, vector<16xf32>,
        %add3A_1942 = arith.constant 48 : i32
        %add3A_1943 = vector.broadcast %add3A_1942 : i32 to vector<16xi32>
        %add3A_1944 = arith.addi %iota3A, %add3A_1943 : vector<16xi32>
        %gather3A_1945 = tpu.vector_load_idx %arg15[%add3A_1944, %gather3A_1892] : memref<64x128xf32, #tpu.memory_space<vmem>>[vector<16xi32>, vector<16xi32>], vector<16xf32>,
        %neg3A_1946 = arith.constant 0.000000e+00 : f32
        %neg3A_1947 = vector.broadcast %neg3A_1946 : f32 to vector<16xf32>
        %neg3A_1948 = arith.subf %neg3A_1947, %gather3A_1945 : vector<16xf32>
        %exp3A_1949 = math.exp %neg3A_1948 : vector<16xf32>
        %add3A_1950 = arith.constant 1.000000e+00 : f32
        %add3A_1951 = vector.broadcast %add3A_1950 : f32 to vector<16xf32>
        %add3A_1952 = arith.addf %add3A_1951, %exp3A_1949 : vector<16xf32>
        %div3A_1953 = arith.constant 1.000000e+00 : f32
        %div3A_1954 = vector.broadcast %div3A_1953 : f32 to vector<16xf32>
        %div3A_1955 = arith.divf %div3A_1954, %add3A_1952 : vector<16xf32>
        %swap3A_1956 = arith.index_cast %while3A_1887 : i32 to index
        %swap3A_1957 = arith.constant 48 : index
        %swap3A_1958 = tpu.vector_load %arg17[%swap3A_1956, %swap3A_1957] {strides = array<i32>} : memref<640x128xf32, #tpu.memory_space<vmem>>, vector<16xf32>,
        tpu.vector_store %arg17[%swap3A_1956, %swap3A_1957], %div3A_1955 {strides = array<i32>} : memref<640x128xf32, #tpu.memory_space<vmem>>, vector<16xf32>,
      }
      %add3A_1768 = arith.constant 4 : i32
      %add3A_1769 = arith.addi %add3A_1702, %add3A_1768 : i32
      %broadcast_in_dim3A_1770 = arith.constant 0 : i32
      %broadcast_in_dim3A_1771 = vector.broadcast %broadcast_in_dim3A_1770 : i32 to vector<16xi32>
      %add3A_1772 = vector.broadcast %add3A_1769 : i32 to vector<16xi32>
      %add3A_1773 = arith.addi %broadcast_in_dim3A_1771, %add3A_1772 : vector<16xi32>
      %gather3A_1774 = tpu.vector_load_idx %arg12[%add3A_1773] : memref<256xi32, #tpu.memory_space<vmem>>[vector<16xi32>], vector<16xi32>,
      %reduce_max3A_1775 = arith.constant true
      %reduce_max3A_1776 = vector.broadcast %reduce_max3A_1775 : i1 to vector<16xi1>
      %reduce_max3A_1777 = arith.constant -2147483648 : i32
      %reduce_max3A_1778 = vector.broadcast %reduce_max3A_1777 : i32 to vector<16xi32>
      %reduce_max3A_1779 = arith.xori %gather3A_1774, %reduce_max3A_1778 : vector<16xi32>
      %reduce_max3A_1780 = tpu.scan <max>, %reduce_max3A_1779 masked %reduce_max3A_1776 : vector<16xi32>, vector<16xi1> -> vector<16xi32>
      %reduce_max3A_1781 = arith.xori %reduce_max3A_1780, %reduce_max3A_1778 : vector<16xi32>
      %reduce_max3A_1782 = vector.extract %reduce_max3A_1781[15] : i32 from vector<16xi32>
      %eq3A_1783 = arith.constant 7812 : i32
      %eq3A_1784 = arith.cmpi eq, %reduce_max3A_1782, %eq3A_1783 : i32
      %convert_element_type3A_1785 = arith.extui %eq3A_1784 : i1 to i32
      %cond3A_1786 = arith.constant 0 : i32
      %cond3A_1787 = arith.cmpi ne, %convert_element_type3A_1785, %cond3A_1786 : i32
      scf.if %cond3A_1787 {
        tpu.enqueue_dma source(%arg3 : memref<64x128xf32, #tpu.memory_space<hbm>>) target(%arg15 : memref<64x128xf32, #tpu.memory_space<vmem>>) target_semaphore(%arg22 : memref<!tpu.dma_semaphore, #tpu.memory_space<semaphore_mem>>)
      } else {
      }
      %ne3A_1788 = arith.constant 7812 : i32
      %ne3A_1789 = arith.cmpi ne, %reduce_max3A_1782, %ne3A_1788 : i32
      %convert_element_type3A_1790 = arith.extui %ne3A_1789 : i1 to i32
      %cond3A_1791 = arith.constant 0 : i32
      %cond3A_1792 = arith.cmpi ne, %convert_element_type3A_1790, %cond3A_1791 : i32
      scf.if %cond3A_1792 {
        %mul3A_1887 = arith.constant 128 : i32
        %mul3A_1888 = arith.muli %reduce_max3A_1782, %mul3A_1887 : i32
        %multiple_of3A = tpu.assume_multiple %mul3A_1888, 128 : i32
        %dma_start3A_1889 = arith.constant 0 : i32
        %dma_start3A_1890 = tpu.memref_slice %arg2[%dma_start3A_1889, %multiple_of3A] : memref<64x1000000xf32, #tpu.memory_space<hbm>> -> memref<64x128xf32, #tpu.memory_space<hbm>>
        %dma_start3A_1891 = arith.constant 0 : i32
        %dma_start3A_1892 = tpu.memref_slice %arg2[%dma_start3A_1891, %multiple_of3A] : memref<64x1000000xf32, #tpu.memory_space<hbm>> -> memref<64x128xf32, #tpu.memory_space<hbm>>
        tpu.enqueue_dma source(%dma_start3A_1892 : memref<64x128xf32, #tpu.memory_space<hbm>>) target(%arg15 : memref<64x128xf32, #tpu.memory_space<vmem>>) target_semaphore(%arg22 : memref<!tpu.dma_semaphore, #tpu.memory_space<semaphore_mem>>)
      } else {
      }
      %mul3A_1793 = arith.constant 4 : i32
      %mul3A_1794 = arith.muli %while3A_1511, %mul3A_1793 : i32
      %add3A_1795 = arith.constant 3 : i32
      %add3A_1796 = arith.addi %mul3A_1794, %add3A_1795 : i32
      %broadcast_in_dim3A_1797 = arith.constant 0 : i32
      %broadcast_in_dim3A_1798 = vector.broadcast %broadcast_in_dim3A_1797 : i32 to vector<16xi32>
      %add3A_1799 = vector.broadcast %add3A_1796 : i32 to vector<16xi32>
      %add3A_1800 = arith.addi %broadcast_in_dim3A_1798, %add3A_1799 : vector<16xi32>
      %gather3A_1801 = tpu.vector_load_idx %arg12[%add3A_1800] : memref<256xi32, #tpu.memory_space<vmem>>[vector<16xi32>], vector<16xi32>,
      %reduce_max3A_1802 = arith.constant true
      %reduce_max3A_1803 = vector.broadcast %reduce_max3A_1802 : i1 to vector<16xi1>
      %reduce_max3A_1804 = arith.constant -2147483648 : i32
      %reduce_max3A_1805 = vector.broadcast %reduce_max3A_1804 : i32 to vector<16xi32>
      %reduce_max3A_1806 = arith.xori %gather3A_1801, %reduce_max3A_1805 : vector<16xi32>
      %reduce_max3A_1807 = tpu.scan <max>, %reduce_max3A_1806 masked %reduce_max3A_1803 : vector<16xi32>, vector<16xi1> -> vector<16xi32>
      %reduce_max3A_1808 = arith.xori %reduce_max3A_1807, %reduce_max3A_1805 : vector<16xi32>
      %reduce_max3A_1809 = vector.extract %reduce_max3A_1808[15] : i32 from vector<16xi32>
      %ne3A_1810 = arith.cmpi ne, %reduce_max3A_1809, %select_n3A : i32
      %sub3A_1811 = arith.subi %reduce_max3A_1809, %mul3A_2 : i32
      %jit3A_1812 = arith.constant 0 : i32
      %jit3A_1813 = arith.constant 255 : i32
      %max3A_1814 = arith.maxsi %jit3A_1812, %sub3A_1811 : i32
      %min3A_1815 = arith.minsi %jit3A_1813, %max3A_1814 : i32
      %broadcast_in_dim3A_1816 = arith.constant 0 : i32
      %broadcast_in_dim3A_1817 = vector.broadcast %broadcast_in_dim3A_1816 : i32 to vector<16xi32>
      %add3A_1818 = vector.broadcast %min3A_1815 : i32 to vector<16xi32>
      %add3A_1819 = arith.addi %broadcast_in_dim3A_1817, %add3A_1818 : vector<16xi32>
      %gather3A_1820 = tpu.vector_load_idx %arg19[%add3A_1819] : memref<256xi32, #tpu.memory_space<vmem>>[vector<16xi32>], vector<16xi32>,
      %reduce_max3A_1821 = arith.constant true
      %reduce_max3A_1822 = vector.broadcast %reduce_max3A_1821 : i1 to vector<16xi1>
      %reduce_max3A_1823 = arith.constant -2147483648 : i32
      %reduce_max3A_1824 = vector.broadcast %reduce_max3A_1823 : i32 to vector<16xi32>
      %reduce_max3A_1825 = arith.xori %gather3A_1820, %reduce_max3A_1824 : vector<16xi32>
      %reduce_max3A_1826 = tpu.scan <max>, %reduce_max3A_1825 masked %reduce_max3A_1822 : vector<16xi32>, vector<16xi1> -> vector<16xi32>
      %reduce_max3A_1827 = arith.xori %reduce_max3A_1826, %reduce_max3A_1824 : vector<16xi32>
      %reduce_max3A_1828 = vector.extract %reduce_max3A_1827[15] : i32 from vector<16xi32>
      %jit3A_1829 = arith.constant 0 : i32
      %select_n3A_1830 = arith.select %ne3A_1810, %reduce_max3A_1828, %jit3A_1829 : i32
      %broadcast_in_dim3A_1831 = arith.constant 0 : i32
      %broadcast_in_dim3A_1832 = vector.broadcast %broadcast_in_dim3A_1831 : i32 to vector<16xi32>
      %add3A_1833 = vector.broadcast %min3A_1815 : i32 to vector<16xi32>
      %add3A_1834 = arith.addi %broadcast_in_dim3A_1832, %add3A_1833 : vector<16xi32>
      %gather3A_1835 = tpu.vector_load_idx %arg18[%add3A_1834] : memref<256xi32, #tpu.memory_space<vmem>>[vector<16xi32>], vector<16xi32>,
      %reduce_max3A_1836 = arith.constant true
      %reduce_max3A_1837 = vector.broadcast %reduce_max3A_1836 : i1 to vector<16xi1>
      %reduce_max3A_1838 = arith.constant -2147483648 : i32
      %reduce_max3A_1839 = vector.broadcast %reduce_max3A_1838 : i32 to vector<16xi32>
      %reduce_max3A_1840 = arith.xori %gather3A_1835, %reduce_max3A_1839 : vector<16xi32>
      %reduce_max3A_1841 = tpu.scan <max>, %reduce_max3A_1840 masked %reduce_max3A_1837 : vector<16xi32>, vector<16xi1> -> vector<16xi32>
      %reduce_max3A_1842 = arith.xori %reduce_max3A_1841, %reduce_max3A_1839 : vector<16xi32>
      %reduce_max3A_1843 = vector.extract %reduce_max3A_1842[15] : i32 from vector<16xi32>
      %jit3A_1844 = arith.constant 0 : i32
      %select_n3A_1845 = arith.select %ne3A_1810, %reduce_max3A_1843, %jit3A_1844 : i32
      %add3A_1846 = arith.addi %select_n3A_1830, %select_n3A_1845 : i32
      %dma_wait3A_1847 = arith.constant 0 : i32
      %dma_wait3A_1848 = arith.constant 0 : i32
      %dma_wait3A_1849 = tpu.memref_slice %arg2[%dma_wait3A_1847, %dma_wait3A_1848] : memref<64x1000000xf32, #tpu.memory_space<hbm>> -> memref<64x128xf32, #tpu.memory_space<hbm>>
      %dma_wait3A_1850 = arith.constant 0 : i32
      %dma_wait3A_1851 = arith.constant 0 : i32
      %dma_wait3A_1852 = tpu.memref_slice %arg2[%dma_wait3A_1850, %dma_wait3A_1851] : memref<64x1000000xf32, #tpu.memory_space<hbm>> -> memref<64x128xf32, #tpu.memory_space<hbm>>
      tpu.wait_dma2 semaphore(%arg23 : memref<!tpu.dma_semaphore, #tpu.memory_space<semaphore_mem>>) src(%dma_wait3A_1852 : memref<64x128xf32, #tpu.memory_space<hbm>>) dst(%arg16 : memref<64x128xf32, #tpu.memory_space<vmem>>)
      %while3A_1853 = arith.constant 0 : i32
      %while3A_1854 = arith.subi %add3A_1846, %select_n3A_1830 : i32
      %while3A_1855 = arith.addi %select_n3A_1830, %while3A_1854 : i32
      %while3A_1856 = arith.constant 1 : i32
      %while3A_1857 = arith.divsi %while3A_1854, %while3A_1856 : i32
      %while3A_1858 = arith.muli %while3A_1857, %while3A_1856 : i32
      %while3A_1859 = arith.addi %select_n3A_1830, %while3A_1858 : i32
      %while3A_1860 = arith.constant 1 : i32
      scf.for %while3A_1887 = %select_n3A_1830 to %while3A_1859 step %while3A_1860  : i32 {
        %broadcast_in_dim3A_1888 = arith.constant 0 : i32
        %broadcast_in_dim3A_1889 = vector.broadcast %broadcast_in_dim3A_1888 : i32 to vector<16xi32>
        %add3A_1890 = vector.broadcast %while3A_1887 : i32 to vector<16xi32>
        %add3A_1891 = arith.addi %broadcast_in_dim3A_1889, %add3A_1890 : vector<16xi32>
        %gather3A_1892 = tpu.vector_load_idx %arg9[%add3A_1891] : memref<640xi32, #tpu.memory_space<vmem>>[vector<16xi32>], vector<16xi32>,
        %add3A_1893 = arith.constant 0 : i32
        %add3A_1894 = vector.broadcast %add3A_1893 : i32 to vector<16xi32>
        %add3A_1895 = arith.addi %iota3A, %add3A_1894 : vector<16xi32>
        %gather3A_1896 = tpu.vector_load_idx %arg16[%add3A_1895, %gather3A_1892] : memref<64x128xf32, #tpu.memory_space<vmem>>[vector<16xi32>, vector<16xi32>], vector<16xf32>,
        %neg3A = arith.constant 0.000000e+00 : f32
        %neg3A_1897 = vector.broadcast %neg3A : f32 to vector<16xf32>
        %neg3A_1898 = arith.subf %neg3A_1897, %gather3A_1896 : vector<16xf32>
        %exp3A = math.exp %neg3A_1898 : vector<16xf32>
        %add3A_1899 = arith.constant 1.000000e+00 : f32
        %add3A_1900 = vector.broadcast %add3A_1899 : f32 to vector<16xf32>
        %add3A_1901 = arith.addf %add3A_1900, %exp3A : vector<16xf32>
        %div3A_1902 = arith.constant 1.000000e+00 : f32
        %div3A_1903 = vector.broadcast %div3A_1902 : f32 to vector<16xf32>
        %div3A_1904 = arith.divf %div3A_1903, %add3A_1901 : vector<16xf32>
        %swap3A_1905 = arith.index_cast %while3A_1887 : i32 to index
        %swap3A_1906 = arith.constant 0 : index
        %swap3A_1907 = tpu.vector_load %arg17[%swap3A_1905, %swap3A_1906] {strides = array<i32>} : memref<640x128xf32, #tpu.memory_space<vmem>>, vector<16xf32>,
        tpu.vector_store %arg17[%swap3A_1905, %swap3A_1906], %div3A_1904 {strides = array<i32>} : memref<640x128xf32, #tpu.memory_space<vmem>>, vector<16xf32>,
        %add3A_1908 = arith.constant 16 : i32
        %add3A_1909 = vector.broadcast %add3A_1908 : i32 to vector<16xi32>
        %add3A_1910 = arith.addi %iota3A, %add3A_1909 : vector<16xi32>
        %gather3A_1911 = tpu.vector_load_idx %arg16[%add3A_1910, %gather3A_1892] : memref<64x128xf32, #tpu.memory_space<vmem>>[vector<16xi32>, vector<16xi32>], vector<16xf32>,
        %neg3A_1912 = arith.constant 0.000000e+00 : f32
        %neg3A_1913 = vector.broadcast %neg3A_1912 : f32 to vector<16xf32>
        %neg3A_1914 = arith.subf %neg3A_1913, %gather3A_1911 : vector<16xf32>
        %exp3A_1915 = math.exp %neg3A_1914 : vector<16xf32>
        %add3A_1916 = arith.constant 1.000000e+00 : f32
        %add3A_1917 = vector.broadcast %add3A_1916 : f32 to vector<16xf32>
        %add3A_1918 = arith.addf %add3A_1917, %exp3A_1915 : vector<16xf32>
        %div3A_1919 = arith.constant 1.000000e+00 : f32
        %div3A_1920 = vector.broadcast %div3A_1919 : f32 to vector<16xf32>
        %div3A_1921 = arith.divf %div3A_1920, %add3A_1918 : vector<16xf32>
        %swap3A_1922 = arith.index_cast %while3A_1887 : i32 to index
        %swap3A_1923 = arith.constant 16 : index
        %swap3A_1924 = tpu.vector_load %arg17[%swap3A_1922, %swap3A_1923] {strides = array<i32>} : memref<640x128xf32, #tpu.memory_space<vmem>>, vector<16xf32>,
        tpu.vector_store %arg17[%swap3A_1922, %swap3A_1923], %div3A_1921 {strides = array<i32>} : memref<640x128xf32, #tpu.memory_space<vmem>>, vector<16xf32>,
        %add3A_1925 = arith.constant 32 : i32
        %add3A_1926 = vector.broadcast %add3A_1925 : i32 to vector<16xi32>
        %add3A_1927 = arith.addi %iota3A, %add3A_1926 : vector<16xi32>
        %gather3A_1928 = tpu.vector_load_idx %arg16[%add3A_1927, %gather3A_1892] : memref<64x128xf32, #tpu.memory_space<vmem>>[vector<16xi32>, vector<16xi32>], vector<16xf32>,
        %neg3A_1929 = arith.constant 0.000000e+00 : f32
        %neg3A_1930 = vector.broadcast %neg3A_1929 : f32 to vector<16xf32>
        %neg3A_1931 = arith.subf %neg3A_1930, %gather3A_1928 : vector<16xf32>
        %exp3A_1932 = math.exp %neg3A_1931 : vector<16xf32>
        %add3A_1933 = arith.constant 1.000000e+00 : f32
        %add3A_1934 = vector.broadcast %add3A_1933 : f32 to vector<16xf32>
        %add3A_1935 = arith.addf %add3A_1934, %exp3A_1932 : vector<16xf32>
        %div3A_1936 = arith.constant 1.000000e+00 : f32
        %div3A_1937 = vector.broadcast %div3A_1936 : f32 to vector<16xf32>
        %div3A_1938 = arith.divf %div3A_1937, %add3A_1935 : vector<16xf32>
        %swap3A_1939 = arith.index_cast %while3A_1887 : i32 to index
        %swap3A_1940 = arith.constant 32 : index
        %swap3A_1941 = tpu.vector_load %arg17[%swap3A_1939, %swap3A_1940] {strides = array<i32>} : memref<640x128xf32, #tpu.memory_space<vmem>>, vector<16xf32>,
        tpu.vector_store %arg17[%swap3A_1939, %swap3A_1940], %div3A_1938 {strides = array<i32>} : memref<640x128xf32, #tpu.memory_space<vmem>>, vector<16xf32>,
        %add3A_1942 = arith.constant 48 : i32
        %add3A_1943 = vector.broadcast %add3A_1942 : i32 to vector<16xi32>
        %add3A_1944 = arith.addi %iota3A, %add3A_1943 : vector<16xi32>
        %gather3A_1945 = tpu.vector_load_idx %arg16[%add3A_1944, %gather3A_1892] : memref<64x128xf32, #tpu.memory_space<vmem>>[vector<16xi32>, vector<16xi32>], vector<16xf32>,
        %neg3A_1946 = arith.constant 0.000000e+00 : f32
        %neg3A_1947 = vector.broadcast %neg3A_1946 : f32 to vector<16xf32>
        %neg3A_1948 = arith.subf %neg3A_1947, %gather3A_1945 : vector<16xf32>
        %exp3A_1949 = math.exp %neg3A_1948 : vector<16xf32>
        %add3A_1950 = arith.constant 1.000000e+00 : f32
        %add3A_1951 = vector.broadcast %add3A_1950 : f32 to vector<16xf32>
        %add3A_1952 = arith.addf %add3A_1951, %exp3A_1949 : vector<16xf32>
        %div3A_1953 = arith.constant 1.000000e+00 : f32
        %div3A_1954 = vector.broadcast %div3A_1953 : f32 to vector<16xf32>
        %div3A_1955 = arith.divf %div3A_1954, %add3A_1952 : vector<16xf32>
        %swap3A_1956 = arith.index_cast %while3A_1887 : i32 to index
        %swap3A_1957 = arith.constant 48 : index
        %swap3A_1958 = tpu.vector_load %arg17[%swap3A_1956, %swap3A_1957] {strides = array<i32>} : memref<640x128xf32, #tpu.memory_space<vmem>>, vector<16xf32>,
        tpu.vector_store %arg17[%swap3A_1956, %swap3A_1957], %div3A_1955 {strides = array<i32>} : memref<640x128xf32, #tpu.memory_space<vmem>>, vector<16xf32>,
      }
      %while3A_1861 = arith.constant 1 : i32
      scf.for %while3A_1887 = %while3A_1859 to %while3A_1855 step %while3A_1861  : i32 {
        %broadcast_in_dim3A_1888 = arith.constant 0 : i32
        %broadcast_in_dim3A_1889 = vector.broadcast %broadcast_in_dim3A_1888 : i32 to vector<16xi32>
        %add3A_1890 = vector.broadcast %while3A_1887 : i32 to vector<16xi32>
        %add3A_1891 = arith.addi %broadcast_in_dim3A_1889, %add3A_1890 : vector<16xi32>
        %gather3A_1892 = tpu.vector_load_idx %arg9[%add3A_1891] : memref<640xi32, #tpu.memory_space<vmem>>[vector<16xi32>], vector<16xi32>,
        %add3A_1893 = arith.constant 0 : i32
        %add3A_1894 = vector.broadcast %add3A_1893 : i32 to vector<16xi32>
        %add3A_1895 = arith.addi %iota3A, %add3A_1894 : vector<16xi32>
        %gather3A_1896 = tpu.vector_load_idx %arg16[%add3A_1895, %gather3A_1892] : memref<64x128xf32, #tpu.memory_space<vmem>>[vector<16xi32>, vector<16xi32>], vector<16xf32>,
        %neg3A = arith.constant 0.000000e+00 : f32
        %neg3A_1897 = vector.broadcast %neg3A : f32 to vector<16xf32>
        %neg3A_1898 = arith.subf %neg3A_1897, %gather3A_1896 : vector<16xf32>
        %exp3A = math.exp %neg3A_1898 : vector<16xf32>
        %add3A_1899 = arith.constant 1.000000e+00 : f32
        %add3A_1900 = vector.broadcast %add3A_1899 : f32 to vector<16xf32>
        %add3A_1901 = arith.addf %add3A_1900, %exp3A : vector<16xf32>
        %div3A_1902 = arith.constant 1.000000e+00 : f32
        %div3A_1903 = vector.broadcast %div3A_1902 : f32 to vector<16xf32>
        %div3A_1904 = arith.divf %div3A_1903, %add3A_1901 : vector<16xf32>
        %swap3A_1905 = arith.index_cast %while3A_1887 : i32 to index
        %swap3A_1906 = arith.constant 0 : index
        %swap3A_1907 = tpu.vector_load %arg17[%swap3A_1905, %swap3A_1906] {strides = array<i32>} : memref<640x128xf32, #tpu.memory_space<vmem>>, vector<16xf32>,
        tpu.vector_store %arg17[%swap3A_1905, %swap3A_1906], %div3A_1904 {strides = array<i32>} : memref<640x128xf32, #tpu.memory_space<vmem>>, vector<16xf32>,
        %add3A_1908 = arith.constant 16 : i32
        %add3A_1909 = vector.broadcast %add3A_1908 : i32 to vector<16xi32>
        %add3A_1910 = arith.addi %iota3A, %add3A_1909 : vector<16xi32>
        %gather3A_1911 = tpu.vector_load_idx %arg16[%add3A_1910, %gather3A_1892] : memref<64x128xf32, #tpu.memory_space<vmem>>[vector<16xi32>, vector<16xi32>], vector<16xf32>,
        %neg3A_1912 = arith.constant 0.000000e+00 : f32
        %neg3A_1913 = vector.broadcast %neg3A_1912 : f32 to vector<16xf32>
        %neg3A_1914 = arith.subf %neg3A_1913, %gather3A_1911 : vector<16xf32>
        %exp3A_1915 = math.exp %neg3A_1914 : vector<16xf32>
        %add3A_1916 = arith.constant 1.000000e+00 : f32
        %add3A_1917 = vector.broadcast %add3A_1916 : f32 to vector<16xf32>
        %add3A_1918 = arith.addf %add3A_1917, %exp3A_1915 : vector<16xf32>
        %div3A_1919 = arith.constant 1.000000e+00 : f32
        %div3A_1920 = vector.broadcast %div3A_1919 : f32 to vector<16xf32>
        %div3A_1921 = arith.divf %div3A_1920, %add3A_1918 : vector<16xf32>
        %swap3A_1922 = arith.index_cast %while3A_1887 : i32 to index
        %swap3A_1923 = arith.constant 16 : index
        %swap3A_1924 = tpu.vector_load %arg17[%swap3A_1922, %swap3A_1923] {strides = array<i32>} : memref<640x128xf32, #tpu.memory_space<vmem>>, vector<16xf32>,
        tpu.vector_store %arg17[%swap3A_1922, %swap3A_1923], %div3A_1921 {strides = array<i32>} : memref<640x128xf32, #tpu.memory_space<vmem>>, vector<16xf32>,
        %add3A_1925 = arith.constant 32 : i32
        %add3A_1926 = vector.broadcast %add3A_1925 : i32 to vector<16xi32>
        %add3A_1927 = arith.addi %iota3A, %add3A_1926 : vector<16xi32>
        %gather3A_1928 = tpu.vector_load_idx %arg16[%add3A_1927, %gather3A_1892] : memref<64x128xf32, #tpu.memory_space<vmem>>[vector<16xi32>, vector<16xi32>], vector<16xf32>,
        %neg3A_1929 = arith.constant 0.000000e+00 : f32
        %neg3A_1930 = vector.broadcast %neg3A_1929 : f32 to vector<16xf32>
        %neg3A_1931 = arith.subf %neg3A_1930, %gather3A_1928 : vector<16xf32>
        %exp3A_1932 = math.exp %neg3A_1931 : vector<16xf32>
        %add3A_1933 = arith.constant 1.000000e+00 : f32
        %add3A_1934 = vector.broadcast %add3A_1933 : f32 to vector<16xf32>
        %add3A_1935 = arith.addf %add3A_1934, %exp3A_1932 : vector<16xf32>
        %div3A_1936 = arith.constant 1.000000e+00 : f32
        %div3A_1937 = vector.broadcast %div3A_1936 : f32 to vector<16xf32>
        %div3A_1938 = arith.divf %div3A_1937, %add3A_1935 : vector<16xf32>
        %swap3A_1939 = arith.index_cast %while3A_1887 : i32 to index
        %swap3A_1940 = arith.constant 32 : index
        %swap3A_1941 = tpu.vector_load %arg17[%swap3A_1939, %swap3A_1940] {strides = array<i32>} : memref<640x128xf32, #tpu.memory_space<vmem>>, vector<16xf32>,
        tpu.vector_store %arg17[%swap3A_1939, %swap3A_1940], %div3A_1938 {strides = array<i32>} : memref<640x128xf32, #tpu.memory_space<vmem>>, vector<16xf32>,
        %add3A_1942 = arith.constant 48 : i32
        %add3A_1943 = vector.broadcast %add3A_1942 : i32 to vector<16xi32>
        %add3A_1944 = arith.addi %iota3A, %add3A_1943 : vector<16xi32>
        %gather3A_1945 = tpu.vector_load_idx %arg16[%add3A_1944, %gather3A_1892] : memref<64x128xf32, #tpu.memory_space<vmem>>[vector<16xi32>, vector<16xi32>], vector<16xf32>,
        %neg3A_1946 = arith.constant 0.000000e+00 : f32
        %neg3A_1947 = vector.broadcast %neg3A_1946 : f32 to vector<16xf32>
        %neg3A_1948 = arith.subf %neg3A_1947, %gather3A_1945 : vector<16xf32>
        %exp3A_1949 = math.exp %neg3A_1948 : vector<16xf32>
        %add3A_1950 = arith.constant 1.000000e+00 : f32
        %add3A_1951 = vector.broadcast %add3A_1950 : f32 to vector<16xf32>
        %add3A_1952 = arith.addf %add3A_1951, %exp3A_1949 : vector<16xf32>
        %div3A_1953 = arith.constant 1.000000e+00 : f32
        %div3A_1954 = vector.broadcast %div3A_1953 : f32 to vector<16xf32>
        %div3A_1955 = arith.divf %div3A_1954, %add3A_1952 : vector<16xf32>
        %swap3A_1956 = arith.index_cast %while3A_1887 : i32 to index
        %swap3A_1957 = arith.constant 48 : index
        %swap3A_1958 = tpu.vector_load %arg17[%swap3A_1956, %swap3A_1957] {strides = array<i32>} : memref<640x128xf32, #tpu.memory_space<vmem>>, vector<16xf32>,
        tpu.vector_store %arg17[%swap3A_1956, %swap3A_1957], %div3A_1955 {strides = array<i32>} : memref<640x128xf32, #tpu.memory_space<vmem>>, vector<16xf32>,
      }
      %add3A_1862 = arith.constant 4 : i32
      %add3A_1863 = arith.addi %add3A_1796, %add3A_1862 : i32
      %broadcast_in_dim3A_1864 = arith.constant 0 : i32
      %broadcast_in_dim3A_1865 = vector.broadcast %broadcast_in_dim3A_1864 : i32 to vector<16xi32>
      %add3A_1866 = vector.broadcast %add3A_1863 : i32 to vector<16xi32>
      %add3A_1867 = arith.addi %broadcast_in_dim3A_1865, %add3A_1866 : vector<16xi32>
      %gather3A_1868 = tpu.vector_load_idx %arg12[%add3A_1867] : memref<256xi32, #tpu.memory_space<vmem>>[vector<16xi32>], vector<16xi32>,
      %reduce_max3A_1869 = arith.constant true
      %reduce_max3A_1870 = vector.broadcast %reduce_max3A_1869 : i1 to vector<16xi1>
      %reduce_max3A_1871 = arith.constant -2147483648 : i32
      %reduce_max3A_1872 = vector.broadcast %reduce_max3A_1871 : i32 to vector<16xi32>
      %reduce_max3A_1873 = arith.xori %gather3A_1868, %reduce_max3A_1872 : vector<16xi32>
      %reduce_max3A_1874 = tpu.scan <max>, %reduce_max3A_1873 masked %reduce_max3A_1870 : vector<16xi32>, vector<16xi1> -> vector<16xi32>
      %reduce_max3A_1875 = arith.xori %reduce_max3A_1874, %reduce_max3A_1872 : vector<16xi32>
      %reduce_max3A_1876 = vector.extract %reduce_max3A_1875[15] : i32 from vector<16xi32>
      %eq3A_1877 = arith.constant 7812 : i32
      %eq3A_1878 = arith.cmpi eq, %reduce_max3A_1876, %eq3A_1877 : i32
      %convert_element_type3A_1879 = arith.extui %eq3A_1878 : i1 to i32
      %cond3A_1880 = arith.constant 0 : i32
      %cond3A_1881 = arith.cmpi ne, %convert_element_type3A_1879, %cond3A_1880 : i32
      scf.if %cond3A_1881 {
        tpu.enqueue_dma source(%arg3 : memref<64x128xf32, #tpu.memory_space<hbm>>) target(%arg16 : memref<64x128xf32, #tpu.memory_space<vmem>>) target_semaphore(%arg23 : memref<!tpu.dma_semaphore, #tpu.memory_space<semaphore_mem>>)
      } else {
      }
      %ne3A_1882 = arith.constant 7812 : i32
      %ne3A_1883 = arith.cmpi ne, %reduce_max3A_1876, %ne3A_1882 : i32
      %convert_element_type3A_1884 = arith.extui %ne3A_1883 : i1 to i32
      %cond3A_1885 = arith.constant 0 : i32
      %cond3A_1886 = arith.cmpi ne, %convert_element_type3A_1884, %cond3A_1885 : i32
      scf.if %cond3A_1886 {
        %mul3A_1887 = arith.constant 128 : i32
        %mul3A_1888 = arith.muli %reduce_max3A_1876, %mul3A_1887 : i32
        %multiple_of3A = tpu.assume_multiple %mul3A_1888, 128 : i32
        %dma_start3A_1889 = arith.constant 0 : i32
        %dma_start3A_1890 = tpu.memref_slice %arg2[%dma_start3A_1889, %multiple_of3A] : memref<64x1000000xf32, #tpu.memory_space<hbm>> -> memref<64x128xf32, #tpu.memory_space<hbm>>
        %dma_start3A_1891 = arith.constant 0 : i32
        %dma_start3A_1892 = tpu.memref_slice %arg2[%dma_start3A_1891, %multiple_of3A] : memref<64x1000000xf32, #tpu.memory_space<hbm>> -> memref<64x128xf32, #tpu.memory_space<hbm>>
        tpu.enqueue_dma source(%dma_start3A_1892 : memref<64x128xf32, #tpu.memory_space<hbm>>) target(%arg16 : memref<64x128xf32, #tpu.memory_space<vmem>>) target_semaphore(%arg23 : memref<!tpu.dma_semaphore, #tpu.memory_space<semaphore_mem>>)
      } else {
      }
    }
    %dma_wait3A = arith.constant 0 : i32
    %dma_wait3A_1389 = arith.constant 0 : i32
    %dma_wait3A_1390 = tpu.memref_slice %arg2[%dma_wait3A, %dma_wait3A_1389] : memref<64x1000000xf32, #tpu.memory_space<hbm>> -> memref<64x128xf32, #tpu.memory_space<hbm>>
    %dma_wait3A_1391 = arith.constant 0 : i32
    %dma_wait3A_1392 = arith.constant 0 : i32
    %dma_wait3A_1393 = tpu.memref_slice %arg2[%dma_wait3A_1391, %dma_wait3A_1392] : memref<64x1000000xf32, #tpu.memory_space<hbm>> -> memref<64x128xf32, #tpu.memory_space<hbm>>
    tpu.wait_dma2 semaphore(%arg20 : memref<!tpu.dma_semaphore, #tpu.memory_space<semaphore_mem>>) src(%dma_wait3A_1393 : memref<64x128xf32, #tpu.memory_space<hbm>>) dst(%arg13 : memref<64x128xf32, #tpu.memory_space<vmem>>)
    %dma_wait3A_1394 = arith.constant 0 : i32
    %dma_wait3A_1395 = arith.constant 0 : i32
    %dma_wait3A_1396 = tpu.memref_slice %arg2[%dma_wait3A_1394, %dma_wait3A_1395] : memref<64x1000000xf32, #tpu.memory_space<hbm>> -> memref<64x128xf32, #tpu.memory_space<hbm>>
    %dma_wait3A_1397 = arith.constant 0 : i32
    %dma_wait3A_1398 = arith.constant 0 : i32
    %dma_wait3A_1399 = tpu.memref_slice %arg2[%dma_wait3A_1397, %dma_wait3A_1398] : memref<64x1000000xf32, #tpu.memory_space<hbm>> -> memref<64x128xf32, #tpu.memory_space<hbm>>
    tpu.wait_dma2 semaphore(%arg21 : memref<!tpu.dma_semaphore, #tpu.memory_space<semaphore_mem>>) src(%dma_wait3A_1399 : memref<64x128xf32, #tpu.memory_space<hbm>>) dst(%arg14 : memref<64x128xf32, #tpu.memory_space<vmem>>)
    %dma_wait3A_1400 = arith.constant 0 : i32
    %dma_wait3A_1401 = arith.constant 0 : i32
    %dma_wait3A_1402 = tpu.memref_slice %arg2[%dma_wait3A_1400, %dma_wait3A_1401] : memref<64x1000000xf32, #tpu.memory_space<hbm>> -> memref<64x128xf32, #tpu.memory_space<hbm>>
    %dma_wait3A_1403 = arith.constant 0 : i32
    %dma_wait3A_1404 = arith.constant 0 : i32
    %dma_wait3A_1405 = tpu.memref_slice %arg2[%dma_wait3A_1403, %dma_wait3A_1404] : memref<64x1000000xf32, #tpu.memory_space<hbm>> -> memref<64x128xf32, #tpu.memory_space<hbm>>
    tpu.wait_dma2 semaphore(%arg22 : memref<!tpu.dma_semaphore, #tpu.memory_space<semaphore_mem>>) src(%dma_wait3A_1405 : memref<64x128xf32, #tpu.memory_space<hbm>>) dst(%arg15 : memref<64x128xf32, #tpu.memory_space<vmem>>)
    %dma_wait3A_1406 = arith.constant 0 : i32
    %dma_wait3A_1407 = arith.constant 0 : i32
    %dma_wait3A_1408 = tpu.memref_slice %arg2[%dma_wait3A_1406, %dma_wait3A_1407] : memref<64x1000000xf32, #tpu.memory_space<hbm>> -> memref<64x128xf32, #tpu.memory_space<hbm>>
    %dma_wait3A_1409 = arith.constant 0 : i32
    %dma_wait3A_1410 = arith.constant 0 : i32
    %dma_wait3A_1411 = tpu.memref_slice %arg2[%dma_wait3A_1409, %dma_wait3A_1410] : memref<64x1000000xf32, #tpu.memory_space<hbm>> -> memref<64x128xf32, #tpu.memory_space<hbm>>
    tpu.wait_dma2 semaphore(%arg23 : memref<!tpu.dma_semaphore, #tpu.memory_space<semaphore_mem>>) src(%dma_wait3A_1411 : memref<64x128xf32, #tpu.memory_space<hbm>>) dst(%arg16 : memref<64x128xf32, #tpu.memory_space<vmem>>)
    %dma_start3A = arith.constant 0 : i32
    %dma_start3A_1412 = arith.constant 0 : i32
    %dma_start3A_1413 = arith.constant 0 : i32
    %dma_start3A_1414 = tpu.memref_slice %arg17[%dma_start3A_1412, %dma_start3A_1413] : memref<640x128xf32, #tpu.memory_space<vmem>> -> memref<128x128xf32, #tpu.memory_space<vmem>>
    %dma_start3A_1415 = arith.constant 0 : i32
    %dma_start3A_1416 = tpu.memref_slice %arg10[%dma_start3A, %dma_start3A_1415] : memref<5x128xi32, #tpu.memory_space<vmem>> -> memref<1x128xi32, #tpu.memory_space<vmem>>
    %dma_start3A_1417 = tpu.memref_squeeze %dma_start3A_1416 : memref<1x128xi32, #tpu.memory_space<vmem>> -> memref<128xi32, #tpu.memory_space<vmem>>
    %dma_start3A_1418 = arith.constant 0 : i32
    %dma_start3A_1419 = arith.constant 0 : i32
    %dma_start3A_1420 = tpu.memref_slice %arg5[%dma_start3A_1418, %dma_start3A_1419] : memref<16385x128xf32, #tpu.memory_space<hbm>> -> memref<16385x128xf32, #tpu.memory_space<hbm>>
    tpu.enqueue_indirect_dma source(%dma_start3A_1414 : memref<128x128xf32, #tpu.memory_space<vmem>>) target(%dma_start3A_1420 : memref<16385x128xf32, #tpu.memory_space<hbm>>) offsets(%dma_start3A_1417 : memref<128xi32, #tpu.memory_space<vmem>>) semaphore(%arg24 : memref<!tpu.dma_semaphore, #tpu.memory_space<semaphore_mem>>)
    %dma_start3A_1421 = arith.constant 1 : i32
    %dma_start3A_1422 = arith.constant 128 : i32
    %dma_start3A_1423 = arith.constant 0 : i32
    %dma_start3A_1424 = tpu.memref_slice %arg17[%dma_start3A_1422, %dma_start3A_1423] : memref<640x128xf32, #tpu.memory_space<vmem>> -> memref<128x128xf32, #tpu.memory_space<vmem>>
    %dma_start3A_1425 = arith.constant 0 : i32
    %dma_start3A_1426 = tpu.memref_slice %arg10[%dma_start3A_1421, %dma_start3A_1425] : memref<5x128xi32, #tpu.memory_space<vmem>> -> memref<1x128xi32, #tpu.memory_space<vmem>>
    %dma_start3A_1427 = tpu.memref_squeeze %dma_start3A_1426 : memref<1x128xi32, #tpu.memory_space<vmem>> -> memref<128xi32, #tpu.memory_space<vmem>>
    %dma_start3A_1428 = arith.constant 0 : i32
    %dma_start3A_1429 = arith.constant 0 : i32
    %dma_start3A_1430 = tpu.memref_slice %arg5[%dma_start3A_1428, %dma_start3A_1429] : memref<16385x128xf32, #tpu.memory_space<hbm>> -> memref<16385x128xf32, #tpu.memory_space<hbm>>
    tpu.enqueue_indirect_dma source(%dma_start3A_1424 : memref<128x128xf32, #tpu.memory_space<vmem>>) target(%dma_start3A_1430 : memref<16385x128xf32, #tpu.memory_space<hbm>>) offsets(%dma_start3A_1427 : memref<128xi32, #tpu.memory_space<vmem>>) semaphore(%arg24 : memref<!tpu.dma_semaphore, #tpu.memory_space<semaphore_mem>>)
    %dma_start3A_1431 = arith.constant 2 : i32
    %dma_start3A_1432 = arith.constant 256 : i32
    %dma_start3A_1433 = arith.constant 0 : i32
    %dma_start3A_1434 = tpu.memref_slice %arg17[%dma_start3A_1432, %dma_start3A_1433] : memref<640x128xf32, #tpu.memory_space<vmem>> -> memref<128x128xf32, #tpu.memory_space<vmem>>
    %dma_start3A_1435 = arith.constant 0 : i32
    %dma_start3A_1436 = tpu.memref_slice %arg10[%dma_start3A_1431, %dma_start3A_1435] : memref<5x128xi32, #tpu.memory_space<vmem>> -> memref<1x128xi32, #tpu.memory_space<vmem>>
    %dma_start3A_1437 = tpu.memref_squeeze %dma_start3A_1436 : memref<1x128xi32, #tpu.memory_space<vmem>> -> memref<128xi32, #tpu.memory_space<vmem>>
    %dma_start3A_1438 = arith.constant 0 : i32
    %dma_start3A_1439 = arith.constant 0 : i32
    %dma_start3A_1440 = tpu.memref_slice %arg5[%dma_start3A_1438, %dma_start3A_1439] : memref<16385x128xf32, #tpu.memory_space<hbm>> -> memref<16385x128xf32, #tpu.memory_space<hbm>>
    tpu.enqueue_indirect_dma source(%dma_start3A_1434 : memref<128x128xf32, #tpu.memory_space<vmem>>) target(%dma_start3A_1440 : memref<16385x128xf32, #tpu.memory_space<hbm>>) offsets(%dma_start3A_1437 : memref<128xi32, #tpu.memory_space<vmem>>) semaphore(%arg24 : memref<!tpu.dma_semaphore, #tpu.memory_space<semaphore_mem>>)
    %dma_start3A_1441 = arith.constant 3 : i32
    %dma_start3A_1442 = arith.constant 384 : i32
    %dma_start3A_1443 = arith.constant 0 : i32
    %dma_start3A_1444 = tpu.memref_slice %arg17[%dma_start3A_1442, %dma_start3A_1443] : memref<640x128xf32, #tpu.memory_space<vmem>> -> memref<128x128xf32, #tpu.memory_space<vmem>>
    %dma_start3A_1445 = arith.constant 0 : i32
    %dma_start3A_1446 = tpu.memref_slice %arg10[%dma_start3A_1441, %dma_start3A_1445] : memref<5x128xi32, #tpu.memory_space<vmem>> -> memref<1x128xi32, #tpu.memory_space<vmem>>
    %dma_start3A_1447 = tpu.memref_squeeze %dma_start3A_1446 : memref<1x128xi32, #tpu.memory_space<vmem>> -> memref<128xi32, #tpu.memory_space<vmem>>
    %dma_start3A_1448 = arith.constant 0 : i32
    %dma_start3A_1449 = arith.constant 0 : i32
    %dma_start3A_1450 = tpu.memref_slice %arg5[%dma_start3A_1448, %dma_start3A_1449] : memref<16385x128xf32, #tpu.memory_space<hbm>> -> memref<16385x128xf32, #tpu.memory_space<hbm>>
    tpu.enqueue_indirect_dma source(%dma_start3A_1444 : memref<128x128xf32, #tpu.memory_space<vmem>>) target(%dma_start3A_1450 : memref<16385x128xf32, #tpu.memory_space<hbm>>) offsets(%dma_start3A_1447 : memref<128xi32, #tpu.memory_space<vmem>>) semaphore(%arg24 : memref<!tpu.dma_semaphore, #tpu.memory_space<semaphore_mem>>)
    %dma_start3A_1451 = arith.constant 4 : i32
    %dma_start3A_1452 = arith.constant 512 : i32
    %dma_start3A_1453 = arith.constant 0 : i32
    %dma_start3A_1454 = tpu.memref_slice %arg17[%dma_start3A_1452, %dma_start3A_1453] : memref<640x128xf32, #tpu.memory_space<vmem>> -> memref<128x128xf32, #tpu.memory_space<vmem>>
    %dma_start3A_1455 = arith.constant 0 : i32
    %dma_start3A_1456 = tpu.memref_slice %arg10[%dma_start3A_1451, %dma_start3A_1455] : memref<5x128xi32, #tpu.memory_space<vmem>> -> memref<1x128xi32, #tpu.memory_space<vmem>>
    %dma_start3A_1457 = tpu.memref_squeeze %dma_start3A_1456 : memref<1x128xi32, #tpu.memory_space<vmem>> -> memref<128xi32, #tpu.memory_space<vmem>>
    %dma_start3A_1458 = arith.constant 0 : i32
    %dma_start3A_1459 = arith.constant 0 : i32
    %dma_start3A_1460 = tpu.memref_slice %arg5[%dma_start3A_1458, %dma_start3A_1459] : memref<16385x128xf32, #tpu.memory_space<hbm>> -> memref<16385x128xf32, #tpu.memory_space<hbm>>
    tpu.enqueue_indirect_dma source(%dma_start3A_1454 : memref<128x128xf32, #tpu.memory_space<vmem>>) target(%dma_start3A_1460 : memref<16385x128xf32, #tpu.memory_space<hbm>>) offsets(%dma_start3A_1457 : memref<128xi32, #tpu.memory_space<vmem>>) semaphore(%arg24 : memref<!tpu.dma_semaphore, #tpu.memory_space<semaphore_mem>>)
    %dma_wait3A_1461 = arith.constant 0 : i32
    %dma_wait3A_1462 = arith.constant 0 : i32
    %dma_wait3A_1463 = arith.constant 0 : i32
    %dma_wait3A_1464 = tpu.memref_slice %arg17[%dma_wait3A_1462, %dma_wait3A_1463] : memref<640x128xf32, #tpu.memory_space<vmem>> -> memref<128x128xf32, #tpu.memory_space<vmem>>
    %dma_wait3A_1465 = arith.constant 0 : i32
    %dma_wait3A_1466 = tpu.memref_slice %arg10[%dma_wait3A_1461, %dma_wait3A_1465] : memref<5x128xi32, #tpu.memory_space<vmem>> -> memref<1x128xi32, #tpu.memory_space<vmem>>
    %dma_wait3A_1467 = tpu.memref_squeeze %dma_wait3A_1466 : memref<1x128xi32, #tpu.memory_space<vmem>> -> memref<128xi32, #tpu.memory_space<vmem>>
    %dma_wait3A_1468 = arith.constant 0 : i32
    %dma_wait3A_1469 = arith.constant 0 : i32
    %dma_wait3A_1470 = tpu.memref_slice %arg5[%dma_wait3A_1468, %dma_wait3A_1469] : memref<16385x128xf32, #tpu.memory_space<hbm>> -> memref<16385x128xf32, #tpu.memory_space<hbm>>
    tpu.wait_indirect_dma semaphore(%arg24 : memref<!tpu.dma_semaphore, #tpu.memory_space<semaphore_mem>>) src(%dma_wait3A_1464 : memref<128x128xf32, #tpu.memory_space<vmem>>) dst(%dma_wait3A_1470 : memref<16385x128xf32, #tpu.memory_space<hbm>>)
    %dma_wait3A_1471 = arith.constant 1 : i32
    %dma_wait3A_1472 = arith.constant 128 : i32
    %dma_wait3A_1473 = arith.constant 0 : i32
    %dma_wait3A_1474 = tpu.memref_slice %arg17[%dma_wait3A_1472, %dma_wait3A_1473] : memref<640x128xf32, #tpu.memory_space<vmem>> -> memref<128x128xf32, #tpu.memory_space<vmem>>
    %dma_wait3A_1475 = arith.constant 0 : i32
    %dma_wait3A_1476 = tpu.memref_slice %arg10[%dma_wait3A_1471, %dma_wait3A_1475] : memref<5x128xi32, #tpu.memory_space<vmem>> -> memref<1x128xi32, #tpu.memory_space<vmem>>
    %dma_wait3A_1477 = tpu.memref_squeeze %dma_wait3A_1476 : memref<1x128xi32, #tpu.memory_space<vmem>> -> memref<128xi32, #tpu.memory_space<vmem>>
    %dma_wait3A_1478 = arith.constant 0 : i32
    %dma_wait3A_1479 = arith.constant 0 : i32
    %dma_wait3A_1480 = tpu.memref_slice %arg5[%dma_wait3A_1478, %dma_wait3A_1479] : memref<16385x128xf32, #tpu.memory_space<hbm>> -> memref<16385x128xf32, #tpu.memory_space<hbm>>
    tpu.wait_indirect_dma semaphore(%arg24 : memref<!tpu.dma_semaphore, #tpu.memory_space<semaphore_mem>>) src(%dma_wait3A_1474 : memref<128x128xf32, #tpu.memory_space<vmem>>) dst(%dma_wait3A_1480 : memref<16385x128xf32, #tpu.memory_space<hbm>>)
    %dma_wait3A_1481 = arith.constant 2 : i32
    %dma_wait3A_1482 = arith.constant 256 : i32
    %dma_wait3A_1483 = arith.constant 0 : i32
    %dma_wait3A_1484 = tpu.memref_slice %arg17[%dma_wait3A_1482, %dma_wait3A_1483] : memref<640x128xf32, #tpu.memory_space<vmem>> -> memref<128x128xf32, #tpu.memory_space<vmem>>
    %dma_wait3A_1485 = arith.constant 0 : i32
    %dma_wait3A_1486 = tpu.memref_slice %arg10[%dma_wait3A_1481, %dma_wait3A_1485] : memref<5x128xi32, #tpu.memory_space<vmem>> -> memref<1x128xi32, #tpu.memory_space<vmem>>
    %dma_wait3A_1487 = tpu.memref_squeeze %dma_wait3A_1486 : memref<1x128xi32, #tpu.memory_space<vmem>> -> memref<128xi32, #tpu.memory_space<vmem>>
    %dma_wait3A_1488 = arith.constant 0 : i32
    %dma_wait3A_1489 = arith.constant 0 : i32
    %dma_wait3A_1490 = tpu.memref_slice %arg5[%dma_wait3A_1488, %dma_wait3A_1489] : memref<16385x128xf32, #tpu.memory_space<hbm>> -> memref<16385x128xf32, #tpu.memory_space<hbm>>
    tpu.wait_indirect_dma semaphore(%arg24 : memref<!tpu.dma_semaphore, #tpu.memory_space<semaphore_mem>>) src(%dma_wait3A_1484 : memref<128x128xf32, #tpu.memory_space<vmem>>) dst(%dma_wait3A_1490 : memref<16385x128xf32, #tpu.memory_space<hbm>>)
    %dma_wait3A_1491 = arith.constant 3 : i32
    %dma_wait3A_1492 = arith.constant 384 : i32
    %dma_wait3A_1493 = arith.constant 0 : i32
    %dma_wait3A_1494 = tpu.memref_slice %arg17[%dma_wait3A_1492, %dma_wait3A_1493] : memref<640x128xf32, #tpu.memory_space<vmem>> -> memref<128x128xf32, #tpu.memory_space<vmem>>
    %dma_wait3A_1495 = arith.constant 0 : i32
    %dma_wait3A_1496 = tpu.memref_slice %arg10[%dma_wait3A_1491, %dma_wait3A_1495] : memref<5x128xi32, #tpu.memory_space<vmem>> -> memref<1x128xi32, #tpu.memory_space<vmem>>
    %dma_wait3A_1497 = tpu.memref_squeeze %dma_wait3A_1496 : memref<1x128xi32, #tpu.memory_space<vmem>> -> memref<128xi32, #tpu.memory_space<vmem>>
    %dma_wait3A_1498 = arith.constant 0 : i32
    %dma_wait3A_1499 = arith.constant 0 : i32
    %dma_wait3A_1500 = tpu.memref_slice %arg5[%dma_wait3A_1498, %dma_wait3A_1499] : memref<16385x128xf32, #tpu.memory_space<hbm>> -> memref<16385x128xf32, #tpu.memory_space<hbm>>
    tpu.wait_indirect_dma semaphore(%arg24 : memref<!tpu.dma_semaphore, #tpu.memory_space<semaphore_mem>>) src(%dma_wait3A_1494 : memref<128x128xf32, #tpu.memory_space<vmem>>) dst(%dma_wait3A_1500 : memref<16385x128xf32, #tpu.memory_space<hbm>>)
    %dma_wait3A_1501 = arith.constant 4 : i32
    %dma_wait3A_1502 = arith.constant 512 : i32
    %dma_wait3A_1503 = arith.constant 0 : i32
    %dma_wait3A_1504 = tpu.memref_slice %arg17[%dma_wait3A_1502, %dma_wait3A_1503] : memref<640x128xf32, #tpu.memory_space<vmem>> -> memref<128x128xf32, #tpu.memory_space<vmem>>
    %dma_wait3A_1505 = arith.constant 0 : i32
    %dma_wait3A_1506 = tpu.memref_slice %arg10[%dma_wait3A_1501, %dma_wait3A_1505] : memref<5x128xi32, #tpu.memory_space<vmem>> -> memref<1x128xi32, #tpu.memory_space<vmem>>
    %dma_wait3A_1507 = tpu.memref_squeeze %dma_wait3A_1506 : memref<1x128xi32, #tpu.memory_space<vmem>> -> memref<128xi32, #tpu.memory_space<vmem>>
    %dma_wait3A_1508 = arith.constant 0 : i32
    %dma_wait3A_1509 = arith.constant 0 : i32
    %dma_wait3A_1510 = tpu.memref_slice %arg5[%dma_wait3A_1508, %dma_wait3A_1509] : memref<16385x128xf32, #tpu.memory_space<hbm>> -> memref<16385x128xf32, #tpu.memory_space<hbm>>
    tpu.wait_indirect_dma semaphore(%arg24 : memref<!tpu.dma_semaphore, #tpu.memory_space<semaphore_mem>>) src(%dma_wait3A_1504 : memref<128x128xf32, #tpu.memory_space<vmem>>) dst(%dma_wait3A_1510 : memref<16385x128xf32, #tpu.memory_space<hbm>>)
    return
  }
}

</mosaic_0001>

<sc_bundles>
// kernel: kernel.3.cloned.1.call-start
scs
__scs_entry_jumppad:
0x0: {  	(pc) =	sbr.rel $0x88, $3  }
0x1: {  	(tag) =	ssettag $0x0;
	lr =	simm.s32 $0x1  }
0x2: {  	[smem:$0x3F9F] =	sst lr;
	_ =	strace $0xD0000000  }
0x3: {  	_ = 	snop  }
0x4: {  	_ = 	snop  }
0x5: {  	_ = 	snop  }
0x6: {  	_ = 	snop  }
0x7: {  	_ = 	snop  }
__scs_overlays_trampoline_lowered:
0x8: {  	[smem:$0x3FAE] =	sst s0  }
0x9: {  	[smem:$0x3FAF] =	sst s1  }
0xa: {  	[smem:$0x3FB0] =	sst s2  }
0xb: {  	[smem:$0x3FB1] =	sst s3  }
0xc: {  	[smem:$0x3FB2] =	sst s4  }
0xd: {  	[smem:$0x3FB3] =	sst s5  }
0xe: {  	[smem:$0x3FB4] =	sst s6  }
0xf: {  	[smem:$0x3FB5] =	sst s7  }
0x10: {  	[smem:$0x3FB6] =	sst s8  }
0x11: {  	[smem:$0x3FB7] =	sst s9;
	s0 =	simm.s32 @!p0 $0x0  }
0x12: {  	s1 =	sld [smem:$0x3F9D];
	s0 =	simm.s32 @p0 $0x1  }
0x13: {  	[smem:$0x3FB8] =	sst s0;
	s0 =	simm.s32 @!p1 $0x0  }
0x14: {  	s2 =	sld [smem:$0x3F9C];
	s0 =	simm.s32 @p1 $0x1  }
0x15: {  	[smem:$0x3FB9] =	sst s0;
	s0 =	simm.s32 @!p2 $0x0  }
0x16: {  	s3 =	sld [smem:$0x3FDB];
	s0 =	simm.s32 @p2 $0x1  }
0x17: {  	s4 =	simm.s32 $0x1BF5;
	[smem:$0x3FBB] =	sst s0  }
0x18: {  	s0 =	sld [smem:$0x3F9E];
	_ =	swait.ge [sflag:s4], $0x0  }
0x19: {  	s7 =	sld [smem:$0x3F9F]  }
0x1a: {  	s8 =	sadd.s32 $0xFFFFE003, lr  }
0x1b: {  	s9 =	sadd.s32 $0xFFFFFEF7, lr;
	s5 =	simm.s32 $0xFFFFFFFF;
	p2 =	slt.u32 s8, $0xFFFFF086  }
0x1c: {  	p1 =	slt.u32 s9, $0xF7A;
	s5 =	simm.s32 @!p2 $0x0  }
0x1d: {  	s5 =	simm.s32 @p1 $0x1;
	p0 =	seq.s32 s7, s2  }
0x1e: {  	s7 =	smul.u32 @!p0 $0xF7A, s2;
	p2 =	seq.s32 @!p0 s5, $0x0  }
0x1f: {  	s9 =	smul.u32 $0xF7A, s1;
	s8 =	simm.s32 @!p0 $0x1BF5;
	p2 =	por !p2, p0  }
0x20: {  	[sflag:s8] =	ssyncset.s32 @!p0 $0xFFFFF086;
	s6 =	sadd.s32 @!p0 s3, s7;
	s7 =	simm.s32 @!p0 $0x108  }
0x21: {  	s3 =	sadd.s32 s3, s9;
	s6 =	sadd.s32 @!p0 $0x88, s6;
	s7 =	simm.s32 @p2 $0x1082  }
0x22: {  	[simem:s7], [sflag:s8] =	dma.local @!p0 [hbm:s6], $0xF7A  }
0x23: {  	s9 =	sor.u32 $0xD0000000, s2;
	s6 =	simm.s32 $0x108;
	_ =	swait.ge @!p0 [sflag:s8], $0x0  }
0x24: {  	s3 =	sadd.s32 $0x88, s3;
	s6 =	simm.s32 @!p1 $0x1082;
	[sflag:s4] =	ssyncset.s32 $0xFFFFF086  }
0x25: {  	[simem:s6], [sflag:s4] =	dma.local [hbm:s3], $0xF7A  }
0x26: {  	[smem:$0x3F9F] =	sst s1;
	(tag) =	ssettag s2;
	_ =	strace s9  }
0x27: {  	s1 =	sld [smem:$0x3FAF]  }
0x28: {  	s2 =	sld [smem:$0x3FB0]  }
0x29: {  	s4 =	sld [smem:$0x3FB2]  }
0x2a: {  	p0 =	seq.s32 s5, $0x0;
	s5 =	sld [smem:$0x3FB3]  }
0x2b: {  	s6 =	sld [smem:$0x3FB4]  }
0x2c: {  	s7 =	sld [smem:$0x3FB5]  }
0x2d: {  	s3 =	simm.s32 $0x108;
	s8 =	sld [smem:$0x3FB6]  }
0x2e: {  	s3 =	simm.s32 @!p0 $0x1082;
	s9 =	sld [smem:$0x3FB7]  }
0x2f: {  	lr =	sadd.s32 s0, s3;
	s0 =	sld [smem:$0x3FAE]  }
0x30: {  	s3 =	sld [smem:$0x3FB1]  }
0x31: {  	[smem:$0x3FBA] =	sst s10  }
0x32: {  	s10 =	sld [smem:$0x3FB8];
	_ =	sdelay $0x3  }
0x33: {  	p0 =	seq.s32 s10, $0x1;
	s10 =	sld [smem:$0x3FBA];
	_ =	sdelay $0x3  }
0x34: {  	[smem:$0x3FBA] =	sst s10  }
0x35: {  	s10 =	sld [smem:$0x3FB9];
	_ =	sdelay $0x3  }
0x36: {  	p1 =	seq.s32 s10, $0x1;
	s10 =	sld [smem:$0x3FBA];
	_ =	sdelay $0x3  }
0x37: {  	[smem:$0x3FBA] =	sst s10  }
0x38: {  	s10 =	sld [smem:$0x3FBB]  }
0x39: {  	_ = 	snop;
	(pc) =	sbr.ind lr, $3  }
0x3a: {  	_ = 	snop  }
0x3b: {  	_ = 	snop  }
0x3c: {  	p2 =	seq.s32 s10, $0x1;
	s10 =	sld [smem:$0x3FBA]  }
0x3d: {  	_ =	shalt  }
0x3e: {  	_ =	shalt  }
0x3f: {  	_ =	shalt  }
0x40: {  	_ =	shalt  }
0x41: {  	_ =	shalt  }
0x42: {  	_ =	shalt  }
0x43: {  	_ =	shalt  }
0x44: {  	_ =	shalt  }
0x45: {  	_ =	shalt  }
0x46: {  	_ =	shalt  }
0x47: {  	_ =	shalt  }
0x48: {  	_ =	shalt  }
0x49: {  	_ =	shalt  }
0x4a: {  	_ =	shalt  }
0x4b: {  	_ =	shalt  }
0x4c: {  	_ =	shalt  }
0x4d: {  	_ =	shalt  }
0x4e: {  	_ =	shalt  }
0x4f: {  	_ =	shalt  }
0x50: {  	_ =	shalt  }
0x51: {  	_ =	shalt  }
0x52: {  	_ =	shalt  }
0x53: {  	_ =	shalt  }
0x54: {  	_ =	shalt  }
0x55: {  	_ =	shalt  }
0x56: {  	_ =	shalt  }
0x57: {  	_ =	shalt  }
0x58: {  	_ =	shalt  }
0x59: {  	_ =	shalt  }
0x5a: {  	_ =	shalt  }
0x5b: {  	_ =	shalt  }
0x5c: {  	_ =	shalt  }
0x5d: {  	_ =	shalt  }
0x5e: {  	_ =	shalt  }
0x5f: {  	_ =	shalt  }
0x60: {  	_ =	shalt  }
0x61: {  	_ =	shalt  }
0x62: {  	_ =	shalt  }
0x63: {  	_ =	shalt  }
0x64: {  	_ =	shalt  }
0x65: {  	_ =	shalt  }
0x66: {  	_ =	shalt  }
0x67: {  	_ =	shalt  }
0x68: {  	_ =	shalt  }
0x69: {  	_ =	shalt  }
0x6a: {  	_ =	shalt  }
0x6b: {  	_ =	shalt  }
0x6c: {  	_ =	shalt  }
0x6d: {  	_ =	shalt  }
0x6e: {  	_ =	shalt  }
0x6f: {  	_ =	shalt  }
0x70: {  	_ =	shalt  }
0x71: {  	_ =	shalt  }
0x72: {  	_ =	shalt  }
0x73: {  	_ =	shalt  }
0x74: {  	_ =	shalt  }
0x75: {  	_ =	shalt  }
0x76: {  	_ =	shalt  }
0x77: {  	_ =	shalt  }
0x78: {  	_ =	shalt  }
0x79: {  	_ =	shalt  }
0x7a: {  	_ =	shalt  }
0x7b: {  	_ =	shalt  }
0x7c: {  	_ =	shalt  }
0x7d: {  	_ =	shalt  }
0x7e: {  	_ =	shalt  }
0x7f: {  	_ =	shalt  }
0x80: {  	_ =	shalt  }
0x81: {  	_ =	shalt  }
0x82: {  	_ =	shalt  }
0x83: {  	_ =	shalt  }
0x84: {  	_ =	shalt  }
0x85: {  	_ =	shalt  }
0x86: {  	_ =	shalt  }
0x87: {  	_ =	shalt  }
.Lfunc_end0:
.L_simem_size_0:
called_computation_lowered:
.L_overlay_start_0:
0x88: {  	s2 =	sld [smem:$0x3FD9]  }
0x89: {  	s3 =	sld [smem:$0x3FFE];
	_ =	sdelay $0x1  }
0x8a: {  	s1 =	srdreg.scid  }
0x8b: {  	s0 =	sand.u32 $0x1, s1  }
0x8c: {  	s17 =	sshll.u32 s0, $0xA;
	s2 =	sadd.s32 s3, s2  }
0x8d: {  	s2 =	sadd.s32 s2, s17  }
0x8e: {  	[smem:$0x3FC6] =	sst s2  }
0x8f: {  	_ = 	snop  }
0x90: {  	s2 =	sld [smem:$0x3FC9]  }
0x91: {  	s18 =	sld [smem:$0x3FC8]  }
0x92: {  	s4 =	sld [smem:$0x3FD0];
	(tm) =	ssettm $0x1  }
0x93: {  	s5 =	sld [smem:$0x3FFB];
	_ =	sdelay $0x3  }
0x94: {  	_ =	strace s5  }
0x95: {  	s5 =	sld [smem:$0x3FFC];
	_ =	sdelay $0x3  }
0x96: {  	_ =	strace s5  }
0x97: {  	s5 =	sld [smem:$0x3FFD];
	_ =	sdelay $0x3  }
0x98: {  	_ =	strace s5  }
0x99: {  	_ =	strace $0x8FFFFFFF  }
0x9a: {  	s19 =	sld [smem:$0x3FDB];
	_ =	sdelay $0x1  }
0x9b: {  	s6 =	simm.s32 $_scs_section_size  }
0x9c: {  	s7 =	simm.s32 $_size__tile_overlayer_lowered;
	s8 =	simm.s32 $_tile_overlayer_lowered  }
0x9d: {  	s22 =	simm.s32 $0x1BFF;
	s21 =	sshll.u32 s8, $0x1;
	s5 =	sadd.s32 s6, s19  }
0x9e: {  	s9 =	simm.s32 $0x0;
	s20 =	sshll.u32 s7, $0x1;
	s7 =	sadd.s32 s21, s5  }
0x9f: {  	[timem:s9], [sflag:s22] =	dma.local [hbm:s7], s20  }
0xa0: {  	_ =	swait.ge [sflag:s22], s20  }
0xa1: {  	s6 =	ssub.s32 $0x0, s20;
	[sflag:s22] =	ssyncset.done $0x0  }
0xa2: {  	[sflag:s22] =	ssyncadd.s32 s6;
	_ =	sdelay $0x1  }
0xa3: {  	s23 =	simm.s32 $0x1B8B  }
0xa4: {  	_ =	swait.ge [sflag:s23], $0x1  }
0xa5: {  	[sflag:s23] =	ssyncset.done $0x0  }
0xa6: {  	s25 =	simm.s32 $0x1B8E;
	s24 =	sld [smem:$0x3FFE];
	[sflag:s23] =	ssyncadd.s32 $0xFFFFFFFF  }
0xa7: {  	s26 =	simm.s32 $execute0_lowered;
	[smem:$0x3FD2] =	sst s25  }
0xa8: {  	s7 =	sshll.u32 s26, $0x1;
	_ =	strace $0x80000046;
	[dreg:$0x1] =	wrdreg $0xFFFFFFFF  }
0xa9: {  	s28 =	simm.s32 $_size_execute0_lowered;
	s5 =	sadd.s32 s5, s7;
	[dreg:$0x0] =	wrdreg $0x0  }
0xaa: {  	s7 =	sshll.u32 s28, $0x1;
	[dreg:$0x2] =	wrdreg s5  }
0xab: {  	[dreg:$0x3] =	wrdreg s7  }
0xac: {  	[dreg:$0x4] =	wrdreg $0xC0  }
0xad: {  	_ =	task [dreg:s9], $0x5FFFF  }
0xae: {  	[dreg:$0x1] =	wrdreg $0xFFFFFFFF  }
0xaf: {  	[dreg:$0x0] =	wrdreg $0x60  }
0xb0: {  	[dreg:$0x2] =	wrdreg s18  }
0xb1: {  	[dreg:$0x3] =	wrdreg s4  }
0xb2: {  	[dreg:$0x4] =	wrdreg s2  }
0xb3: {  	[dreg:$0x5] =	wrdreg s24  }
0xb4: {  	[dreg:$0x6] =	wrdreg $0x9  }
0xb5: {  	_ =	task.clear_ibuf [dreg:s9], $0x7FFFF;
	_ =	strace $0x90000046  }
0xb6: {  	s29 =	simm.s32 $0x9;
	_ =	strace $0x80000048  }
0xb7: {  	_ =	swait.ge [sflag:s29], $0x1  }
0xb8: {  	[sflag:s29] =	ssyncadd.s32 $0xFFFFFFFF  }
0xb9: {  	_ =	strace $0x90000048  }
0xba: {  	_ =	sfence  }
0xbb: {  	s30 =	sld [smem:$0x0];
	_ =	sdelay $0x2  }
0xbc: {  	s31 =	sshll.u32 s1, $0xD;
	s1 =	sshrl.u32 s1, $0x2  }
0xbd: {  	s3 =	sand.u32 $0x4000, s31;
	s1 =	sadd.s32 s1, s30  }
0xbe: {  	s0 =	sor.u32 s3, s0;
	s1 =	sshll.u32 s1, $0x11  }
0xbf: {  	s0 =	sor.u32 s1, s0  }
0xc0: {  	s0 =	sadd.s32 $0x8F2B, s0  }
0xc1: {  	[sflag:s0] =	ssyncadd.remote.s32 $0x1  }
0xc2: {  	_ =	sfence.sel $0xFFFF  }
0xc3: {  	[dreg:$0x0] =	wrdreg $0xFFFFFFFF;
	(pc) =	sbr.abs _section_cstart, $3  }
0xc4: {  	[dreg:$0x1] =	wrdreg $0xFFFFFFFF  }
0xc5: {  	_ =	task.clear_ibuf [dreg:s9], $0x2FFFF;
	_ =	strace $0x9FFFFFFF  }
0xc6: {  	(tm) =	ssettm $0x7FFFFFFF  }
0xc7: {  	_ =	shalt  }
tec
execute0_lowered:
.L_overlay_start_1:
0x0: {  	(tag) =	ssettag $0x1  }
0x1: {  	s1 =	rddreg [dreg:$0x0]  }
0x2: {  	s2 =	rddreg [dreg:$0x1]  }
0x3: {  	s4 =	rddreg [dreg:$0x2];
	s0 =	srdreg.scid  }
0x4: {  	s5 =	stileid.u32;
	s3 =	rddreg [dreg:$0x3]  }
0x5: {  	s8 =	simm.s32 $0x0;
	s10 =	simm.s32 $0x6;
	s11 =	simm.s32 $0x800  }
0x6: {  	s12 =	simm.s32 $0xA80;
	s13 =	simm.s32 $0x1380;
	s14 =	simm.s32 $0x1480  }
0x7: {  	s0 =	sand.u32 $0x1, s0;
	s6 =	sshll.u32 s5, $0x1;
	s5 =	simm.s32 $0x0  }
0x8: {  	s3 =	sadd.s32 $0x400, s3;
	s7 =	sor.u32 s0, s6;
	[smem:$0x7FF] =	sst s5  }
0x9: {  	s0 =	ssub.s32 $0x2, s0;
	s6 =	smul.u32 $0xF5, s7;
	_ =	strace $0x80000047  }
0xa: {  	[dreg:$0x5] =	wrdreg s3;
	s15 =	sshrl.u32 s0, $0x1;
	p0 =	seq.s32 s7, $0x1F  }
0xb: {  	s7 =	simm.s32 $0x0;
	s0 =	ssub.s32 s0, s15;
	s8 =	simm.s32 @!p0 $0x1E84  }
0xc: {  	s9 =	smin.u32 s6, $0x1D90;
	s17 =	sadd.s32 $0x10, s6;
	s31 =	sadd.s32 $0x20, s6  }
0xd: {  	s15 =	sadd.s32 $0x30, s6;
	s18 =	sadd.s32 $0x40, s6;
	s19 =	sadd.s32 $0x50, s6  }
0xe: {  	v1 =	vlaneseq.u32;
	v20 =	vimm.s32 $0xFFFFFFFF;
	s20 =	sadd.s32 $0x60, s6;
	s21 =	sadd.s32 $0x70, s6;
	s22 =	sadd.s32 $0x80, s6  }
0xf: {  	v21 =	vimm.s32 $0x4000;
	v22 =	vimm.s32 $0x0;
	v23 =	vimm.s32 $0x1;
	s23 =	sadd.s32 $0x90, s6;
	s24 =	sadd.s32 $0xA0, s6;
	s25 =	sadd.s32 $0xB0, s6  }
0x10: {  	v24 =	vimm.s32 $0x2;
	v25 =	vimm.s32 $0x3;
	s26 =	sadd.s32 $0xC0, s6;
	s28 =	sadd.s32 $0xD0, s6;
	s29 =	sadd.s32 $0xE0, s6;
	v17 =	vmov s8  }
0x11: {  	s30 =	sadd.s32 $0xF0, s6;
	s0 =	smax.u32 s0, $0x1;
	v18 =	vmov s6;
	v19 =	vadd.s32 s6, v1;
	s16 =	sadd.s32 $0xF5, s9;
	v2 =	vadd.s32 s17, v1  }
.Ltmp0:
0x12: {  	[dreg:$0x6] =	wrdreg s0;
	v3 =	vadd.s32 s31, v1;
	v4 =	vadd.s32 s15, v1;
	s15 =	simm.s32 $0xD00;
	v5 =	vadd.s32 s18, v1;
	(pc) =	sbr.rel .LBB2_1-.Ltmp0, $4  }
0x13: {  	s17 =	simm.s32 $0x1D680;
	v6 =	vadd.s32 s19, v1;
	v7 =	vadd.s32 s20, v1;
	s18 =	simm.s32 $0x1D580;
	s19 =	simm.s32 $0x1;
	v8 =	vadd.s32 s21, v1  }
0x14: {  	s20 =	simm.s32 $0x1580;
	v9 =	vadd.s32 s22, v1;
	v10 =	vadd.s32 s23, v1;
	s21 =	simm.s32 $0x2;
	s22 =	simm.s32 $0x3580;
	v11 =	vadd.s32 s24, v1  }
0x15: {  	s23 =	simm.s32 $0x3;
	v12 =	vadd.s32 s25, v1;
	v13 =	vadd.s32 s26, v1;
	s24 =	simm.s32 $0x5580;
	s25 =	simm.s32 $0x4;
	v14 =	vadd.s32 s28, v1  }
0x16: {  	s26 =	simm.s32 $0x7580;
	v15 =	vadd.s32 s29, v1;
	v16 =	vadd.s32 s30, v1;
	s0 =	simm.s32 $0x5;
	v0 =	vmov s16;
	s16 =	simm.s32 $0xF80  }
.LBB2_45:
0x17: {  	_ =	swait.ge [sflag:s19], $0x2000  }
0x18: {  	[sflag:s19] =	ssyncset.done $0x0  }
0x19: {  	[sflag:s19] =	ssyncadd.s32 $0xFFFFE000  }
0x1a: {  	_ =	swait.ge [sflag:s21], $0x2000  }
0x1b: {  	[sflag:s21] =	ssyncset.done $0x0  }
0x1c: {  	[sflag:s21] =	ssyncadd.s32 $0xFFFFE000  }
0x1d: {  	_ =	swait.ge [sflag:s23], $0x2000  }
0x1e: {  	[sflag:s23] =	ssyncset.done $0x0  }
0x1f: {  	[sflag:s23] =	ssyncadd.s32 $0xFFFFE000  }
0x20: {  	_ =	swait.ge [sflag:s25], $0x2000  }
0x21: {  	s7 =	simm.s32 $0x80;
	[sflag:s25] =	ssyncset.done $0x0  }
0x22: {  	s9 =	simm.s32 $0x9580;
	s3 =	rddreg [dreg:$0x5];
	[sflag:s25] =	ssyncadd.s32 $0xFFFFE000  }
0x23: {  	[hbm4b:s3+s7] =	stream.indirect.scatter [tilespmem:s9], [sflag:$0x5], $0x80, s16, s7, $0xb8;
	[tilespmem:$0x1D780] =	vst v63  }
0x24: {  	s29 =	simm.s32 $0x1000;
	s28 =	simm.s32 $0xD580  }
0x25: {  	[hbm4b:s3+s7] =	stream.indirect.scatter [tilespmem:s28], [sflag:$0x5], $0x80, s29, s7, $0xb8;
	[tilespmem:$0x1D780] =	vst v63  }
0x26: {  	s30 =	simm.s32 $0x1080;
	s31 =	simm.s32 $0x11580  }
0x27: {  	[hbm4b:s3+s7] =	stream.indirect.scatter [tilespmem:s31], [sflag:$0x5], $0x80, s30, s7, $0xb8;
	[tilespmem:$0x1D780] =	vst v63  }
0x28: {  	s29 =	simm.s32 $0x1100;
	s30 =	simm.s32 $0x15580  }
0x29: {  	[hbm4b:s3+s7] =	stream.indirect.scatter [tilespmem:s30], [sflag:$0x5], $0x80, s29, s7, $0xb8;
	[tilespmem:$0x1D780] =	vst v63  }
0x2a: {  	s31 =	simm.s32 $0x1180;
	s29 =	simm.s32 $0x19580  }
0x2b: {  	[hbm4b:s3+s7] =	stream.indirect.scatter [tilespmem:s29], [sflag:$0x5], $0x80, s31, s7, $0xb8;
	[tilespmem:$0x1D780] =	vst v63  }
0x2c: {  	_ =	swait.ge [sflag:s0], $0x4000  }
0x2d: {  	[sflag:s0] =	ssyncset.done $0x0  }
0x2e: {  	[sflag:s0] =	ssyncadd.s32 $0xFFFFC000  }
0x2f: {  	_ =	swait.ge [sflag:s0], $0x4000  }
0x30: {  	[sflag:s0] =	ssyncset.done $0x0  }
0x31: {  	[sflag:s0] =	ssyncadd.s32 $0xFFFFC000  }
0x32: {  	_ =	swait.ge [sflag:s0], $0x4000  }
0x33: {  	[sflag:s0] =	ssyncset.done $0x0  }
0x34: {  	[sflag:s0] =	ssyncadd.s32 $0xFFFFC000  }
0x35: {  	_ =	swait.ge [sflag:s0], $0x4000  }
0x36: {  	[sflag:s0] =	ssyncset.done $0x0  }
0x37: {  	[sflag:s0] =	ssyncadd.s32 $0xFFFFC000  }
0x38: {  	_ =	swait.ge [sflag:s0], $0x4000  }
0x39: {  	s30 =	rddreg [dreg:$0x7]  }
0x3a: {  	s31 =	rddreg [dreg:$0x6];
	s7 =	sadd.s32 $0x1, s30  }
0x3b: {  	p0 =	sne.s32 s7, s31  }
.Ltmp1:
0x3c: {  	_ = 	snop;
	(pc) =	sbr.rel @!p0 .LBB2_46-.Ltmp1, $3  }
0x3d: {  	_ =	sdelay $0x1  }
0x3e: {  	[sflag:s0] =	ssyncset.done $0x0  }
0x3f: {  	[sflag:s0] =	ssyncadd.s32 $0xFFFFC000  }
.LBB2_1:
0x40: {  	[tilespmem:$0x800] =	vst v20  }
0x41: {  	[tilespmem:$0x810] =	vst v20  }
0x42: {  	[tilespmem:$0x820] =	vst v20  }
0x43: {  	[tilespmem:$0x830] =	vst v20  }
0x44: {  	[tilespmem:$0x840] =	vst v20  }
0x45: {  	[tilespmem:$0x850] =	vst v20  }
0x46: {  	[tilespmem:$0x860] =	vst v20  }
0x47: {  	[tilespmem:$0x870] =	vst v20  }
0x48: {  	[tilespmem:$0x880] =	vst v20  }
0x49: {  	[tilespmem:$0x890] =	vst v20  }
0x4a: {  	[tilespmem:$0x8A0] =	vst v20  }
0x4b: {  	[tilespmem:$0x8B0] =	vst v20  }
0x4c: {  	[tilespmem:$0x8C0] =	vst v20  }
0x4d: {  	[tilespmem:$0x8D0] =	vst v20  }
0x4e: {  	[tilespmem:$0x8E0] =	vst v20  }
0x4f: {  	[tilespmem:$0x8F0] =	vst v20  }
0x50: {  	[tilespmem:$0x900] =	vst v20  }
0x51: {  	[tilespmem:$0x910] =	vst v20  }
0x52: {  	[tilespmem:$0x920] =	vst v20  }
0x53: {  	[tilespmem:$0x930] =	vst v20  }
0x54: {  	[tilespmem:$0x940] =	vst v20  }
0x55: {  	[tilespmem:$0x950] =	vst v20  }
0x56: {  	[tilespmem:$0x960] =	vst v20  }
0x57: {  	[tilespmem:$0x970] =	vst v20  }
0x58: {  	[tilespmem:$0x980] =	vst v20  }
0x59: {  	[tilespmem:$0x990] =	vst v20  }
0x5a: {  	[tilespmem:$0x9A0] =	vst v20  }
0x5b: {  	[tilespmem:$0x9B0] =	vst v20  }
0x5c: {  	[tilespmem:$0x9C0] =	vst v20  }
0x5d: {  	[tilespmem:$0x9D0] =	vst v20  }
0x5e: {  	[tilespmem:$0x9E0] =	vst v20  }
0x5f: {  	[tilespmem:$0x9F0] =	vst v20  }
0x60: {  	[tilespmem:$0xA00] =	vst v20  }
0x61: {  	[tilespmem:$0xA10] =	vst v20  }
0x62: {  	[tilespmem:$0xA20] =	vst v20  }
0x63: {  	[tilespmem:$0xA30] =	vst v20  }
0x64: {  	[tilespmem:$0xA40] =	vst v20  }
0x65: {  	[tilespmem:$0xA50] =	vst v20  }
0x66: {  	[tilespmem:$0xA60] =	vst v20  }
0x67: {  	[tilespmem:$0xA70] =	vst v20  }
0x68: {  	[tilespmem:$0xF80] =	vst v21  }
0x69: {  	[tilespmem:$0xF90] =	vst v21  }
0x6a: {  	[tilespmem:$0xFA0] =	vst v21  }
0x6b: {  	[tilespmem:$0xFB0] =	vst v21  }
0x6c: {  	[tilespmem:$0xFC0] =	vst v21  }
0x6d: {  	[tilespmem:$0xFD0] =	vst v21  }
0x6e: {  	[tilespmem:$0xFE0] =	vst v21  }
0x6f: {  	[tilespmem:$0xFF0] =	vst v21  }
0x70: {  	[tilespmem:$0x1000] =	vst v21  }
0x71: {  	[tilespmem:$0x1010] =	vst v21  }
0x72: {  	[tilespmem:$0x1020] =	vst v21  }
0x73: {  	[tilespmem:$0x1030] =	vst v21  }
0x74: {  	[tilespmem:$0x1040] =	vst v21  }
0x75: {  	[tilespmem:$0x1050] =	vst v21  }
0x76: {  	[tilespmem:$0x1060] =	vst v21  }
0x77: {  	[tilespmem:$0x1070] =	vst v21  }
0x78: {  	[tilespmem:$0x1080] =	vst v21  }
0x79: {  	[tilespmem:$0x1090] =	vst v21  }
0x7a: {  	[tilespmem:$0x10A0] =	vst v21  }
0x7b: {  	[tilespmem:$0x10B0] =	vst v21  }
0x7c: {  	[tilespmem:$0x10C0] =	vst v21  }
0x7d: {  	[tilespmem:$0x10D0] =	vst v21  }
0x7e: {  	[tilespmem:$0x10E0] =	vst v21  }
0x7f: {  	[tilespmem:$0x10F0] =	vst v21  }
0x80: {  	[tilespmem:$0x1100] =	vst v21  }
0x81: {  	[tilespmem:$0x1110] =	vst v21  }
0x82: {  	[tilespmem:$0x1120] =	vst v21  }
0x83: {  	[tilespmem:$0x1130] =	vst v21  }
0x84: {  	[tilespmem:$0x1140] =	vst v21  }
0x85: {  	[tilespmem:$0x1150] =	vst v21  }
0x86: {  	[tilespmem:$0x1160] =	vst v21  }
0x87: {  	[tilespmem:$0x1170] =	vst v21  }
0x88: {  	[tilespmem:$0x1180] =	vst v21  }
0x89: {  	[tilespmem:$0x1190] =	vst v21  }
0x8a: {  	[tilespmem:$0x11A0] =	vst v21  }
0x8b: {  	[tilespmem:$0x11B0] =	vst v21  }
0x8c: {  	[tilespmem:$0x11C0] =	vst v21  }
0x8d: {  	[tilespmem:$0x11D0] =	vst v21  }
0x8e: {  	[tilespmem:$0x11E0] =	vst v21  }
0x8f: {  	[tilespmem:$0x11F0] =	vst v21  }
0x90: {  	[tilespmem:$0x1380] =	vst v22  }
0x91: {  	[tilespmem:$0x1390] =	vst v22  }
0x92: {  	[tilespmem:$0x13A0] =	vst v22  }
0x93: {  	[tilespmem:$0x13B0] =	vst v22  }
0x94: {  	[tilespmem:$0x13C0] =	vst v22  }
0x95: {  	[tilespmem:$0x13D0] =	vst v22  }
0x96: {  	[tilespmem:$0x13E0] =	vst v22  }
0x97: {  	[tilespmem:$0x13F0] =	vst v22  }
0x98: {  	[tilespmem:$0x1400] =	vst v22  }
0x99: {  	[tilespmem:$0x1410] =	vst v22  }
0x9a: {  	[tilespmem:$0x1420] =	vst v22  }
0x9b: {  	[tilespmem:$0x1430] =	vst v22  }
0x9c: {  	[tilespmem:$0x1440] =	vst v22  }
0x9d: {  	[tilespmem:$0x1450] =	vst v22  }
0x9e: {  	[tilespmem:$0x1460] =	vst v22  }
0x9f: {  	[tilespmem:$0x1470] =	vst v22  }
0xa0: {  	[tilespmem:$0x1480] =	vst v17  }
0xa1: {  	[tilespmem:$0x1490] =	vst v17  }
0xa2: {  	[tilespmem:$0x14A0] =	vst v17  }
0xa3: {  	[tilespmem:$0x14B0] =	vst v17  }
0xa4: {  	[tilespmem:$0x14C0] =	vst v17  }
0xa5: {  	[tilespmem:$0x14D0] =	vst v17  }
0xa6: {  	[tilespmem:$0x14E0] =	vst v17  }
0xa7: {  	[tilespmem:$0x14F0] =	vst v17  }
0xa8: {  	[tilespmem:$0x1500] =	vst v17  }
0xa9: {  	[tilespmem:$0x1510] =	vst v17  }
0xaa: {  	[tilespmem:$0x1520] =	vst v17  }
0xab: {  	[tilespmem:$0x1530] =	vst v17  }
0xac: {  	[tilespmem:$0x1540] =	vst v17  }
0xad: {  	[tilespmem:$0x1550] =	vst v17  }
0xae: {  	[dreg:$0x7] =	wrdreg s7;
	[tilespmem:$0x1560] =	vst v17  }
0xaf: {  	[tilespmem:$0x1570] =	vst v17;
	s30 =	simm.s32 $0x30;
	s3 =	simm.s32 $0x0;
	s31 =	simm.s32 $0x0  }
.LBB2_2:
0xb0: {  	s7 =	sshll.u32 s31, $0x8  }
0xb1: {  	s7 =	sadd.s32 s4, s7  }
0xb2: {  	[tilespmem:s5], [sflag:$0x6] =	stream.linear.gather [hbm4b:s7+s5], $0x800, $0x38;
	[tilespmem:$0x1D780] =	vst v63  }
0xb3: {  	_ =	swait.ge [sflag:s10], $0x800  }
0xb4: {  	[sflag:s10] =	ssyncset.done $0x0  }
0xb5: {  	s7 =	simm.s32 $0x20;
	[sflag:s10] =	ssyncadd.s32 $0xFFFFF800  }
0xb6: {  	v26 =	vld [tilespmem:s7+$0xFFFFFFE0];
	_ =	sdelay $0x4  }
0xb7: {  	v27 =	vshrl.u32 v26, $0x7  }
0xb8: {  	vm0 =	vge.u32 v27, v18;
	vm1 =	vlt.u32 v27, v0  }
0xb9: {  	vm0 =	vmand vm0, vm1  }
0xba: {  	v28 =	vsel vm0, $0x1, v22  }
0xbb: {  	(xrf0) =	vadd.scan.msk.s32 $0xffff, v28;
	_ =	sdelay $0x5  }
0xbc: {  	v29, _, _ =	vpop (xrf0)  }
0xbd: {  	v28 =	vsub.s32 v29, v28  }
0xbe: {  	v28 =	vadd.s32 s3, v28;
	_ =	sdelay $0x1  }
0xbf: {  	v27 =	vsub.s32 v27, v18;
	_ =	sdelay $0x1  }
0xc0: {  	s9 =	sadd.s32 $0xFFFFFFD0, s30  }
0xc1: {  	[tilespmem:v28+s11+$0x0] =	vst.idx.msk vm0, v26;
	v26 =	vor.u32 s9, v1  }
0xc2: {  	[tilespmem:v28+s12+$0x0] =	vst.idx.msk vm0, v26  }
0xc3: {  	[tilespmem:v27+s13+$0x0] =	vst.idx.msk vm0, v23  }
0xc4: {  	(v2sf) =	vpush v29, $0xF;
	v26 =	vld [tilespmem:s7+$0xFFFFFFF0];
	_ =	sdelay $0x4  }
0xc5: {  	v27 =	vshrl.u32 v26, $0x7  }
0xc6: {  	vm0 =	vge.u32 v27, v18;
	vm1 =	vlt.u32 v27, v0  }
0xc7: {  	vm0 =	vmand vm0, vm1  }
0xc8: {  	v28 =	vsel vm0, $0x1, v22  }
0xc9: {  	(xrf0) =	vadd.scan.msk.s32 $0xffff, v28;
	_ =	sdelay $0x5  }
0xca: {  	s9 =	spop (v2sf);
	v29, _, _ =	vpop (xrf0)  }
0xcb: {  	s3 =	sadd.s32 s3, s9;
	v28 =	vsub.s32 v29, v28  }
0xcc: {  	v28 =	vadd.s32 s3, v28;
	_ =	sdelay $0x1  }
0xcd: {  	v27 =	vsub.s32 v27, v18;
	_ =	sdelay $0x1  }
0xce: {  	s9 =	sadd.s32 $0xFFFFFFE0, s30  }
0xcf: {  	[tilespmem:v28+s11+$0x0] =	vst.idx.msk vm0, v26;
	v26 =	vor.u32 s9, v1  }
0xd0: {  	[tilespmem:v28+s12+$0x0] =	vst.idx.msk vm0, v26  }
0xd1: {  	[tilespmem:v27+s13+$0x0] =	vst.idx.msk vm0, v23  }
0xd2: {  	(v2sf) =	vpush v29, $0xF;
	v26 =	vld [tilespmem:s7+$0x0];
	_ =	sdelay $0x4  }
0xd3: {  	v27 =	vshrl.u32 v26, $0x7  }
0xd4: {  	vm0 =	vge.u32 v27, v18;
	vm1 =	vlt.u32 v27, v0  }
0xd5: {  	vm0 =	vmand vm0, vm1  }
0xd6: {  	v28 =	vsel vm0, $0x1, v22  }
0xd7: {  	(xrf0) =	vadd.scan.msk.s32 $0xffff, v28;
	_ =	sdelay $0x5  }
0xd8: {  	s9 =	spop (v2sf);
	v29, _, _ =	vpop (xrf0)  }
0xd9: {  	s3 =	sadd.s32 s3, s9;
	v28 =	vsub.s32 v29, v28  }
0xda: {  	v28 =	vadd.s32 s3, v28;
	_ =	sdelay $0x1  }
0xdb: {  	v27 =	vsub.s32 v27, v18;
	_ =	sdelay $0x1  }
0xdc: {  	s9 =	sadd.s32 $0xFFFFFFF0, s30  }
0xdd: {  	[tilespmem:v28+s11+$0x0] =	vst.idx.msk vm0, v26;
	v26 =	vor.u32 s9, v1  }
0xde: {  	[tilespmem:v28+s12+$0x0] =	vst.idx.msk vm0, v26  }
0xdf: {  	[tilespmem:v27+s13+$0x0] =	vst.idx.msk vm0, v23  }
0xe0: {  	(v2sf) =	vpush v29, $0xF;
	v26 =	vld [tilespmem:s7+$0x10];
	_ =	sdelay $0x4  }
0xe1: {  	v27 =	vshrl.u32 v26, $0x7  }
0xe2: {  	vm0 =	vge.u32 v27, v18;
	vm1 =	vlt.u32 v27, v0  }
0xe3: {  	vm0 =	vmand vm0, vm1  }
0xe4: {  	v28 =	vsel vm0, $0x1, v22  }
0xe5: {  	(xrf0) =	vadd.scan.msk.s32 $0xffff, v28;
	_ =	sdelay $0x5  }
0xe6: {  	s9 =	spop (v2sf);
	v29, _, _ =	vpop (xrf0)  }
0xe7: {  	s28 =	sadd.s32 s3, s9;
	v28 =	vsub.s32 v29, v28;
	(v2sf) =	vpush v29, $0xF  }
0xe8: {  	v28 =	vadd.s32 s28, v28;
	_ =	sdelay $0x1  }
0xe9: {  	v27 =	vsub.s32 v27, v18;
	_ =	sdelay $0x2  }
0xea: {  	[tilespmem:v28+s11+$0x0] =	vst.idx.msk vm0, v26;
	v26 =	vor.u32 s30, v1  }
0xeb: {  	[tilespmem:v28+s12+$0x0] =	vst.idx.msk vm0, v26  }
0xec: {  	s3 =	simm.s32 $0x60;
	[tilespmem:v27+s13+$0x0] =	vst.idx.msk vm0, v23  }
0xed: {  	v26 =	vld [tilespmem:s3+$0xFFFFFFE0];
	_ =	sdelay $0x4  }
0xee: {  	v27 =	vshrl.u32 v26, $0x7  }
0xef: {  	s7 =	smov.u32 s30;
	s9 =	simm.s32 $0x4;
	vm0 =	vge.u32 v27, v18;
	vm1 =	vlt.u32 v27, v0;
	s29 =	spop (v2sf)  }
.LBB2_3:
0xf0: {  	s9 =	sadd.s32 $0x4, s9;
	vm0 =	vmand vm0, vm1;
	s28 =	sadd.s32 s28, s29;
	s7 =	sadd.s32 $0x40, s7  }
0xf1: {  	p0 =	slt.u32 s9, $0x7C;
	v28 =	vsel vm0, $0x1, v22  }
0xf2: {  	(xrf0) =	vadd.scan.msk.s32 $0xffff, v28;
	_ =	sdelay $0x5  }
0xf3: {  	v29, _, _ =	vpop (xrf0)  }
0xf4: {  	v28 =	vsub.s32 v29, v28;
	(v2sf) =	vpush v29, $0xF  }
0xf5: {  	v28 =	vadd.s32 s28, v28;
	_ =	sdelay $0x1  }
0xf6: {  	v27 =	vsub.s32 v27, v18;
	_ =	sdelay $0x1  }
0xf7: {  	s29 =	sadd.s32 $0xFFFFFFD0, s7  }
0xf8: {  	[tilespmem:v28+s11+$0x0] =	vst.idx.msk vm0, v26;
	v26 =	vor.u32 s29, v1  }
0xf9: {  	[tilespmem:v28+s12+$0x0] =	vst.idx.msk vm0, v26  }
0xfa: {  	[tilespmem:v27+s13+$0x0] =	vst.idx.msk vm0, v23  }
0xfb: {  	v26 =	vld [tilespmem:s3+$0xFFFFFFF0];
	_ =	sdelay $0x4  }
0xfc: {  	v27 =	vshrl.u32 v26, $0x7  }
0xfd: {  	vm0 =	vge.u32 v27, v18;
	vm1 =	vlt.u32 v27, v0;
	s29 =	spop (v2sf)  }
0xfe: {  	vm0 =	vmand vm0, vm1  }
0xff: {  	v28 =	vsel vm0, $0x1, v22  }
0x100: {  	(xrf0) =	vadd.scan.msk.s32 $0xffff, v28;
	_ =	sdelay $0x5  }
0x101: {  	v29, _, _ =	vpop (xrf0)  }
0x102: {  	s28 =	sadd.s32 s28, s29;
	v28 =	vsub.s32 v29, v28;
	(v2sf) =	vpush v29, $0xF  }
0x103: {  	v28 =	vadd.s32 s28, v28;
	_ =	sdelay $0x1  }
0x104: {  	v27 =	vsub.s32 v27, v18;
	_ =	sdelay $0x1  }
0x105: {  	s29 =	sadd.s32 $0xFFFFFFE0, s7  }
0x106: {  	[tilespmem:v28+s11+$0x0] =	vst.idx.msk vm0, v26;
	v26 =	vor.u32 s29, v1  }
0x107: {  	[tilespmem:v28+s12+$0x0] =	vst.idx.msk vm0, v26  }
0x108: {  	[tilespmem:v27+s13+$0x0] =	vst.idx.msk vm0, v23  }
0x109: {  	v26 =	vld [tilespmem:s3+$0x0];
	_ =	sdelay $0x4  }
0x10a: {  	v27 =	vshrl.u32 v26, $0x7  }
0x10b: {  	vm0 =	vge.u32 v27, v18;
	vm1 =	vlt.u32 v27, v0;
	s29 =	spop (v2sf)  }
0x10c: {  	s28 =	sadd.s32 s28, s29;
	vm0 =	vmand vm0, vm1  }
0x10d: {  	v28 =	vsel vm0, $0x1, v22  }
0x10e: {  	(xrf0) =	vadd.scan.msk.s32 $0xffff, v28;
	_ =	sdelay $0x5  }
0x10f: {  	v29, _, _ =	vpop (xrf0)  }
0x110: {  	v28 =	vsub.s32 v29, v28;
	(v2sf) =	vpush v29, $0xF  }
0x111: {  	v28 =	vadd.s32 s28, v28;
	_ =	sdelay $0x1  }
0x112: {  	v27 =	vsub.s32 v27, v18;
	_ =	sdelay $0x1  }
0x113: {  	s29 =	sadd.s32 $0xFFFFFFF0, s7  }
0x114: {  	[tilespmem:v28+s11+$0x0] =	vst.idx.msk vm0, v26;
	v26 =	vor.u32 s29, v1  }
0x115: {  	[tilespmem:v28+s12+$0x0] =	vst.idx.msk vm0, v26  }
0x116: {  	[tilespmem:v27+s13+$0x0] =	vst.idx.msk vm0, v23  }
0x117: {  	v26 =	vld [tilespmem:s3+$0x10];
	_ =	sdelay $0x4  }
0x118: {  	v27 =	vshrl.u32 v26, $0x7  }
0x119: {  	vm0 =	vge.u32 v27, v18;
	vm1 =	vlt.u32 v27, v0;
	s29 =	spop (v2sf)  }
0x11a: {  	vm0 =	vmand vm0, vm1  }
0x11b: {  	v28 =	vsel vm0, $0x1, v22  }
0x11c: {  	(xrf0) =	vadd.scan.msk.s32 $0xffff, v28;
	_ =	sdelay $0x5  }
0x11d: {  	v29, _, _ =	vpop (xrf0)  }
0x11e: {  	s28 =	sadd.s32 s28, s29;
	v28 =	vsub.s32 v29, v28;
	(v2sf) =	vpush v29, $0xF  }
0x11f: {  	v28 =	vadd.s32 s28, v28;
	_ =	sdelay $0x1  }
0x120: {  	v27 =	vsub.s32 v27, v18;
	_ =	sdelay $0x2  }
0x121: {  	[tilespmem:v28+s11+$0x0] =	vst.idx.msk vm0, v26;
	v26 =	vor.u32 s7, v1  }
0x122: {  	[tilespmem:v28+s12+$0x0] =	vst.idx.msk vm0, v26  }
0x123: {  	s3 =	sadd.s32 $0x40, s3;
	[tilespmem:v27+s13+$0x0] =	vst.idx.msk vm0, v23  }
0x124: {  	v26 =	vld [tilespmem:s3+$0xFFFFFFE0];
	_ =	sdelay $0x1  }
.Ltmp2:
0x125: {  	(pc) =	sbr.rel @p0 .LBB2_3-.Ltmp2, $3  }
0x126: {  	_ =	sdelay $0x1  }
0x127: {  	v27 =	vshrl.u32 v26, $0x7  }
0x128: {  	vm0 =	vge.u32 v27, v18;
	vm1 =	vlt.u32 v27, v0;
	s29 =	spop (v2sf)  }
0x129: {  	vm0 =	vmand vm0, vm1  }
0x12a: {  	v28 =	vsel vm0, $0x1, v22  }
0x12b: {  	(xrf0) =	vadd.scan.msk.s32 $0xffff, v28;
	_ =	sdelay $0x5  }
0x12c: {  	v29, _, _ =	vpop (xrf0)  }
0x12d: {  	s9 =	sadd.s32 s28, s29;
	v28 =	vsub.s32 v29, v28  }
0x12e: {  	v28 =	vadd.s32 s9, v28;
	_ =	sdelay $0x1  }
0x12f: {  	v27 =	vsub.s32 v27, v18  }
0x130: {  	s7 =	sadd.s32 $0x40, s7  }
0x131: {  	s29 =	sadd.s32 $0xFFFFFFD0, s7  }
0x132: {  	[tilespmem:v28+s11+$0x0] =	vst.idx.msk vm0, v26;
	v26 =	vor.u32 s29, v1  }
0x133: {  	[tilespmem:v28+s12+$0x0] =	vst.idx.msk vm0, v26  }
0x134: {  	[tilespmem:v27+s13+$0x0] =	vst.idx.msk vm0, v23  }
0x135: {  	(v2sf) =	vpush v29, $0xF;
	v26 =	vld [tilespmem:s3+$0xFFFFFFF0];
	_ =	sdelay $0x4  }
0x136: {  	v27 =	vshrl.u32 v26, $0x7  }
0x137: {  	vm10 =	vge.u32 v27, v18;
	vm11 =	vlt.u32 v27, v0  }
0x138: {  	vm0 =	vmand vm10, vm11  }
0x139: {  	v58 =	vsel vm0, $0x1, v22  }
0x13a: {  	(xrf0) =	vadd.scan.msk.s32 $0xffff, v58;
	_ =	sdelay $0x5  }
0x13b: {  	s29 =	spop (v2sf);
	v59, _, _ =	vpop (xrf0)  }
0x13c: {  	s9 =	sadd.s32 s9, s29;
	v28 =	vsub.s32 v59, v58  }
0x13d: {  	v28 =	vadd.s32 s9, v28;
	_ =	sdelay $0x1  }
0x13e: {  	v27 =	vsub.s32 v27, v18;
	_ =	sdelay $0x1  }
0x13f: {  	s29 =	sadd.s32 $0xFFFFFFE0, s7  }
0x140: {  	[tilespmem:v28+s11+$0x0] =	vst.idx.msk vm0, v26;
	v26 =	vor.u32 s29, v1  }
0x141: {  	[tilespmem:v28+s12+$0x0] =	vst.idx.msk vm0, v26  }
0x142: {  	[tilespmem:v27+s13+$0x0] =	vst.idx.msk vm0, v23  }
0x143: {  	(v2sf) =	vpush v59, $0xF;
	v26 =	vld [tilespmem:s3+$0x0];
	_ =	sdelay $0x4  }
0x144: {  	v27 =	vshrl.u32 v26, $0x7  }
0x145: {  	vm12 =	vge.u32 v27, v18;
	vm13 =	vlt.u32 v27, v0  }
0x146: {  	vm0 =	vmand vm12, vm13  }
0x147: {  	v60 =	vsel vm0, $0x1, v22  }
0x148: {  	(xrf0) =	vadd.scan.msk.s32 $0xffff, v60;
	_ =	sdelay $0x5  }
0x149: {  	s29 =	spop (v2sf);
	v61, _, _ =	vpop (xrf0)  }
0x14a: {  	s9 =	sadd.s32 s9, s29;
	v28 =	vsub.s32 v61, v60  }
0x14b: {  	v28 =	vadd.s32 s9, v28;
	_ =	sdelay $0x1  }
0x14c: {  	v27 =	vsub.s32 v27, v18;
	_ =	sdelay $0x1  }
0x14d: {  	s29 =	sadd.s32 $0xFFFFFFF0, s7  }
0x14e: {  	[tilespmem:v28+s11+$0x0] =	vst.idx.msk vm0, v26;
	v26 =	vor.u32 s29, v1  }
0x14f: {  	[tilespmem:v28+s12+$0x0] =	vst.idx.msk vm0, v26  }
0x150: {  	[tilespmem:v27+s13+$0x0] =	vst.idx.msk vm0, v23  }
0x151: {  	v26 =	vld [tilespmem:s3+$0x10];
	_ =	sdelay $0x4  }
0x152: {  	v27 =	vshrl.u32 v26, $0x7  }
0x153: {  	vm14 =	vge.u32 v27, v18;
	vm15 =	vlt.u32 v27, v0  }
0x154: {  	vm0 =	vmand vm14, vm15  }
0x155: {  	(v2sf) =	vpush v61, $0xF;
	v62 =	vsel vm0, $0x1, v22  }
0x156: {  	(xrf0) =	vadd.scan.msk.s32 $0xffff, v62;
	_ =	sdelay $0x5  }
0x157: {  	v63, _, _ =	vpop (xrf0)  }
0x158: {  	(v2sf) =	vpush v63, $0xF;
	_ =	sdelay $0x6  }
0x159: {  	s28 =	spop (v2sf)  }
0x15a: {  	s3 =	sadd.s32 s9, s28;
	v28 =	vsub.s32 v63, v62  }
0x15b: {  	v28 =	vadd.s32 s3, v28  }
0x15c: {  	s31 =	sadd.s32 $0x1, s31  }
0x15d: {  	p0 =	sne.s32 s31, $0x8;
	v27 =	vsub.s32 v27, v18  }
.Ltmp3:
0x15e: {  	_ = 	snop;
	(pc) =	sbr.rel @p0 .LBB2_2-.Ltmp3, $4  }
0x15f: {  	_ = 	snop  }
0x160: {  	[tilespmem:v28+s11+$0x0] =	vst.idx.msk vm0, v26;
	v26 =	vor.u32 s7, v1  }
0x161: {  	[tilespmem:v28+s12+$0x0] =	vst.idx.msk vm0, v26;
	s29 =	spop (v2sf)  }
0x162: {  	s30 =	sadd.s32 $0x800, s30;
	[tilespmem:v27+s13+$0x0] =	vst.idx.msk vm0, v23;
	s3 =	sadd.s32 s3, s29  }
0x163: {  	v26 =	vld [tilespmem:$0x1380];
	_ =	sdelay $0x4  }
0x164: {  	vm0 =	vgt.s32 v26, $0x0  }
0x165: {  	v26 =	vsel vm0, $0x1, v22  }
0x166: {  	(xrf0) =	vadd.scan.msk.s32 $0xffff, v26;
	_ =	sdelay $0x5  }
0x167: {  	v27, _, _ =	vpop (xrf0)  }
0x168: {  	v26 =	vsub.s32 v27, v26;
	_ =	sdelay $0x4  }
0x169: {  	[tilespmem:v26+s14+$0x0] =	vst.idx.msk vm0, v19  }
0x16a: {  	v26 =	vld [tilespmem:$0x1390];
	_ =	sdelay $0x4  }
0x16b: {  	vm13 =	vgt.s32 v26, $0x0  }
0x16c: {  	v26 =	vsel vm13, $0x1, v22  }
0x16d: {  	(xrf0) =	vadd.scan.msk.s32 $0xffff, v26;
	_ =	sdelay $0x3  }
0x16e: {  	v26 =	vbroadcast v27, $0xF  }
0x16f: {  	v28 =	vsel vm13, $0xFFFFFFFF, v22  }
0x170: {  	v26 =	vadd.s32 v28, v26;
	v29, _, _ =	vpop (xrf0)  }
0x171: {  	v26 =	vadd.s32 v29, v26;
	_ =	sdelay $0x2  }
0x172: {  	(v2sf) =	vpush v27, $0xF  }
0x173: {  	(v2sf) =	vpush v29, $0xF  }
0x174: {  	[tilespmem:v26+s14+$0x0] =	vst.idx.msk vm13, v2  }
0x175: {  	v26 =	vld [tilespmem:$0x13A0];
	_ =	sdelay $0x4  }
0x176: {  	vm14 =	vgt.s32 v26, $0x0  }
0x177: {  	v26 =	vsel vm14, $0x1, v22  }
0x178: {  	(xrf0) =	vadd.scan.msk.s32 $0xffff, v26;
	_ =	sdelay $0x4  }
0x179: {  	s7 =	spop (v2sf)  }
0x17a: {  	v26 =	vsel vm14, $0xFFFFFFFF, v22;
	s9 =	spop (v2sf);
	v27, _, _ =	vpop (xrf0)  }
0x17b: {  	s7 =	sadd.s32 s7, s9;
	v26 =	vadd.s32 v26, v27  }
0x17c: {  	v26 =	vadd.s32 s7, v26;
	_ =	sdelay $0x3  }
0x17d: {  	(v2sf) =	vpush v27, $0xF  }
0x17e: {  	[tilespmem:v26+s14+$0x0] =	vst.idx.msk vm14, v3  }
0x17f: {  	v26 =	vld [tilespmem:$0x13B0];
	_ =	sdelay $0x4  }
0x180: {  	vm15 =	vgt.s32 v26, $0x0  }
0x181: {  	v26 =	vsel vm15, $0x1, v22  }
0x182: {  	(xrf0) =	vadd.scan.msk.s32 $0xffff, v26;
	_ =	sdelay $0x5  }
0x183: {  	v26 =	vsel vm15, $0xFFFFFFFF, v22;
	s29 =	spop (v2sf);
	v27, _, _ =	vpop (xrf0)  }
0x184: {  	s7 =	sadd.s32 s7, s29;
	v26 =	vadd.s32 v26, v27  }
0x185: {  	v26 =	vadd.s32 s7, v26;
	_ =	sdelay $0x3  }
0x186: {  	(v2sf) =	vpush v27, $0xF  }
0x187: {  	[tilespmem:v26+s14+$0x0] =	vst.idx.msk vm15, v4  }
0x188: {  	v26 =	vld [tilespmem:$0x13C0];
	_ =	sdelay $0x4  }
0x189: {  	vm4 =	vgt.s32 v26, $0x0  }
0x18a: {  	v26 =	vsel vm4, $0x1, v22  }
0x18b: {  	(xrf0) =	vadd.scan.msk.s32 $0xffff, v26;
	_ =	sdelay $0x5  }
0x18c: {  	v26 =	vsel vm4, $0xFFFFFFFF, v22;
	s28 =	spop (v2sf);
	v27, _, _ =	vpop (xrf0)  }
0x18d: {  	s7 =	sadd.s32 s7, s28;
	v26 =	vadd.s32 v26, v27  }
0x18e: {  	v26 =	vadd.s32 s7, v26;
	_ =	sdelay $0x3  }
0x18f: {  	(v2sf) =	vpush v27, $0xF  }
0x190: {  	[tilespmem:v26+s14+$0x0] =	vst.idx.msk vm4, v5  }
0x191: {  	v26 =	vld [tilespmem:$0x13D0];
	_ =	sdelay $0x4  }
0x192: {  	vm5 =	vgt.s32 v26, $0x0  }
0x193: {  	v26 =	vsel vm5, $0x1, v22  }
0x194: {  	(xrf0) =	vadd.scan.msk.s32 $0xffff, v26;
	_ =	sdelay $0x5  }
0x195: {  	v26 =	vsel vm5, $0xFFFFFFFF, v22;
	s29 =	spop (v2sf);
	v27, _, _ =	vpop (xrf0)  }
0x196: {  	s7 =	sadd.s32 s7, s29;
	v26 =	vadd.s32 v26, v27  }
0x197: {  	v26 =	vadd.s32 s7, v26;
	_ =	sdelay $0x3  }
0x198: {  	(v2sf) =	vpush v27, $0xF  }
0x199: {  	[tilespmem:v26+s14+$0x0] =	vst.idx.msk vm5, v6  }
0x19a: {  	v26 =	vld [tilespmem:$0x13E0];
	_ =	sdelay $0x4  }
0x19b: {  	vm6 =	vgt.s32 v26, $0x0  }
0x19c: {  	v26 =	vsel vm6, $0x1, v22  }
0x19d: {  	(xrf0) =	vadd.scan.msk.s32 $0xffff, v26;
	_ =	sdelay $0x5  }
0x19e: {  	v26 =	vsel vm6, $0xFFFFFFFF, v22;
	s28 =	spop (v2sf);
	v27, _, _ =	vpop (xrf0)  }
0x19f: {  	s7 =	sadd.s32 s7, s28;
	v26 =	vadd.s32 v26, v27  }
0x1a0: {  	v26 =	vadd.s32 s7, v26;
	_ =	sdelay $0x3  }
0x1a1: {  	(v2sf) =	vpush v27, $0xF  }
0x1a2: {  	[tilespmem:v26+s14+$0x0] =	vst.idx.msk vm6, v7  }
0x1a3: {  	v26 =	vld [tilespmem:$0x13F0];
	_ =	sdelay $0x4  }
0x1a4: {  	vm7 =	vgt.s32 v26, $0x0  }
0x1a5: {  	v26 =	vsel vm7, $0x1, v22  }
0x1a6: {  	(xrf0) =	vadd.scan.msk.s32 $0xffff, v26;
	_ =	sdelay $0x5  }
0x1a7: {  	v26 =	vsel vm7, $0xFFFFFFFF, v22;
	s29 =	spop (v2sf);
	v27, _, _ =	vpop (xrf0)  }
0x1a8: {  	s7 =	sadd.s32 s7, s29;
	v26 =	vadd.s32 v26, v27  }
0x1a9: {  	v26 =	vadd.s32 s7, v26;
	_ =	sdelay $0x3  }
0x1aa: {  	(v2sf) =	vpush v27, $0xF  }
0x1ab: {  	[tilespmem:v26+s14+$0x0] =	vst.idx.msk vm7, v8  }
0x1ac: {  	v26 =	vld [tilespmem:$0x1400];
	_ =	sdelay $0x4  }
0x1ad: {  	vm8 =	vgt.s32 v26, $0x0  }
0x1ae: {  	v26 =	vsel vm8, $0x1, v22  }
0x1af: {  	(xrf0) =	vadd.scan.msk.s32 $0xffff, v26;
	_ =	sdelay $0x5  }
0x1b0: {  	v26 =	vsel vm8, $0xFFFFFFFF, v22;
	s28 =	spop (v2sf);
	v27, _, _ =	vpop (xrf0)  }
0x1b1: {  	s7 =	sadd.s32 s7, s28;
	v26 =	vadd.s32 v26, v27  }
0x1b2: {  	v26 =	vadd.s32 s7, v26;
	_ =	sdelay $0x3  }
0x1b3: {  	(v2sf) =	vpush v27, $0xF  }
0x1b4: {  	[tilespmem:v26+s14+$0x0] =	vst.idx.msk vm8, v9  }
0x1b5: {  	v26 =	vld [tilespmem:$0x1410];
	_ =	sdelay $0x4  }
0x1b6: {  	vm9 =	vgt.s32 v26, $0x0  }
0x1b7: {  	v26 =	vsel vm9, $0x1, v22  }
0x1b8: {  	(xrf0) =	vadd.scan.msk.s32 $0xffff, v26;
	_ =	sdelay $0x5  }
0x1b9: {  	v26 =	vsel vm9, $0xFFFFFFFF, v22;
	s29 =	spop (v2sf);
	v27, _, _ =	vpop (xrf0)  }
0x1ba: {  	s7 =	sadd.s32 s7, s29;
	v26 =	vadd.s32 v26, v27  }
0x1bb: {  	v26 =	vadd.s32 s7, v26;
	_ =	sdelay $0x3  }
0x1bc: {  	(v2sf) =	vpush v27, $0xF  }
0x1bd: {  	[tilespmem:v26+s14+$0x0] =	vst.idx.msk vm9, v10  }
0x1be: {  	v26 =	vld [tilespmem:$0x1420];
	_ =	sdelay $0x4  }
0x1bf: {  	vm10 =	vgt.s32 v26, $0x0  }
0x1c0: {  	v26 =	vsel vm10, $0x1, v22  }
0x1c1: {  	(xrf0) =	vadd.scan.msk.s32 $0xffff, v26;
	_ =	sdelay $0x5  }
0x1c2: {  	v26 =	vsel vm10, $0xFFFFFFFF, v22;
	s28 =	spop (v2sf);
	v27, _, _ =	vpop (xrf0)  }
0x1c3: {  	s7 =	sadd.s32 s7, s28;
	v26 =	vadd.s32 v26, v27  }
0x1c4: {  	v26 =	vadd.s32 s7, v26;
	_ =	sdelay $0x3  }
0x1c5: {  	(v2sf) =	vpush v27, $0xF  }
0x1c6: {  	[tilespmem:v26+s14+$0x0] =	vst.idx.msk vm10, v11  }
0x1c7: {  	v26 =	vld [tilespmem:$0x1430];
	_ =	sdelay $0x4  }
0x1c8: {  	vm11 =	vgt.s32 v26, $0x0  }
0x1c9: {  	v26 =	vsel vm11, $0x1, v22  }
0x1ca: {  	(xrf0) =	vadd.scan.msk.s32 $0xffff, v26;
	_ =	sdelay $0x5  }
0x1cb: {  	v26 =	vsel vm11, $0xFFFFFFFF, v22;
	s29 =	spop (v2sf);
	v27, _, _ =	vpop (xrf0)  }
0x1cc: {  	s7 =	sadd.s32 s7, s29;
	v26 =	vadd.s32 v26, v27  }
0x1cd: {  	v26 =	vadd.s32 s7, v26;
	_ =	sdelay $0x3  }
0x1ce: {  	(v2sf) =	vpush v27, $0xF  }
0x1cf: {  	[tilespmem:v26+s14+$0x0] =	vst.idx.msk vm11, v12  }
0x1d0: {  	v26 =	vld [tilespmem:$0x1440];
	_ =	sdelay $0x4  }
0x1d1: {  	vm12 =	vgt.s32 v26, $0x0  }
0x1d2: {  	v26 =	vsel vm12, $0x1, v22  }
0x1d3: {  	(xrf0) =	vadd.scan.msk.s32 $0xffff, v26;
	_ =	sdelay $0x5  }
0x1d4: {  	v26 =	vsel vm12, $0xFFFFFFFF, v22;
	s28 =	spop (v2sf);
	v27, _, _ =	vpop (xrf0)  }
0x1d5: {  	s7 =	sadd.s32 s7, s28;
	v26 =	vadd.s32 v26, v27  }
0x1d6: {  	v26 =	vadd.s32 s7, v26;
	_ =	sdelay $0x3  }
0x1d7: {  	(v2sf) =	vpush v27, $0xF  }
0x1d8: {  	[tilespmem:v26+s14+$0x0] =	vst.idx.msk vm12, v13  }
0x1d9: {  	v26 =	vld [tilespmem:$0x1450];
	_ =	sdelay $0x4  }
0x1da: {  	vm13 =	vgt.s32 v26, $0x0  }
0x1db: {  	v26 =	vsel vm13, $0x1, v22  }
0x1dc: {  	(xrf0) =	vadd.scan.msk.s32 $0xffff, v26;
	_ =	sdelay $0x5  }
0x1dd: {  	v26 =	vsel vm13, $0xFFFFFFFF, v22;
	s29 =	spop (v2sf);
	v27, _, _ =	vpop (xrf0)  }
0x1de: {  	s7 =	sadd.s32 s7, s29;
	v26 =	vadd.s32 v26, v27  }
0x1df: {  	v26 =	vadd.s32 s7, v26;
	_ =	sdelay $0x3  }
0x1e0: {  	(v2sf) =	vpush v27, $0xF  }
0x1e1: {  	[tilespmem:v26+s14+$0x0] =	vst.idx.msk vm13, v14  }
0x1e2: {  	v26 =	vld [tilespmem:$0x1460];
	_ =	sdelay $0x4  }
0x1e3: {  	vm14 =	vgt.s32 v26, $0x0  }
0x1e4: {  	v26 =	vsel vm14, $0x1, v22  }
0x1e5: {  	(xrf0) =	vadd.scan.msk.s32 $0xffff, v26;
	_ =	sdelay $0x5  }
0x1e6: {  	v26 =	vsel vm14, $0xFFFFFFFF, v22;
	s28 =	spop (v2sf);
	v27, _, _ =	vpop (xrf0)  }
0x1e7: {  	s7 =	sadd.s32 s7, s28;
	v26 =	vadd.s32 v26, v27  }
0x1e8: {  	v26 =	vadd.s32 s7, v26;
	_ =	sdelay $0x4  }
0x1e9: {  	[tilespmem:v26+s14+$0x0] =	vst.idx.msk vm14, v15  }
0x1ea: {  	v26 =	vld [tilespmem:$0x1470];
	_ =	sdelay $0x4  }
0x1eb: {  	vm15 =	vgt.s32 v26, $0x0  }
0x1ec: {  	v26 =	vsel vm15, $0x1, v22  }
0x1ed: {  	(v2sf) =	vpush v27, $0xF;
	(xrf0) =	vadd.scan.msk.s32 $0xffff, v26;
	_ =	sdelay $0x5  }
0x1ee: {  	v26, _, _ =	vpop (xrf0)  }
0x1ef: {  	(v2sf) =	vpush v26, $0xF;
	_ =	sdelay $0x7  }
0x1f0: {  	v27 =	vsel vm15, $0xFFFFFFFF, v22;
	s29 =	spop (v2sf)  }
0x1f1: {  	s30 =	sadd.s32 s7, s29;
	v26 =	vadd.s32 v27, v26  }
0x1f2: {  	p0 =	slt.s32 s3, $0x1;
	v26 =	vadd.s32 s30, v26  }
.Ltmp4:
0x1f3: {  	_ = 	snop;
	(pc) =	sbr.rel @p0 .LBB2_6-.Ltmp4, $2  }
0x1f4: {  	_ =	sdelay $0x2  }
0x1f5: {  	s7 =	simm.s32 $0x0;
	v27 =	vimm.s32 $0x0;
	[tilespmem:v26+s14+$0x0] =	vst.idx.msk vm15, v16;
	s31 =	spop (v2sf)  }
0x1f6: {  	v26 =	vmov s7;
	_ =	sdelay $0x4  }
0x1f7: {  	v26 =	vld.idx.msk [tilespmem:v26+s11+$0x0], $0xffff;
	_ =	sdelay $0x1  }
0x1f8: {  	v29 =	vimm.s32 $0x0  }
0x1f9: {  	v30 =	vimm.s32 $0x0;
	v31 =	vimm.s32 $0x0;
	v32 =	vimm.s32 $0x0  }
0x1fa: {  	v33 =	vimm.s32 $0x0;
	v34 =	vimm.s32 $0x0;
	v35 =	vimm.s32 $0x0  }
0x1fb: {  	v36 =	vimm.s32 $0x0;
	v37 =	vimm.s32 $0x0;
	v26 =	vshrl.u32 v26, $0x7  }
0x1fc: {  	s7 =	sadd.s32 $0x1, s7;
	v38 =	vimm.s32 $0x0;
	v39 =	vimm.s32 $0x0;
	v26 =	vsub.s32 v26, v18  }
0x1fd: {  	v40 =	vimm.s32 $0x0;
	p1 =	slt.s32 s7, s3;
	v28 =	vand.u32 $0xF, v26;
	v43 =	vshrl.u32 v26, $0x4  }
.Ltmp5:
0x1fe: {  	v42 =	vimm.s32 $0x0;
	vm0 =	veq.s32 v28, v1;
	vm2 =	veq.s32 v43, $0x0;
	(pc) =	sbr.rel @!p1 .LBB2_9-.Ltmp5, $4  }
0x1ff: {  	vm3 =	veq.s32 v43, $0xF;
	vm1 =	veq.s32 v43, $0x2;
	vm4 =	veq.s32 v43, $0x3  }
0x200: {  	vm6 =	veq.s32 v43, $0x5;
	vm7 =	veq.s32 v43, $0x6;
	v41 =	vsel vm0, $0x1, v22  }
0x201: {  	vm5 =	veq.s32 v43, $0x7;
	v28 =	vimm.s32 $0x0;
	v26 =	vnsel vm3, $0x0, v41  }
0x202: {  	vm0 =	veq.s32 v43, $0x1;
	vm3 =	veq.s32 v43, $0x4;
	v26 =	vadd.s32 v27, v26  }
.LBB2_8:
0x203: {  	v44 =	vmov s7;
	s7 =	sadd.s32 $0x1, s7;
	vm8 =	veq.s32 v43, $0x8;
	vm9 =	veq.s32 v43, $0x9  }
0x204: {  	vm10 =	veq.s32 v43, $0xA;
	vm11 =	veq.s32 v43, $0xB;
	vm12 =	veq.s32 v43, $0xC;
	p1 =	slt.s32 s7, s3  }
0x205: {  	v45 =	vnsel vm2, $0x0, v41;
	vm2 =	veq.s32 v43, $0xD;
	vm13 =	veq.s32 v43, $0xE  }
0x206: {  	v43 =	vnsel vm0, $0x0, v41;
	v46 =	vnsel vm1, $0x0, v41;
	v47 =	vnsel vm4, $0x0, v41  }
0x207: {  	v48 =	vnsel vm3, $0x0, v41;
	v49 =	vnsel vm6, $0x0, v41;
	v50 =	vnsel vm7, $0x0, v41  }
0x208: {  	v51 =	vnsel vm5, $0x0, v41;
	v52 =	vnsel vm8, $0x0, v41;
	v53 =	vnsel vm9, $0x0, v41;
	v44 =	vld.idx.msk [tilespmem:v44+s11+$0x0], $0xffff  }
0x209: {  	v54 =	vnsel vm10, $0x0, v41;
	v55 =	vnsel vm11, $0x0, v41;
	v56 =	vnsel vm12, $0x0, v41  }
0x20a: {  	v27 =	vadd.s32 v27, v45;
	v45 =	vnsel vm2, $0x0, v41;
	v41 =	vnsel vm13, $0x0, v41  }
0x20b: {  	v28 =	vadd.s32 v28, v43;
	v29 =	vadd.s32 v29, v46;
	v30 =	vadd.s32 v30, v47  }
0x20c: {  	v31 =	vadd.s32 v31, v48;
	v32 =	vadd.s32 v32, v49;
	v33 =	vadd.s32 v33, v50  }
0x20d: {  	v34 =	vadd.s32 v34, v51;
	v35 =	vadd.s32 v35, v52;
	v36 =	vadd.s32 v36, v53  }
0x20e: {  	v37 =	vadd.s32 v37, v54;
	v38 =	vadd.s32 v38, v55;
	v43 =	vshrl.u32 v44, $0x7  }
0x20f: {  	v39 =	vadd.s32 v39, v56;
	v40 =	vadd.s32 v40, v45;
	v43 =	vsub.s32 v43, v18  }
0x210: {  	v42 =	vadd.s32 v42, v41;
	v44 =	vand.u32 $0xF, v43  }
.Ltmp6:
0x211: {  	v43 =	vshrl.u32 v43, $0x4;
	vm0 =	veq.s32 v44, v1;
	(pc) =	sbr.rel @p1 .LBB2_8-.Ltmp6, $4  }
0x212: {  	vm2 =	veq.s32 v43, $0x0;
	vm3 =	veq.s32 v43, $0xF;
	v41 =	vsel vm0, $0x1, v22  }
0x213: {  	vm1 =	veq.s32 v43, $0x2;
	vm0 =	veq.s32 v43, $0x1;
	v44 =	vnsel vm3, $0x0, v41  }
0x214: {  	vm4 =	veq.s32 v43, $0x3;
	vm3 =	veq.s32 v43, $0x4;
	v26 =	vadd.s32 v26, v44  }
0x215: {  	vm6 =	veq.s32 v43, $0x5;
	vm7 =	veq.s32 v43, $0x6;
	vm5 =	veq.s32 v43, $0x7  }
.LBB2_9:
0x216: {  	vm8 =	veq.s32 v43, $0x8  }
0x217: {  	vm9 =	veq.s32 v43, $0x9;
	vm10 =	veq.s32 v43, $0xA;
	vm11 =	veq.s32 v43, $0xB  }
0x218: {  	vm12 =	veq.s32 v43, $0xC;
	v44 =	vnsel vm2, $0x0, v41;
	vm2 =	veq.s32 v43, $0xD  }
0x219: {  	vm13 =	veq.s32 v43, $0xE;
	v43 =	vnsel vm0, $0x0, v41;
	v45 =	vnsel vm1, $0x0, v41  }
0x21a: {  	v46 =	vnsel vm4, $0x0, v41;
	v47 =	vnsel vm3, $0x0, v41;
	v48 =	vnsel vm6, $0x0, v41  }
0x21b: {  	v53 =	vnsel vm7, $0x0, v41;
	v54 =	vnsel vm5, $0x0, v41;
	v55 =	vnsel vm8, $0x0, v41  }
0x21c: {  	v56 =	vnsel vm9, $0x0, v41;
	v57 =	vnsel vm10, $0x0, v41;
	v58 =	vnsel vm11, $0x0, v41  }
0x21d: {  	v59 =	vnsel vm12, $0x0, v41;
	v27 =	vadd.s32 v27, v44;
	v60 =	vnsel vm2, $0x0, v41  }
.Ltmp7:
0x21e: {  	v61 =	vnsel vm13, $0x0, v41;
	v52 =	vadd.s32 v28, v43;
	v51 =	vadd.s32 v29, v45;
	(pc) =	sbr.rel .LBB2_10-.Ltmp7, $4  }
0x21f: {  	v50 =	vadd.s32 v30, v46;
	v49 =	vadd.s32 v31, v47;
	v48 =	vadd.s32 v32, v48  }
0x220: {  	v47 =	vadd.s32 v33, v53;
	v46 =	vadd.s32 v34, v54;
	v45 =	vadd.s32 v35, v55  }
0x221: {  	v44 =	vadd.s32 v36, v56;
	v43 =	vadd.s32 v37, v57;
	v41 =	vadd.s32 v38, v58  }
0x222: {  	v39 =	vadd.s32 v39, v59;
	v37 =	vadd.s32 v40, v60;
	v28 =	vadd.s32 v42, v61  }
.LBB2_6:
0x223: {  	v52 =	vimm.s32 $0x0;
	v51 =	vimm.s32 $0x0;
	v50 =	vimm.s32 $0x0  }
0x224: {  	v49 =	vimm.s32 $0x0;
	v48 =	vimm.s32 $0x0;
	v47 =	vimm.s32 $0x0  }
0x225: {  	v46 =	vimm.s32 $0x0;
	v45 =	vimm.s32 $0x0;
	v44 =	vimm.s32 $0x0  }
0x226: {  	v43 =	vimm.s32 $0x0;
	v41 =	vimm.s32 $0x0;
	v39 =	vimm.s32 $0x0  }
0x227: {  	v37 =	vimm.s32 $0x0;
	v28 =	vimm.s32 $0x0;
	v26 =	vimm.s32 $0x0  }
.LBB2_10:
0x228: {  	(xrf0) =	vadd.scan.msk.s32 $0xffff, v27  }
0x229: {  	(xrf0) =	vadd.scan.msk.s32 $0xffff, v52;
	_ =	sdelay $0x2  }
0x22a: {  	(xrf0) =	vadd.scan.msk.s32 $0xffff, v51  }
0x22b: {  	(xrf0) =	vadd.scan.msk.s32 $0xffff, v50  }
0x22c: {  	v30, _, _ =	vpop (xrf0);
	(xrf0) =	vadd.scan.msk.s32 $0xffff, v49  }
0x22d: {  	v31, _, _ =	vpop (xrf0);
	(xrf0) =	vadd.scan.msk.s32 $0xffff, v48;
	_ =	sdelay $0x2  }
0x22e: {  	v32, _, _ =	vpop (xrf0);
	(xrf0) =	vadd.scan.msk.s32 $0xffff, v47  }
0x22f: {  	(v2sf) =	vpush v30, $0xF;
	v33, _, _ =	vpop (xrf0)  }
0x230: {  	(v2sf) =	vpush v31, $0xF;
	v34, _, _ =	vpop (xrf0);
	(xrf0) =	vadd.scan.msk.s32 $0xffff, v46  }
0x231: {  	(v2sf) =	vpush v32, $0xF;
	v35, _, _ =	vpop (xrf0);
	(xrf0) =	vadd.scan.msk.s32 $0xffff, v45  }
0x232: {  	(v2sf) =	vpush v33, $0xF  }
0x233: {  	(v2sf) =	vpush v34, $0xF  }
0x234: {  	(v2sf) =	vpush v35, $0xF;
	v36, _, _ =	vpop (xrf0)  }
0x235: {  	(xrf0) =	vadd.scan.msk.s32 $0xffff, v44;
	(v2sf) =	vpush v36, $0xF  }
0x236: {  	v38, _, _ =	vpop (xrf0);
	(xrf0) =	vadd.scan.msk.s32 $0xffff, v43  }
0x237: {  	[tilespmem:$0x1D580] =	vst v27;
	v40, _, _ =	vpop (xrf0);
	(xrf0) =	vadd.scan.msk.s32 $0xffff, v41  }
0x238: {  	[tilespmem:$0x1D590] =	vst v52;
	v29 =	vsub.s32 v30, v27;
	v27 =	vsub.s32 v31, v52  }
0x239: {  	[tilespmem:$0x1D5A0] =	vst v51;
	v30 =	vbroadcast v30, $0xF  }
0x23a: {  	[tilespmem:$0x1D5B0] =	vst v50  }
0x23b: {  	[tilespmem:$0x1D5C0] =	vst v49;
	v30 =	vadd.s32 v30, v27;
	v27, _, _ =	vpop (xrf0);
	(xrf0) =	vadd.scan.msk.s32 $0xffff, v39  }
0x23c: {  	[tilespmem:$0x1D5D0] =	vst v48;
	v42, _, _ =	vpop (xrf0);
	(xrf0) =	vadd.scan.msk.s32 $0xffff, v37  }
0x23d: {  	[tilespmem:$0x1D5E0] =	vst v47;
	(v2sf) =	vpush v38, $0xF;
	v54, _, _ =	vpop (xrf0);
	(xrf0) =	vadd.scan.msk.s32 $0xffff, v28  }
0x23e: {  	[tilespmem:$0x1D5F0] =	vst v46;
	s7 =	spop (v2sf);
	(v2sf) =	vpush v40, $0xF  }
0x23f: {  	[tilespmem:$0x1D600] =	vst v45;
	s9 =	spop (v2sf);
	(v2sf) =	vpush v27, $0xF  }
0x240: {  	[tilespmem:$0x1D610] =	vst v44;
	s29 =	spop (v2sf);
	(v2sf) =	vpush v42, $0xF  }
0x241: {  	[tilespmem:$0x1D620] =	vst v43;
	v31 =	vsub.s32 v32, v51;
	s7 =	sadd.s32 s7, s9;
	s28 =	spop (v2sf);
	(v2sf) =	vpush v54, $0xF;
	v56, _, _ =	vpop (xrf0)  }
0x242: {  	[tilespmem:$0x1D630] =	vst v41;
	v53 =	vsub.s32 v33, v50;
	v31 =	vadd.s32 s7, v31;
	s7 =	sadd.s32 s29, s7;
	s29 =	spop (v2sf);
	(v2sf) =	vpush v56, $0xF;
	v58, _, _ =	vpop (xrf0)  }
0x243: {  	[tilespmem:$0x1D640] =	vst v39;
	v55 =	vsub.s32 v34, v49;
	v32 =	vadd.s32 s7, v53;
	s7 =	sadd.s32 s28, s7;
	s28 =	spop (v2sf);
	(v2sf) =	vpush v58, $0xF;
	v60, _, _ =	vpop (xrf0)  }
0x244: {  	[tilespmem:$0x1D650] =	vst v37;
	v33 =	vadd.s32 s7, v55;
	s7 =	sadd.s32 s29, s7;
	s29 =	spop (v2sf);
	(v2sf) =	vpush v60, $0xF  }
0x245: {  	[tilespmem:$0x1D660] =	vst v28  }
0x246: {  	[tilespmem:$0x1D670] =	vst v26  }
0x247: {  	[tilespmem:$0x1D680] =	vst v29  }
0x248: {  	[tilespmem:$0x1D690] =	vst v30  }
0x249: {  	[tilespmem:$0x1D6A0] =	vst v31  }
0x24a: {  	v57 =	vsub.s32 v35, v48;
	[tilespmem:$0x1D6B0] =	vst v32  }
0x24b: {  	v59 =	vsub.s32 v36, v47;
	[tilespmem:$0x1D6C0] =	vst v33;
	v34 =	vadd.s32 s7, v57;
	s7 =	sadd.s32 s28, s7  }
0x24c: {  	v61 =	vsub.s32 v38, v46;
	[tilespmem:$0x1D6D0] =	vst v34;
	v35 =	vadd.s32 s7, v59;
	s7 =	sadd.s32 s29, s7;
	s28 =	spop (v2sf)  }
0x24d: {  	v62 =	vsub.s32 v40, v45;
	(xrf0) =	vadd.scan.msk.s32 $0xffff, v26;
	[tilespmem:$0x1D6E0] =	vst v35;
	v36 =	vadd.s32 s7, v61;
	s7 =	sadd.s32 s28, s7;
	s29 =	spop (v2sf)  }
0x24e: {  	v27 =	vsub.s32 v27, v44;
	[tilespmem:$0x1D6F0] =	vst v36;
	v38 =	vadd.s32 s7, v62;
	s7 =	sadd.s32 s29, s7;
	s28 =	spop (v2sf)  }
0x24f: {  	[tilespmem:$0x1D700] =	vst v38;
	v40 =	vadd.s32 s7, v27;
	s7 =	sadd.s32 s28, s7;
	v27 =	vsub.s32 v42, v43;
	s29 =	spop (v2sf)  }
0x250: {  	[tilespmem:$0x1D710] =	vst v40;
	v42 =	vadd.s32 s7, v27;
	v27 =	vsub.s32 v54, v41;
	s7 =	sadd.s32 s29, s7;
	s28 =	spop (v2sf)  }
0x251: {  	[tilespmem:$0x1D720] =	vst v42;
	v43 =	vadd.s32 s7, v27;
	s7 =	sadd.s32 s28, s7;
	v27 =	vsub.s32 v56, v39;
	s29 =	spop (v2sf)  }
.Ltmp8:
0x252: {  	[tilespmem:$0x1D730] =	vst v43;
	v41 =	vadd.s32 s7, v27;
	v27 =	vsub.s32 v58, v37;
	s7 =	sadd.s32 s29, s7;
	s28 =	spop (v2sf);
	(pc) =	sbr.rel @p0 .LBB2_14-.Ltmp8, $4  }
0x253: {  	v63, _, _ =	vpop (xrf0);
	[tilespmem:$0x1D740] =	vst v41;
	v44 =	vadd.s32 s7, v27;
	v27 =	vsub.s32 v60, v28;
	s7 =	sadd.s32 s28, s7;
	s29 =	spop (v2sf)  }
0x254: {  	v28 =	vsub.s32 v63, v26;
	[tilespmem:$0x1D750] =	vst v44;
	v27 =	vadd.s32 s7, v27;
	s7 =	sadd.s32 s29, s7  }
0x255: {  	[tilespmem:$0x1D760] =	vst v27;
	v28 =	vadd.s32 s7, v28  }
0x256: {  	s7 =	simm.s32 $0x0;
	[tilespmem:$0x1D770] =	vst v28  }
0x257: {  	v47 =	vmov s7;
	_ =	sdelay $0x4  }
0x258: {  	v26 =	vld.idx.msk [tilespmem:v47+s11+$0x0], $0xffff;
	_ =	sdelay $0x4  }
0x259: {  	v37 =	vshrl.u32 v26, $0x7  }
0x25a: {  	v37 =	vsub.s32 v37, v18  }
0x25b: {  	v39 =	vshrl.u32 v37, $0x4  }
0x25c: {  	v45 =	vimm.s32 $0x0;
	v37 =	vand.u32 $0xF, v37;
	vm0 =	veq.s32 v39, $0x0  }
0x25d: {  	vm2 =	veq.s32 v39, $0x1;
	vm3 =	veq.s32 v39, $0x2;
	vm4 =	veq.s32 v39, $0x3  }
0x25e: {  	v45 =	vsel vm0, $0xFFFFFFFF, v45;
	v62 =	vnsel vm0, $0x0, v29;
	v46 =	vnsel vm2, $0x0, v30  }
0x25f: {  	vm5 =	veq.s32 v39, $0x4;
	v63 =	vnsel vm3, $0x0, v31;
	[tilespmem:$0x1FFF0] =	vst v45;
	v45 =	vadd.s32 v46, v62  }
0x260: {  	vm6 =	veq.s32 v39, $0x5;
	v48 =	vnsel vm4, $0x0, v32;
	v45 =	vadd.s32 v63, v45  }
0x261: {  	vm7 =	veq.s32 v39, $0x6;
	v49 =	vnsel vm5, $0x0, v33;
	v45 =	vadd.s32 v48, v45  }
0x262: {  	vm8 =	veq.s32 v39, $0x7;
	v50 =	vnsel vm6, $0x0, v34;
	v45 =	vadd.s32 v49, v45  }
0x263: {  	vm9 =	veq.s32 v39, $0x8;
	v51 =	vnsel vm7, $0x0, v35;
	v45 =	vadd.s32 v50, v45  }
0x264: {  	vm10 =	veq.s32 v39, $0x9;
	v52 =	vnsel vm8, $0x0, v36;
	v45 =	vadd.s32 v51, v45  }
0x265: {  	vm11 =	veq.s32 v39, $0xA;
	v53 =	vnsel vm9, $0x0, v38;
	v45 =	vadd.s32 v52, v45  }
0x266: {  	vm12 =	veq.s32 v39, $0xB;
	v54 =	vnsel vm10, $0x0, v40;
	v45 =	vadd.s32 v53, v45  }
0x267: {  	vm13 =	veq.s32 v39, $0xC;
	v55 =	vnsel vm11, $0x0, v42;
	v45 =	vadd.s32 v54, v45  }
0x268: {  	vm14 =	veq.s32 v39, $0xD;
	v56 =	vnsel vm12, $0x0, v43;
	v45 =	vadd.s32 v55, v45  }
0x269: {  	vm15 =	veq.s32 v39, $0xE;
	v57 =	vnsel vm13, $0x0, v41;
	v45 =	vadd.s32 v56, v45  }
0x26a: {  	vm1 =	veq.s32 v39, $0xF;
	v58 =	vnsel vm14, $0x0, v44;
	v45 =	vadd.s32 v57, v45  }
0x26b: {  	v59 =	vnsel vm15, $0x0, v27;
	vm0 =	veq.s32 v37, v1;
	v45 =	vadd.s32 v58, v45  }
0x26c: {  	v61 =	vnsel vm1, $0x0, v28;
	v60 =	vadd.s32 v59, v45;
	v45 =	vsel vm0, $0x1, v22  }
0x26d: {  	v62 =	vld [tilespmem:$0x1FFF0];
	v39 =	vadd.s32 v61, v60;
	v46 =	vnsel vm2, $0x0, v45;
	v49 =	vnsel vm3, $0x0, v45  }
0x26e: {  	v50 =	vnsel vm4, $0x0, v45;
	v51 =	vnsel vm5, $0x0, v45;
	v52 =	vnsel vm6, $0x0, v45  }
0x26f: {  	v53 =	vnsel vm7, $0x0, v45;
	v54 =	vnsel vm8, $0x0, v45;
	v37 =	vnsel vm0, $0x0, v39  }
0x270: {  	v55 =	vnsel vm9, $0x0, v45;
	v56 =	vnsel vm10, $0x0, v45;
	v57 =	vnsel vm11, $0x0, v45;
	(xrf0) =	vadd.scan.msk.s32 $0xffff, v37  }
0x271: {  	s7 =	sadd.s32 $0x1, s7;
	v58 =	vnsel vm12, $0x0, v45;
	v59 =	vnsel vm13, $0x0, v45;
	v60 =	vnsel vm14, $0x0, v45  }
0x272: {  	p0 =	slt.s32 s7, s3;
	v48 =	vnsel vm15, $0x0, v45;
	vm0 =	vnez.u8 v62;
	v30 =	vadd.s32 v30, v46  }
.Ltmp9:
0x273: {  	v31 =	vadd.s32 v31, v49;
	v32 =	vadd.s32 v32, v50;
	v33 =	vadd.s32 v33, v51;
	(pc) =	sbr.rel @!p0 .LBB2_13-.Ltmp9, $4  }
0x274: {  	v34 =	vadd.s32 v34, v52;
	v35 =	vadd.s32 v35, v53;
	v36 =	vadd.s32 v36, v54  }
0x275: {  	v41 =	vadd.s32 v41, v59;
	v39 =	vnsel vm0, $0x0, v45;
	v37 =	vadd.s32 v38, v55  }
0x276: {  	v38 =	vadd.s32 v40, v56;
	v40 =	vadd.s32 v43, v58;
	v29 =	vadd.s32 v29, v39;
	v63, _, _ =	vpop (xrf0)  }
0x277: {  	v47 =	vld.idx.msk [tilespmem:v47+s12+$0x0], $0xffff;
	v39 =	vadd.s32 v42, v57;
	v42 =	vadd.s32 v44, v60;
	v46 =	vbroadcast v63, $0xF  }
.LBB2_12:
0x278: {  	_ =	sdelay $0x1  }
0x279: {  	v43 =	vmov s7;
	_ =	sdelay $0x1  }
0x27a: {  	v26 =	vand.u32 $0x7F, v26  }
0x27b: {  	[tilespmem:v46+s15+$0x0] =	vst.idx.msk $0x1, v26  }
0x27c: {  	[tilespmem:v46+s16+$0x0] =	vst.idx.msk $0x1, v47  }
0x27d: {  	v26 =	vld.idx.msk [tilespmem:v43+s11+$0x0], $0xffff;
	_ =	sdelay $0x4  }
0x27e: {  	v44 =	vnsel vm1, $0x0, v45;
	v58 =	vshrl.u32 v26, $0x7  }
0x27f: {  	v28 =	vadd.s32 v28, v44;
	v44 =	vsub.s32 v58, v18  }
0x280: {  	v27 =	vadd.s32 v27, v48;
	v45 =	vshrl.u32 v44, $0x4  }
0x281: {  	v59 =	vimm.s32 $0x0;
	v44 =	vand.u32 $0xF, v44;
	vm0 =	veq.s32 v45, $0x0  }
0x282: {  	vm2 =	veq.s32 v45, $0x1;
	vm4 =	veq.s32 v45, $0x2;
	vm3 =	veq.s32 v45, $0x3  }
0x283: {  	vm5 =	veq.s32 v45, $0x4;
	vm7 =	veq.s32 v45, $0x5;
	vm6 =	veq.s32 v45, $0x6  }
0x284: {  	v46 =	vsel vm0, $0xFFFFFFFF, v59;
	v60 =	vnsel vm0, $0x0, v29;
	v61 =	vnsel vm2, $0x0, v30  }
0x285: {  	vm8 =	veq.s32 v45, $0x7;
	v62 =	vnsel vm4, $0x0, v31;
	[tilespmem:$0x1FFE0] =	vst v46;
	v46 =	vadd.s32 v61, v60  }
0x286: {  	vm11 =	veq.s32 v45, $0x8;
	v63 =	vnsel vm3, $0x0, v32;
	v46 =	vadd.s32 v62, v46  }
0x287: {  	vm9 =	veq.s32 v45, $0x9;
	v48 =	vnsel vm5, $0x0, v33;
	v46 =	vadd.s32 v63, v46  }
0x288: {  	vm12 =	veq.s32 v45, $0xA;
	v49 =	vnsel vm7, $0x0, v34;
	v46 =	vadd.s32 v48, v46  }
0x289: {  	vm15 =	veq.s32 v45, $0xB;
	v50 =	vnsel vm6, $0x0, v35;
	v46 =	vadd.s32 v49, v46  }
0x28a: {  	vm10 =	veq.s32 v45, $0xC;
	v51 =	vnsel vm8, $0x0, v36;
	v46 =	vadd.s32 v50, v46  }
0x28b: {  	vm13 =	veq.s32 v45, $0xD;
	v52 =	vnsel vm11, $0x0, v37;
	v46 =	vadd.s32 v51, v46  }
0x28c: {  	vm14 =	veq.s32 v45, $0xE;
	v53 =	vnsel vm9, $0x0, v38;
	v46 =	vadd.s32 v52, v46  }
0x28d: {  	vm1 =	veq.s32 v45, $0xF;
	v54 =	vnsel vm12, $0x0, v39;
	v46 =	vadd.s32 v53, v46  }
0x28e: {  	v55 =	vnsel vm15, $0x0, v40;
	v56 =	vnsel vm10, $0x0, v41;
	v46 =	vadd.s32 v54, v46  }
0x28f: {  	v57 =	vnsel vm13, $0x0, v42;
	vm0 =	veq.s32 v44, v1;
	v46 =	vadd.s32 v55, v46  }
0x290: {  	v58 =	vnsel vm14, $0x0, v27;
	v45 =	vsel vm0, $0x1, v22;
	v46 =	vadd.s32 v56, v46  }
0x291: {  	v60 =	vnsel vm1, $0x0, v28;
	v63 =	vnsel vm2, $0x0, v45;
	v46 =	vadd.s32 v57, v46  }
0x292: {  	v30 =	vadd.s32 v30, v63;
	v63 =	vnsel vm13, $0x0, v45;
	v59 =	vadd.s32 v58, v46  }
0x293: {  	v48 =	vnsel vm14, $0x0, v45;
	v49 =	vnsel vm8, $0x0, v45;
	v61 =	vadd.s32 v60, v59  }
0x294: {  	v42 =	vadd.s32 v42, v63;
	v52 =	vnsel vm4, $0x0, v45;
	v44 =	vnsel vm0, $0x0, v61  }
0x295: {  	v62 =	vld [tilespmem:$0x1FFE0];
	v36 =	vadd.s32 v36, v49;
	v31 =	vadd.s32 v31, v52;
	v53 =	vnsel vm3, $0x0, v45;
	(xrf0) =	vadd.scan.msk.s32 $0xffff, v44  }
0x296: {  	s7 =	sadd.s32 $0x1, s7;
	v54 =	vnsel vm5, $0x0, v45;
	v32 =	vadd.s32 v32, v53;
	v55 =	vnsel vm7, $0x0, v45  }
0x297: {  	p0 =	slt.s32 s7, s3;
	v33 =	vadd.s32 v33, v54;
	v56 =	vnsel vm6, $0x0, v45;
	v57 =	vnsel vm11, $0x0, v45  }
.Ltmp10:
0x298: {  	v34 =	vadd.s32 v34, v55;
	v35 =	vadd.s32 v35, v56;
	v37 =	vadd.s32 v37, v57;
	(pc) =	sbr.rel @p0 .LBB2_12-.Ltmp10, $4  }
0x299: {  	v58 =	vnsel vm9, $0x0, v45;
	v59 =	vnsel vm12, $0x0, v45;
	v60 =	vnsel vm15, $0x0, v45  }
0x29a: {  	v38 =	vadd.s32 v38, v58;
	vm0 =	vnez.u8 v62;
	v39 =	vadd.s32 v39, v59  }
0x29b: {  	v40 =	vadd.s32 v40, v60;
	v62 =	vnsel vm10, $0x0, v45;
	v46 =	vnsel vm0, $0x0, v45;
	v61, _, _ =	vpop (xrf0)  }
0x29c: {  	v47 =	vld.idx.msk [tilespmem:v43+s12+$0x0], $0xffff;
	v41 =	vadd.s32 v41, v62;
	v29 =	vadd.s32 v29, v46;
	v46 =	vbroadcast v61, $0xF  }
.LBB2_13:
0x29d: {  	_ =	sdelay $0x3  }
0x29e: {  	v26 =	vand.u32 $0x7F, v26  }
0x29f: {  	[tilespmem:v46+s15+$0x0] =	vst.idx.msk $0x1, v26  }
0x2a0: {  	[tilespmem:v46+s16+$0x0] =	vst.idx.msk $0x1, v47  }
.LBB2_14:
0x2a1: {  	v26 =	vld.msk [tilespmem:s14+$0x0], $0xffff;
	_ =	sdelay $0x4  }
0x2a2: {  	v26 =	vxor.u32 $0x80000000, v26  }
0x2a3: {  	(xrf0) =	vmax.scan.msk.u32 $0xffff, v26;
	_ =	sdelay $0x5  }
0x2a4: {  	v26, _, _ =	vpop (xrf0)  }
0x2a5: {  	(v2sf) =	vpush v26, $0xF;
	_ =	sdelay $0xe  }
0x2a6: {  	s3 =	spop (v2sf)  }
0x2a7: {  	p0 =	sne.s32 s3, $0x80001E84  }
0x2a8: {  	s3 =	sshll.u32 @p0 s3, $0x7  }
0x2a9: {  	s7 =	simm.s32 @p0 $0x400;
	s3 =	sand.u32 @p0 $0x1FFFFF80, s3  }
0x2aa: {  	s9 =	simm.s32 @p0 $0x7A1400;
	s28 =	simm.s32 @p0 $0x1580;
	s3 =	sadd.s32 @p0 s1, s3  }
0x2ab: {  	[tilespmem:s28], [sflag:$0x1] =	stream.strided.gather @p0 [hbm4b:s3+s7], $0x2000, s9, s7, $0x38;
	[tilespmem:$0x1D780] =	vst v63  }
0x2ac: {  	s3 =	simm.s32 @!p0 $0x0;
	s7 =	simm.s32 @!p0 $0x1580  }
0x2ad: {  	[tilespmem:s7], [sflag:$0x1] =	stream.linear.gather @!p0 [hbm4b:s2+s3], $0x2000, $0x38;
	[tilespmem:$0x1D780] =	vst v63  }
0x2ae: {  	v26 =	vld.idx.msk [tilespmem:v23+s14+$0x0], $0xffff;
	_ =	sdelay $0x4  }
0x2af: {  	v26 =	vxor.u32 $0x80000000, v26  }
0x2b0: {  	(xrf0) =	vmax.scan.msk.u32 $0xffff, v26;
	_ =	sdelay $0x5  }
0x2b1: {  	v26, _, _ =	vpop (xrf0)  }
0x2b2: {  	(v2sf) =	vpush v26, $0xF;
	_ =	sdelay $0xe  }
0x2b3: {  	s3 =	spop (v2sf)  }
0x2b4: {  	p0 =	sne.s32 s3, $0x80001E84  }
0x2b5: {  	s3 =	sshll.u32 @p0 s3, $0x7  }
0x2b6: {  	s7 =	simm.s32 @p0 $0x400;
	s3 =	sand.u32 @p0 $0x1FFFFF80, s3  }
0x2b7: {  	s9 =	simm.s32 @p0 $0x7A1400;
	s28 =	simm.s32 @p0 $0x3580;
	s3 =	sadd.s32 @p0 s1, s3  }
0x2b8: {  	[tilespmem:s28], [sflag:$0x2] =	stream.strided.gather @p0 [hbm4b:s3+s7], $0x2000, s9, s7, $0x38;
	[tilespmem:$0x1D780] =	vst v63  }
0x2b9: {  	s3 =	simm.s32 @!p0 $0x0;
	s7 =	simm.s32 @!p0 $0x3580  }
0x2ba: {  	[tilespmem:s7], [sflag:$0x2] =	stream.linear.gather @!p0 [hbm4b:s2+s3], $0x2000, $0x38;
	[tilespmem:$0x1D780] =	vst v63  }
0x2bb: {  	v26 =	vld.idx.msk [tilespmem:v24+s14+$0x0], $0xffff;
	_ =	sdelay $0x4  }
0x2bc: {  	v26 =	vxor.u32 $0x80000000, v26  }
0x2bd: {  	(xrf0) =	vmax.scan.msk.u32 $0xffff, v26;
	_ =	sdelay $0x5  }
0x2be: {  	v26, _, _ =	vpop (xrf0)  }
0x2bf: {  	(v2sf) =	vpush v26, $0xF;
	_ =	sdelay $0xe  }
0x2c0: {  	s3 =	spop (v2sf)  }
0x2c1: {  	p0 =	sne.s32 s3, $0x80001E84  }
0x2c2: {  	s3 =	sshll.u32 @p0 s3, $0x7  }
0x2c3: {  	s7 =	simm.s32 @p0 $0x400;
	s3 =	sand.u32 @p0 $0x1FFFFF80, s3  }
0x2c4: {  	s9 =	simm.s32 @p0 $0x7A1400;
	s28 =	simm.s32 @p0 $0x5580;
	s3 =	sadd.s32 @p0 s1, s3  }
0x2c5: {  	[tilespmem:s28], [sflag:$0x3] =	stream.strided.gather @p0 [hbm4b:s3+s7], $0x2000, s9, s7, $0x38;
	[tilespmem:$0x1D780] =	vst v63  }
0x2c6: {  	s3 =	simm.s32 @!p0 $0x0;
	s7 =	simm.s32 @!p0 $0x5580  }
0x2c7: {  	[tilespmem:s7], [sflag:$0x3] =	stream.linear.gather @!p0 [hbm4b:s2+s3], $0x2000, $0x38;
	[tilespmem:$0x1D780] =	vst v63  }
0x2c8: {  	v26 =	vld.idx.msk [tilespmem:v25+s14+$0x0], $0xffff;
	_ =	sdelay $0x4  }
0x2c9: {  	v26 =	vxor.u32 $0x80000000, v26  }
0x2ca: {  	(xrf0) =	vmax.scan.msk.u32 $0xffff, v26;
	_ =	sdelay $0x5  }
0x2cb: {  	v26, _, _ =	vpop (xrf0)  }
0x2cc: {  	(v2sf) =	vpush v26, $0xF;
	_ =	sdelay $0xe  }
0x2cd: {  	s3 =	spop (v2sf)  }
0x2ce: {  	p0 =	sne.s32 s3, $0x80001E84  }
0x2cf: {  	s3 =	sshll.u32 @p0 s3, $0x7  }
0x2d0: {  	s7 =	simm.s32 @p0 $0x400;
	s3 =	sand.u32 @p0 $0x1FFFFF80, s3  }
0x2d1: {  	s9 =	simm.s32 @p0 $0x7A1400;
	s28 =	simm.s32 @p0 $0x7580;
	s3 =	sadd.s32 @p0 s1, s3  }
0x2d2: {  	[tilespmem:s28], [sflag:$0x4] =	stream.strided.gather @p0 [hbm4b:s3+s7], $0x2000, s9, s7, $0x38;
	[tilespmem:$0x1D780] =	vst v63  }
0x2d3: {  	s31 =	sadd.s32 s31, s30;
	s3 =	simm.s32 @!p0 $0x0;
	s7 =	simm.s32 @!p0 $0x7580  }
0x2d4: {  	[tilespmem:s7], [sflag:$0x4] =	stream.linear.gather @!p0 [hbm4b:s2+s3], $0x2000, $0x38;
	[tilespmem:$0x1D780] =	vst v63  }
0x2d5: {  	s3 =	sadd.s32 $0x3, s31  }
0x2d6: {  	p0 =	slt.s32 s3, $0x4  }
.Ltmp11:
0x2d7: {  	_ = 	snop;
	(pc) =	sbr.rel @p0 .LBB2_45-.Ltmp11, $1  }
0x2d8: {  	_ =	sdelay $0x3  }
.Ltmp12:
0x2d9: {  	(pc) =	sbr.rel .LBB2_16-.Ltmp12, $4  }
0x2da: {  	s7 =	sshra.s32 s3, $0x1F  }
0x2db: {  	s7 =	sshrl.u32 s7, $0x1E  }
0x2dc: {  	s29 =	sadd.s32 s7, s3  }
0x2dd: {  	s31 =	simm.s32 $0x0;
	s30 =	sshra.s32 s29, $0x2  }
.LBB2_39:
0x2de: {  	s28 =	smov.u32 s9  }
.LBB2_43:
0x2df: {  	_ =	sdelay $0x1  }
0x2e0: {  	v27 =	vpop @p0 (erf)  }
0x2e1: {  	[tilespmem:s28+$0x10] =	vst @p0 v27  }
0x2e2: {  	v27 =	vld.idx.msk [tilespmem:v30+s15+$0x0], $0xffff;
	_ =	sdelay $0x4  }
0x2e3: {  	v28 =	vadd.s32 v26, v27;
	_ =	sdelay $0x4  }
0x2e4: {  	v28 =	vld.idx.msk [tilespmem:v28+s26+$0x0], $0xffff;
	_ =	sdelay $0x4  }
0x2e5: {  	v28 =	vsub.f32 $0.0e+00, v28;
	_ =	sdelay $0x1  }
0x2e6: {  	v28 =	vmul.f32 $1.442695020e+00, v28;
	_ =	sdelay $0x1  }
0x2e7: {  	(erf) = vpow2.f32 v28;
	_ =	sdelay $0x8  }
0x2e8: {  	v28 =	vpop (erf)  }
0x2e9: {  	v28 =	vadd.f32 $1.000000000e+00, v28;
	_ =	sdelay $0x1  }
0x2ea: {  	(erf) = vrcp.f32 v28;
	_ =	sdelay $0x4  }
0x2eb: {  	v61 =	vor.u32 $0x800, v26  }
0x2ec: {  	v28 =	vadd.s32 v61, v27;
	_ =	sdelay $0x1  }
0x2ed: {  	s7 =	sadd.s32 @p0 $0x80, s28  }
0x2ee: {  	s9 =	smov.u32 @p0 s7;
	v29 =	vpop (erf)  }
0x2ef: {  	[tilespmem:s9+$0xFFFFFFE0] =	vst v29  }
0x2f0: {  	v28 =	vld.idx.msk [tilespmem:v28+s26+$0x0], $0xffff;
	_ =	sdelay $0x4  }
0x2f1: {  	v28 =	vsub.f32 $0.0e+00, v28;
	_ =	sdelay $0x1  }
0x2f2: {  	v28 =	vmul.f32 $1.442695020e+00, v28;
	_ =	sdelay $0x1  }
0x2f3: {  	(erf) = vpow2.f32 v28;
	_ =	sdelay $0x8  }
0x2f4: {  	v28 =	vpop (erf)  }
0x2f5: {  	v28 =	vadd.f32 $1.000000000e+00, v28;
	_ =	sdelay $0x1  }
0x2f6: {  	(erf) = vrcp.f32 v28;
	_ =	sdelay $0x4  }
0x2f7: {  	v62 =	vor.u32 $0x1000, v26  }
0x2f8: {  	v28 =	vadd.s32 v62, v27;
	_ =	sdelay $0x2  }
0x2f9: {  	v63 =	vpop (erf)  }
0x2fa: {  	[tilespmem:s9+$0xFFFFFFF0] =	vst v63  }
0x2fb: {  	v28 =	vld.idx.msk [tilespmem:v28+s26+$0x0], $0xffff;
	_ =	sdelay $0x4  }
0x2fc: {  	v28 =	vsub.f32 $0.0e+00, v28;
	_ =	sdelay $0x1  }
0x2fd: {  	v28 =	vmul.f32 $1.442695020e+00, v28;
	_ =	sdelay $0x1  }
0x2fe: {  	(erf) = vpow2.f32 v28;
	_ =	sdelay $0x8  }
0x2ff: {  	v28 =	vpop (erf)  }
0x300: {  	v28 =	vadd.f32 $1.000000000e+00, v28;
	_ =	sdelay $0x1  }
0x301: {  	(erf) = vrcp.f32 v28;
	_ =	sdelay $0x4  }
0x302: {  	v26 =	vor.u32 $0x1800, v26  }
0x303: {  	v26 =	vadd.s32 v26, v27;
	_ =	sdelay $0x2  }
0x304: {  	v27 =	vpop (erf)  }
0x305: {  	[tilespmem:s9+$0x0] =	vst v27  }
0x306: {  	v26 =	vld.idx.msk [tilespmem:v26+s26+$0x0], $0xffff;
	_ =	sdelay $0x4  }
0x307: {  	v26 =	vsub.f32 $0.0e+00, v26;
	_ =	sdelay $0x1  }
0x308: {  	v26 =	vmul.f32 $1.442695020e+00, v26;
	_ =	sdelay $0x1  }
0x309: {  	(erf) = vpow2.f32 v26;
	_ =	sdelay $0x8  }
0x30a: {  	v26 =	vpop (erf)  }
0x30b: {  	v26 =	vadd.f32 $1.000000000e+00, v26;
	_ =	sdelay $0x1  }
0x30c: {  	(erf) = vrcp.f32 v26;
	_ =	sdelay $0x8  }
0x30d: {  	v26 =	vpop (erf)  }
0x30e: {  	[tilespmem:s9+$0x10] =	vst v26  }
.LBB2_44:
0x30f: {  	s3 =	sadd.s32 $0x7, s3  }
0x310: {  	v26 =	vmov s3;
	_ =	sdelay $0x4  }
0x311: {  	v26 =	vld.idx.msk [tilespmem:v26+s14+$0x0], $0xffff;
	_ =	sdelay $0x4  }
0x312: {  	v26 =	vxor.u32 $0x80000000, v26  }
0x313: {  	(xrf0) =	vmax.scan.msk.u32 $0xffff, v26;
	_ =	sdelay $0x5  }
0x314: {  	v26, _, _ =	vpop (xrf0)  }
0x315: {  	(v2sf) =	vpush v26, $0xF;
	_ =	sdelay $0xe  }
0x316: {  	s3 =	spop (v2sf)  }
0x317: {  	p0 =	sne.s32 s3, $0x80001E84  }
0x318: {  	s3 =	sshll.u32 @p0 s3, $0x7  }
0x319: {  	s7 =	simm.s32 @p0 $0x400;
	s3 =	sand.u32 @p0 $0x1FFFFF80, s3  }
0x31a: {  	s9 =	simm.s32 @p0 $0x7A1400;
	s28 =	simm.s32 @p0 $0x7580;
	s3 =	sadd.s32 @p0 s1, s3  }
0x31b: {  	[tilespmem:s28], [sflag:$0x4] =	stream.strided.gather @p0 [hbm4b:s3+s7], $0x2000, s9, s7, $0x38;
	[tilespmem:$0x1D780] =	vst v63  }
0x31c: {  	s31 =	sadd.s32 $0x1, s31;
	s3 =	simm.s32 @!p0 $0x0;
	s7 =	simm.s32 @!p0 $0x7580  }
0x31d: {  	[tilespmem:s7], [sflag:$0x4] =	stream.linear.gather @!p0 [hbm4b:s2+s3], $0x2000, $0x38;
	[tilespmem:$0x1D780] =	vst v63  }
0x31e: {  	p0 =	sne.s32 s31, s30  }
.Ltmp13:
0x31f: {  	_ = 	snop;
	(pc) =	sbr.rel @!p0 .LBB2_45-.Ltmp13, $1  }
0x320: {  	_ =	sdelay $0x3  }
.LBB2_16:
0x321: {  	s3 =	sshll.u32 s31, $0x2  }
0x322: {  	v26 =	vmov s3  }
0x323: {  	v26 =	vbroadcast v26, $0x0;
	_ =	sdelay $0x5  }
0x324: {  	v26 =	vld.idx.msk [tilespmem:v26+s14+$0x0], $0xffff;
	_ =	sdelay $0x4  }
0x325: {  	v26 =	vxor.u32 $0x80000000, v26  }
0x326: {  	(xrf0) =	vmax.scan.msk.u32 $0xffff, v26;
	_ =	sdelay $0x5  }
0x327: {  	v26, _, _ =	vpop (xrf0)  }
0x328: {  	(v2sf) =	vpush v26, $0xF;
	_ =	sdelay $0xe  }
0x329: {  	s7 =	spop (v2sf)  }
0x32a: {  	s7 =	sxor.u32 $0x80000000, s7  }
0x32b: {  	s9 =	ssub.s32 s7, s6  }
0x32c: {  	p0 =	sgt.s32 s9, $0x0  }
0x32d: {  	s9 =	simm.s32 @!p0 $0x0  }
0x32e: {  	s9 =	smin.u32 s9, $0xFF  }
0x32f: {  	v26 =	vmov s9  }
0x330: {  	v26 =	vbroadcast v26, $0x0;
	_ =	sdelay $0x5  }
0x331: {  	v27 =	vld.idx.msk [tilespmem:v26+s17+$0x0], $0xffff  }
0x332: {  	v26 =	vld.idx.msk [tilespmem:v26+s18+$0x0], $0xffff;
	_ =	sdelay $0x3  }
0x333: {  	v27 =	vxor.u32 $0x80000000, v27  }
0x334: {  	v26 =	vxor.u32 $0x80000000, v26;
	(xrf0) =	vmax.scan.msk.u32 $0xffff, v27  }
0x335: {  	(xrf0) =	vmax.scan.msk.u32 $0xffff, v26;
	_ =	sdelay $0x4  }
0x336: {  	v26, _, _ =	vpop (xrf0)  }
0x337: {  	(v2sf) =	vpush v26, $0xF;
	v26, _, _ =	vpop (xrf0)  }
0x338: {  	(v2sf) =	vpush v26, $0xF;
	_ =	sdelay $0xd  }
0x339: {  	s29 =	spop (v2sf)  }
0x33a: {  	s28 =	spop (v2sf)  }
0x33b: {  	p0 =	seq.s32 s7, s8;
	s7 =	sxor.u32 $0x80000000, s29;
	s9 =	sxor.u32 $0x80000000, s28  }
0x33c: {  	s7 =	simm.s32 @p0 $0x0;
	s9 =	simm.s32 @p0 $0x0  }
0x33d: {  	s29 =	sadd.s32 s7, s9  }
0x33e: {  	p0 =	sge.s32 s7, s29  }
.Ltmp14:
0x33f: {  	_ = 	snop;
	(pc) =	sbr.rel @p0 .LBB2_23-.Ltmp14, $4  }
0x340: {  	_ = 	snop  }
0x341: {  	_ =	swait.ge [sflag:s19], $0x2000  }
0x342: {  	[sflag:s19] =	ssyncset.done $0x0  }
0x343: {  	[sflag:s19] =	ssyncadd.s32 $0xFFFFE000  }
0x344: {  	p1 =	sne.s32 s9, $0x1  }
.Ltmp15:
0x345: {  	_ = 	snop;
	(pc) =	sbr.rel @!p1 .LBB2_18-.Ltmp15, $4  }
0x346: {  	_ = 	snop  }
0x347: {  	s28 =	sshll.u32 s7, $0x9  }
0x348: {  	s28 =	sshra.s32 s28, $0x2  }
0x349: {  	v30 =	vmov s7;
	s9 =	sadd.s32 $0xFFFFFFFF, s9;
	p0 =	por $0x0, $0x0;
	s28 =	sadd.s32 $0x95A0, s28  }
0x34a: {  	_ =	sdelay $0x3  }
0x34b: {  	v30 =	vld.idx.msk [tilespmem:v30+s15+$0x0], $0xffff;
	_ =	sdelay $0x2  }
0x34c: {  	v26 =	vmul.u32 $0x80, v1;
	_ =	sdelay $0x1  }
0x34d: {  	v27 =	vadd.s32 v26, v30;
	_ =	sdelay $0x4  }
0x34e: {  	v27 =	vld.idx.msk [tilespmem:v27+s20+$0x0], $0xffff;
	_ =	sdelay $0x4  }
0x34f: {  	v27 =	vsub.f32 $0.0e+00, v27;
	_ =	sdelay $0x1  }
0x350: {  	v27 =	vmul.f32 $1.442695020e+00, v27;
	_ =	sdelay $0x1  }
0x351: {  	(erf) = vpow2.f32 v27;
	_ =	sdelay $0x8  }
0x352: {  	v27 =	vpop (erf)  }
0x353: {  	v27 =	vadd.f32 $1.000000000e+00, v27;
	_ =	sdelay $0x1  }
0x354: {  	(erf) = vrcp.f32 v27;
	_ =	sdelay $0x4  }
0x355: {  	v27 =	vor.u32 $0x800, v26  }
0x356: {  	v28 =	vadd.s32 v27, v30;
	_ =	sdelay $0x2  }
0x357: {  	v29 =	vpop (erf)  }
0x358: {  	[tilespmem:s28+$0xFFFFFFE0] =	vst v29  }
0x359: {  	v28 =	vld.idx.msk [tilespmem:v28+s20+$0x0], $0xffff;
	_ =	sdelay $0x4  }
0x35a: {  	v28 =	vsub.f32 $0.0e+00, v28;
	_ =	sdelay $0x1  }
0x35b: {  	v28 =	vmul.f32 $1.442695020e+00, v28;
	_ =	sdelay $0x1  }
0x35c: {  	(erf) = vpow2.f32 v28;
	_ =	sdelay $0x8  }
0x35d: {  	v28 =	vpop (erf)  }
0x35e: {  	v28 =	vadd.f32 $1.000000000e+00, v28;
	_ =	sdelay $0x1  }
0x35f: {  	(erf) = vrcp.f32 v28;
	_ =	sdelay $0x4  }
0x360: {  	v28 =	vor.u32 $0x1000, v26  }
0x361: {  	v29 =	vadd.s32 v28, v30;
	_ =	sdelay $0x2  }
0x362: {  	v31 =	vpop (erf)  }
0x363: {  	[tilespmem:s28+$0xFFFFFFF0] =	vst v31  }
0x364: {  	v29 =	vld.idx.msk [tilespmem:v29+s20+$0x0], $0xffff;
	_ =	sdelay $0x4  }
0x365: {  	v29 =	vsub.f32 $0.0e+00, v29;
	_ =	sdelay $0x1  }
0x366: {  	v29 =	vmul.f32 $1.442695020e+00, v29;
	_ =	sdelay $0x1  }
0x367: {  	(erf) = vpow2.f32 v29;
	_ =	sdelay $0x8  }
0x368: {  	v29 =	vpop (erf)  }
0x369: {  	v29 =	vadd.f32 $1.000000000e+00, v29;
	_ =	sdelay $0x1  }
0x36a: {  	(erf) = vrcp.f32 v29;
	_ =	sdelay $0x4  }
0x36b: {  	v29 =	vor.u32 $0x1800, v26  }
0x36c: {  	v30 =	vadd.s32 v29, v30;
	_ =	sdelay $0x2  }
0x36d: {  	v31 =	vpop (erf)  }
0x36e: {  	[tilespmem:s28+$0x0] =	vst v31  }
0x36f: {  	v30 =	vld.idx.msk [tilespmem:v30+s20+$0x0], $0xffff;
	_ =	sdelay $0x4  }
0x370: {  	v30 =	vsub.f32 $0.0e+00, v30;
	_ =	sdelay $0x1  }
0x371: {  	v30 =	vmul.f32 $1.442695020e+00, v30;
	_ =	sdelay $0x1  }
0x372: {  	(erf) = vpow2.f32 v30;
	_ =	sdelay $0x8  }
0x373: {  	v30 =	vpop (erf)  }
0x374: {  	v30 =	vadd.f32 $1.000000000e+00, v30;
	_ =	sdelay $0x1  }
0x375: {  	(erf) = vrcp.f32 v30  }
0x376: {  	p1 =	sne.s32 s9, $0x1  }
.Ltmp16:
0x377: {  	_ = 	snop;
	(pc) =	sbr.rel @!p1 .LBB2_20-.Ltmp16, $3  }
0x378: {  	_ =	sdelay $0x1  }
0x379: {  	s7 =	sadd.s32 $0x1, s7  }
0x37a: {  	s29 =	sadd.s32 $0xFFFFFFFF, s9;
	p0 =	por $0x1, $0x1;
	s9 =	smov.u32 s28;
	v30 =	vmov s7  }
.LBB2_21:
0x37b: {  	p1 =	sne.s32 s29, $0x1;
	_ =	sdelay $0x1  }
0x37c: {  	v31 =	vpop (erf)  }
0x37d: {  	[tilespmem:s9+$0x10] =	vst v31  }
0x37e: {  	v30 =	vld.idx.msk [tilespmem:v30+s15+$0x0], $0xffff;
	_ =	sdelay $0x5  }
0x37f: {  	v31 =	vadd.s32 v26, v30;
	v32 =	vadd.s32 v27, v30;
	v33 =	vadd.s32 v28, v30  }
0x380: {  	v30 =	vadd.s32 v29, v30;
	_ =	sdelay $0x3  }
0x381: {  	v31 =	vld.idx.msk [tilespmem:v31+s20+$0x0], $0xffff;
	_ =	sdelay $0x5  }
0x382: {  	v31 =	vsub.f32 $0.0e+00, v31;
	_ =	sdelay $0x1  }
0x383: {  	v31 =	vmul.f32 $1.442695020e+00, v31;
	_ =	sdelay $0x1  }
0x384: {  	(erf) = vpow2.f32 v31;
	_ =	sdelay $0x8  }
0x385: {  	v31 =	vpop (erf)  }
0x386: {  	v31 =	vadd.f32 $1.000000000e+00, v31;
	_ =	sdelay $0x1  }
0x387: {  	(erf) = vrcp.f32 v31;
	_ =	sdelay $0x8  }
0x388: {  	s9 =	sadd.s32 $0x80, s9;
	v31 =	vpop (erf)  }
0x389: {  	[tilespmem:s9+$0xFFFFFFE0] =	vst v31  }
0x38a: {  	v31 =	vld.idx.msk [tilespmem:v32+s20+$0x0], $0xffff;
	_ =	sdelay $0x5  }
0x38b: {  	v31 =	vsub.f32 $0.0e+00, v31;
	_ =	sdelay $0x1  }
0x38c: {  	v31 =	vmul.f32 $1.442695020e+00, v31;
	_ =	sdelay $0x1  }
0x38d: {  	(erf) = vpow2.f32 v31;
	_ =	sdelay $0x8  }
0x38e: {  	v31 =	vpop (erf)  }
0x38f: {  	v31 =	vadd.f32 $1.000000000e+00, v31;
	_ =	sdelay $0x1  }
0x390: {  	(erf) = vrcp.f32 v31;
	_ =	sdelay $0x8  }
0x391: {  	v31 =	vpop (erf)  }
0x392: {  	[tilespmem:s9+$0xFFFFFFF0] =	vst v31  }
0x393: {  	v31 =	vld.idx.msk [tilespmem:v33+s20+$0x0], $0xffff;
	_ =	sdelay $0x5  }
0x394: {  	v31 =	vsub.f32 $0.0e+00, v31;
	_ =	sdelay $0x1  }
0x395: {  	v31 =	vmul.f32 $1.442695020e+00, v31;
	_ =	sdelay $0x1  }
0x396: {  	(erf) = vpow2.f32 v31;
	_ =	sdelay $0x8  }
0x397: {  	v31 =	vpop (erf)  }
0x398: {  	v31 =	vadd.f32 $1.000000000e+00, v31;
	_ =	sdelay $0x1  }
0x399: {  	(erf) = vrcp.f32 v31;
	_ =	sdelay $0x8  }
0x39a: {  	v31 =	vpop (erf)  }
0x39b: {  	[tilespmem:s9+$0x0] =	vst v31  }
0x39c: {  	v30 =	vld.idx.msk [tilespmem:v30+s20+$0x0], $0xffff;
	_ =	sdelay $0x5  }
0x39d: {  	v30 =	vsub.f32 $0.0e+00, v30;
	_ =	sdelay $0x1  }
0x39e: {  	v30 =	vmul.f32 $1.442695020e+00, v30;
	_ =	sdelay $0x1  }
0x39f: {  	(erf) = vpow2.f32 v30;
	_ =	sdelay $0x8  }
0x3a0: {  	v30 =	vpop (erf)  }
0x3a1: {  	v30 =	vadd.f32 $1.000000000e+00, v30;
	_ =	sdelay $0x1  }
0x3a2: {  	(erf) = vrcp.f32 v30;
	_ =	sdelay $0x1  }
.Ltmp17:
0x3a3: {  	(pc) =	sbr.rel @p1 .LBB2_21-.Ltmp17, $3  }
0x3a4: {  	_ =	sdelay $0x1  }
0x3a5: {  	s7 =	sadd.s32 $0x1, s7  }
0x3a6: {  	s29 =	sadd.s32 $0xFFFFFFFF, s29;
	v30 =	vmov s7  }
.LBB2_22:
0x3a7: {  	_ =	sdelay $0x1  }
0x3a8: {  	v26 =	vpop @p0 (erf)  }
0x3a9: {  	[tilespmem:s9+$0x10] =	vst @p0 v26  }
0x3aa: {  	v26 =	vld.idx.msk [tilespmem:v30+s15+$0x0], $0xffff;
	_ =	sdelay $0x2  }
0x3ab: {  	v27 =	vmul.u32 $0x80, v1;
	_ =	sdelay $0x1  }
0x3ac: {  	v28 =	vadd.s32 v27, v26;
	_ =	sdelay $0x4  }
0x3ad: {  	v28 =	vld.idx.msk [tilespmem:v28+s20+$0x0], $0xffff;
	_ =	sdelay $0x4  }
0x3ae: {  	v28 =	vsub.f32 $0.0e+00, v28;
	_ =	sdelay $0x1  }
0x3af: {  	v28 =	vmul.f32 $1.442695020e+00, v28;
	_ =	sdelay $0x1  }
0x3b0: {  	(erf) = vpow2.f32 v28;
	_ =	sdelay $0x8  }
0x3b1: {  	v28 =	vpop (erf)  }
0x3b2: {  	v28 =	vadd.f32 $1.000000000e+00, v28;
	_ =	sdelay $0x1  }
0x3b3: {  	(erf) = vrcp.f32 v28;
	_ =	sdelay $0x4  }
0x3b4: {  	v61 =	vor.u32 $0x800, v27  }
0x3b5: {  	v28 =	vadd.s32 v61, v26;
	_ =	sdelay $0x1  }
0x3b6: {  	s7 =	sadd.s32 @p0 $0x80, s9  }
0x3b7: {  	s28 =	smov.u32 @p0 s7;
	v29 =	vpop (erf)  }
0x3b8: {  	[tilespmem:s28+$0xFFFFFFE0] =	vst v29  }
0x3b9: {  	v28 =	vld.idx.msk [tilespmem:v28+s20+$0x0], $0xffff;
	_ =	sdelay $0x4  }
0x3ba: {  	v28 =	vsub.f32 $0.0e+00, v28;
	_ =	sdelay $0x1  }
0x3bb: {  	v28 =	vmul.f32 $1.442695020e+00, v28;
	_ =	sdelay $0x1  }
0x3bc: {  	(erf) = vpow2.f32 v28;
	_ =	sdelay $0x8  }
0x3bd: {  	v28 =	vpop (erf)  }
0x3be: {  	v28 =	vadd.f32 $1.000000000e+00, v28;
	_ =	sdelay $0x1  }
0x3bf: {  	(erf) = vrcp.f32 v28;
	_ =	sdelay $0x4  }
0x3c0: {  	v62 =	vor.u32 $0x1000, v27  }
0x3c1: {  	v28 =	vadd.s32 v62, v26;
	_ =	sdelay $0x2  }
0x3c2: {  	v63 =	vpop (erf)  }
0x3c3: {  	[tilespmem:s28+$0xFFFFFFF0] =	vst v63  }
0x3c4: {  	v28 =	vld.idx.msk [tilespmem:v28+s20+$0x0], $0xffff;
	_ =	sdelay $0x4  }
0x3c5: {  	v28 =	vsub.f32 $0.0e+00, v28;
	_ =	sdelay $0x1  }
0x3c6: {  	v28 =	vmul.f32 $1.442695020e+00, v28;
	_ =	sdelay $0x1  }
0x3c7: {  	(erf) = vpow2.f32 v28;
	_ =	sdelay $0x8  }
0x3c8: {  	v28 =	vpop (erf)  }
0x3c9: {  	v28 =	vadd.f32 $1.000000000e+00, v28;
	_ =	sdelay $0x1  }
0x3ca: {  	(erf) = vrcp.f32 v28;
	_ =	sdelay $0x4  }
0x3cb: {  	v27 =	vor.u32 $0x1800, v27  }
0x3cc: {  	v26 =	vadd.s32 v27, v26;
	_ =	sdelay $0x2  }
0x3cd: {  	v27 =	vpop (erf)  }
0x3ce: {  	[tilespmem:s28+$0x0] =	vst v27  }
0x3cf: {  	v26 =	vld.idx.msk [tilespmem:v26+s20+$0x0], $0xffff;
	_ =	sdelay $0x4  }
0x3d0: {  	v26 =	vsub.f32 $0.0e+00, v26;
	_ =	sdelay $0x1  }
0x3d1: {  	v26 =	vmul.f32 $1.442695020e+00, v26;
	_ =	sdelay $0x1  }
0x3d2: {  	(erf) = vpow2.f32 v26;
	_ =	sdelay $0x8  }
0x3d3: {  	v26 =	vpop (erf)  }
0x3d4: {  	v26 =	vadd.f32 $1.000000000e+00, v26;
	_ =	sdelay $0x1  }
0x3d5: {  	(erf) = vrcp.f32 v26;
	_ =	sdelay $0x8  }
0x3d6: {  	v26 =	vpop (erf)  }
0x3d7: {  	[tilespmem:s28+$0x10] =	vst v26  }
.LBB2_23:
0x3d8: {  	s7 =	sadd.s32 $0x4, s3  }
0x3d9: {  	v26 =	vmov s7  }
0x3da: {  	v26 =	vand.u32 $0xFFFFFFFC, v26  }
0x3db: {  	v26 =	vbroadcast v26, $0x0;
	_ =	sdelay $0x5  }
0x3dc: {  	v26 =	vld.idx.msk [tilespmem:v26+s14+$0x0], $0xffff;
	_ =	sdelay $0x4  }
0x3dd: {  	v26 =	vxor.u32 $0x80000000, v26  }
0x3de: {  	(xrf0) =	vmax.scan.msk.u32 $0xffff, v26;
	_ =	sdelay $0x5  }
0x3df: {  	v26, _, _ =	vpop (xrf0)  }
0x3e0: {  	(v2sf) =	vpush v26, $0xF;
	_ =	sdelay $0xd  }
0x3e1: {  	s9 =	sor.u32 $0x1, s3  }
0x3e2: {  	v26 =	vmov s9;
	s7 =	spop (v2sf)  }
0x3e3: {  	v26 =	vand.u32 $0xFFFFFFFD, v26;
	p0 =	sne.s32 s7, $0x80001E84  }
0x3e4: {  	v26 =	vbroadcast v26, $0x0;
	s7 =	sshll.u32 @p0 s7, $0x7  }
0x3e5: {  	s9 =	simm.s32 @p0 $0x400;
	s7 =	sand.u32 @p0 $0x1FFFFF80, s7  }
0x3e6: {  	s28 =	simm.s32 @p0 $0x7A1400;
	s29 =	simm.s32 @p0 $0x1580;
	s7 =	sadd.s32 @p0 s1, s7  }
0x3e7: {  	[tilespmem:s29], [sflag:$0x1] =	stream.strided.gather @p0 [hbm4b:s7+s9], $0x2000, s28, s9, $0x38;
	[tilespmem:$0x1D780] =	vst v63  }
0x3e8: {  	s7 =	simm.s32 @!p0 $0x0;
	s9 =	simm.s32 @!p0 $0x1580  }
0x3e9: {  	[tilespmem:s9], [sflag:$0x1] =	stream.linear.gather @!p0 [hbm4b:s2+s7], $0x2000, $0x38;
	[tilespmem:$0x1D780] =	vst v63  }
0x3ea: {  	v26 =	vld.idx.msk [tilespmem:v26+s14+$0x0], $0xffff;
	_ =	sdelay $0x4  }
0x3eb: {  	v26 =	vxor.u32 $0x80000000, v26  }
0x3ec: {  	(xrf0) =	vmax.scan.msk.u32 $0xffff, v26;
	_ =	sdelay $0x5  }
0x3ed: {  	v26, _, _ =	vpop (xrf0)  }
0x3ee: {  	(v2sf) =	vpush v26, $0xF;
	_ =	sdelay $0xe  }
0x3ef: {  	s9 =	spop (v2sf)  }
0x3f0: {  	s7 =	sxor.u32 $0x80000000, s9  }
0x3f1: {  	s9 =	ssub.s32 s7, s6  }
0x3f2: {  	p0 =	sgt.s32 s9, $0x0  }
0x3f3: {  	s9 =	simm.s32 @!p0 $0x0  }
0x3f4: {  	s9 =	smin.u32 s9, $0xFF  }
0x3f5: {  	v26 =	vmov s9  }
0x3f6: {  	v26 =	vbroadcast v26, $0x0;
	_ =	sdelay $0x5  }
0x3f7: {  	v27 =	vld.idx.msk [tilespmem:v26+s17+$0x0], $0xffff  }
0x3f8: {  	v26 =	vld.idx.msk [tilespmem:v26+s18+$0x0], $0xffff;
	_ =	sdelay $0x3  }
0x3f9: {  	v27 =	vxor.u32 $0x80000000, v27  }
0x3fa: {  	v26 =	vxor.u32 $0x80000000, v26;
	(xrf0) =	vmax.scan.msk.u32 $0xffff, v27  }
0x3fb: {  	(xrf0) =	vmax.scan.msk.u32 $0xffff, v26;
	_ =	sdelay $0x4  }
0x3fc: {  	v26, _, _ =	vpop (xrf0)  }
0x3fd: {  	(v2sf) =	vpush v26, $0xF;
	v26, _, _ =	vpop (xrf0)  }
0x3fe: {  	(v2sf) =	vpush v26, $0xF;
	_ =	sdelay $0xd  }
0x3ff: {  	s29 =	spop (v2sf)  }
0x400: {  	s28 =	spop (v2sf)  }
0x401: {  	p0 =	seq.s32 s7, s8;
	s7 =	sxor.u32 $0x80000000, s29;
	s28 =	sxor.u32 $0x80000000, s28  }
0x402: {  	s7 =	simm.s32 @p0 $0x0;
	s28 =	simm.s32 @p0 $0x0  }
0x403: {  	s29 =	sadd.s32 s7, s28  }
0x404: {  	p0 =	sge.s32 s7, s29  }
.Ltmp18:
0x405: {  	_ = 	snop;
	(pc) =	sbr.rel @p0 .LBB2_30-.Ltmp18, $4  }
0x406: {  	_ = 	snop  }
0x407: {  	_ =	swait.ge [sflag:s21], $0x2000  }
0x408: {  	[sflag:s21] =	ssyncset.done $0x0  }
0x409: {  	[sflag:s21] =	ssyncadd.s32 $0xFFFFE000  }
0x40a: {  	p1 =	sne.s32 s28, $0x1  }
.Ltmp19:
0x40b: {  	_ = 	snop;
	(pc) =	sbr.rel @!p1 .LBB2_25-.Ltmp19, $4  }
0x40c: {  	_ = 	snop  }
0x40d: {  	s9 =	sshll.u32 s7, $0x9  }
0x40e: {  	s9 =	sshra.s32 s9, $0x2  }
0x40f: {  	v30 =	vmov s7;
	s28 =	sadd.s32 $0xFFFFFFFF, s28;
	p0 =	por $0x0, $0x0;
	s9 =	sadd.s32 $0x95A0, s9  }
0x410: {  	_ =	sdelay $0x3  }
0x411: {  	v30 =	vld.idx.msk [tilespmem:v30+s15+$0x0], $0xffff;
	_ =	sdelay $0x2  }
0x412: {  	v26 =	vmul.u32 $0x80, v1;
	_ =	sdelay $0x1  }
0x413: {  	v27 =	vadd.s32 v26, v30;
	_ =	sdelay $0x4  }
0x414: {  	v27 =	vld.idx.msk [tilespmem:v27+s22+$0x0], $0xffff;
	_ =	sdelay $0x4  }
0x415: {  	v27 =	vsub.f32 $0.0e+00, v27;
	_ =	sdelay $0x1  }
0x416: {  	v27 =	vmul.f32 $1.442695020e+00, v27;
	_ =	sdelay $0x1  }
0x417: {  	(erf) = vpow2.f32 v27;
	_ =	sdelay $0x8  }
0x418: {  	v27 =	vpop (erf)  }
0x419: {  	v27 =	vadd.f32 $1.000000000e+00, v27;
	_ =	sdelay $0x1  }
0x41a: {  	(erf) = vrcp.f32 v27;
	_ =	sdelay $0x4  }
0x41b: {  	v27 =	vor.u32 $0x800, v26  }
0x41c: {  	v28 =	vadd.s32 v27, v30;
	_ =	sdelay $0x2  }
0x41d: {  	v29 =	vpop (erf)  }
0x41e: {  	[tilespmem:s9+$0xFFFFFFE0] =	vst v29  }
0x41f: {  	v28 =	vld.idx.msk [tilespmem:v28+s22+$0x0], $0xffff;
	_ =	sdelay $0x4  }
0x420: {  	v28 =	vsub.f32 $0.0e+00, v28;
	_ =	sdelay $0x1  }
0x421: {  	v28 =	vmul.f32 $1.442695020e+00, v28;
	_ =	sdelay $0x1  }
0x422: {  	(erf) = vpow2.f32 v28;
	_ =	sdelay $0x8  }
0x423: {  	v28 =	vpop (erf)  }
0x424: {  	v28 =	vadd.f32 $1.000000000e+00, v28;
	_ =	sdelay $0x1  }
0x425: {  	(erf) = vrcp.f32 v28;
	_ =	sdelay $0x4  }
0x426: {  	v28 =	vor.u32 $0x1000, v26  }
0x427: {  	v29 =	vadd.s32 v28, v30;
	_ =	sdelay $0x2  }
0x428: {  	v31 =	vpop (erf)  }
0x429: {  	[tilespmem:s9+$0xFFFFFFF0] =	vst v31  }
0x42a: {  	v29 =	vld.idx.msk [tilespmem:v29+s22+$0x0], $0xffff;
	_ =	sdelay $0x4  }
0x42b: {  	v29 =	vsub.f32 $0.0e+00, v29;
	_ =	sdelay $0x1  }
0x42c: {  	v29 =	vmul.f32 $1.442695020e+00, v29;
	_ =	sdelay $0x1  }
0x42d: {  	(erf) = vpow2.f32 v29;
	_ =	sdelay $0x8  }
0x42e: {  	v29 =	vpop (erf)  }
0x42f: {  	v29 =	vadd.f32 $1.000000000e+00, v29;
	_ =	sdelay $0x1  }
0x430: {  	(erf) = vrcp.f32 v29;
	_ =	sdelay $0x4  }
0x431: {  	v29 =	vor.u32 $0x1800, v26  }
0x432: {  	v30 =	vadd.s32 v29, v30;
	_ =	sdelay $0x2  }
0x433: {  	v31 =	vpop (erf)  }
0x434: {  	[tilespmem:s9+$0x0] =	vst v31  }
0x435: {  	v30 =	vld.idx.msk [tilespmem:v30+s22+$0x0], $0xffff;
	_ =	sdelay $0x4  }
0x436: {  	v30 =	vsub.f32 $0.0e+00, v30;
	_ =	sdelay $0x1  }
0x437: {  	v30 =	vmul.f32 $1.442695020e+00, v30;
	_ =	sdelay $0x1  }
0x438: {  	(erf) = vpow2.f32 v30;
	_ =	sdelay $0x8  }
0x439: {  	v30 =	vpop (erf)  }
0x43a: {  	v30 =	vadd.f32 $1.000000000e+00, v30;
	_ =	sdelay $0x1  }
0x43b: {  	(erf) = vrcp.f32 v30  }
0x43c: {  	p1 =	sne.s32 s28, $0x1  }
.Ltmp20:
0x43d: {  	_ = 	snop;
	(pc) =	sbr.rel @!p1 .LBB2_27-.Ltmp20, $3  }
0x43e: {  	_ =	sdelay $0x1  }
0x43f: {  	s7 =	sadd.s32 $0x1, s7  }
0x440: {  	s29 =	sadd.s32 $0xFFFFFFFF, s28;
	p0 =	por $0x1, $0x1;
	s28 =	smov.u32 s9;
	v30 =	vmov s7  }
.LBB2_28:
0x441: {  	p1 =	sne.s32 s29, $0x1;
	_ =	sdelay $0x1  }
0x442: {  	v31 =	vpop (erf)  }
0x443: {  	[tilespmem:s28+$0x10] =	vst v31  }
0x444: {  	v30 =	vld.idx.msk [tilespmem:v30+s15+$0x0], $0xffff;
	_ =	sdelay $0x5  }
0x445: {  	v31 =	vadd.s32 v26, v30;
	v32 =	vadd.s32 v27, v30;
	v33 =	vadd.s32 v28, v30  }
0x446: {  	v30 =	vadd.s32 v29, v30;
	_ =	sdelay $0x3  }
0x447: {  	v31 =	vld.idx.msk [tilespmem:v31+s22+$0x0], $0xffff;
	_ =	sdelay $0x5  }
0x448: {  	v31 =	vsub.f32 $0.0e+00, v31;
	_ =	sdelay $0x1  }
0x449: {  	v31 =	vmul.f32 $1.442695020e+00, v31;
	_ =	sdelay $0x1  }
0x44a: {  	(erf) = vpow2.f32 v31;
	_ =	sdelay $0x8  }
0x44b: {  	v31 =	vpop (erf)  }
0x44c: {  	v31 =	vadd.f32 $1.000000000e+00, v31;
	_ =	sdelay $0x1  }
0x44d: {  	(erf) = vrcp.f32 v31;
	_ =	sdelay $0x8  }
0x44e: {  	s28 =	sadd.s32 $0x80, s28;
	v31 =	vpop (erf)  }
0x44f: {  	[tilespmem:s28+$0xFFFFFFE0] =	vst v31  }
0x450: {  	v31 =	vld.idx.msk [tilespmem:v32+s22+$0x0], $0xffff;
	_ =	sdelay $0x5  }
0x451: {  	v31 =	vsub.f32 $0.0e+00, v31;
	_ =	sdelay $0x1  }
0x452: {  	v31 =	vmul.f32 $1.442695020e+00, v31;
	_ =	sdelay $0x1  }
0x453: {  	(erf) = vpow2.f32 v31;
	_ =	sdelay $0x8  }
0x454: {  	v31 =	vpop (erf)  }
0x455: {  	v31 =	vadd.f32 $1.000000000e+00, v31;
	_ =	sdelay $0x1  }
0x456: {  	(erf) = vrcp.f32 v31;
	_ =	sdelay $0x8  }
0x457: {  	v31 =	vpop (erf)  }
0x458: {  	[tilespmem:s28+$0xFFFFFFF0] =	vst v31  }
0x459: {  	v31 =	vld.idx.msk [tilespmem:v33+s22+$0x0], $0xffff;
	_ =	sdelay $0x5  }
0x45a: {  	v31 =	vsub.f32 $0.0e+00, v31;
	_ =	sdelay $0x1  }
0x45b: {  	v31 =	vmul.f32 $1.442695020e+00, v31;
	_ =	sdelay $0x1  }
0x45c: {  	(erf) = vpow2.f32 v31;
	_ =	sdelay $0x8  }
0x45d: {  	v31 =	vpop (erf)  }
0x45e: {  	v31 =	vadd.f32 $1.000000000e+00, v31;
	_ =	sdelay $0x1  }
0x45f: {  	(erf) = vrcp.f32 v31;
	_ =	sdelay $0x8  }
0x460: {  	v31 =	vpop (erf)  }
0x461: {  	[tilespmem:s28+$0x0] =	vst v31  }
0x462: {  	v30 =	vld.idx.msk [tilespmem:v30+s22+$0x0], $0xffff;
	_ =	sdelay $0x5  }
0x463: {  	v30 =	vsub.f32 $0.0e+00, v30;
	_ =	sdelay $0x1  }
0x464: {  	v30 =	vmul.f32 $1.442695020e+00, v30;
	_ =	sdelay $0x1  }
0x465: {  	(erf) = vpow2.f32 v30;
	_ =	sdelay $0x8  }
0x466: {  	v30 =	vpop (erf)  }
0x467: {  	v30 =	vadd.f32 $1.000000000e+00, v30;
	_ =	sdelay $0x1  }
0x468: {  	(erf) = vrcp.f32 v30;
	_ =	sdelay $0x1  }
.Ltmp21:
0x469: {  	(pc) =	sbr.rel @p1 .LBB2_28-.Ltmp21, $3  }
0x46a: {  	_ =	sdelay $0x1  }
0x46b: {  	s7 =	sadd.s32 $0x1, s7  }
0x46c: {  	s29 =	sadd.s32 $0xFFFFFFFF, s29;
	v30 =	vmov s7  }
.LBB2_29:
0x46d: {  	_ =	sdelay $0x1  }
0x46e: {  	v26 =	vpop @p0 (erf)  }
0x46f: {  	[tilespmem:s28+$0x10] =	vst @p0 v26  }
0x470: {  	v26 =	vld.idx.msk [tilespmem:v30+s15+$0x0], $0xffff;
	_ =	sdelay $0x2  }
0x471: {  	v27 =	vmul.u32 $0x80, v1;
	_ =	sdelay $0x1  }
0x472: {  	v28 =	vadd.s32 v27, v26;
	_ =	sdelay $0x4  }
0x473: {  	v28 =	vld.idx.msk [tilespmem:v28+s22+$0x0], $0xffff;
	_ =	sdelay $0x4  }
0x474: {  	v28 =	vsub.f32 $0.0e+00, v28;
	_ =	sdelay $0x1  }
0x475: {  	v28 =	vmul.f32 $1.442695020e+00, v28;
	_ =	sdelay $0x1  }
0x476: {  	(erf) = vpow2.f32 v28;
	_ =	sdelay $0x8  }
0x477: {  	v28 =	vpop (erf)  }
0x478: {  	v28 =	vadd.f32 $1.000000000e+00, v28;
	_ =	sdelay $0x1  }
0x479: {  	(erf) = vrcp.f32 v28;
	_ =	sdelay $0x4  }
0x47a: {  	v61 =	vor.u32 $0x800, v27  }
0x47b: {  	v28 =	vadd.s32 v61, v26;
	_ =	sdelay $0x1  }
0x47c: {  	s7 =	sadd.s32 @p0 $0x80, s28  }
0x47d: {  	s9 =	smov.u32 @p0 s7;
	v29 =	vpop (erf)  }
0x47e: {  	[tilespmem:s9+$0xFFFFFFE0] =	vst v29  }
0x47f: {  	v28 =	vld.idx.msk [tilespmem:v28+s22+$0x0], $0xffff;
	_ =	sdelay $0x4  }
0x480: {  	v28 =	vsub.f32 $0.0e+00, v28;
	_ =	sdelay $0x1  }
0x481: {  	v28 =	vmul.f32 $1.442695020e+00, v28;
	_ =	sdelay $0x1  }
0x482: {  	(erf) = vpow2.f32 v28;
	_ =	sdelay $0x8  }
0x483: {  	v28 =	vpop (erf)  }
0x484: {  	v28 =	vadd.f32 $1.000000000e+00, v28;
	_ =	sdelay $0x1  }
0x485: {  	(erf) = vrcp.f32 v28;
	_ =	sdelay $0x4  }
0x486: {  	v62 =	vor.u32 $0x1000, v27  }
0x487: {  	v28 =	vadd.s32 v62, v26;
	_ =	sdelay $0x2  }
0x488: {  	v63 =	vpop (erf)  }
0x489: {  	[tilespmem:s9+$0xFFFFFFF0] =	vst v63  }
0x48a: {  	v28 =	vld.idx.msk [tilespmem:v28+s22+$0x0], $0xffff;
	_ =	sdelay $0x4  }
0x48b: {  	v28 =	vsub.f32 $0.0e+00, v28;
	_ =	sdelay $0x1  }
0x48c: {  	v28 =	vmul.f32 $1.442695020e+00, v28;
	_ =	sdelay $0x1  }
0x48d: {  	(erf) = vpow2.f32 v28;
	_ =	sdelay $0x8  }
0x48e: {  	v28 =	vpop (erf)  }
0x48f: {  	v28 =	vadd.f32 $1.000000000e+00, v28;
	_ =	sdelay $0x1  }
0x490: {  	(erf) = vrcp.f32 v28;
	_ =	sdelay $0x4  }
0x491: {  	v27 =	vor.u32 $0x1800, v27  }
0x492: {  	v26 =	vadd.s32 v27, v26;
	_ =	sdelay $0x2  }
0x493: {  	v27 =	vpop (erf)  }
0x494: {  	[tilespmem:s9+$0x0] =	vst v27  }
0x495: {  	v26 =	vld.idx.msk [tilespmem:v26+s22+$0x0], $0xffff;
	_ =	sdelay $0x4  }
0x496: {  	v26 =	vsub.f32 $0.0e+00, v26;
	_ =	sdelay $0x1  }
0x497: {  	v26 =	vmul.f32 $1.442695020e+00, v26;
	_ =	sdelay $0x1  }
0x498: {  	(erf) = vpow2.f32 v26;
	_ =	sdelay $0x8  }
0x499: {  	v26 =	vpop (erf)  }
0x49a: {  	v26 =	vadd.f32 $1.000000000e+00, v26;
	_ =	sdelay $0x1  }
0x49b: {  	(erf) = vrcp.f32 v26;
	_ =	sdelay $0x8  }
0x49c: {  	v26 =	vpop (erf)  }
0x49d: {  	[tilespmem:s9+$0x10] =	vst v26  }
.LBB2_30:
0x49e: {  	s7 =	sadd.s32 $0x5, s3  }
0x49f: {  	v26 =	vmov s7  }
0x4a0: {  	v26 =	vand.u32 $0xFFFFFFFD, v26  }
0x4a1: {  	v26 =	vbroadcast v26, $0x0;
	_ =	sdelay $0x5  }
0x4a2: {  	v26 =	vld.idx.msk [tilespmem:v26+s14+$0x0], $0xffff;
	_ =	sdelay $0x4  }
0x4a3: {  	v26 =	vxor.u32 $0x80000000, v26  }
0x4a4: {  	(xrf0) =	vmax.scan.msk.u32 $0xffff, v26;
	_ =	sdelay $0x5  }
0x4a5: {  	v26, _, _ =	vpop (xrf0)  }
0x4a6: {  	(v2sf) =	vpush v26, $0xF;
	_ =	sdelay $0xd  }
0x4a7: {  	s9 =	sor.u32 $0x2, s3  }
0x4a8: {  	v26 =	vmov s9;
	s7 =	spop (v2sf)  }
0x4a9: {  	v26 =	vand.u32 $0xFFFFFFFE, v26;
	p0 =	sne.s32 s7, $0x80001E84  }
0x4aa: {  	v26 =	vbroadcast v26, $0x0;
	s7 =	sshll.u32 @p0 s7, $0x7  }
0x4ab: {  	s9 =	simm.s32 @p0 $0x400;
	s7 =	sand.u32 @p0 $0x1FFFFF80, s7  }
0x4ac: {  	s28 =	simm.s32 @p0 $0x7A1400;
	s29 =	simm.s32 @p0 $0x3580;
	s7 =	sadd.s32 @p0 s1, s7  }
0x4ad: {  	[tilespmem:s29], [sflag:$0x2] =	stream.strided.gather @p0 [hbm4b:s7+s9], $0x2000, s28, s9, $0x38;
	[tilespmem:$0x1D780] =	vst v63  }
0x4ae: {  	s7 =	simm.s32 @!p0 $0x0;
	s9 =	simm.s32 @!p0 $0x3580  }
0x4af: {  	[tilespmem:s9], [sflag:$0x2] =	stream.linear.gather @!p0 [hbm4b:s2+s7], $0x2000, $0x38;
	[tilespmem:$0x1D780] =	vst v63  }
0x4b0: {  	v26 =	vld.idx.msk [tilespmem:v26+s14+$0x0], $0xffff;
	_ =	sdelay $0x4  }
0x4b1: {  	v26 =	vxor.u32 $0x80000000, v26  }
0x4b2: {  	(xrf0) =	vmax.scan.msk.u32 $0xffff, v26;
	_ =	sdelay $0x5  }
0x4b3: {  	v26, _, _ =	vpop (xrf0)  }
0x4b4: {  	(v2sf) =	vpush v26, $0xF;
	_ =	sdelay $0xe  }
0x4b5: {  	s9 =	spop (v2sf)  }
0x4b6: {  	s7 =	sxor.u32 $0x80000000, s9  }
0x4b7: {  	s9 =	ssub.s32 s7, s6  }
0x4b8: {  	p0 =	sgt.s32 s9, $0x0  }
0x4b9: {  	s9 =	simm.s32 @!p0 $0x0  }
0x4ba: {  	s9 =	smin.u32 s9, $0xFF  }
0x4bb: {  	v26 =	vmov s9  }
0x4bc: {  	v26 =	vbroadcast v26, $0x0;
	_ =	sdelay $0x5  }
0x4bd: {  	v27 =	vld.idx.msk [tilespmem:v26+s17+$0x0], $0xffff  }
0x4be: {  	v26 =	vld.idx.msk [tilespmem:v26+s18+$0x0], $0xffff;
	_ =	sdelay $0x3  }
0x4bf: {  	v27 =	vxor.u32 $0x80000000, v27  }
0x4c0: {  	v26 =	vxor.u32 $0x80000000, v26;
	(xrf0) =	vmax.scan.msk.u32 $0xffff, v27  }
0x4c1: {  	(xrf0) =	vmax.scan.msk.u32 $0xffff, v26;
	_ =	sdelay $0x4  }
0x4c2: {  	v26, _, _ =	vpop (xrf0)  }
0x4c3: {  	(v2sf) =	vpush v26, $0xF;
	v26, _, _ =	vpop (xrf0)  }
0x4c4: {  	(v2sf) =	vpush v26, $0xF;
	_ =	sdelay $0xd  }
0x4c5: {  	s29 =	spop (v2sf)  }
0x4c6: {  	s28 =	spop (v2sf)  }
0x4c7: {  	p0 =	seq.s32 s7, s8;
	s7 =	sxor.u32 $0x80000000, s29;
	s28 =	sxor.u32 $0x80000000, s28  }
0x4c8: {  	s7 =	simm.s32 @p0 $0x0;
	s28 =	simm.s32 @p0 $0x0  }
0x4c9: {  	s29 =	sadd.s32 s7, s28  }
0x4ca: {  	p0 =	sge.s32 s7, s29  }
.Ltmp22:
0x4cb: {  	_ = 	snop;
	(pc) =	sbr.rel @p0 .LBB2_37-.Ltmp22, $4  }
0x4cc: {  	_ = 	snop  }
0x4cd: {  	_ =	swait.ge [sflag:s23], $0x2000  }
0x4ce: {  	[sflag:s23] =	ssyncset.done $0x0  }
0x4cf: {  	[sflag:s23] =	ssyncadd.s32 $0xFFFFE000  }
0x4d0: {  	p1 =	sne.s32 s28, $0x1  }
.Ltmp23:
0x4d1: {  	_ = 	snop;
	(pc) =	sbr.rel @!p1 .LBB2_32-.Ltmp23, $4  }
0x4d2: {  	_ = 	snop  }
0x4d3: {  	s9 =	sshll.u32 s7, $0x9  }
0x4d4: {  	s9 =	sshra.s32 s9, $0x2  }
0x4d5: {  	v30 =	vmov s7;
	s28 =	sadd.s32 $0xFFFFFFFF, s28;
	p0 =	por $0x0, $0x0;
	s9 =	sadd.s32 $0x95A0, s9  }
0x4d6: {  	_ =	sdelay $0x3  }
0x4d7: {  	v30 =	vld.idx.msk [tilespmem:v30+s15+$0x0], $0xffff;
	_ =	sdelay $0x2  }
0x4d8: {  	v26 =	vmul.u32 $0x80, v1;
	_ =	sdelay $0x1  }
0x4d9: {  	v27 =	vadd.s32 v26, v30;
	_ =	sdelay $0x4  }
0x4da: {  	v27 =	vld.idx.msk [tilespmem:v27+s24+$0x0], $0xffff;
	_ =	sdelay $0x4  }
0x4db: {  	v27 =	vsub.f32 $0.0e+00, v27;
	_ =	sdelay $0x1  }
0x4dc: {  	v27 =	vmul.f32 $1.442695020e+00, v27;
	_ =	sdelay $0x1  }
0x4dd: {  	(erf) = vpow2.f32 v27;
	_ =	sdelay $0x8  }
0x4de: {  	v27 =	vpop (erf)  }
0x4df: {  	v27 =	vadd.f32 $1.000000000e+00, v27;
	_ =	sdelay $0x1  }
0x4e0: {  	(erf) = vrcp.f32 v27;
	_ =	sdelay $0x4  }
0x4e1: {  	v27 =	vor.u32 $0x800, v26  }
0x4e2: {  	v28 =	vadd.s32 v27, v30;
	_ =	sdelay $0x2  }
0x4e3: {  	v29 =	vpop (erf)  }
0x4e4: {  	[tilespmem:s9+$0xFFFFFFE0] =	vst v29  }
0x4e5: {  	v28 =	vld.idx.msk [tilespmem:v28+s24+$0x0], $0xffff;
	_ =	sdelay $0x4  }
0x4e6: {  	v28 =	vsub.f32 $0.0e+00, v28;
	_ =	sdelay $0x1  }
0x4e7: {  	v28 =	vmul.f32 $1.442695020e+00, v28;
	_ =	sdelay $0x1  }
0x4e8: {  	(erf) = vpow2.f32 v28;
	_ =	sdelay $0x8  }
0x4e9: {  	v28 =	vpop (erf)  }
0x4ea: {  	v28 =	vadd.f32 $1.000000000e+00, v28;
	_ =	sdelay $0x1  }
0x4eb: {  	(erf) = vrcp.f32 v28;
	_ =	sdelay $0x4  }
0x4ec: {  	v28 =	vor.u32 $0x1000, v26  }
0x4ed: {  	v29 =	vadd.s32 v28, v30;
	_ =	sdelay $0x2  }
0x4ee: {  	v31 =	vpop (erf)  }
0x4ef: {  	[tilespmem:s9+$0xFFFFFFF0] =	vst v31  }
0x4f0: {  	v29 =	vld.idx.msk [tilespmem:v29+s24+$0x0], $0xffff;
	_ =	sdelay $0x4  }
0x4f1: {  	v29 =	vsub.f32 $0.0e+00, v29;
	_ =	sdelay $0x1  }
0x4f2: {  	v29 =	vmul.f32 $1.442695020e+00, v29;
	_ =	sdelay $0x1  }
0x4f3: {  	(erf) = vpow2.f32 v29;
	_ =	sdelay $0x8  }
0x4f4: {  	v29 =	vpop (erf)  }
0x4f5: {  	v29 =	vadd.f32 $1.000000000e+00, v29;
	_ =	sdelay $0x1  }
0x4f6: {  	(erf) = vrcp.f32 v29;
	_ =	sdelay $0x4  }
0x4f7: {  	v29 =	vor.u32 $0x1800, v26  }
0x4f8: {  	v30 =	vadd.s32 v29, v30;
	_ =	sdelay $0x2  }
0x4f9: {  	v31 =	vpop (erf)  }
0x4fa: {  	[tilespmem:s9+$0x0] =	vst v31  }
0x4fb: {  	v30 =	vld.idx.msk [tilespmem:v30+s24+$0x0], $0xffff;
	_ =	sdelay $0x4  }
0x4fc: {  	v30 =	vsub.f32 $0.0e+00, v30;
	_ =	sdelay $0x1  }
0x4fd: {  	v30 =	vmul.f32 $1.442695020e+00, v30;
	_ =	sdelay $0x1  }
0x4fe: {  	(erf) = vpow2.f32 v30;
	_ =	sdelay $0x8  }
0x4ff: {  	v30 =	vpop (erf)  }
0x500: {  	v30 =	vadd.f32 $1.000000000e+00, v30;
	_ =	sdelay $0x1  }
0x501: {  	(erf) = vrcp.f32 v30  }
0x502: {  	p1 =	sne.s32 s28, $0x1  }
.Ltmp24:
0x503: {  	_ = 	snop;
	(pc) =	sbr.rel @!p1 .LBB2_34-.Ltmp24, $3  }
0x504: {  	_ =	sdelay $0x1  }
0x505: {  	s7 =	sadd.s32 $0x1, s7  }
0x506: {  	s29 =	sadd.s32 $0xFFFFFFFF, s28;
	p0 =	por $0x1, $0x1;
	s28 =	smov.u32 s9;
	v30 =	vmov s7  }
.LBB2_35:
0x507: {  	p1 =	sne.s32 s29, $0x1;
	_ =	sdelay $0x1  }
0x508: {  	v31 =	vpop (erf)  }
0x509: {  	[tilespmem:s28+$0x10] =	vst v31  }
0x50a: {  	v30 =	vld.idx.msk [tilespmem:v30+s15+$0x0], $0xffff;
	_ =	sdelay $0x5  }
0x50b: {  	v31 =	vadd.s32 v26, v30;
	v32 =	vadd.s32 v27, v30;
	v33 =	vadd.s32 v28, v30  }
0x50c: {  	v30 =	vadd.s32 v29, v30;
	_ =	sdelay $0x3  }
0x50d: {  	v31 =	vld.idx.msk [tilespmem:v31+s24+$0x0], $0xffff;
	_ =	sdelay $0x5  }
0x50e: {  	v31 =	vsub.f32 $0.0e+00, v31;
	_ =	sdelay $0x1  }
0x50f: {  	v31 =	vmul.f32 $1.442695020e+00, v31;
	_ =	sdelay $0x1  }
0x510: {  	(erf) = vpow2.f32 v31;
	_ =	sdelay $0x8  }
0x511: {  	v31 =	vpop (erf)  }
0x512: {  	v31 =	vadd.f32 $1.000000000e+00, v31;
	_ =	sdelay $0x1  }
0x513: {  	(erf) = vrcp.f32 v31;
	_ =	sdelay $0x8  }
0x514: {  	s28 =	sadd.s32 $0x80, s28;
	v31 =	vpop (erf)  }
0x515: {  	[tilespmem:s28+$0xFFFFFFE0] =	vst v31  }
0x516: {  	v31 =	vld.idx.msk [tilespmem:v32+s24+$0x0], $0xffff;
	_ =	sdelay $0x5  }
0x517: {  	v31 =	vsub.f32 $0.0e+00, v31;
	_ =	sdelay $0x1  }
0x518: {  	v31 =	vmul.f32 $1.442695020e+00, v31;
	_ =	sdelay $0x1  }
0x519: {  	(erf) = vpow2.f32 v31;
	_ =	sdelay $0x8  }
0x51a: {  	v31 =	vpop (erf)  }
0x51b: {  	v31 =	vadd.f32 $1.000000000e+00, v31;
	_ =	sdelay $0x1  }
0x51c: {  	(erf) = vrcp.f32 v31;
	_ =	sdelay $0x8  }
0x51d: {  	v31 =	vpop (erf)  }
0x51e: {  	[tilespmem:s28+$0xFFFFFFF0] =	vst v31  }
0x51f: {  	v31 =	vld.idx.msk [tilespmem:v33+s24+$0x0], $0xffff;
	_ =	sdelay $0x5  }
0x520: {  	v31 =	vsub.f32 $0.0e+00, v31;
	_ =	sdelay $0x1  }
0x521: {  	v31 =	vmul.f32 $1.442695020e+00, v31;
	_ =	sdelay $0x1  }
0x522: {  	(erf) = vpow2.f32 v31;
	_ =	sdelay $0x8  }
0x523: {  	v31 =	vpop (erf)  }
0x524: {  	v31 =	vadd.f32 $1.000000000e+00, v31;
	_ =	sdelay $0x1  }
0x525: {  	(erf) = vrcp.f32 v31;
	_ =	sdelay $0x8  }
0x526: {  	v31 =	vpop (erf)  }
0x527: {  	[tilespmem:s28+$0x0] =	vst v31  }
0x528: {  	v30 =	vld.idx.msk [tilespmem:v30+s24+$0x0], $0xffff;
	_ =	sdelay $0x5  }
0x529: {  	v30 =	vsub.f32 $0.0e+00, v30;
	_ =	sdelay $0x1  }
0x52a: {  	v30 =	vmul.f32 $1.442695020e+00, v30;
	_ =	sdelay $0x1  }
0x52b: {  	(erf) = vpow2.f32 v30;
	_ =	sdelay $0x8  }
0x52c: {  	v30 =	vpop (erf)  }
0x52d: {  	v30 =	vadd.f32 $1.000000000e+00, v30;
	_ =	sdelay $0x1  }
0x52e: {  	(erf) = vrcp.f32 v30;
	_ =	sdelay $0x1  }
.Ltmp25:
0x52f: {  	(pc) =	sbr.rel @p1 .LBB2_35-.Ltmp25, $3  }
0x530: {  	_ =	sdelay $0x1  }
0x531: {  	s7 =	sadd.s32 $0x1, s7  }
0x532: {  	s29 =	sadd.s32 $0xFFFFFFFF, s29;
	v30 =	vmov s7  }
.LBB2_36:
0x533: {  	_ =	sdelay $0x1  }
0x534: {  	v26 =	vpop @p0 (erf)  }
0x535: {  	[tilespmem:s28+$0x10] =	vst @p0 v26  }
0x536: {  	v26 =	vld.idx.msk [tilespmem:v30+s15+$0x0], $0xffff;
	_ =	sdelay $0x2  }
0x537: {  	v27 =	vmul.u32 $0x80, v1;
	_ =	sdelay $0x1  }
0x538: {  	v28 =	vadd.s32 v27, v26;
	_ =	sdelay $0x4  }
0x539: {  	v28 =	vld.idx.msk [tilespmem:v28+s24+$0x0], $0xffff;
	_ =	sdelay $0x4  }
0x53a: {  	v28 =	vsub.f32 $0.0e+00, v28;
	_ =	sdelay $0x1  }
0x53b: {  	v28 =	vmul.f32 $1.442695020e+00, v28;
	_ =	sdelay $0x1  }
0x53c: {  	(erf) = vpow2.f32 v28;
	_ =	sdelay $0x8  }
0x53d: {  	v28 =	vpop (erf)  }
0x53e: {  	v28 =	vadd.f32 $1.000000000e+00, v28;
	_ =	sdelay $0x1  }
0x53f: {  	(erf) = vrcp.f32 v28;
	_ =	sdelay $0x4  }
0x540: {  	v61 =	vor.u32 $0x800, v27  }
0x541: {  	v28 =	vadd.s32 v61, v26;
	_ =	sdelay $0x1  }
0x542: {  	s7 =	sadd.s32 @p0 $0x80, s28  }
0x543: {  	s9 =	smov.u32 @p0 s7;
	v29 =	vpop (erf)  }
0x544: {  	[tilespmem:s9+$0xFFFFFFE0] =	vst v29  }
0x545: {  	v28 =	vld.idx.msk [tilespmem:v28+s24+$0x0], $0xffff;
	_ =	sdelay $0x4  }
0x546: {  	v28 =	vsub.f32 $0.0e+00, v28;
	_ =	sdelay $0x1  }
0x547: {  	v28 =	vmul.f32 $1.442695020e+00, v28;
	_ =	sdelay $0x1  }
0x548: {  	(erf) = vpow2.f32 v28;
	_ =	sdelay $0x8  }
0x549: {  	v28 =	vpop (erf)  }
0x54a: {  	v28 =	vadd.f32 $1.000000000e+00, v28;
	_ =	sdelay $0x1  }
0x54b: {  	(erf) = vrcp.f32 v28;
	_ =	sdelay $0x4  }
0x54c: {  	v62 =	vor.u32 $0x1000, v27  }
0x54d: {  	v28 =	vadd.s32 v62, v26;
	_ =	sdelay $0x2  }
0x54e: {  	v63 =	vpop (erf)  }
0x54f: {  	[tilespmem:s9+$0xFFFFFFF0] =	vst v63  }
0x550: {  	v28 =	vld.idx.msk [tilespmem:v28+s24+$0x0], $0xffff;
	_ =	sdelay $0x4  }
0x551: {  	v28 =	vsub.f32 $0.0e+00, v28;
	_ =	sdelay $0x1  }
0x552: {  	v28 =	vmul.f32 $1.442695020e+00, v28;
	_ =	sdelay $0x1  }
0x553: {  	(erf) = vpow2.f32 v28;
	_ =	sdelay $0x8  }
0x554: {  	v28 =	vpop (erf)  }
0x555: {  	v28 =	vadd.f32 $1.000000000e+00, v28;
	_ =	sdelay $0x1  }
0x556: {  	(erf) = vrcp.f32 v28;
	_ =	sdelay $0x4  }
0x557: {  	v27 =	vor.u32 $0x1800, v27  }
0x558: {  	v26 =	vadd.s32 v27, v26;
	_ =	sdelay $0x2  }
0x559: {  	v27 =	vpop (erf)  }
0x55a: {  	[tilespmem:s9+$0x0] =	vst v27  }
0x55b: {  	v26 =	vld.idx.msk [tilespmem:v26+s24+$0x0], $0xffff;
	_ =	sdelay $0x4  }
0x55c: {  	v26 =	vsub.f32 $0.0e+00, v26;
	_ =	sdelay $0x1  }
0x55d: {  	v26 =	vmul.f32 $1.442695020e+00, v26;
	_ =	sdelay $0x1  }
0x55e: {  	(erf) = vpow2.f32 v26;
	_ =	sdelay $0x8  }
0x55f: {  	v26 =	vpop (erf)  }
0x560: {  	v26 =	vadd.f32 $1.000000000e+00, v26;
	_ =	sdelay $0x1  }
0x561: {  	(erf) = vrcp.f32 v26;
	_ =	sdelay $0x8  }
0x562: {  	v26 =	vpop (erf)  }
0x563: {  	[tilespmem:s9+$0x10] =	vst v26  }
.LBB2_37:
0x564: {  	s7 =	sadd.s32 $0x6, s3  }
0x565: {  	v26 =	vmov s7  }
0x566: {  	v26 =	vand.u32 $0xFFFFFFFE, v26  }
0x567: {  	v26 =	vbroadcast v26, $0x0;
	_ =	sdelay $0x5  }
0x568: {  	v26 =	vld.idx.msk [tilespmem:v26+s14+$0x0], $0xffff;
	_ =	sdelay $0x4  }
0x569: {  	v26 =	vxor.u32 $0x80000000, v26  }
0x56a: {  	(xrf0) =	vmax.scan.msk.u32 $0xffff, v26;
	_ =	sdelay $0x5  }
0x56b: {  	v26, _, _ =	vpop (xrf0)  }
0x56c: {  	(v2sf) =	vpush v26, $0xF;
	_ =	sdelay $0xe  }
0x56d: {  	s7 =	spop (v2sf)  }
0x56e: {  	p0 =	sne.s32 s7, $0x80001E84  }
0x56f: {  	s9 =	sor.u32 $0x3, s3;
	s7 =	sshll.u32 @p0 s7, $0x7  }
0x570: {  	v26 =	vmov s9;
	s9 =	simm.s32 @p0 $0x400;
	s7 =	sand.u32 @p0 $0x1FFFFF80, s7  }
0x571: {  	s28 =	simm.s32 @p0 $0x7A1400;
	s29 =	simm.s32 @p0 $0x5580;
	s7 =	sadd.s32 @p0 s1, s7  }
0x572: {  	[tilespmem:s29], [sflag:$0x3] =	stream.strided.gather @p0 [hbm4b:s7+s9], $0x2000, s28, s9, $0x38;
	[tilespmem:$0x1D780] =	vst v63  }
0x573: {  	s7 =	simm.s32 @!p0 $0x0;
	s9 =	simm.s32 @!p0 $0x5580  }
0x574: {  	[tilespmem:s9], [sflag:$0x3] =	stream.linear.gather @!p0 [hbm4b:s2+s7], $0x2000, $0x38;
	[tilespmem:$0x1D780] =	vst v63  }
0x575: {  	v26 =	vld.idx.msk [tilespmem:v26+s14+$0x0], $0xffff;
	_ =	sdelay $0x4  }
0x576: {  	v26 =	vxor.u32 $0x80000000, v26  }
0x577: {  	(xrf0) =	vmax.scan.msk.u32 $0xffff, v26;
	_ =	sdelay $0x5  }
0x578: {  	v26, _, _ =	vpop (xrf0)  }
0x579: {  	(v2sf) =	vpush v26, $0xF;
	_ =	sdelay $0xe  }
0x57a: {  	s9 =	spop (v2sf)  }
0x57b: {  	s7 =	sxor.u32 $0x80000000, s9  }
0x57c: {  	s9 =	ssub.s32 s7, s6  }
0x57d: {  	p0 =	sgt.s32 s9, $0x0  }
0x57e: {  	s9 =	simm.s32 @!p0 $0x0  }
0x57f: {  	s9 =	smin.u32 s9, $0xFF  }
0x580: {  	v26 =	vmov s9  }
0x581: {  	v26 =	vbroadcast v26, $0x0;
	_ =	sdelay $0x5  }
0x582: {  	v27 =	vld.idx.msk [tilespmem:v26+s17+$0x0], $0xffff  }
0x583: {  	v26 =	vld.idx.msk [tilespmem:v26+s18+$0x0], $0xffff;
	_ =	sdelay $0x3  }
0x584: {  	v27 =	vxor.u32 $0x80000000, v27  }
0x585: {  	v26 =	vxor.u32 $0x80000000, v26;
	(xrf0) =	vmax.scan.msk.u32 $0xffff, v27  }
0x586: {  	(xrf0) =	vmax.scan.msk.u32 $0xffff, v26;
	_ =	sdelay $0x4  }
0x587: {  	v26, _, _ =	vpop (xrf0)  }
0x588: {  	(v2sf) =	vpush v26, $0xF;
	v26, _, _ =	vpop (xrf0)  }
0x589: {  	(v2sf) =	vpush v26, $0xF;
	_ =	sdelay $0xd  }
0x58a: {  	s29 =	spop (v2sf)  }
0x58b: {  	s28 =	spop (v2sf)  }
0x58c: {  	p0 =	seq.s32 s7, s8;
	s7 =	sxor.u32 $0x80000000, s29;
	s28 =	sxor.u32 $0x80000000, s28  }
0x58d: {  	s7 =	simm.s32 @p0 $0x0;
	s28 =	simm.s32 @p0 $0x0  }
0x58e: {  	s29 =	sadd.s32 s7, s28  }
0x58f: {  	p0 =	sge.s32 s7, s29  }
.Ltmp26:
0x590: {  	_ = 	snop;
	(pc) =	sbr.rel @p0 .LBB2_44-.Ltmp26, $4  }
0x591: {  	_ = 	snop  }
0x592: {  	_ =	swait.ge [sflag:s25], $0x2000  }
0x593: {  	[sflag:s25] =	ssyncset.done $0x0  }
0x594: {  	[sflag:s25] =	ssyncadd.s32 $0xFFFFE000  }
0x595: {  	p1 =	sne.s32 s28, $0x1  }
.Ltmp27:
0x596: {  	_ = 	snop;
	(pc) =	sbr.rel @!p1 .LBB2_39-.Ltmp27, $4  }
0x597: {  	_ = 	snop  }
0x598: {  	s9 =	sshll.u32 s7, $0x9  }
0x599: {  	s9 =	sshra.s32 s9, $0x2  }
0x59a: {  	v30 =	vmov s7;
	s28 =	sadd.s32 $0xFFFFFFFF, s28;
	p0 =	por $0x0, $0x0;
	v26 =	vmul.u32 $0x80, v1;
	s9 =	sadd.s32 $0x95A0, s9  }
0x59b: {  	_ =	sdelay $0x3  }
0x59c: {  	v30 =	vld.idx.msk [tilespmem:v30+s15+$0x0], $0xffff;
	_ =	sdelay $0x4  }
0x59d: {  	v27 =	vadd.s32 v26, v30;
	_ =	sdelay $0x4  }
0x59e: {  	v27 =	vld.idx.msk [tilespmem:v27+s26+$0x0], $0xffff;
	_ =	sdelay $0x4  }
0x59f: {  	v27 =	vsub.f32 $0.0e+00, v27;
	_ =	sdelay $0x1  }
0x5a0: {  	v27 =	vmul.f32 $1.442695020e+00, v27;
	_ =	sdelay $0x1  }
0x5a1: {  	(erf) = vpow2.f32 v27;
	_ =	sdelay $0x8  }
0x5a2: {  	v27 =	vpop (erf)  }
0x5a3: {  	v27 =	vadd.f32 $1.000000000e+00, v27;
	_ =	sdelay $0x1  }
0x5a4: {  	(erf) = vrcp.f32 v27;
	_ =	sdelay $0x4  }
0x5a5: {  	v27 =	vor.u32 $0x800, v26  }
0x5a6: {  	v28 =	vadd.s32 v27, v30;
	_ =	sdelay $0x2  }
0x5a7: {  	v29 =	vpop (erf)  }
0x5a8: {  	[tilespmem:s9+$0xFFFFFFE0] =	vst v29  }
0x5a9: {  	v28 =	vld.idx.msk [tilespmem:v28+s26+$0x0], $0xffff;
	_ =	sdelay $0x4  }
0x5aa: {  	v28 =	vsub.f32 $0.0e+00, v28;
	_ =	sdelay $0x1  }
0x5ab: {  	v28 =	vmul.f32 $1.442695020e+00, v28;
	_ =	sdelay $0x1  }
0x5ac: {  	(erf) = vpow2.f32 v28;
	_ =	sdelay $0x8  }
0x5ad: {  	v28 =	vpop (erf)  }
0x5ae: {  	v28 =	vadd.f32 $1.000000000e+00, v28;
	_ =	sdelay $0x1  }
0x5af: {  	(erf) = vrcp.f32 v28;
	_ =	sdelay $0x4  }
0x5b0: {  	v28 =	vor.u32 $0x1000, v26  }
0x5b1: {  	v29 =	vadd.s32 v28, v30;
	_ =	sdelay $0x2  }
0x5b2: {  	v31 =	vpop (erf)  }
0x5b3: {  	[tilespmem:s9+$0xFFFFFFF0] =	vst v31  }
0x5b4: {  	v29 =	vld.idx.msk [tilespmem:v29+s26+$0x0], $0xffff;
	_ =	sdelay $0x4  }
0x5b5: {  	v29 =	vsub.f32 $0.0e+00, v29;
	_ =	sdelay $0x1  }
0x5b6: {  	v29 =	vmul.f32 $1.442695020e+00, v29;
	_ =	sdelay $0x1  }
0x5b7: {  	(erf) = vpow2.f32 v29;
	_ =	sdelay $0x8  }
0x5b8: {  	v29 =	vpop (erf)  }
0x5b9: {  	v29 =	vadd.f32 $1.000000000e+00, v29;
	_ =	sdelay $0x1  }
0x5ba: {  	(erf) = vrcp.f32 v29;
	_ =	sdelay $0x4  }
0x5bb: {  	v29 =	vor.u32 $0x1800, v26  }
0x5bc: {  	v30 =	vadd.s32 v29, v30;
	_ =	sdelay $0x2  }
0x5bd: {  	v31 =	vpop (erf)  }
0x5be: {  	[tilespmem:s9+$0x0] =	vst v31  }
0x5bf: {  	v30 =	vld.idx.msk [tilespmem:v30+s26+$0x0], $0xffff;
	_ =	sdelay $0x4  }
0x5c0: {  	v30 =	vsub.f32 $0.0e+00, v30;
	_ =	sdelay $0x1  }
0x5c1: {  	v30 =	vmul.f32 $1.442695020e+00, v30;
	_ =	sdelay $0x1  }
0x5c2: {  	(erf) = vpow2.f32 v30;
	_ =	sdelay $0x8  }
0x5c3: {  	v30 =	vpop (erf)  }
0x5c4: {  	v30 =	vadd.f32 $1.000000000e+00, v30;
	_ =	sdelay $0x1  }
0x5c5: {  	(erf) = vrcp.f32 v30  }
0x5c6: {  	p1 =	sne.s32 s28, $0x1  }
.Ltmp28:
0x5c7: {  	_ = 	snop;
	(pc) =	sbr.rel @!p1 .LBB2_41-.Ltmp28, $3  }
0x5c8: {  	_ =	sdelay $0x1  }
0x5c9: {  	s7 =	sadd.s32 $0x1, s7  }
0x5ca: {  	s29 =	sadd.s32 $0xFFFFFFFF, s28;
	p0 =	por $0x1, $0x1;
	s28 =	smov.u32 s9;
	v30 =	vmov s7  }
.LBB2_42:
0x5cb: {  	p1 =	sne.s32 s29, $0x1;
	_ =	sdelay $0x1  }
0x5cc: {  	v31 =	vpop (erf)  }
0x5cd: {  	[tilespmem:s28+$0x10] =	vst v31  }
0x5ce: {  	v30 =	vld.idx.msk [tilespmem:v30+s15+$0x0], $0xffff;
	_ =	sdelay $0x5  }
0x5cf: {  	v31 =	vadd.s32 v26, v30;
	v32 =	vadd.s32 v27, v30;
	v33 =	vadd.s32 v28, v30  }
0x5d0: {  	v30 =	vadd.s32 v29, v30;
	_ =	sdelay $0x3  }
0x5d1: {  	v31 =	vld.idx.msk [tilespmem:v31+s26+$0x0], $0xffff;
	_ =	sdelay $0x5  }
0x5d2: {  	v31 =	vsub.f32 $0.0e+00, v31;
	_ =	sdelay $0x1  }
0x5d3: {  	v31 =	vmul.f32 $1.442695020e+00, v31;
	_ =	sdelay $0x1  }
0x5d4: {  	(erf) = vpow2.f32 v31;
	_ =	sdelay $0x8  }
0x5d5: {  	v31 =	vpop (erf)  }
0x5d6: {  	v31 =	vadd.f32 $1.000000000e+00, v31;
	_ =	sdelay $0x1  }
0x5d7: {  	(erf) = vrcp.f32 v31;
	_ =	sdelay $0x8  }
0x5d8: {  	s28 =	sadd.s32 $0x80, s28;
	v31 =	vpop (erf)  }
0x5d9: {  	[tilespmem:s28+$0xFFFFFFE0] =	vst v31  }
0x5da: {  	v31 =	vld.idx.msk [tilespmem:v32+s26+$0x0], $0xffff;
	_ =	sdelay $0x5  }
0x5db: {  	v31 =	vsub.f32 $0.0e+00, v31;
	_ =	sdelay $0x1  }
0x5dc: {  	v31 =	vmul.f32 $1.442695020e+00, v31;
	_ =	sdelay $0x1  }
0x5dd: {  	(erf) = vpow2.f32 v31;
	_ =	sdelay $0x8  }
0x5de: {  	v31 =	vpop (erf)  }
0x5df: {  	v31 =	vadd.f32 $1.000000000e+00, v31;
	_ =	sdelay $0x1  }
0x5e0: {  	(erf) = vrcp.f32 v31;
	_ =	sdelay $0x8  }
0x5e1: {  	v31 =	vpop (erf)  }
0x5e2: {  	[tilespmem:s28+$0xFFFFFFF0] =	vst v31  }
0x5e3: {  	v31 =	vld.idx.msk [tilespmem:v33+s26+$0x0], $0xffff;
	_ =	sdelay $0x5  }
0x5e4: {  	v31 =	vsub.f32 $0.0e+00, v31;
	_ =	sdelay $0x1  }
0x5e5: {  	v31 =	vmul.f32 $1.442695020e+00, v31;
	_ =	sdelay $0x1  }
0x5e6: {  	(erf) = vpow2.f32 v31;
	_ =	sdelay $0x8  }
0x5e7: {  	v31 =	vpop (erf)  }
0x5e8: {  	v31 =	vadd.f32 $1.000000000e+00, v31;
	_ =	sdelay $0x1  }
0x5e9: {  	(erf) = vrcp.f32 v31;
	_ =	sdelay $0x8  }
0x5ea: {  	v31 =	vpop (erf)  }
0x5eb: {  	[tilespmem:s28+$0x0] =	vst v31  }
0x5ec: {  	v30 =	vld.idx.msk [tilespmem:v30+s26+$0x0], $0xffff;
	_ =	sdelay $0x5  }
0x5ed: {  	v30 =	vsub.f32 $0.0e+00, v30;
	_ =	sdelay $0x1  }
0x5ee: {  	v30 =	vmul.f32 $1.442695020e+00, v30;
	_ =	sdelay $0x1  }
0x5ef: {  	(erf) = vpow2.f32 v30;
	_ =	sdelay $0x8  }
0x5f0: {  	v30 =	vpop (erf)  }
0x5f1: {  	v30 =	vadd.f32 $1.000000000e+00, v30;
	_ =	sdelay $0x1  }
0x5f2: {  	(erf) = vrcp.f32 v30;
	_ =	sdelay $0x1  }
.Ltmp29:
0x5f3: {  	(pc) =	sbr.rel @p1 .LBB2_42-.Ltmp29, $3  }
0x5f4: {  	_ =	sdelay $0x1  }
0x5f5: {  	s7 =	sadd.s32 $0x1, s7  }
0x5f6: {  	s29 =	sadd.s32 $0xFFFFFFFF, s29;
	v30 =	vmov s7  }
.Ltmp30:
0x5f7: {  	_ = 	snop;
	(pc) =	sbr.rel .LBB2_43-.Ltmp30, $1  }
0x5f8: {  	_ =	sdelay $0x3  }
.LBB2_18:
.Ltmp31:
0x5f9: {  	(pc) =	sbr.rel .LBB2_22-.Ltmp31, $2  }
0x5fa: {  	_ =	sdelay $0x2  }
0x5fb: {  	s9 =	smov.u32 s28  }
.LBB2_25:
.Ltmp32:
0x5fc: {  	(pc) =	sbr.rel .LBB2_29-.Ltmp32, $2  }
0x5fd: {  	_ =	sdelay $0x2  }
0x5fe: {  	s28 =	smov.u32 s9  }
.LBB2_32:
.Ltmp33:
0x5ff: {  	(pc) =	sbr.rel .LBB2_36-.Ltmp33, $2  }
0x600: {  	_ =	sdelay $0x2  }
0x601: {  	s28 =	smov.u32 s9  }
.LBB2_20:
.Ltmp34:
0x602: {  	(pc) =	sbr.rel .LBB2_22-.Ltmp34, $2  }
0x603: {  	_ =	sdelay $0x2  }
0x604: {  	s9 =	smov.u32 s28  }
.LBB2_27:
.Ltmp35:
0x605: {  	(pc) =	sbr.rel .LBB2_29-.Ltmp35, $2  }
0x606: {  	_ =	sdelay $0x2  }
0x607: {  	s28 =	smov.u32 s9  }
.LBB2_34:
.Ltmp36:
0x608: {  	(pc) =	sbr.rel .LBB2_36-.Ltmp36, $2  }
0x609: {  	_ =	sdelay $0x2  }
0x60a: {  	s28 =	smov.u32 s9  }
.LBB2_41:
.Ltmp37:
0x60b: {  	(pc) =	sbr.rel .LBB2_43-.Ltmp37, $2  }
0x60c: {  	_ =	sdelay $0x2  }
0x60d: {  	s28 =	smov.u32 s9  }
.LBB2_46:
0x60e: {  	_ =	sfence.sel $0x180000  }
0x60f: {  	[bflag:$0x0] =	sbarrier.arrive $0xFFFF  }
0x610: {  	_ =	strace $0x90000047  }
0x611: {  	s0 =	stileid.u32;
	[bflag:$0x2] =	sbarrier.arrive $0xFFFF  }
0x612: {  	p0 =	sne.s32 s0, $0x0;
	s0 =	rddreg [dreg:$0x4]  }
0x613: {  	s0 =	sadd.s32 @!p0 $0x100000, s0  }
0x614: {  	[sflag:s0] =	ssyncadd.tile.s32 @!p0 $0x1;
	_ =	shalt  }
.Lfunc_end2:
_tile_overlayer_lowered:
.L_overlay_start_2:
0x615: {  	(tag) =	ssettag $0x2  }
0x616: {  	s0 =	rddreg [dreg:$0x0];
	s2 =	stileid.u32  }
0x617: {  	s1 =	rddreg [dreg:$0x1];
	p0 =	sne.s32 s2, $0x0  }
0x618: {  	s3 =	rddreg [dreg:$0x2];
	[bflag:$0x3] =	sbarrier.arrive $0xFFFF;
	s2 =	simm.s32 @!p0 $0x1C06  }
0x619: {  	[timem:s3], [sflag:s2] =	dma.local @!p0 [hbm:s0], s1  }
0x61a: {  	s0 =	simm.s32 @!p0 $0x6  }
0x61b: {  	_ =	swait.ge @!p0 [sflag:s0], s1  }
0x61c: {  	s1 =	ssub.s32 @!p0 $0x0, s1;
	[sflag:s0] =	ssyncset.done @!p0 $0x0  }
0x61d: {  	[sflag:s0] =	ssyncadd.s32 @!p0 s1  }
0x61e: {  	[bflag:$0x3] =	sbarrier.arrive $0xFFFF  }
0x61f: {  	_ =	shalt  }

</sc_bundles>
